<compile_context>
chip_gen: v7x
topology: tpu7x:2x2x1
jax: 0.10.2.dev20260603
libtpu: 0.0.44.dev20260713+nightly
codegen_flags: <defaults>
</compile_context>

<pallas_src>
import functools

import jax
import jax.numpy as jnp
from jax import lax
from jax.experimental import pallas as pl
from jax.experimental.pallas import tpu as pltpu
from jax.experimental.pallas import tpu_sc as plsc

_CANVAS = 1024

_TC_CHUNK_ROWS = 1024
_TC_NBUF = 4


def _tc_absdiff(a_hbm, b_hbm, out_ref, a_buf, b_buf, a_sem, b_sem, *, nchunks):
    def start(i, slot):
        rows = pl.ds(i * _TC_CHUNK_ROWS, _TC_CHUNK_ROWS)
        pltpu.make_async_copy(a_hbm.at[rows, :], a_buf.at[slot], a_sem.at[slot]).start()
        pltpu.make_async_copy(b_hbm.at[rows, :], b_buf.at[slot], b_sem.at[slot]).start()

    def wait(i, slot):
        rows = pl.ds(i * _TC_CHUNK_ROWS, _TC_CHUNK_ROWS)
        pltpu.make_async_copy(a_hbm.at[rows, :], a_buf.at[slot], a_sem.at[slot]).wait()
        pltpu.make_async_copy(b_hbm.at[rows, :], b_buf.at[slot], b_sem.at[slot]).wait()

    for s in range(_TC_NBUF):
        start(s, s)

    acc = jnp.zeros((8, 128), dtype=jnp.float32)
    for i in range(nchunks):
        slot = i % _TC_NBUF
        wait(i, slot)
        d = jnp.abs(a_buf[slot] - b_buf[slot])
        acc += jnp.sum(d.reshape(-1, 8, 128), axis=0)
        if i + _TC_NBUF < nchunks:
            start(i + _TC_NBUF, slot)

    out_ref[0, 0] = jnp.sum(acc)


_NC = 2
_NS = 16
_NW = _NC * _NS
_L = 16
_SC_CH_ROWS = 48
_SC_NBUF = 2


def _sc_absdiff(a_hbm, b_hbm, out_hbm, a_buf, b_buf, acc_ref, sems_a, sems_b,
                *, row0, rows_per_w):
    c = lax.axis_index("c")
    s = lax.axis_index("s")
    wid = s * _NC + c
    base = row0 + wid * rows_per_w
    nchunks = rows_per_w // _SC_CH_ROWS

    def start(ci, slot):
        rows = pl.ds(base + ci * _SC_CH_ROWS, _SC_CH_ROWS)
        pltpu.make_async_copy(a_hbm.at[rows, :], a_buf.at[slot], sems_a.at[slot]).start()
        pltpu.make_async_copy(b_hbm.at[rows, :], b_buf.at[slot], sems_b.at[slot]).start()

    def wait(ci, slot):
        rows = pl.ds(base + ci * _SC_CH_ROWS, _SC_CH_ROWS)
        pltpu.make_async_copy(a_hbm.at[rows, :], a_buf.at[slot], sems_a.at[slot]).wait()
        pltpu.make_async_copy(b_hbm.at[rows, :], b_buf.at[slot], sems_b.at[slot]).wait()

    for p in range(_SC_NBUF):
        start(p, p)

    accs = [jnp.zeros((_L,), dtype=jnp.float32) for _ in range(4)]
    for ci in range(nchunks):
        slot = ci % _SC_NBUF
        wait(ci, slot)

        def body(j, accs4, _slot=slot):
            a0, a1, a2, a3 = accs4
            outs = [a0, a1, a2, a3]
            for u in range(32):
                col = pl.ds(u * _L, _L)
                av = a_buf[_slot, j, col]
                bv = b_buf[_slot, j, col]
                outs[u % 4] = outs[u % 4] + jnp.abs(av - bv)
            return tuple(outs)

        accs = list(lax.fori_loop(0, _SC_CH_ROWS, body, tuple(accs)))
        if ci + _SC_NBUF < nchunks:
            start(ci + _SC_NBUF, slot)

    acc_ref[...] = (accs[0] + accs[1]) + (accs[2] + accs[3])
    pltpu.sync_copy(acc_ref, out_hbm.at[wid])


def kernel(sr, hr, patch_cord, h_idx, w_idx):
    b, c, ph, pw = sr.shape
    scale = 1.0 / (b * c * _CANVAS * _CANVAS)
    rows = b * c * ph
    a2 = sr.reshape(rows, pw)
    b2 = hr.reshape(rows, pw)

    rows_per_w = 192
    sc_rows = rows_per_w * _NW
    tc_rows = rows - sc_rows
    tc_nchunks = tc_rows // _TC_CHUNK_ROWS
    assert tc_nchunks * _TC_CHUNK_ROWS == tc_rows

    tc_part = pl.pallas_call(
        functools.partial(_tc_absdiff, nchunks=tc_nchunks),
        in_specs=[
            pl.BlockSpec(memory_space=pl.ANY),
            pl.BlockSpec(memory_space=pl.ANY),
        ],
        out_specs=pl.BlockSpec(memory_space=pltpu.SMEM),
        out_shape=jax.ShapeDtypeStruct((1, 1), jnp.float32),
        scratch_shapes=[
            pltpu.VMEM((_TC_NBUF, _TC_CHUNK_ROWS, pw), jnp.float32),
            pltpu.VMEM((_TC_NBUF, _TC_CHUNK_ROWS, pw), jnp.float32),
            pltpu.SemaphoreType.DMA((_TC_NBUF,)),
            pltpu.SemaphoreType.DMA((_TC_NBUF,)),
        ],
    )(a2, b2)

    mesh = plsc.VectorSubcoreMesh(core_axis_name="c", subcore_axis_name="s")
    sc_fn = functools.partial(
        pl.kernel,
        mesh=mesh,
        out_type=jax.ShapeDtypeStruct((_NW, _L), jnp.float32),
        scratch_types=[
            pltpu.VMEM((_SC_NBUF, _SC_CH_ROWS, pw), jnp.float32),
            pltpu.VMEM((_SC_NBUF, _SC_CH_ROWS, pw), jnp.float32),
            pltpu.VMEM((_L,), jnp.float32),
            pltpu.SemaphoreType.DMA((_SC_NBUF,)),
            pltpu.SemaphoreType.DMA((_SC_NBUF,)),
        ],
    )(functools.partial(_sc_absdiff, row0=tc_rows, rows_per_w=rows_per_w))
    sc_partials = sc_fn(a2, b2)

    return (tc_part[0, 0] + jnp.sum(sc_partials)) * scale

# --- scband reference (transcript-rebuilt; emitter-appended) ---
"""Pipeline reference for scband-rec-16484084483545 (READ-ONLY COPY).

The authoritative reference and input builder live on the scoring server;
editing this copy changes nothing except your own understanding.
"""

import jax, jax.numpy as jnp
import numpy as np

H_FULL = 1024


def rec_img(img, patch_cord, h_idx, w_idx):
    # Faithful port of rec.rec_img: per-sample scatter of the patch pixels into
    # a [C, 1024, 1024] canvas at remapped (h, w) locations.
    b, c, ph, pw = img.shape
    recs = []
    for i in range(b):
        y0 = patch_cord[0, i]
        x0 = patch_cord[1, i]
        h_ii = jax.lax.dynamic_slice(h_idx, (y0, x0), (ph, pw)).reshape(-1)
        w_ii = jax.lax.dynamic_slice(w_idx, (y0, x0), (ph, pw)).reshape(-1)
        flat = img[i].reshape(c, -1)
        rec_i = jnp.zeros((c, H_FULL, H_FULL), dtype=img.dtype).at[:, h_ii, w_ii].set(flat)
        recs.append(rec_i)
    return jnp.stack(recs, axis=0)


def setup_inputs(seed: int = 0) -> dict:
    key = jax.random.key(seed)
    k1, k2 = jax.random.split(key)
    B, C, PH, PW = 16, 3, 512, 512
    sr = jax.random.normal(k1, (B, C, PH, PW), dtype=jnp.float32)
    hr = jax.random.normal(k2, (B, C, PH, PW), dtype=jnp.float32)
    # Synthetic stand-in for ./loss/rec_map.npy: a bijective pixel remap of the
    # 1024x1024 canvas (each source pixel maps to a unique destination pixel).
    rng = np.random.default_rng(0)
    perm = rng.permutation(H_FULL * H_FULL)
    h_idx = jnp.asarray((perm // H_FULL).reshape(H_FULL, H_FULL), dtype=jnp.int32)
    w_idx = jnp.asarray((perm % H_FULL).reshape(H_FULL, H_FULL), dtype=jnp.int32)
    # Coherent patch coordinates: [y0, x0, y0+PH, x0+PW] per batch element.
    y0 = rng.integers(0, H_FULL - PH + 1, size=B)
    x0 = rng.integers(0, H_FULL - PW + 1, size=B)
    patch_cord = jnp.asarray(np.stack([y0, x0, y0 + PH, x0 + PW], axis=0), dtype=jnp.int32)
    return {"sr": sr, "hr": hr, "patch_cord": patch_cord, "h_idx": h_idx, "w_idx": w_idx}


def reference(sr, hr, patch_cord, h_idx, w_idx):
    sr_rec = rec_img(sr, patch_cord, h_idx, w_idx)
    hr_rec = rec_img(hr, patch_cord, h_idx, w_idx)
    # nn.L1Loss() default reduction='mean'
    return jnp.mean(jnp.abs(sr_rec - hr_rec))

if __name__ == "__main__":
    import jax
    _d = setup_inputs()
    print(jax.jit(kernel)(*tuple(_d.values())))

</pallas_src>

<mosaic_0001>
#map = affine_map<(d0, d1) -> (0, 0)>
module attributes {stable_mosaic.version = 14 : i64} {
  func.func @_sc_absdiff(%arg0: i32, %arg1: i32, %arg2: memref<24576x512xf32, #tpu.memory_space<hbm>>, %arg3: memref<24576x512xf32, #tpu.memory_space<hbm>>, %arg4: memref<32x16xf32, #tpu.memory_space<hbm>>, %arg5: memref<2x48x512xf32, #tpu.memory_space<vmem>>, %arg6: memref<2x48x512xf32, #tpu.memory_space<vmem>>, %arg7: memref<16xf32, #tpu.memory_space<vmem>>, %arg8: memref<2x!tpu.dma_semaphore, #tpu.memory_space<semaphore_mem>>, %arg9: memref<2x!tpu.dma_semaphore, #tpu.memory_space<semaphore_mem>>) attributes {dimension_semantics = [#tpu.dimension_semantics<core_parallel>, #tpu.dimension_semantics<subcore_parallel>], iteration_bounds = array<i64: 2, 16>, scalar_prefetch = 0 : i64, scratch_operands = 5 : i64, tpu.core_type = #tpu.core_type<sc_vector_subcore>, window_params = [{transform_indices = #map}, {transform_indices = #map}, {transform_indices = #map}]} {
    %mul3A = arith.constant 2 : i32
    %mul3A_0 = arith.muli %arg1, %mul3A : i32
    %add3A = arith.addi %mul3A_0, %arg0 : i32
    %mul3A_1 = arith.constant 192 : i32
    %mul3A_2 = arith.muli %add3A, %mul3A_1 : i32
    %add3A_3 = arith.constant 18432 : i32
    %add3A_4 = arith.addi %add3A_3, %mul3A_2 : i32
    %add3A_5 = arith.constant 0 : i32
    %add3A_6 = arith.addi %add3A_4, %add3A_5 : i32
    %dma_start3A = arith.constant 0 : i32
    %dma_start3A_7 = arith.constant 0 : i32
    %dma_start3A_8 = arith.constant 0 : i32
    %dma_start3A_9 = arith.constant 0 : i32
    %dma_start3A_10 = tpu.memref_slice %arg5[%dma_start3A, %dma_start3A_8, %dma_start3A_9] : memref<2x48x512xf32, #tpu.memory_space<vmem>> -> memref<1x48x512xf32, #tpu.memory_space<vmem>>
    %dma_start3A_11 = tpu.memref_squeeze %dma_start3A_10 : memref<1x48x512xf32, #tpu.memory_space<vmem>> -> memref<48x512xf32, #tpu.memory_space<vmem>>
    %dma_start3A_12 = arith.constant 0 : i32
    %dma_start3A_13 = tpu.memref_slice %arg2[%add3A_6, %dma_start3A_12] : memref<24576x512xf32, #tpu.memory_space<hbm>> -> memref<48x512xf32, #tpu.memory_space<hbm>>
    %dma_start3A_14 = tpu.memref_slice %arg8[%dma_start3A_7] : memref<2x!tpu.dma_semaphore, #tpu.memory_space<semaphore_mem>> -> memref<1x!tpu.dma_semaphore, #tpu.memory_space<semaphore_mem>>
    %dma_start3A_15 = tpu.memref_squeeze %dma_start3A_14 : memref<1x!tpu.dma_semaphore, #tpu.memory_space<semaphore_mem>> -> memref<!tpu.dma_semaphore, #tpu.memory_space<semaphore_mem>>
    %dma_start3A_16 = arith.constant 0 : i32
    %dma_start3A_17 = arith.constant 0 : i32
    %dma_start3A_18 = tpu.memref_slice %arg5[%dma_start3A, %dma_start3A_16, %dma_start3A_17] : memref<2x48x512xf32, #tpu.memory_space<vmem>> -> memref<1x48x512xf32, #tpu.memory_space<vmem>>
    %dma_start3A_19 = tpu.memref_squeeze %dma_start3A_18 : memref<1x48x512xf32, #tpu.memory_space<vmem>> -> memref<48x512xf32, #tpu.memory_space<vmem>>
    %dma_start3A_20 = arith.constant 0 : i32
    %dma_start3A_21 = tpu.memref_slice %arg2[%add3A_6, %dma_start3A_20] : memref<24576x512xf32, #tpu.memory_space<hbm>> -> memref<48x512xf32, #tpu.memory_space<hbm>>
    tpu.enqueue_dma source(%dma_start3A_21 : memref<48x512xf32, #tpu.memory_space<hbm>>) target(%dma_start3A_19 : memref<48x512xf32, #tpu.memory_space<vmem>>) target_semaphore(%dma_start3A_15 : memref<!tpu.dma_semaphore, #tpu.memory_space<semaphore_mem>>)
    %dma_start3A_22 = arith.constant 0 : i32
    %dma_start3A_23 = arith.constant 0 : i32
    %dma_start3A_24 = arith.constant 0 : i32
    %dma_start3A_25 = arith.constant 0 : i32
    %dma_start3A_26 = tpu.memref_slice %arg6[%dma_start3A_22, %dma_start3A_24, %dma_start3A_25] : memref<2x48x512xf32, #tpu.memory_space<vmem>> -> memref<1x48x512xf32, #tpu.memory_space<vmem>>
    %dma_start3A_27 = tpu.memref_squeeze %dma_start3A_26 : memref<1x48x512xf32, #tpu.memory_space<vmem>> -> memref<48x512xf32, #tpu.memory_space<vmem>>
    %dma_start3A_28 = arith.constant 0 : i32
    %dma_start3A_29 = tpu.memref_slice %arg3[%add3A_6, %dma_start3A_28] : memref<24576x512xf32, #tpu.memory_space<hbm>> -> memref<48x512xf32, #tpu.memory_space<hbm>>
    %dma_start3A_30 = tpu.memref_slice %arg9[%dma_start3A_23] : memref<2x!tpu.dma_semaphore, #tpu.memory_space<semaphore_mem>> -> memref<1x!tpu.dma_semaphore, #tpu.memory_space<semaphore_mem>>
    %dma_start3A_31 = tpu.memref_squeeze %dma_start3A_30 : memref<1x!tpu.dma_semaphore, #tpu.memory_space<semaphore_mem>> -> memref<!tpu.dma_semaphore, #tpu.memory_space<semaphore_mem>>
    %dma_start3A_32 = arith.constant 0 : i32
    %dma_start3A_33 = arith.constant 0 : i32
    %dma_start3A_34 = tpu.memref_slice %arg6[%dma_start3A_22, %dma_start3A_32, %dma_start3A_33] : memref<2x48x512xf32, #tpu.memory_space<vmem>> -> memref<1x48x512xf32, #tpu.memory_space<vmem>>
    %dma_start3A_35 = tpu.memref_squeeze %dma_start3A_34 : memref<1x48x512xf32, #tpu.memory_space<vmem>> -> memref<48x512xf32, #tpu.memory_space<vmem>>
    %dma_start3A_36 = arith.constant 0 : i32
    %dma_start3A_37 = tpu.memref_slice %arg3[%add3A_6, %dma_start3A_36] : memref<24576x512xf32, #tpu.memory_space<hbm>> -> memref<48x512xf32, #tpu.memory_space<hbm>>
    tpu.enqueue_dma source(%dma_start3A_37 : memref<48x512xf32, #tpu.memory_space<hbm>>) target(%dma_start3A_35 : memref<48x512xf32, #tpu.memory_space<vmem>>) target_semaphore(%dma_start3A_31 : memref<!tpu.dma_semaphore, #tpu.memory_space<semaphore_mem>>)
    %add3A_38 = arith.constant 48 : i32
    %add3A_39 = arith.addi %add3A_4, %add3A_38 : i32
    %dma_start3A_40 = arith.constant 1 : i32
    %dma_start3A_41 = arith.constant 1 : i32
    %dma_start3A_42 = arith.constant 0 : i32
    %dma_start3A_43 = arith.constant 0 : i32
    %dma_start3A_44 = tpu.memref_slice %arg5[%dma_start3A_40, %dma_start3A_42, %dma_start3A_43] : memref<2x48x512xf32, #tpu.memory_space<vmem>> -> memref<1x48x512xf32, #tpu.memory_space<vmem>>
    %dma_start3A_45 = tpu.memref_squeeze %dma_start3A_44 : memref<1x48x512xf32, #tpu.memory_space<vmem>> -> memref<48x512xf32, #tpu.memory_space<vmem>>
    %dma_start3A_46 = arith.constant 0 : i32
    %dma_start3A_47 = tpu.memref_slice %arg2[%add3A_39, %dma_start3A_46] : memref<24576x512xf32, #tpu.memory_space<hbm>> -> memref<48x512xf32, #tpu.memory_space<hbm>>
    %dma_start3A_48 = tpu.memref_slice %arg8[%dma_start3A_41] : memref<2x!tpu.dma_semaphore, #tpu.memory_space<semaphore_mem>> -> memref<1x!tpu.dma_semaphore, #tpu.memory_space<semaphore_mem>>
    %dma_start3A_49 = tpu.memref_squeeze %dma_start3A_48 : memref<1x!tpu.dma_semaphore, #tpu.memory_space<semaphore_mem>> -> memref<!tpu.dma_semaphore, #tpu.memory_space<semaphore_mem>>
    %dma_start3A_50 = arith.constant 0 : i32
    %dma_start3A_51 = arith.constant 0 : i32
    %dma_start3A_52 = tpu.memref_slice %arg5[%dma_start3A_40, %dma_start3A_50, %dma_start3A_51] : memref<2x48x512xf32, #tpu.memory_space<vmem>> -> memref<1x48x512xf32, #tpu.memory_space<vmem>>
    %dma_start3A_53 = tpu.memref_squeeze %dma_start3A_52 : memref<1x48x512xf32, #tpu.memory_space<vmem>> -> memref<48x512xf32, #tpu.memory_space<vmem>>
    %dma_start3A_54 = arith.constant 0 : i32
    %dma_start3A_55 = tpu.memref_slice %arg2[%add3A_39, %dma_start3A_54] : memref<24576x512xf32, #tpu.memory_space<hbm>> -> memref<48x512xf32, #tpu.memory_space<hbm>>
    tpu.enqueue_dma source(%dma_start3A_55 : memref<48x512xf32, #tpu.memory_space<hbm>>) target(%dma_start3A_53 : memref<48x512xf32, #tpu.memory_space<vmem>>) target_semaphore(%dma_start3A_49 : memref<!tpu.dma_semaphore, #tpu.memory_space<semaphore_mem>>)
    %dma_start3A_56 = arith.constant 1 : i32
    %dma_start3A_57 = arith.constant 1 : i32
    %dma_start3A_58 = arith.constant 0 : i32
    %dma_start3A_59 = arith.constant 0 : i32
    %dma_start3A_60 = tpu.memref_slice %arg6[%dma_start3A_56, %dma_start3A_58, %dma_start3A_59] : memref<2x48x512xf32, #tpu.memory_space<vmem>> -> memref<1x48x512xf32, #tpu.memory_space<vmem>>
    %dma_start3A_61 = tpu.memref_squeeze %dma_start3A_60 : memref<1x48x512xf32, #tpu.memory_space<vmem>> -> memref<48x512xf32, #tpu.memory_space<vmem>>
    %dma_start3A_62 = arith.constant 0 : i32
    %dma_start3A_63 = tpu.memref_slice %arg3[%add3A_39, %dma_start3A_62] : memref<24576x512xf32, #tpu.memory_space<hbm>> -> memref<48x512xf32, #tpu.memory_space<hbm>>
    %dma_start3A_64 = tpu.memref_slice %arg9[%dma_start3A_57] : memref<2x!tpu.dma_semaphore, #tpu.memory_space<semaphore_mem>> -> memref<1x!tpu.dma_semaphore, #tpu.memory_space<semaphore_mem>>
    %dma_start3A_65 = tpu.memref_squeeze %dma_start3A_64 : memref<1x!tpu.dma_semaphore, #tpu.memory_space<semaphore_mem>> -> memref<!tpu.dma_semaphore, #tpu.memory_space<semaphore_mem>>
    %dma_start3A_66 = arith.constant 0 : i32
    %dma_start3A_67 = arith.constant 0 : i32
    %dma_start3A_68 = tpu.memref_slice %arg6[%dma_start3A_56, %dma_start3A_66, %dma_start3A_67] : memref<2x48x512xf32, #tpu.memory_space<vmem>> -> memref<1x48x512xf32, #tpu.memory_space<vmem>>
    %dma_start3A_69 = tpu.memref_squeeze %dma_start3A_68 : memref<1x48x512xf32, #tpu.memory_space<vmem>> -> memref<48x512xf32, #tpu.memory_space<vmem>>
    %dma_start3A_70 = arith.constant 0 : i32
    %dma_start3A_71 = tpu.memref_slice %arg3[%add3A_39, %dma_start3A_70] : memref<24576x512xf32, #tpu.memory_space<hbm>> -> memref<48x512xf32, #tpu.memory_space<hbm>>
    tpu.enqueue_dma source(%dma_start3A_71 : memref<48x512xf32, #tpu.memory_space<hbm>>) target(%dma_start3A_69 : memref<48x512xf32, #tpu.memory_space<vmem>>) target_semaphore(%dma_start3A_65 : memref<!tpu.dma_semaphore, #tpu.memory_space<semaphore_mem>>)
    %broadcast_in_dim3A = arith.constant 0.000000e+00 : f32
    %broadcast_in_dim3A_72 = vector.broadcast %broadcast_in_dim3A : f32 to vector<16xf32>
    %broadcast_in_dim3A_73 = arith.constant 0.000000e+00 : f32
    %broadcast_in_dim3A_74 = vector.broadcast %broadcast_in_dim3A_73 : f32 to vector<16xf32>
    %broadcast_in_dim3A_75 = arith.constant 0.000000e+00 : f32
    %broadcast_in_dim3A_76 = vector.broadcast %broadcast_in_dim3A_75 : f32 to vector<16xf32>
    %broadcast_in_dim3A_77 = arith.constant 0.000000e+00 : f32
    %broadcast_in_dim3A_78 = vector.broadcast %broadcast_in_dim3A_77 : f32 to vector<16xf32>
    %add3A_79 = arith.constant 0 : i32
    %add3A_80 = arith.addi %add3A_4, %add3A_79 : i32
    %dma_wait3A = arith.constant 0 : i32
    %dma_wait3A_81 = arith.constant 0 : i32
    %dma_wait3A_82 = arith.constant 0 : i32
    %dma_wait3A_83 = arith.constant 0 : i32
    %dma_wait3A_84 = tpu.memref_slice %arg5[%dma_wait3A, %dma_wait3A_82, %dma_wait3A_83] : memref<2x48x512xf32, #tpu.memory_space<vmem>> -> memref<1x48x512xf32, #tpu.memory_space<vmem>>
    %dma_wait3A_85 = tpu.memref_squeeze %dma_wait3A_84 : memref<1x48x512xf32, #tpu.memory_space<vmem>> -> memref<48x512xf32, #tpu.memory_space<vmem>>
    %dma_wait3A_86 = arith.constant 0 : i32
    %dma_wait3A_87 = tpu.memref_slice %arg2[%add3A_80, %dma_wait3A_86] : memref<24576x512xf32, #tpu.memory_space<hbm>> -> memref<48x512xf32, #tpu.memory_space<hbm>>
    %dma_wait3A_88 = tpu.memref_slice %arg8[%dma_wait3A_81] : memref<2x!tpu.dma_semaphore, #tpu.memory_space<semaphore_mem>> -> memref<1x!tpu.dma_semaphore, #tpu.memory_space<semaphore_mem>>
    %dma_wait3A_89 = tpu.memref_squeeze %dma_wait3A_88 : memref<1x!tpu.dma_semaphore, #tpu.memory_space<semaphore_mem>> -> memref<!tpu.dma_semaphore, #tpu.memory_space<semaphore_mem>>
    %dma_wait3A_90 = arith.constant 0 : i32
    %dma_wait3A_91 = arith.constant 0 : i32
    %dma_wait3A_92 = tpu.memref_slice %arg5[%dma_wait3A, %dma_wait3A_90, %dma_wait3A_91] : memref<2x48x512xf32, #tpu.memory_space<vmem>> -> memref<1x48x512xf32, #tpu.memory_space<vmem>>
    %dma_wait3A_93 = tpu.memref_squeeze %dma_wait3A_92 : memref<1x48x512xf32, #tpu.memory_space<vmem>> -> memref<48x512xf32, #tpu.memory_space<vmem>>
    %dma_wait3A_94 = arith.constant 0 : i32
    %dma_wait3A_95 = tpu.memref_slice %arg2[%add3A_80, %dma_wait3A_94] : memref<24576x512xf32, #tpu.memory_space<hbm>> -> memref<48x512xf32, #tpu.memory_space<hbm>>
    tpu.wait_dma2 semaphore(%dma_wait3A_89 : memref<!tpu.dma_semaphore, #tpu.memory_space<semaphore_mem>>) src(%dma_wait3A_95 : memref<48x512xf32, #tpu.memory_space<hbm>>) dst(%dma_wait3A_93 : memref<48x512xf32, #tpu.memory_space<vmem>>)
    %dma_wait3A_96 = arith.constant 0 : i32
    %dma_wait3A_97 = arith.constant 0 : i32
    %dma_wait3A_98 = arith.constant 0 : i32
    %dma_wait3A_99 = arith.constant 0 : i32
    %dma_wait3A_100 = tpu.memref_slice %arg6[%dma_wait3A_96, %dma_wait3A_98, %dma_wait3A_99] : memref<2x48x512xf32, #tpu.memory_space<vmem>> -> memref<1x48x512xf32, #tpu.memory_space<vmem>>
    %dma_wait3A_101 = tpu.memref_squeeze %dma_wait3A_100 : memref<1x48x512xf32, #tpu.memory_space<vmem>> -> memref<48x512xf32, #tpu.memory_space<vmem>>
    %dma_wait3A_102 = arith.constant 0 : i32
    %dma_wait3A_103 = tpu.memref_slice %arg3[%add3A_80, %dma_wait3A_102] : memref<24576x512xf32, #tpu.memory_space<hbm>> -> memref<48x512xf32, #tpu.memory_space<hbm>>
    %dma_wait3A_104 = tpu.memref_slice %arg9[%dma_wait3A_97] : memref<2x!tpu.dma_semaphore, #tpu.memory_space<semaphore_mem>> -> memref<1x!tpu.dma_semaphore, #tpu.memory_space<semaphore_mem>>
    %dma_wait3A_105 = tpu.memref_squeeze %dma_wait3A_104 : memref<1x!tpu.dma_semaphore, #tpu.memory_space<semaphore_mem>> -> memref<!tpu.dma_semaphore, #tpu.memory_space<semaphore_mem>>
    %dma_wait3A_106 = arith.constant 0 : i32
    %dma_wait3A_107 = arith.constant 0 : i32
    %dma_wait3A_108 = tpu.memref_slice %arg6[%dma_wait3A_96, %dma_wait3A_106, %dma_wait3A_107] : memref<2x48x512xf32, #tpu.memory_space<vmem>> -> memref<1x48x512xf32, #tpu.memory_space<vmem>>
    %dma_wait3A_109 = tpu.memref_squeeze %dma_wait3A_108 : memref<1x48x512xf32, #tpu.memory_space<vmem>> -> memref<48x512xf32, #tpu.memory_space<vmem>>
    %dma_wait3A_110 = arith.constant 0 : i32
    %dma_wait3A_111 = tpu.memref_slice %arg3[%add3A_80, %dma_wait3A_110] : memref<24576x512xf32, #tpu.memory_space<hbm>> -> memref<48x512xf32, #tpu.memory_space<hbm>>
    tpu.wait_dma2 semaphore(%dma_wait3A_105 : memref<!tpu.dma_semaphore, #tpu.memory_space<semaphore_mem>>) src(%dma_wait3A_111 : memref<48x512xf32, #tpu.memory_space<hbm>>) dst(%dma_wait3A_109 : memref<48x512xf32, #tpu.memory_space<vmem>>)
    %scan3A = arith.constant 0 : i32
    %scan3A_112 = arith.constant 48 : i32
    %scan3A_113 = arith.addi %scan3A, %scan3A_112 : i32
    %scan3A_114 = arith.constant 1 : i32
    %scan3A_115:4 = scf.for %scan3A_311 = %scan3A to %scan3A_113 step %scan3A_114 iter_args(%scan3A_312 = %broadcast_in_dim3A_72, %scan3A_313 = %broadcast_in_dim3A_74, %scan3A_314 = %broadcast_in_dim3A_76, %scan3A_315 = %broadcast_in_dim3A_78) -> (vector<16xf32>, vector<16xf32>, vector<16xf32>, vector<16xf32>)  : i32 {
      %get3A = arith.constant 0 : i32
      %get3A_316 = arith.index_cast %get3A : i32 to index
      %get3A_317 = arith.index_cast %scan3A_311 : i32 to index
      %get3A_318 = arith.constant 0 : index
      %get3A_319 = tpu.vector_load %arg5[%get3A_316, %get3A_317, %get3A_318] {strides = array<i32>} : memref<2x48x512xf32, #tpu.memory_space<vmem>>, vector<1x1x16xf32>,
      %get3A_320 = vector.shape_cast %get3A_319 : vector<1x1x16xf32> to vector<16xf32>
      %get3A_321 = arith.constant 0 : i32
      %get3A_322 = arith.index_cast %get3A_321 : i32 to index
      %get3A_323 = arith.index_cast %scan3A_311 : i32 to index
      %get3A_324 = arith.constant 0 : index
      %get3A_325 = tpu.vector_load %arg6[%get3A_322, %get3A_323, %get3A_324] {strides = array<i32>} : memref<2x48x512xf32, #tpu.memory_space<vmem>>, vector<1x1x16xf32>,
      %get3A_326 = vector.shape_cast %get3A_325 : vector<1x1x16xf32> to vector<16xf32>
      %sub3A = arith.subf %get3A_320, %get3A_326 : vector<16xf32>
      %abs3A = math.absf %sub3A : vector<16xf32>
      %add3A_327 = arith.addf %scan3A_312, %abs3A : vector<16xf32>
      %get3A_328 = arith.constant 0 : i32
      %get3A_329 = arith.index_cast %get3A_328 : i32 to index
      %get3A_330 = arith.index_cast %scan3A_311 : i32 to index
      %get3A_331 = arith.constant 16 : index
      %get3A_332 = tpu.vector_load %arg5[%get3A_329, %get3A_330, %get3A_331] {strides = array<i32>} : memref<2x48x512xf32, #tpu.memory_space<vmem>>, vector<1x1x16xf32>,
      %get3A_333 = vector.shape_cast %get3A_332 : vector<1x1x16xf32> to vector<16xf32>
      %get3A_334 = arith.constant 0 : i32
      %get3A_335 = arith.index_cast %get3A_334 : i32 to index
      %get3A_336 = arith.index_cast %scan3A_311 : i32 to index
      %get3A_337 = arith.constant 16 : index
      %get3A_338 = tpu.vector_load %arg6[%get3A_335, %get3A_336, %get3A_337] {strides = array<i32>} : memref<2x48x512xf32, #tpu.memory_space<vmem>>, vector<1x1x16xf32>,
      %get3A_339 = vector.shape_cast %get3A_338 : vector<1x1x16xf32> to vector<16xf32>
      %sub3A_340 = arith.subf %get3A_333, %get3A_339 : vector<16xf32>
      %abs3A_341 = math.absf %sub3A_340 : vector<16xf32>
      %add3A_342 = arith.addf %scan3A_313, %abs3A_341 : vector<16xf32>
      %get3A_343 = arith.constant 0 : i32
      %get3A_344 = arith.index_cast %get3A_343 : i32 to index
      %get3A_345 = arith.index_cast %scan3A_311 : i32 to index
      %get3A_346 = arith.constant 32 : index
      %get3A_347 = tpu.vector_load %arg5[%get3A_344, %get3A_345, %get3A_346] {strides = array<i32>} : memref<2x48x512xf32, #tpu.memory_space<vmem>>, vector<1x1x16xf32>,
      %get3A_348 = vector.shape_cast %get3A_347 : vector<1x1x16xf32> to vector<16xf32>
      %get3A_349 = arith.constant 0 : i32
      %get3A_350 = arith.index_cast %get3A_349 : i32 to index
      %get3A_351 = arith.index_cast %scan3A_311 : i32 to index
      %get3A_352 = arith.constant 32 : index
      %get3A_353 = tpu.vector_load %arg6[%get3A_350, %get3A_351, %get3A_352] {strides = array<i32>} : memref<2x48x512xf32, #tpu.memory_space<vmem>>, vector<1x1x16xf32>,
      %get3A_354 = vector.shape_cast %get3A_353 : vector<1x1x16xf32> to vector<16xf32>
      %sub3A_355 = arith.subf %get3A_348, %get3A_354 : vector<16xf32>
      %abs3A_356 = math.absf %sub3A_355 : vector<16xf32>
      %add3A_357 = arith.addf %scan3A_314, %abs3A_356 : vector<16xf32>
      %get3A_358 = arith.constant 0 : i32
      %get3A_359 = arith.index_cast %get3A_358 : i32 to index
      %get3A_360 = arith.index_cast %scan3A_311 : i32 to index
      %get3A_361 = arith.constant 48 : index
      %get3A_362 = tpu.vector_load %arg5[%get3A_359, %get3A_360, %get3A_361] {strides = array<i32>} : memref<2x48x512xf32, #tpu.memory_space<vmem>>, vector<1x1x16xf32>,
      %get3A_363 = vector.shape_cast %get3A_362 : vector<1x1x16xf32> to vector<16xf32>
      %get3A_364 = arith.constant 0 : i32
      %get3A_365 = arith.index_cast %get3A_364 : i32 to index
      %get3A_366 = arith.index_cast %scan3A_311 : i32 to index
      %get3A_367 = arith.constant 48 : index
      %get3A_368 = tpu.vector_load %arg6[%get3A_365, %get3A_366, %get3A_367] {strides = array<i32>} : memref<2x48x512xf32, #tpu.memory_space<vmem>>, vector<1x1x16xf32>,
      %get3A_369 = vector.shape_cast %get3A_368 : vector<1x1x16xf32> to vector<16xf32>
      %sub3A_370 = arith.subf %get3A_363, %get3A_369 : vector<16xf32>
      %abs3A_371 = math.absf %sub3A_370 : vector<16xf32>
      %add3A_372 = arith.addf %scan3A_315, %abs3A_371 : vector<16xf32>
      %get3A_373 = arith.constant 0 : i32
      %get3A_374 = arith.index_cast %get3A_373 : i32 to index
      %get3A_375 = arith.index_cast %scan3A_311 : i32 to index
      %get3A_376 = arith.constant 64 : index
      %get3A_377 = tpu.vector_load %arg5[%get3A_374, %get3A_375, %get3A_376] {strides = array<i32>} : memref<2x48x512xf32, #tpu.memory_space<vmem>>, vector<1x1x16xf32>,
      %get3A_378 = vector.shape_cast %get3A_377 : vector<1x1x16xf32> to vector<16xf32>
      %get3A_379 = arith.constant 0 : i32
      %get3A_380 = arith.index_cast %get3A_379 : i32 to index
      %get3A_381 = arith.index_cast %scan3A_311 : i32 to index
      %get3A_382 = arith.constant 64 : index
      %get3A_383 = tpu.vector_load %arg6[%get3A_380, %get3A_381, %get3A_382] {strides = array<i32>} : memref<2x48x512xf32, #tpu.memory_space<vmem>>, vector<1x1x16xf32>,
      %get3A_384 = vector.shape_cast %get3A_383 : vector<1x1x16xf32> to vector<16xf32>
      %sub3A_385 = arith.subf %get3A_378, %get3A_384 : vector<16xf32>
      %abs3A_386 = math.absf %sub3A_385 : vector<16xf32>
      %add3A_387 = arith.addf %add3A_327, %abs3A_386 : vector<16xf32>
      %get3A_388 = arith.constant 0 : i32
      %get3A_389 = arith.index_cast %get3A_388 : i32 to index
      %get3A_390 = arith.index_cast %scan3A_311 : i32 to index
      %get3A_391 = arith.constant 80 : index
      %get3A_392 = tpu.vector_load %arg5[%get3A_389, %get3A_390, %get3A_391] {strides = array<i32>} : memref<2x48x512xf32, #tpu.memory_space<vmem>>, vector<1x1x16xf32>,
      %get3A_393 = vector.shape_cast %get3A_392 : vector<1x1x16xf32> to vector<16xf32>
      %get3A_394 = arith.constant 0 : i32
      %get3A_395 = arith.index_cast %get3A_394 : i32 to index
      %get3A_396 = arith.index_cast %scan3A_311 : i32 to index
      %get3A_397 = arith.constant 80 : index
      %get3A_398 = tpu.vector_load %arg6[%get3A_395, %get3A_396, %get3A_397] {strides = array<i32>} : memref<2x48x512xf32, #tpu.memory_space<vmem>>, vector<1x1x16xf32>,
      %get3A_399 = vector.shape_cast %get3A_398 : vector<1x1x16xf32> to vector<16xf32>
      %sub3A_400 = arith.subf %get3A_393, %get3A_399 : vector<16xf32>
      %abs3A_401 = math.absf %sub3A_400 : vector<16xf32>
      %add3A_402 = arith.addf %add3A_342, %abs3A_401 : vector<16xf32>
      %get3A_403 = arith.constant 0 : i32
      %get3A_404 = arith.index_cast %get3A_403 : i32 to index
      %get3A_405 = arith.index_cast %scan3A_311 : i32 to index
      %get3A_406 = arith.constant 96 : index
      %get3A_407 = tpu.vector_load %arg5[%get3A_404, %get3A_405, %get3A_406] {strides = array<i32>} : memref<2x48x512xf32, #tpu.memory_space<vmem>>, vector<1x1x16xf32>,
      %get3A_408 = vector.shape_cast %get3A_407 : vector<1x1x16xf32> to vector<16xf32>
      %get3A_409 = arith.constant 0 : i32
      %get3A_410 = arith.index_cast %get3A_409 : i32 to index
      %get3A_411 = arith.index_cast %scan3A_311 : i32 to index
      %get3A_412 = arith.constant 96 : index
      %get3A_413 = tpu.vector_load %arg6[%get3A_410, %get3A_411, %get3A_412] {strides = array<i32>} : memref<2x48x512xf32, #tpu.memory_space<vmem>>, vector<1x1x16xf32>,
      %get3A_414 = vector.shape_cast %get3A_413 : vector<1x1x16xf32> to vector<16xf32>
      %sub3A_415 = arith.subf %get3A_408, %get3A_414 : vector<16xf32>
      %abs3A_416 = math.absf %sub3A_415 : vector<16xf32>
      %add3A_417 = arith.addf %add3A_357, %abs3A_416 : vector<16xf32>
      %get3A_418 = arith.constant 0 : i32
      %get3A_419 = arith.index_cast %get3A_418 : i32 to index
      %get3A_420 = arith.index_cast %scan3A_311 : i32 to index
      %get3A_421 = arith.constant 112 : index
      %get3A_422 = tpu.vector_load %arg5[%get3A_419, %get3A_420, %get3A_421] {strides = array<i32>} : memref<2x48x512xf32, #tpu.memory_space<vmem>>, vector<1x1x16xf32>,
      %get3A_423 = vector.shape_cast %get3A_422 : vector<1x1x16xf32> to vector<16xf32>
      %get3A_424 = arith.constant 0 : i32
      %get3A_425 = arith.index_cast %get3A_424 : i32 to index
      %get3A_426 = arith.index_cast %scan3A_311 : i32 to index
      %get3A_427 = arith.constant 112 : index
      %get3A_428 = tpu.vector_load %arg6[%get3A_425, %get3A_426, %get3A_427] {strides = array<i32>} : memref<2x48x512xf32, #tpu.memory_space<vmem>>, vector<1x1x16xf32>,
      %get3A_429 = vector.shape_cast %get3A_428 : vector<1x1x16xf32> to vector<16xf32>
      %sub3A_430 = arith.subf %get3A_423, %get3A_429 : vector<16xf32>
      %abs3A_431 = math.absf %sub3A_430 : vector<16xf32>
      %add3A_432 = arith.addf %add3A_372, %abs3A_431 : vector<16xf32>
      %get3A_433 = arith.constant 0 : i32
      %get3A_434 = arith.index_cast %get3A_433 : i32 to index
      %get3A_435 = arith.index_cast %scan3A_311 : i32 to index
      %get3A_436 = arith.constant 128 : index
      %get3A_437 = tpu.vector_load %arg5[%get3A_434, %get3A_435, %get3A_436] {strides = array<i32>} : memref<2x48x512xf32, #tpu.memory_space<vmem>>, vector<1x1x16xf32>,
      %get3A_438 = vector.shape_cast %get3A_437 : vector<1x1x16xf32> to vector<16xf32>
      %get3A_439 = arith.constant 0 : i32
      %get3A_440 = arith.index_cast %get3A_439 : i32 to index
      %get3A_441 = arith.index_cast %scan3A_311 : i32 to index
      %get3A_442 = arith.constant 128 : index
      %get3A_443 = tpu.vector_load %arg6[%get3A_440, %get3A_441, %get3A_442] {strides = array<i32>} : memref<2x48x512xf32, #tpu.memory_space<vmem>>, vector<1x1x16xf32>,
      %get3A_444 = vector.shape_cast %get3A_443 : vector<1x1x16xf32> to vector<16xf32>
      %sub3A_445 = arith.subf %get3A_438, %get3A_444 : vector<16xf32>
      %abs3A_446 = math.absf %sub3A_445 : vector<16xf32>
      %add3A_447 = arith.addf %add3A_387, %abs3A_446 : vector<16xf32>
      %get3A_448 = arith.constant 0 : i32
      %get3A_449 = arith.index_cast %get3A_448 : i32 to index
      %get3A_450 = arith.index_cast %scan3A_311 : i32 to index
      %get3A_451 = arith.constant 144 : index
      %get3A_452 = tpu.vector_load %arg5[%get3A_449, %get3A_450, %get3A_451] {strides = array<i32>} : memref<2x48x512xf32, #tpu.memory_space<vmem>>, vector<1x1x16xf32>,
      %get3A_453 = vector.shape_cast %get3A_452 : vector<1x1x16xf32> to vector<16xf32>
      %get3A_454 = arith.constant 0 : i32
      %get3A_455 = arith.index_cast %get3A_454 : i32 to index
      %get3A_456 = arith.index_cast %scan3A_311 : i32 to index
      %get3A_457 = arith.constant 144 : index
      %get3A_458 = tpu.vector_load %arg6[%get3A_455, %get3A_456, %get3A_457] {strides = array<i32>} : memref<2x48x512xf32, #tpu.memory_space<vmem>>, vector<1x1x16xf32>,
      %get3A_459 = vector.shape_cast %get3A_458 : vector<1x1x16xf32> to vector<16xf32>
      %sub3A_460 = arith.subf %get3A_453, %get3A_459 : vector<16xf32>
      %abs3A_461 = math.absf %sub3A_460 : vector<16xf32>
      %add3A_462 = arith.addf %add3A_402, %abs3A_461 : vector<16xf32>
      %get3A_463 = arith.constant 0 : i32
      %get3A_464 = arith.index_cast %get3A_463 : i32 to index
      %get3A_465 = arith.index_cast %scan3A_311 : i32 to index
      %get3A_466 = arith.constant 160 : index
      %get3A_467 = tpu.vector_load %arg5[%get3A_464, %get3A_465, %get3A_466] {strides = array<i32>} : memref<2x48x512xf32, #tpu.memory_space<vmem>>, vector<1x1x16xf32>,
      %get3A_468 = vector.shape_cast %get3A_467 : vector<1x1x16xf32> to vector<16xf32>
      %get3A_469 = arith.constant 0 : i32
      %get3A_470 = arith.index_cast %get3A_469 : i32 to index
      %get3A_471 = arith.index_cast %scan3A_311 : i32 to index
      %get3A_472 = arith.constant 160 : index
      %get3A_473 = tpu.vector_load %arg6[%get3A_470, %get3A_471, %get3A_472] {strides = array<i32>} : memref<2x48x512xf32, #tpu.memory_space<vmem>>, vector<1x1x16xf32>,
      %get3A_474 = vector.shape_cast %get3A_473 : vector<1x1x16xf32> to vector<16xf32>
      %sub3A_475 = arith.subf %get3A_468, %get3A_474 : vector<16xf32>
      %abs3A_476 = math.absf %sub3A_475 : vector<16xf32>
      %add3A_477 = arith.addf %add3A_417, %abs3A_476 : vector<16xf32>
      %get3A_478 = arith.constant 0 : i32
      %get3A_479 = arith.index_cast %get3A_478 : i32 to index
      %get3A_480 = arith.index_cast %scan3A_311 : i32 to index
      %get3A_481 = arith.constant 176 : index
      %get3A_482 = tpu.vector_load %arg5[%get3A_479, %get3A_480, %get3A_481] {strides = array<i32>} : memref<2x48x512xf32, #tpu.memory_space<vmem>>, vector<1x1x16xf32>,
      %get3A_483 = vector.shape_cast %get3A_482 : vector<1x1x16xf32> to vector<16xf32>
      %get3A_484 = arith.constant 0 : i32
      %get3A_485 = arith.index_cast %get3A_484 : i32 to index
      %get3A_486 = arith.index_cast %scan3A_311 : i32 to index
      %get3A_487 = arith.constant 176 : index
      %get3A_488 = tpu.vector_load %arg6[%get3A_485, %get3A_486, %get3A_487] {strides = array<i32>} : memref<2x48x512xf32, #tpu.memory_space<vmem>>, vector<1x1x16xf32>,
      %get3A_489 = vector.shape_cast %get3A_488 : vector<1x1x16xf32> to vector<16xf32>
      %sub3A_490 = arith.subf %get3A_483, %get3A_489 : vector<16xf32>
      %abs3A_491 = math.absf %sub3A_490 : vector<16xf32>
      %add3A_492 = arith.addf %add3A_432, %abs3A_491 : vector<16xf32>
      %get3A_493 = arith.constant 0 : i32
      %get3A_494 = arith.index_cast %get3A_493 : i32 to index
      %get3A_495 = arith.index_cast %scan3A_311 : i32 to index
      %get3A_496 = arith.constant 192 : index
      %get3A_497 = tpu.vector_load %arg5[%get3A_494, %get3A_495, %get3A_496] {strides = array<i32>} : memref<2x48x512xf32, #tpu.memory_space<vmem>>, vector<1x1x16xf32>,
      %get3A_498 = vector.shape_cast %get3A_497 : vector<1x1x16xf32> to vector<16xf32>
      %get3A_499 = arith.constant 0 : i32
      %get3A_500 = arith.index_cast %get3A_499 : i32 to index
      %get3A_501 = arith.index_cast %scan3A_311 : i32 to index
      %get3A_502 = arith.constant 192 : index
      %get3A_503 = tpu.vector_load %arg6[%get3A_500, %get3A_501, %get3A_502] {strides = array<i32>} : memref<2x48x512xf32, #tpu.memory_space<vmem>>, vector<1x1x16xf32>,
      %get3A_504 = vector.shape_cast %get3A_503 : vector<1x1x16xf32> to vector<16xf32>
      %sub3A_505 = arith.subf %get3A_498, %get3A_504 : vector<16xf32>
      %abs3A_506 = math.absf %sub3A_505 : vector<16xf32>
      %add3A_507 = arith.addf %add3A_447, %abs3A_506 : vector<16xf32>
      %get3A_508 = arith.constant 0 : i32
      %get3A_509 = arith.index_cast %get3A_508 : i32 to index
      %get3A_510 = arith.index_cast %scan3A_311 : i32 to index
      %get3A_511 = arith.constant 208 : index
      %get3A_512 = tpu.vector_load %arg5[%get3A_509, %get3A_510, %get3A_511] {strides = array<i32>} : memref<2x48x512xf32, #tpu.memory_space<vmem>>, vector<1x1x16xf32>,
      %get3A_513 = vector.shape_cast %get3A_512 : vector<1x1x16xf32> to vector<16xf32>
      %get3A_514 = arith.constant 0 : i32
      %get3A_515 = arith.index_cast %get3A_514 : i32 to index
      %get3A_516 = arith.index_cast %scan3A_311 : i32 to index
      %get3A_517 = arith.constant 208 : index
      %get3A_518 = tpu.vector_load %arg6[%get3A_515, %get3A_516, %get3A_517] {strides = array<i32>} : memref<2x48x512xf32, #tpu.memory_space<vmem>>, vector<1x1x16xf32>,
      %get3A_519 = vector.shape_cast %get3A_518 : vector<1x1x16xf32> to vector<16xf32>
      %sub3A_520 = arith.subf %get3A_513, %get3A_519 : vector<16xf32>
      %abs3A_521 = math.absf %sub3A_520 : vector<16xf32>
      %add3A_522 = arith.addf %add3A_462, %abs3A_521 : vector<16xf32>
      %get3A_523 = arith.constant 0 : i32
      %get3A_524 = arith.index_cast %get3A_523 : i32 to index
      %get3A_525 = arith.index_cast %scan3A_311 : i32 to index
      %get3A_526 = arith.constant 224 : index
      %get3A_527 = tpu.vector_load %arg5[%get3A_524, %get3A_525, %get3A_526] {strides = array<i32>} : memref<2x48x512xf32, #tpu.memory_space<vmem>>, vector<1x1x16xf32>,
      %get3A_528 = vector.shape_cast %get3A_527 : vector<1x1x16xf32> to vector<16xf32>
      %get3A_529 = arith.constant 0 : i32
      %get3A_530 = arith.index_cast %get3A_529 : i32 to index
      %get3A_531 = arith.index_cast %scan3A_311 : i32 to index
      %get3A_532 = arith.constant 224 : index
      %get3A_533 = tpu.vector_load %arg6[%get3A_530, %get3A_531, %get3A_532] {strides = array<i32>} : memref<2x48x512xf32, #tpu.memory_space<vmem>>, vector<1x1x16xf32>,
      %get3A_534 = vector.shape_cast %get3A_533 : vector<1x1x16xf32> to vector<16xf32>
      %sub3A_535 = arith.subf %get3A_528, %get3A_534 : vector<16xf32>
      %abs3A_536 = math.absf %sub3A_535 : vector<16xf32>
      %add3A_537 = arith.addf %add3A_477, %abs3A_536 : vector<16xf32>
      %get3A_538 = arith.constant 0 : i32
      %get3A_539 = arith.index_cast %get3A_538 : i32 to index
      %get3A_540 = arith.index_cast %scan3A_311 : i32 to index
      %get3A_541 = arith.constant 240 : index
      %get3A_542 = tpu.vector_load %arg5[%get3A_539, %get3A_540, %get3A_541] {strides = array<i32>} : memref<2x48x512xf32, #tpu.memory_space<vmem>>, vector<1x1x16xf32>,
      %get3A_543 = vector.shape_cast %get3A_542 : vector<1x1x16xf32> to vector<16xf32>
      %get3A_544 = arith.constant 0 : i32
      %get3A_545 = arith.index_cast %get3A_544 : i32 to index
      %get3A_546 = arith.index_cast %scan3A_311 : i32 to index
      %get3A_547 = arith.constant 240 : index
      %get3A_548 = tpu.vector_load %arg6[%get3A_545, %get3A_546, %get3A_547] {strides = array<i32>} : memref<2x48x512xf32, #tpu.memory_space<vmem>>, vector<1x1x16xf32>,
      %get3A_549 = vector.shape_cast %get3A_548 : vector<1x1x16xf32> to vector<16xf32>
      %sub3A_550 = arith.subf %get3A_543, %get3A_549 : vector<16xf32>
      %abs3A_551 = math.absf %sub3A_550 : vector<16xf32>
      %add3A_552 = arith.addf %add3A_492, %abs3A_551 : vector<16xf32>
      %get3A_553 = arith.constant 0 : i32
      %get3A_554 = arith.index_cast %get3A_553 : i32 to index
      %get3A_555 = arith.index_cast %scan3A_311 : i32 to index
      %get3A_556 = arith.constant 256 : index
      %get3A_557 = tpu.vector_load %arg5[%get3A_554, %get3A_555, %get3A_556] {strides = array<i32>} : memref<2x48x512xf32, #tpu.memory_space<vmem>>, vector<1x1x16xf32>,
      %get3A_558 = vector.shape_cast %get3A_557 : vector<1x1x16xf32> to vector<16xf32>
      %get3A_559 = arith.constant 0 : i32
      %get3A_560 = arith.index_cast %get3A_559 : i32 to index
      %get3A_561 = arith.index_cast %scan3A_311 : i32 to index
      %get3A_562 = arith.constant 256 : index
      %get3A_563 = tpu.vector_load %arg6[%get3A_560, %get3A_561, %get3A_562] {strides = array<i32>} : memref<2x48x512xf32, #tpu.memory_space<vmem>>, vector<1x1x16xf32>,
      %get3A_564 = vector.shape_cast %get3A_563 : vector<1x1x16xf32> to vector<16xf32>
      %sub3A_565 = arith.subf %get3A_558, %get3A_564 : vector<16xf32>
      %abs3A_566 = math.absf %sub3A_565 : vector<16xf32>
      %add3A_567 = arith.addf %add3A_507, %abs3A_566 : vector<16xf32>
      %get3A_568 = arith.constant 0 : i32
      %get3A_569 = arith.index_cast %get3A_568 : i32 to index
      %get3A_570 = arith.index_cast %scan3A_311 : i32 to index
      %get3A_571 = arith.constant 272 : index
      %get3A_572 = tpu.vector_load %arg5[%get3A_569, %get3A_570, %get3A_571] {strides = array<i32>} : memref<2x48x512xf32, #tpu.memory_space<vmem>>, vector<1x1x16xf32>,
      %get3A_573 = vector.shape_cast %get3A_572 : vector<1x1x16xf32> to vector<16xf32>
      %get3A_574 = arith.constant 0 : i32
      %get3A_575 = arith.index_cast %get3A_574 : i32 to index
      %get3A_576 = arith.index_cast %scan3A_311 : i32 to index
      %get3A_577 = arith.constant 272 : index
      %get3A_578 = tpu.vector_load %arg6[%get3A_575, %get3A_576, %get3A_577] {strides = array<i32>} : memref<2x48x512xf32, #tpu.memory_space<vmem>>, vector<1x1x16xf32>,
      %get3A_579 = vector.shape_cast %get3A_578 : vector<1x1x16xf32> to vector<16xf32>
      %sub3A_580 = arith.subf %get3A_573, %get3A_579 : vector<16xf32>
      %abs3A_581 = math.absf %sub3A_580 : vector<16xf32>
      %add3A_582 = arith.addf %add3A_522, %abs3A_581 : vector<16xf32>
      %get3A_583 = arith.constant 0 : i32
      %get3A_584 = arith.index_cast %get3A_583 : i32 to index
      %get3A_585 = arith.index_cast %scan3A_311 : i32 to index
      %get3A_586 = arith.constant 288 : index
      %get3A_587 = tpu.vector_load %arg5[%get3A_584, %get3A_585, %get3A_586] {strides = array<i32>} : memref<2x48x512xf32, #tpu.memory_space<vmem>>, vector<1x1x16xf32>,
      %get3A_588 = vector.shape_cast %get3A_587 : vector<1x1x16xf32> to vector<16xf32>
      %get3A_589 = arith.constant 0 : i32
      %get3A_590 = arith.index_cast %get3A_589 : i32 to index
      %get3A_591 = arith.index_cast %scan3A_311 : i32 to index
      %get3A_592 = arith.constant 288 : index
      %get3A_593 = tpu.vector_load %arg6[%get3A_590, %get3A_591, %get3A_592] {strides = array<i32>} : memref<2x48x512xf32, #tpu.memory_space<vmem>>, vector<1x1x16xf32>,
      %get3A_594 = vector.shape_cast %get3A_593 : vector<1x1x16xf32> to vector<16xf32>
      %sub3A_595 = arith.subf %get3A_588, %get3A_594 : vector<16xf32>
      %abs3A_596 = math.absf %sub3A_595 : vector<16xf32>
      %add3A_597 = arith.addf %add3A_537, %abs3A_596 : vector<16xf32>
      %get3A_598 = arith.constant 0 : i32
      %get3A_599 = arith.index_cast %get3A_598 : i32 to index
      %get3A_600 = arith.index_cast %scan3A_311 : i32 to index
      %get3A_601 = arith.constant 304 : index
      %get3A_602 = tpu.vector_load %arg5[%get3A_599, %get3A_600, %get3A_601] {strides = array<i32>} : memref<2x48x512xf32, #tpu.memory_space<vmem>>, vector<1x1x16xf32>,
      %get3A_603 = vector.shape_cast %get3A_602 : vector<1x1x16xf32> to vector<16xf32>
      %get3A_604 = arith.constant 0 : i32
      %get3A_605 = arith.index_cast %get3A_604 : i32 to index
      %get3A_606 = arith.index_cast %scan3A_311 : i32 to index
      %get3A_607 = arith.constant 304 : index
      %get3A_608 = tpu.vector_load %arg6[%get3A_605, %get3A_606, %get3A_607] {strides = array<i32>} : memref<2x48x512xf32, #tpu.memory_space<vmem>>, vector<1x1x16xf32>,
      %get3A_609 = vector.shape_cast %get3A_608 : vector<1x1x16xf32> to vector<16xf32>
      %sub3A_610 = arith.subf %get3A_603, %get3A_609 : vector<16xf32>
      %abs3A_611 = math.absf %sub3A_610 : vector<16xf32>
      %add3A_612 = arith.addf %add3A_552, %abs3A_611 : vector<16xf32>
      %get3A_613 = arith.constant 0 : i32
      %get3A_614 = arith.index_cast %get3A_613 : i32 to index
      %get3A_615 = arith.index_cast %scan3A_311 : i32 to index
      %get3A_616 = arith.constant 320 : index
      %get3A_617 = tpu.vector_load %arg5[%get3A_614, %get3A_615, %get3A_616] {strides = array<i32>} : memref<2x48x512xf32, #tpu.memory_space<vmem>>, vector<1x1x16xf32>,
      %get3A_618 = vector.shape_cast %get3A_617 : vector<1x1x16xf32> to vector<16xf32>
      %get3A_619 = arith.constant 0 : i32
      %get3A_620 = arith.index_cast %get3A_619 : i32 to index
      %get3A_621 = arith.index_cast %scan3A_311 : i32 to index
      %get3A_622 = arith.constant 320 : index
      %get3A_623 = tpu.vector_load %arg6[%get3A_620, %get3A_621, %get3A_622] {strides = array<i32>} : memref<2x48x512xf32, #tpu.memory_space<vmem>>, vector<1x1x16xf32>,
      %get3A_624 = vector.shape_cast %get3A_623 : vector<1x1x16xf32> to vector<16xf32>
      %sub3A_625 = arith.subf %get3A_618, %get3A_624 : vector<16xf32>
      %abs3A_626 = math.absf %sub3A_625 : vector<16xf32>
      %add3A_627 = arith.addf %add3A_567, %abs3A_626 : vector<16xf32>
      %get3A_628 = arith.constant 0 : i32
      %get3A_629 = arith.index_cast %get3A_628 : i32 to index
      %get3A_630 = arith.index_cast %scan3A_311 : i32 to index
      %get3A_631 = arith.constant 336 : index
      %get3A_632 = tpu.vector_load %arg5[%get3A_629, %get3A_630, %get3A_631] {strides = array<i32>} : memref<2x48x512xf32, #tpu.memory_space<vmem>>, vector<1x1x16xf32>,
      %get3A_633 = vector.shape_cast %get3A_632 : vector<1x1x16xf32> to vector<16xf32>
      %get3A_634 = arith.constant 0 : i32
      %get3A_635 = arith.index_cast %get3A_634 : i32 to index
      %get3A_636 = arith.index_cast %scan3A_311 : i32 to index
      %get3A_637 = arith.constant 336 : index
      %get3A_638 = tpu.vector_load %arg6[%get3A_635, %get3A_636, %get3A_637] {strides = array<i32>} : memref<2x48x512xf32, #tpu.memory_space<vmem>>, vector<1x1x16xf32>,
      %get3A_639 = vector.shape_cast %get3A_638 : vector<1x1x16xf32> to vector<16xf32>
      %sub3A_640 = arith.subf %get3A_633, %get3A_639 : vector<16xf32>
      %abs3A_641 = math.absf %sub3A_640 : vector<16xf32>
      %add3A_642 = arith.addf %add3A_582, %abs3A_641 : vector<16xf32>
      %get3A_643 = arith.constant 0 : i32
      %get3A_644 = arith.index_cast %get3A_643 : i32 to index
      %get3A_645 = arith.index_cast %scan3A_311 : i32 to index
      %get3A_646 = arith.constant 352 : index
      %get3A_647 = tpu.vector_load %arg5[%get3A_644, %get3A_645, %get3A_646] {strides = array<i32>} : memref<2x48x512xf32, #tpu.memory_space<vmem>>, vector<1x1x16xf32>,
      %get3A_648 = vector.shape_cast %get3A_647 : vector<1x1x16xf32> to vector<16xf32>
      %get3A_649 = arith.constant 0 : i32
      %get3A_650 = arith.index_cast %get3A_649 : i32 to index
      %get3A_651 = arith.index_cast %scan3A_311 : i32 to index
      %get3A_652 = arith.constant 352 : index
      %get3A_653 = tpu.vector_load %arg6[%get3A_650, %get3A_651, %get3A_652] {strides = array<i32>} : memref<2x48x512xf32, #tpu.memory_space<vmem>>, vector<1x1x16xf32>,
      %get3A_654 = vector.shape_cast %get3A_653 : vector<1x1x16xf32> to vector<16xf32>
      %sub3A_655 = arith.subf %get3A_648, %get3A_654 : vector<16xf32>
      %abs3A_656 = math.absf %sub3A_655 : vector<16xf32>
      %add3A_657 = arith.addf %add3A_597, %abs3A_656 : vector<16xf32>
      %get3A_658 = arith.constant 0 : i32
      %get3A_659 = arith.index_cast %get3A_658 : i32 to index
      %get3A_660 = arith.index_cast %scan3A_311 : i32 to index
      %get3A_661 = arith.constant 368 : index
      %get3A_662 = tpu.vector_load %arg5[%get3A_659, %get3A_660, %get3A_661] {strides = array<i32>} : memref<2x48x512xf32, #tpu.memory_space<vmem>>, vector<1x1x16xf32>,
      %get3A_663 = vector.shape_cast %get3A_662 : vector<1x1x16xf32> to vector<16xf32>
      %get3A_664 = arith.constant 0 : i32
      %get3A_665 = arith.index_cast %get3A_664 : i32 to index
      %get3A_666 = arith.index_cast %scan3A_311 : i32 to index
      %get3A_667 = arith.constant 368 : index
      %get3A_668 = tpu.vector_load %arg6[%get3A_665, %get3A_666, %get3A_667] {strides = array<i32>} : memref<2x48x512xf32, #tpu.memory_space<vmem>>, vector<1x1x16xf32>,
      %get3A_669 = vector.shape_cast %get3A_668 : vector<1x1x16xf32> to vector<16xf32>
      %sub3A_670 = arith.subf %get3A_663, %get3A_669 : vector<16xf32>
      %abs3A_671 = math.absf %sub3A_670 : vector<16xf32>
      %add3A_672 = arith.addf %add3A_612, %abs3A_671 : vector<16xf32>
      %get3A_673 = arith.constant 0 : i32
      %get3A_674 = arith.index_cast %get3A_673 : i32 to index
      %get3A_675 = arith.index_cast %scan3A_311 : i32 to index
      %get3A_676 = arith.constant 384 : index
      %get3A_677 = tpu.vector_load %arg5[%get3A_674, %get3A_675, %get3A_676] {strides = array<i32>} : memref<2x48x512xf32, #tpu.memory_space<vmem>>, vector<1x1x16xf32>,
      %get3A_678 = vector.shape_cast %get3A_677 : vector<1x1x16xf32> to vector<16xf32>
      %get3A_679 = arith.constant 0 : i32
      %get3A_680 = arith.index_cast %get3A_679 : i32 to index
      %get3A_681 = arith.index_cast %scan3A_311 : i32 to index
      %get3A_682 = arith.constant 384 : index
      %get3A_683 = tpu.vector_load %arg6[%get3A_680, %get3A_681, %get3A_682] {strides = array<i32>} : memref<2x48x512xf32, #tpu.memory_space<vmem>>, vector<1x1x16xf32>,
      %get3A_684 = vector.shape_cast %get3A_683 : vector<1x1x16xf32> to vector<16xf32>
      %sub3A_685 = arith.subf %get3A_678, %get3A_684 : vector<16xf32>
      %abs3A_686 = math.absf %sub3A_685 : vector<16xf32>
      %add3A_687 = arith.addf %add3A_627, %abs3A_686 : vector<16xf32>
      %get3A_688 = arith.constant 0 : i32
      %get3A_689 = arith.index_cast %get3A_688 : i32 to index
      %get3A_690 = arith.index_cast %scan3A_311 : i32 to index
      %get3A_691 = arith.constant 400 : index
      %get3A_692 = tpu.vector_load %arg5[%get3A_689, %get3A_690, %get3A_691] {strides = array<i32>} : memref<2x48x512xf32, #tpu.memory_space<vmem>>, vector<1x1x16xf32>,
      %get3A_693 = vector.shape_cast %get3A_692 : vector<1x1x16xf32> to vector<16xf32>
      %get3A_694 = arith.constant 0 : i32
      %get3A_695 = arith.index_cast %get3A_694 : i32 to index
      %get3A_696 = arith.index_cast %scan3A_311 : i32 to index
      %get3A_697 = arith.constant 400 : index
      %get3A_698 = tpu.vector_load %arg6[%get3A_695, %get3A_696, %get3A_697] {strides = array<i32>} : memref<2x48x512xf32, #tpu.memory_space<vmem>>, vector<1x1x16xf32>,
      %get3A_699 = vector.shape_cast %get3A_698 : vector<1x1x16xf32> to vector<16xf32>
      %sub3A_700 = arith.subf %get3A_693, %get3A_699 : vector<16xf32>
      %abs3A_701 = math.absf %sub3A_700 : vector<16xf32>
      %add3A_702 = arith.addf %add3A_642, %abs3A_701 : vector<16xf32>
      %get3A_703 = arith.constant 0 : i32
      %get3A_704 = arith.index_cast %get3A_703 : i32 to index
      %get3A_705 = arith.index_cast %scan3A_311 : i32 to index
      %get3A_706 = arith.constant 416 : index
      %get3A_707 = tpu.vector_load %arg5[%get3A_704, %get3A_705, %get3A_706] {strides = array<i32>} : memref<2x48x512xf32, #tpu.memory_space<vmem>>, vector<1x1x16xf32>,
      %get3A_708 = vector.shape_cast %get3A_707 : vector<1x1x16xf32> to vector<16xf32>
      %get3A_709 = arith.constant 0 : i32
      %get3A_710 = arith.index_cast %get3A_709 : i32 to index
      %get3A_711 = arith.index_cast %scan3A_311 : i32 to index
      %get3A_712 = arith.constant 416 : index
      %get3A_713 = tpu.vector_load %arg6[%get3A_710, %get3A_711, %get3A_712] {strides = array<i32>} : memref<2x48x512xf32, #tpu.memory_space<vmem>>, vector<1x1x16xf32>,
      %get3A_714 = vector.shape_cast %get3A_713 : vector<1x1x16xf32> to vector<16xf32>
      %sub3A_715 = arith.subf %get3A_708, %get3A_714 : vector<16xf32>
      %abs3A_716 = math.absf %sub3A_715 : vector<16xf32>
      %add3A_717 = arith.addf %add3A_657, %abs3A_716 : vector<16xf32>
      %get3A_718 = arith.constant 0 : i32
      %get3A_719 = arith.index_cast %get3A_718 : i32 to index
      %get3A_720 = arith.index_cast %scan3A_311 : i32 to index
      %get3A_721 = arith.constant 432 : index
      %get3A_722 = tpu.vector_load %arg5[%get3A_719, %get3A_720, %get3A_721] {strides = array<i32>} : memref<2x48x512xf32, #tpu.memory_space<vmem>>, vector<1x1x16xf32>,
      %get3A_723 = vector.shape_cast %get3A_722 : vector<1x1x16xf32> to vector<16xf32>
      %get3A_724 = arith.constant 0 : i32
      %get3A_725 = arith.index_cast %get3A_724 : i32 to index
      %get3A_726 = arith.index_cast %scan3A_311 : i32 to index
      %get3A_727 = arith.constant 432 : index
      %get3A_728 = tpu.vector_load %arg6[%get3A_725, %get3A_726, %get3A_727] {strides = array<i32>} : memref<2x48x512xf32, #tpu.memory_space<vmem>>, vector<1x1x16xf32>,
      %get3A_729 = vector.shape_cast %get3A_728 : vector<1x1x16xf32> to vector<16xf32>
      %sub3A_730 = arith.subf %get3A_723, %get3A_729 : vector<16xf32>
      %abs3A_731 = math.absf %sub3A_730 : vector<16xf32>
      %add3A_732 = arith.addf %add3A_672, %abs3A_731 : vector<16xf32>
      %get3A_733 = arith.constant 0 : i32
      %get3A_734 = arith.index_cast %get3A_733 : i32 to index
      %get3A_735 = arith.index_cast %scan3A_311 : i32 to index
      %get3A_736 = arith.constant 448 : index
      %get3A_737 = tpu.vector_load %arg5[%get3A_734, %get3A_735, %get3A_736] {strides = array<i32>} : memref<2x48x512xf32, #tpu.memory_space<vmem>>, vector<1x1x16xf32>,
      %get3A_738 = vector.shape_cast %get3A_737 : vector<1x1x16xf32> to vector<16xf32>
      %get3A_739 = arith.constant 0 : i32
      %get3A_740 = arith.index_cast %get3A_739 : i32 to index
      %get3A_741 = arith.index_cast %scan3A_311 : i32 to index
      %get3A_742 = arith.constant 448 : index
      %get3A_743 = tpu.vector_load %arg6[%get3A_740, %get3A_741, %get3A_742] {strides = array<i32>} : memref<2x48x512xf32, #tpu.memory_space<vmem>>, vector<1x1x16xf32>,
      %get3A_744 = vector.shape_cast %get3A_743 : vector<1x1x16xf32> to vector<16xf32>
      %sub3A_745 = arith.subf %get3A_738, %get3A_744 : vector<16xf32>
      %abs3A_746 = math.absf %sub3A_745 : vector<16xf32>
      %add3A_747 = arith.addf %add3A_687, %abs3A_746 : vector<16xf32>
      %get3A_748 = arith.constant 0 : i32
      %get3A_749 = arith.index_cast %get3A_748 : i32 to index
      %get3A_750 = arith.index_cast %scan3A_311 : i32 to index
      %get3A_751 = arith.constant 464 : index
      %get3A_752 = tpu.vector_load %arg5[%get3A_749, %get3A_750, %get3A_751] {strides = array<i32>} : memref<2x48x512xf32, #tpu.memory_space<vmem>>, vector<1x1x16xf32>,
      %get3A_753 = vector.shape_cast %get3A_752 : vector<1x1x16xf32> to vector<16xf32>
      %get3A_754 = arith.constant 0 : i32
      %get3A_755 = arith.index_cast %get3A_754 : i32 to index
      %get3A_756 = arith.index_cast %scan3A_311 : i32 to index
      %get3A_757 = arith.constant 464 : index
      %get3A_758 = tpu.vector_load %arg6[%get3A_755, %get3A_756, %get3A_757] {strides = array<i32>} : memref<2x48x512xf32, #tpu.memory_space<vmem>>, vector<1x1x16xf32>,
      %get3A_759 = vector.shape_cast %get3A_758 : vector<1x1x16xf32> to vector<16xf32>
      %sub3A_760 = arith.subf %get3A_753, %get3A_759 : vector<16xf32>
      %abs3A_761 = math.absf %sub3A_760 : vector<16xf32>
      %add3A_762 = arith.addf %add3A_702, %abs3A_761 : vector<16xf32>
      %get3A_763 = arith.constant 0 : i32
      %get3A_764 = arith.index_cast %get3A_763 : i32 to index
      %get3A_765 = arith.index_cast %scan3A_311 : i32 to index
      %get3A_766 = arith.constant 480 : index
      %get3A_767 = tpu.vector_load %arg5[%get3A_764, %get3A_765, %get3A_766] {strides = array<i32>} : memref<2x48x512xf32, #tpu.memory_space<vmem>>, vector<1x1x16xf32>,
      %get3A_768 = vector.shape_cast %get3A_767 : vector<1x1x16xf32> to vector<16xf32>
      %get3A_769 = arith.constant 0 : i32
      %get3A_770 = arith.index_cast %get3A_769 : i32 to index
      %get3A_771 = arith.index_cast %scan3A_311 : i32 to index
      %get3A_772 = arith.constant 480 : index
      %get3A_773 = tpu.vector_load %arg6[%get3A_770, %get3A_771, %get3A_772] {strides = array<i32>} : memref<2x48x512xf32, #tpu.memory_space<vmem>>, vector<1x1x16xf32>,
      %get3A_774 = vector.shape_cast %get3A_773 : vector<1x1x16xf32> to vector<16xf32>
      %sub3A_775 = arith.subf %get3A_768, %get3A_774 : vector<16xf32>
      %abs3A_776 = math.absf %sub3A_775 : vector<16xf32>
      %add3A_777 = arith.addf %add3A_717, %abs3A_776 : vector<16xf32>
      %get3A_778 = arith.constant 0 : i32
      %get3A_779 = arith.index_cast %get3A_778 : i32 to index
      %get3A_780 = arith.index_cast %scan3A_311 : i32 to index
      %get3A_781 = arith.constant 496 : index
      %get3A_782 = tpu.vector_load %arg5[%get3A_779, %get3A_780, %get3A_781] {strides = array<i32>} : memref<2x48x512xf32, #tpu.memory_space<vmem>>, vector<1x1x16xf32>,
      %get3A_783 = vector.shape_cast %get3A_782 : vector<1x1x16xf32> to vector<16xf32>
      %get3A_784 = arith.constant 0 : i32
      %get3A_785 = arith.index_cast %get3A_784 : i32 to index
      %get3A_786 = arith.index_cast %scan3A_311 : i32 to index
      %get3A_787 = arith.constant 496 : index
      %get3A_788 = tpu.vector_load %arg6[%get3A_785, %get3A_786, %get3A_787] {strides = array<i32>} : memref<2x48x512xf32, #tpu.memory_space<vmem>>, vector<1x1x16xf32>,
      %get3A_789 = vector.shape_cast %get3A_788 : vector<1x1x16xf32> to vector<16xf32>
      %sub3A_790 = arith.subf %get3A_783, %get3A_789 : vector<16xf32>
      %abs3A_791 = math.absf %sub3A_790 : vector<16xf32>
      %add3A_792 = arith.addf %add3A_732, %abs3A_791 : vector<16xf32>
      scf.yield %add3A_747, %add3A_762, %add3A_777, %add3A_792 : vector<16xf32>, vector<16xf32>, vector<16xf32>, vector<16xf32>
    }
    %scan3A_116 = arith.constant 48 : i32
    %add3A_117 = arith.constant 96 : i32
    %add3A_118 = arith.addi %add3A_4, %add3A_117 : i32
    %dma_start3A_119 = arith.constant 0 : i32
    %dma_start3A_120 = arith.constant 0 : i32
    %dma_start3A_121 = arith.constant 0 : i32
    %dma_start3A_122 = arith.constant 0 : i32
    %dma_start3A_123 = tpu.memref_slice %arg5[%dma_start3A_119, %dma_start3A_121, %dma_start3A_122] : memref<2x48x512xf32, #tpu.memory_space<vmem>> -> memref<1x48x512xf32, #tpu.memory_space<vmem>>
    %dma_start3A_124 = tpu.memref_squeeze %dma_start3A_123 : memref<1x48x512xf32, #tpu.memory_space<vmem>> -> memref<48x512xf32, #tpu.memory_space<vmem>>
    %dma_start3A_125 = arith.constant 0 : i32
    %dma_start3A_126 = tpu.memref_slice %arg2[%add3A_118, %dma_start3A_125] : memref<24576x512xf32, #tpu.memory_space<hbm>> -> memref<48x512xf32, #tpu.memory_space<hbm>>
    %dma_start3A_127 = tpu.memref_slice %arg8[%dma_start3A_120] : memref<2x!tpu.dma_semaphore, #tpu.memory_space<semaphore_mem>> -> memref<1x!tpu.dma_semaphore, #tpu.memory_space<semaphore_mem>>
    %dma_start3A_128 = tpu.memref_squeeze %dma_start3A_127 : memref<1x!tpu.dma_semaphore, #tpu.memory_space<semaphore_mem>> -> memref<!tpu.dma_semaphore, #tpu.memory_space<semaphore_mem>>
    %dma_start3A_129 = arith.constant 0 : i32
    %dma_start3A_130 = arith.constant 0 : i32
    %dma_start3A_131 = tpu.memref_slice %arg5[%dma_start3A_119, %dma_start3A_129, %dma_start3A_130] : memref<2x48x512xf32, #tpu.memory_space<vmem>> -> memref<1x48x512xf32, #tpu.memory_space<vmem>>
    %dma_start3A_132 = tpu.memref_squeeze %dma_start3A_131 : memref<1x48x512xf32, #tpu.memory_space<vmem>> -> memref<48x512xf32, #tpu.memory_space<vmem>>
    %dma_start3A_133 = arith.constant 0 : i32
    %dma_start3A_134 = tpu.memref_slice %arg2[%add3A_118, %dma_start3A_133] : memref<24576x512xf32, #tpu.memory_space<hbm>> -> memref<48x512xf32, #tpu.memory_space<hbm>>
    tpu.enqueue_dma source(%dma_start3A_134 : memref<48x512xf32, #tpu.memory_space<hbm>>) target(%dma_start3A_132 : memref<48x512xf32, #tpu.memory_space<vmem>>) target_semaphore(%dma_start3A_128 : memref<!tpu.dma_semaphore, #tpu.memory_space<semaphore_mem>>)
    %dma_start3A_135 = arith.constant 0 : i32
    %dma_start3A_136 = arith.constant 0 : i32
    %dma_start3A_137 = arith.constant 0 : i32
    %dma_start3A_138 = arith.constant 0 : i32
    %dma_start3A_139 = tpu.memref_slice %arg6[%dma_start3A_135, %dma_start3A_137, %dma_start3A_138] : memref<2x48x512xf32, #tpu.memory_space<vmem>> -> memref<1x48x512xf32, #tpu.memory_space<vmem>>
    %dma_start3A_140 = tpu.memref_squeeze %dma_start3A_139 : memref<1x48x512xf32, #tpu.memory_space<vmem>> -> memref<48x512xf32, #tpu.memory_space<vmem>>
    %dma_start3A_141 = arith.constant 0 : i32
    %dma_start3A_142 = tpu.memref_slice %arg3[%add3A_118, %dma_start3A_141] : memref<24576x512xf32, #tpu.memory_space<hbm>> -> memref<48x512xf32, #tpu.memory_space<hbm>>
    %dma_start3A_143 = tpu.memref_slice %arg9[%dma_start3A_136] : memref<2x!tpu.dma_semaphore, #tpu.memory_space<semaphore_mem>> -> memref<1x!tpu.dma_semaphore, #tpu.memory_space<semaphore_mem>>
    %dma_start3A_144 = tpu.memref_squeeze %dma_start3A_143 : memref<1x!tpu.dma_semaphore, #tpu.memory_space<semaphore_mem>> -> memref<!tpu.dma_semaphore, #tpu.memory_space<semaphore_mem>>
    %dma_start3A_145 = arith.constant 0 : i32
    %dma_start3A_146 = arith.constant 0 : i32
    %dma_start3A_147 = tpu.memref_slice %arg6[%dma_start3A_135, %dma_start3A_145, %dma_start3A_146] : memref<2x48x512xf32, #tpu.memory_space<vmem>> -> memref<1x48x512xf32, #tpu.memory_space<vmem>>
    %dma_start3A_148 = tpu.memref_squeeze %dma_start3A_147 : memref<1x48x512xf32, #tpu.memory_space<vmem>> -> memref<48x512xf32, #tpu.memory_space<vmem>>
    %dma_start3A_149 = arith.constant 0 : i32
    %dma_start3A_150 = tpu.memref_slice %arg3[%add3A_118, %dma_start3A_149] : memref<24576x512xf32, #tpu.memory_space<hbm>> -> memref<48x512xf32, #tpu.memory_space<hbm>>
    tpu.enqueue_dma source(%dma_start3A_150 : memref<48x512xf32, #tpu.memory_space<hbm>>) target(%dma_start3A_148 : memref<48x512xf32, #tpu.memory_space<vmem>>) target_semaphore(%dma_start3A_144 : memref<!tpu.dma_semaphore, #tpu.memory_space<semaphore_mem>>)
    %add3A_151 = arith.constant 48 : i32
    %add3A_152 = arith.addi %add3A_4, %add3A_151 : i32
    %dma_wait3A_153 = arith.constant 1 : i32
    %dma_wait3A_154 = arith.constant 1 : i32
    %dma_wait3A_155 = arith.constant 0 : i32
    %dma_wait3A_156 = arith.constant 0 : i32
    %dma_wait3A_157 = tpu.memref_slice %arg5[%dma_wait3A_153, %dma_wait3A_155, %dma_wait3A_156] : memref<2x48x512xf32, #tpu.memory_space<vmem>> -> memref<1x48x512xf32, #tpu.memory_space<vmem>>
    %dma_wait3A_158 = tpu.memref_squeeze %dma_wait3A_157 : memref<1x48x512xf32, #tpu.memory_space<vmem>> -> memref<48x512xf32, #tpu.memory_space<vmem>>
    %dma_wait3A_159 = arith.constant 0 : i32
    %dma_wait3A_160 = tpu.memref_slice %arg2[%add3A_152, %dma_wait3A_159] : memref<24576x512xf32, #tpu.memory_space<hbm>> -> memref<48x512xf32, #tpu.memory_space<hbm>>
    %dma_wait3A_161 = tpu.memref_slice %arg8[%dma_wait3A_154] : memref<2x!tpu.dma_semaphore, #tpu.memory_space<semaphore_mem>> -> memref<1x!tpu.dma_semaphore, #tpu.memory_space<semaphore_mem>>
    %dma_wait3A_162 = tpu.memref_squeeze %dma_wait3A_161 : memref<1x!tpu.dma_semaphore, #tpu.memory_space<semaphore_mem>> -> memref<!tpu.dma_semaphore, #tpu.memory_space<semaphore_mem>>
    %dma_wait3A_163 = arith.constant 0 : i32
    %dma_wait3A_164 = arith.constant 0 : i32
    %dma_wait3A_165 = tpu.memref_slice %arg5[%dma_wait3A_153, %dma_wait3A_163, %dma_wait3A_164] : memref<2x48x512xf32, #tpu.memory_space<vmem>> -> memref<1x48x512xf32, #tpu.memory_space<vmem>>
    %dma_wait3A_166 = tpu.memref_squeeze %dma_wait3A_165 : memref<1x48x512xf32, #tpu.memory_space<vmem>> -> memref<48x512xf32, #tpu.memory_space<vmem>>
    %dma_wait3A_167 = arith.constant 0 : i32
    %dma_wait3A_168 = tpu.memref_slice %arg2[%add3A_152, %dma_wait3A_167] : memref<24576x512xf32, #tpu.memory_space<hbm>> -> memref<48x512xf32, #tpu.memory_space<hbm>>
    tpu.wait_dma2 semaphore(%dma_wait3A_162 : memref<!tpu.dma_semaphore, #tpu.memory_space<semaphore_mem>>) src(%dma_wait3A_168 : memref<48x512xf32, #tpu.memory_space<hbm>>) dst(%dma_wait3A_166 : memref<48x512xf32, #tpu.memory_space<vmem>>)
    %dma_wait3A_169 = arith.constant 1 : i32
    %dma_wait3A_170 = arith.constant 1 : i32
    %dma_wait3A_171 = arith.constant 0 : i32
    %dma_wait3A_172 = arith.constant 0 : i32
    %dma_wait3A_173 = tpu.memref_slice %arg6[%dma_wait3A_169, %dma_wait3A_171, %dma_wait3A_172] : memref<2x48x512xf32, #tpu.memory_space<vmem>> -> memref<1x48x512xf32, #tpu.memory_space<vmem>>
    %dma_wait3A_174 = tpu.memref_squeeze %dma_wait3A_173 : memref<1x48x512xf32, #tpu.memory_space<vmem>> -> memref<48x512xf32, #tpu.memory_space<vmem>>
    %dma_wait3A_175 = arith.constant 0 : i32
    %dma_wait3A_176 = tpu.memref_slice %arg3[%add3A_152, %dma_wait3A_175] : memref<24576x512xf32, #tpu.memory_space<hbm>> -> memref<48x512xf32, #tpu.memory_space<hbm>>
    %dma_wait3A_177 = tpu.memref_slice %arg9[%dma_wait3A_170] : memref<2x!tpu.dma_semaphore, #tpu.memory_space<semaphore_mem>> -> memref<1x!tpu.dma_semaphore, #tpu.memory_space<semaphore_mem>>
    %dma_wait3A_178 = tpu.memref_squeeze %dma_wait3A_177 : memref<1x!tpu.dma_semaphore, #tpu.memory_space<semaphore_mem>> -> memref<!tpu.dma_semaphore, #tpu.memory_space<semaphore_mem>>
    %dma_wait3A_179 = arith.constant 0 : i32
    %dma_wait3A_180 = arith.constant 0 : i32
    %dma_wait3A_181 = tpu.memref_slice %arg6[%dma_wait3A_169, %dma_wait3A_179, %dma_wait3A_180] : memref<2x48x512xf32, #tpu.memory_space<vmem>> -> memref<1x48x512xf32, #tpu.memory_space<vmem>>
    %dma_wait3A_182 = tpu.memref_squeeze %dma_wait3A_181 : memref<1x48x512xf32, #tpu.memory_space<vmem>> -> memref<48x512xf32, #tpu.memory_space<vmem>>
    %dma_wait3A_183 = arith.constant 0 : i32
    %dma_wait3A_184 = tpu.memref_slice %arg3[%add3A_152, %dma_wait3A_183] : memref<24576x512xf32, #tpu.memory_space<hbm>> -> memref<48x512xf32, #tpu.memory_space<hbm>>
    tpu.wait_dma2 semaphore(%dma_wait3A_178 : memref<!tpu.dma_semaphore, #tpu.memory_space<semaphore_mem>>) src(%dma_wait3A_184 : memref<48x512xf32, #tpu.memory_space<hbm>>) dst(%dma_wait3A_182 : memref<48x512xf32, #tpu.memory_space<vmem>>)
    %scan3A_185 = arith.constant 0 : i32
    %scan3A_186 = arith.constant 48 : i32
    %scan3A_187 = arith.addi %scan3A_185, %scan3A_186 : i32
    %scan3A_188 = arith.constant 1 : i32
    %scan3A_189:4 = scf.for %scan3A_311 = %scan3A_185 to %scan3A_187 step %scan3A_188 iter_args(%scan3A_312 = %scan3A_115#0, %scan3A_313 = %scan3A_115#1, %scan3A_314 = %scan3A_115#2, %scan3A_315 = %scan3A_115#3) -> (vector<16xf32>, vector<16xf32>, vector<16xf32>, vector<16xf32>)  : i32 {
      %get3A = arith.constant 1 : i32
      %get3A_316 = arith.index_cast %get3A : i32 to index
      %get3A_317 = arith.index_cast %scan3A_311 : i32 to index
      %get3A_318 = arith.constant 0 : index
      %get3A_319 = tpu.vector_load %arg5[%get3A_316, %get3A_317, %get3A_318] {strides = array<i32>} : memref<2x48x512xf32, #tpu.memory_space<vmem>>, vector<1x1x16xf32>,
      %get3A_320 = vector.shape_cast %get3A_319 : vector<1x1x16xf32> to vector<16xf32>
      %get3A_321 = arith.constant 1 : i32
      %get3A_322 = arith.index_cast %get3A_321 : i32 to index
      %get3A_323 = arith.index_cast %scan3A_311 : i32 to index
      %get3A_324 = arith.constant 0 : index
      %get3A_325 = tpu.vector_load %arg6[%get3A_322, %get3A_323, %get3A_324] {strides = array<i32>} : memref<2x48x512xf32, #tpu.memory_space<vmem>>, vector<1x1x16xf32>,
      %get3A_326 = vector.shape_cast %get3A_325 : vector<1x1x16xf32> to vector<16xf32>
      %sub3A = arith.subf %get3A_320, %get3A_326 : vector<16xf32>
      %abs3A = math.absf %sub3A : vector<16xf32>
      %add3A_327 = arith.addf %scan3A_312, %abs3A : vector<16xf32>
      %get3A_328 = arith.constant 1 : i32
      %get3A_329 = arith.index_cast %get3A_328 : i32 to index
      %get3A_330 = arith.index_cast %scan3A_311 : i32 to index
      %get3A_331 = arith.constant 16 : index
      %get3A_332 = tpu.vector_load %arg5[%get3A_329, %get3A_330, %get3A_331] {strides = array<i32>} : memref<2x48x512xf32, #tpu.memory_space<vmem>>, vector<1x1x16xf32>,
      %get3A_333 = vector.shape_cast %get3A_332 : vector<1x1x16xf32> to vector<16xf32>
      %get3A_334 = arith.constant 1 : i32
      %get3A_335 = arith.index_cast %get3A_334 : i32 to index
      %get3A_336 = arith.index_cast %scan3A_311 : i32 to index
      %get3A_337 = arith.constant 16 : index
      %get3A_338 = tpu.vector_load %arg6[%get3A_335, %get3A_336, %get3A_337] {strides = array<i32>} : memref<2x48x512xf32, #tpu.memory_space<vmem>>, vector<1x1x16xf32>,
      %get3A_339 = vector.shape_cast %get3A_338 : vector<1x1x16xf32> to vector<16xf32>
      %sub3A_340 = arith.subf %get3A_333, %get3A_339 : vector<16xf32>
      %abs3A_341 = math.absf %sub3A_340 : vector<16xf32>
      %add3A_342 = arith.addf %scan3A_313, %abs3A_341 : vector<16xf32>
      %get3A_343 = arith.constant 1 : i32
      %get3A_344 = arith.index_cast %get3A_343 : i32 to index
      %get3A_345 = arith.index_cast %scan3A_311 : i32 to index
      %get3A_346 = arith.constant 32 : index
      %get3A_347 = tpu.vector_load %arg5[%get3A_344, %get3A_345, %get3A_346] {strides = array<i32>} : memref<2x48x512xf32, #tpu.memory_space<vmem>>, vector<1x1x16xf32>,
      %get3A_348 = vector.shape_cast %get3A_347 : vector<1x1x16xf32> to vector<16xf32>
      %get3A_349 = arith.constant 1 : i32
      %get3A_350 = arith.index_cast %get3A_349 : i32 to index
      %get3A_351 = arith.index_cast %scan3A_311 : i32 to index
      %get3A_352 = arith.constant 32 : index
      %get3A_353 = tpu.vector_load %arg6[%get3A_350, %get3A_351, %get3A_352] {strides = array<i32>} : memref<2x48x512xf32, #tpu.memory_space<vmem>>, vector<1x1x16xf32>,
      %get3A_354 = vector.shape_cast %get3A_353 : vector<1x1x16xf32> to vector<16xf32>
      %sub3A_355 = arith.subf %get3A_348, %get3A_354 : vector<16xf32>
      %abs3A_356 = math.absf %sub3A_355 : vector<16xf32>
      %add3A_357 = arith.addf %scan3A_314, %abs3A_356 : vector<16xf32>
      %get3A_358 = arith.constant 1 : i32
      %get3A_359 = arith.index_cast %get3A_358 : i32 to index
      %get3A_360 = arith.index_cast %scan3A_311 : i32 to index
      %get3A_361 = arith.constant 48 : index
      %get3A_362 = tpu.vector_load %arg5[%get3A_359, %get3A_360, %get3A_361] {strides = array<i32>} : memref<2x48x512xf32, #tpu.memory_space<vmem>>, vector<1x1x16xf32>,
      %get3A_363 = vector.shape_cast %get3A_362 : vector<1x1x16xf32> to vector<16xf32>
      %get3A_364 = arith.constant 1 : i32
      %get3A_365 = arith.index_cast %get3A_364 : i32 to index
      %get3A_366 = arith.index_cast %scan3A_311 : i32 to index
      %get3A_367 = arith.constant 48 : index
      %get3A_368 = tpu.vector_load %arg6[%get3A_365, %get3A_366, %get3A_367] {strides = array<i32>} : memref<2x48x512xf32, #tpu.memory_space<vmem>>, vector<1x1x16xf32>,
      %get3A_369 = vector.shape_cast %get3A_368 : vector<1x1x16xf32> to vector<16xf32>
      %sub3A_370 = arith.subf %get3A_363, %get3A_369 : vector<16xf32>
      %abs3A_371 = math.absf %sub3A_370 : vector<16xf32>
      %add3A_372 = arith.addf %scan3A_315, %abs3A_371 : vector<16xf32>
      %get3A_373 = arith.constant 1 : i32
      %get3A_374 = arith.index_cast %get3A_373 : i32 to index
      %get3A_375 = arith.index_cast %scan3A_311 : i32 to index
      %get3A_376 = arith.constant 64 : index
      %get3A_377 = tpu.vector_load %arg5[%get3A_374, %get3A_375, %get3A_376] {strides = array<i32>} : memref<2x48x512xf32, #tpu.memory_space<vmem>>, vector<1x1x16xf32>,
      %get3A_378 = vector.shape_cast %get3A_377 : vector<1x1x16xf32> to vector<16xf32>
      %get3A_379 = arith.constant 1 : i32
      %get3A_380 = arith.index_cast %get3A_379 : i32 to index
      %get3A_381 = arith.index_cast %scan3A_311 : i32 to index
      %get3A_382 = arith.constant 64 : index
      %get3A_383 = tpu.vector_load %arg6[%get3A_380, %get3A_381, %get3A_382] {strides = array<i32>} : memref<2x48x512xf32, #tpu.memory_space<vmem>>, vector<1x1x16xf32>,
      %get3A_384 = vector.shape_cast %get3A_383 : vector<1x1x16xf32> to vector<16xf32>
      %sub3A_385 = arith.subf %get3A_378, %get3A_384 : vector<16xf32>
      %abs3A_386 = math.absf %sub3A_385 : vector<16xf32>
      %add3A_387 = arith.addf %add3A_327, %abs3A_386 : vector<16xf32>
      %get3A_388 = arith.constant 1 : i32
      %get3A_389 = arith.index_cast %get3A_388 : i32 to index
      %get3A_390 = arith.index_cast %scan3A_311 : i32 to index
      %get3A_391 = arith.constant 80 : index
      %get3A_392 = tpu.vector_load %arg5[%get3A_389, %get3A_390, %get3A_391] {strides = array<i32>} : memref<2x48x512xf32, #tpu.memory_space<vmem>>, vector<1x1x16xf32>,
      %get3A_393 = vector.shape_cast %get3A_392 : vector<1x1x16xf32> to vector<16xf32>
      %get3A_394 = arith.constant 1 : i32
      %get3A_395 = arith.index_cast %get3A_394 : i32 to index
      %get3A_396 = arith.index_cast %scan3A_311 : i32 to index
      %get3A_397 = arith.constant 80 : index
      %get3A_398 = tpu.vector_load %arg6[%get3A_395, %get3A_396, %get3A_397] {strides = array<i32>} : memref<2x48x512xf32, #tpu.memory_space<vmem>>, vector<1x1x16xf32>,
      %get3A_399 = vector.shape_cast %get3A_398 : vector<1x1x16xf32> to vector<16xf32>
      %sub3A_400 = arith.subf %get3A_393, %get3A_399 : vector<16xf32>
      %abs3A_401 = math.absf %sub3A_400 : vector<16xf32>
      %add3A_402 = arith.addf %add3A_342, %abs3A_401 : vector<16xf32>
      %get3A_403 = arith.constant 1 : i32
      %get3A_404 = arith.index_cast %get3A_403 : i32 to index
      %get3A_405 = arith.index_cast %scan3A_311 : i32 to index
      %get3A_406 = arith.constant 96 : index
      %get3A_407 = tpu.vector_load %arg5[%get3A_404, %get3A_405, %get3A_406] {strides = array<i32>} : memref<2x48x512xf32, #tpu.memory_space<vmem>>, vector<1x1x16xf32>,
      %get3A_408 = vector.shape_cast %get3A_407 : vector<1x1x16xf32> to vector<16xf32>
      %get3A_409 = arith.constant 1 : i32
      %get3A_410 = arith.index_cast %get3A_409 : i32 to index
      %get3A_411 = arith.index_cast %scan3A_311 : i32 to index
      %get3A_412 = arith.constant 96 : index
      %get3A_413 = tpu.vector_load %arg6[%get3A_410, %get3A_411, %get3A_412] {strides = array<i32>} : memref<2x48x512xf32, #tpu.memory_space<vmem>>, vector<1x1x16xf32>,
      %get3A_414 = vector.shape_cast %get3A_413 : vector<1x1x16xf32> to vector<16xf32>
      %sub3A_415 = arith.subf %get3A_408, %get3A_414 : vector<16xf32>
      %abs3A_416 = math.absf %sub3A_415 : vector<16xf32>
      %add3A_417 = arith.addf %add3A_357, %abs3A_416 : vector<16xf32>
      %get3A_418 = arith.constant 1 : i32
      %get3A_419 = arith.index_cast %get3A_418 : i32 to index
      %get3A_420 = arith.index_cast %scan3A_311 : i32 to index
      %get3A_421 = arith.constant 112 : index
      %get3A_422 = tpu.vector_load %arg5[%get3A_419, %get3A_420, %get3A_421] {strides = array<i32>} : memref<2x48x512xf32, #tpu.memory_space<vmem>>, vector<1x1x16xf32>,
      %get3A_423 = vector.shape_cast %get3A_422 : vector<1x1x16xf32> to vector<16xf32>
      %get3A_424 = arith.constant 1 : i32
      %get3A_425 = arith.index_cast %get3A_424 : i32 to index
      %get3A_426 = arith.index_cast %scan3A_311 : i32 to index
      %get3A_427 = arith.constant 112 : index
      %get3A_428 = tpu.vector_load %arg6[%get3A_425, %get3A_426, %get3A_427] {strides = array<i32>} : memref<2x48x512xf32, #tpu.memory_space<vmem>>, vector<1x1x16xf32>,
      %get3A_429 = vector.shape_cast %get3A_428 : vector<1x1x16xf32> to vector<16xf32>
      %sub3A_430 = arith.subf %get3A_423, %get3A_429 : vector<16xf32>
      %abs3A_431 = math.absf %sub3A_430 : vector<16xf32>
      %add3A_432 = arith.addf %add3A_372, %abs3A_431 : vector<16xf32>
      %get3A_433 = arith.constant 1 : i32
      %get3A_434 = arith.index_cast %get3A_433 : i32 to index
      %get3A_435 = arith.index_cast %scan3A_311 : i32 to index
      %get3A_436 = arith.constant 128 : index
      %get3A_437 = tpu.vector_load %arg5[%get3A_434, %get3A_435, %get3A_436] {strides = array<i32>} : memref<2x48x512xf32, #tpu.memory_space<vmem>>, vector<1x1x16xf32>,
      %get3A_438 = vector.shape_cast %get3A_437 : vector<1x1x16xf32> to vector<16xf32>
      %get3A_439 = arith.constant 1 : i32
      %get3A_440 = arith.index_cast %get3A_439 : i32 to index
      %get3A_441 = arith.index_cast %scan3A_311 : i32 to index
      %get3A_442 = arith.constant 128 : index
      %get3A_443 = tpu.vector_load %arg6[%get3A_440, %get3A_441, %get3A_442] {strides = array<i32>} : memref<2x48x512xf32, #tpu.memory_space<vmem>>, vector<1x1x16xf32>,
      %get3A_444 = vector.shape_cast %get3A_443 : vector<1x1x16xf32> to vector<16xf32>
      %sub3A_445 = arith.subf %get3A_438, %get3A_444 : vector<16xf32>
      %abs3A_446 = math.absf %sub3A_445 : vector<16xf32>
      %add3A_447 = arith.addf %add3A_387, %abs3A_446 : vector<16xf32>
      %get3A_448 = arith.constant 1 : i32
      %get3A_449 = arith.index_cast %get3A_448 : i32 to index
      %get3A_450 = arith.index_cast %scan3A_311 : i32 to index
      %get3A_451 = arith.constant 144 : index
      %get3A_452 = tpu.vector_load %arg5[%get3A_449, %get3A_450, %get3A_451] {strides = array<i32>} : memref<2x48x512xf32, #tpu.memory_space<vmem>>, vector<1x1x16xf32>,
      %get3A_453 = vector.shape_cast %get3A_452 : vector<1x1x16xf32> to vector<16xf32>
      %get3A_454 = arith.constant 1 : i32
      %get3A_455 = arith.index_cast %get3A_454 : i32 to index
      %get3A_456 = arith.index_cast %scan3A_311 : i32 to index
      %get3A_457 = arith.constant 144 : index
      %get3A_458 = tpu.vector_load %arg6[%get3A_455, %get3A_456, %get3A_457] {strides = array<i32>} : memref<2x48x512xf32, #tpu.memory_space<vmem>>, vector<1x1x16xf32>,
      %get3A_459 = vector.shape_cast %get3A_458 : vector<1x1x16xf32> to vector<16xf32>
      %sub3A_460 = arith.subf %get3A_453, %get3A_459 : vector<16xf32>
      %abs3A_461 = math.absf %sub3A_460 : vector<16xf32>
      %add3A_462 = arith.addf %add3A_402, %abs3A_461 : vector<16xf32>
      %get3A_463 = arith.constant 1 : i32
      %get3A_464 = arith.index_cast %get3A_463 : i32 to index
      %get3A_465 = arith.index_cast %scan3A_311 : i32 to index
      %get3A_466 = arith.constant 160 : index
      %get3A_467 = tpu.vector_load %arg5[%get3A_464, %get3A_465, %get3A_466] {strides = array<i32>} : memref<2x48x512xf32, #tpu.memory_space<vmem>>, vector<1x1x16xf32>,
      %get3A_468 = vector.shape_cast %get3A_467 : vector<1x1x16xf32> to vector<16xf32>
      %get3A_469 = arith.constant 1 : i32
      %get3A_470 = arith.index_cast %get3A_469 : i32 to index
      %get3A_471 = arith.index_cast %scan3A_311 : i32 to index
      %get3A_472 = arith.constant 160 : index
      %get3A_473 = tpu.vector_load %arg6[%get3A_470, %get3A_471, %get3A_472] {strides = array<i32>} : memref<2x48x512xf32, #tpu.memory_space<vmem>>, vector<1x1x16xf32>,
      %get3A_474 = vector.shape_cast %get3A_473 : vector<1x1x16xf32> to vector<16xf32>
      %sub3A_475 = arith.subf %get3A_468, %get3A_474 : vector<16xf32>
      %abs3A_476 = math.absf %sub3A_475 : vector<16xf32>
      %add3A_477 = arith.addf %add3A_417, %abs3A_476 : vector<16xf32>
      %get3A_478 = arith.constant 1 : i32
      %get3A_479 = arith.index_cast %get3A_478 : i32 to index
      %get3A_480 = arith.index_cast %scan3A_311 : i32 to index
      %get3A_481 = arith.constant 176 : index
      %get3A_482 = tpu.vector_load %arg5[%get3A_479, %get3A_480, %get3A_481] {strides = array<i32>} : memref<2x48x512xf32, #tpu.memory_space<vmem>>, vector<1x1x16xf32>,
      %get3A_483 = vector.shape_cast %get3A_482 : vector<1x1x16xf32> to vector<16xf32>
      %get3A_484 = arith.constant 1 : i32
      %get3A_485 = arith.index_cast %get3A_484 : i32 to index
      %get3A_486 = arith.index_cast %scan3A_311 : i32 to index
      %get3A_487 = arith.constant 176 : index
      %get3A_488 = tpu.vector_load %arg6[%get3A_485, %get3A_486, %get3A_487] {strides = array<i32>} : memref<2x48x512xf32, #tpu.memory_space<vmem>>, vector<1x1x16xf32>,
      %get3A_489 = vector.shape_cast %get3A_488 : vector<1x1x16xf32> to vector<16xf32>
      %sub3A_490 = arith.subf %get3A_483, %get3A_489 : vector<16xf32>
      %abs3A_491 = math.absf %sub3A_490 : vector<16xf32>
      %add3A_492 = arith.addf %add3A_432, %abs3A_491 : vector<16xf32>
      %get3A_493 = arith.constant 1 : i32
      %get3A_494 = arith.index_cast %get3A_493 : i32 to index
      %get3A_495 = arith.index_cast %scan3A_311 : i32 to index
      %get3A_496 = arith.constant 192 : index
      %get3A_497 = tpu.vector_load %arg5[%get3A_494, %get3A_495, %get3A_496] {strides = array<i32>} : memref<2x48x512xf32, #tpu.memory_space<vmem>>, vector<1x1x16xf32>,
      %get3A_498 = vector.shape_cast %get3A_497 : vector<1x1x16xf32> to vector<16xf32>
      %get3A_499 = arith.constant 1 : i32
      %get3A_500 = arith.index_cast %get3A_499 : i32 to index
      %get3A_501 = arith.index_cast %scan3A_311 : i32 to index
      %get3A_502 = arith.constant 192 : index
      %get3A_503 = tpu.vector_load %arg6[%get3A_500, %get3A_501, %get3A_502] {strides = array<i32>} : memref<2x48x512xf32, #tpu.memory_space<vmem>>, vector<1x1x16xf32>,
      %get3A_504 = vector.shape_cast %get3A_503 : vector<1x1x16xf32> to vector<16xf32>
      %sub3A_505 = arith.subf %get3A_498, %get3A_504 : vector<16xf32>
      %abs3A_506 = math.absf %sub3A_505 : vector<16xf32>
      %add3A_507 = arith.addf %add3A_447, %abs3A_506 : vector<16xf32>
      %get3A_508 = arith.constant 1 : i32
      %get3A_509 = arith.index_cast %get3A_508 : i32 to index
      %get3A_510 = arith.index_cast %scan3A_311 : i32 to index
      %get3A_511 = arith.constant 208 : index
      %get3A_512 = tpu.vector_load %arg5[%get3A_509, %get3A_510, %get3A_511] {strides = array<i32>} : memref<2x48x512xf32, #tpu.memory_space<vmem>>, vector<1x1x16xf32>,
      %get3A_513 = vector.shape_cast %get3A_512 : vector<1x1x16xf32> to vector<16xf32>
      %get3A_514 = arith.constant 1 : i32
      %get3A_515 = arith.index_cast %get3A_514 : i32 to index
      %get3A_516 = arith.index_cast %scan3A_311 : i32 to index
      %get3A_517 = arith.constant 208 : index
      %get3A_518 = tpu.vector_load %arg6[%get3A_515, %get3A_516, %get3A_517] {strides = array<i32>} : memref<2x48x512xf32, #tpu.memory_space<vmem>>, vector<1x1x16xf32>,
      %get3A_519 = vector.shape_cast %get3A_518 : vector<1x1x16xf32> to vector<16xf32>
      %sub3A_520 = arith.subf %get3A_513, %get3A_519 : vector<16xf32>
      %abs3A_521 = math.absf %sub3A_520 : vector<16xf32>
      %add3A_522 = arith.addf %add3A_462, %abs3A_521 : vector<16xf32>
      %get3A_523 = arith.constant 1 : i32
      %get3A_524 = arith.index_cast %get3A_523 : i32 to index
      %get3A_525 = arith.index_cast %scan3A_311 : i32 to index
      %get3A_526 = arith.constant 224 : index
      %get3A_527 = tpu.vector_load %arg5[%get3A_524, %get3A_525, %get3A_526] {strides = array<i32>} : memref<2x48x512xf32, #tpu.memory_space<vmem>>, vector<1x1x16xf32>,
      %get3A_528 = vector.shape_cast %get3A_527 : vector<1x1x16xf32> to vector<16xf32>
      %get3A_529 = arith.constant 1 : i32
      %get3A_530 = arith.index_cast %get3A_529 : i32 to index
      %get3A_531 = arith.index_cast %scan3A_311 : i32 to index
      %get3A_532 = arith.constant 224 : index
      %get3A_533 = tpu.vector_load %arg6[%get3A_530, %get3A_531, %get3A_532] {strides = array<i32>} : memref<2x48x512xf32, #tpu.memory_space<vmem>>, vector<1x1x16xf32>,
      %get3A_534 = vector.shape_cast %get3A_533 : vector<1x1x16xf32> to vector<16xf32>
      %sub3A_535 = arith.subf %get3A_528, %get3A_534 : vector<16xf32>
      %abs3A_536 = math.absf %sub3A_535 : vector<16xf32>
      %add3A_537 = arith.addf %add3A_477, %abs3A_536 : vector<16xf32>
      %get3A_538 = arith.constant 1 : i32
      %get3A_539 = arith.index_cast %get3A_538 : i32 to index
      %get3A_540 = arith.index_cast %scan3A_311 : i32 to index
      %get3A_541 = arith.constant 240 : index
      %get3A_542 = tpu.vector_load %arg5[%get3A_539, %get3A_540, %get3A_541] {strides = array<i32>} : memref<2x48x512xf32, #tpu.memory_space<vmem>>, vector<1x1x16xf32>,
      %get3A_543 = vector.shape_cast %get3A_542 : vector<1x1x16xf32> to vector<16xf32>
      %get3A_544 = arith.constant 1 : i32
      %get3A_545 = arith.index_cast %get3A_544 : i32 to index
      %get3A_546 = arith.index_cast %scan3A_311 : i32 to index
      %get3A_547 = arith.constant 240 : index
      %get3A_548 = tpu.vector_load %arg6[%get3A_545, %get3A_546, %get3A_547] {strides = array<i32>} : memref<2x48x512xf32, #tpu.memory_space<vmem>>, vector<1x1x16xf32>,
      %get3A_549 = vector.shape_cast %get3A_548 : vector<1x1x16xf32> to vector<16xf32>
      %sub3A_550 = arith.subf %get3A_543, %get3A_549 : vector<16xf32>
      %abs3A_551 = math.absf %sub3A_550 : vector<16xf32>
      %add3A_552 = arith.addf %add3A_492, %abs3A_551 : vector<16xf32>
      %get3A_553 = arith.constant 1 : i32
      %get3A_554 = arith.index_cast %get3A_553 : i32 to index
      %get3A_555 = arith.index_cast %scan3A_311 : i32 to index
      %get3A_556 = arith.constant 256 : index
      %get3A_557 = tpu.vector_load %arg5[%get3A_554, %get3A_555, %get3A_556] {strides = array<i32>} : memref<2x48x512xf32, #tpu.memory_space<vmem>>, vector<1x1x16xf32>,
      %get3A_558 = vector.shape_cast %get3A_557 : vector<1x1x16xf32> to vector<16xf32>
      %get3A_559 = arith.constant 1 : i32
      %get3A_560 = arith.index_cast %get3A_559 : i32 to index
      %get3A_561 = arith.index_cast %scan3A_311 : i32 to index
      %get3A_562 = arith.constant 256 : index
      %get3A_563 = tpu.vector_load %arg6[%get3A_560, %get3A_561, %get3A_562] {strides = array<i32>} : memref<2x48x512xf32, #tpu.memory_space<vmem>>, vector<1x1x16xf32>,
      %get3A_564 = vector.shape_cast %get3A_563 : vector<1x1x16xf32> to vector<16xf32>
      %sub3A_565 = arith.subf %get3A_558, %get3A_564 : vector<16xf32>
      %abs3A_566 = math.absf %sub3A_565 : vector<16xf32>
      %add3A_567 = arith.addf %add3A_507, %abs3A_566 : vector<16xf32>
      %get3A_568 = arith.constant 1 : i32
      %get3A_569 = arith.index_cast %get3A_568 : i32 to index
      %get3A_570 = arith.index_cast %scan3A_311 : i32 to index
      %get3A_571 = arith.constant 272 : index
      %get3A_572 = tpu.vector_load %arg5[%get3A_569, %get3A_570, %get3A_571] {strides = array<i32>} : memref<2x48x512xf32, #tpu.memory_space<vmem>>, vector<1x1x16xf32>,
      %get3A_573 = vector.shape_cast %get3A_572 : vector<1x1x16xf32> to vector<16xf32>
      %get3A_574 = arith.constant 1 : i32
      %get3A_575 = arith.index_cast %get3A_574 : i32 to index
      %get3A_576 = arith.index_cast %scan3A_311 : i32 to index
      %get3A_577 = arith.constant 272 : index
      %get3A_578 = tpu.vector_load %arg6[%get3A_575, %get3A_576, %get3A_577] {strides = array<i32>} : memref<2x48x512xf32, #tpu.memory_space<vmem>>, vector<1x1x16xf32>,
      %get3A_579 = vector.shape_cast %get3A_578 : vector<1x1x16xf32> to vector<16xf32>
      %sub3A_580 = arith.subf %get3A_573, %get3A_579 : vector<16xf32>
      %abs3A_581 = math.absf %sub3A_580 : vector<16xf32>
      %add3A_582 = arith.addf %add3A_522, %abs3A_581 : vector<16xf32>
      %get3A_583 = arith.constant 1 : i32
      %get3A_584 = arith.index_cast %get3A_583 : i32 to index
      %get3A_585 = arith.index_cast %scan3A_311 : i32 to index
      %get3A_586 = arith.constant 288 : index
      %get3A_587 = tpu.vector_load %arg5[%get3A_584, %get3A_585, %get3A_586] {strides = array<i32>} : memref<2x48x512xf32, #tpu.memory_space<vmem>>, vector<1x1x16xf32>,
      %get3A_588 = vector.shape_cast %get3A_587 : vector<1x1x16xf32> to vector<16xf32>
      %get3A_589 = arith.constant 1 : i32
      %get3A_590 = arith.index_cast %get3A_589 : i32 to index
      %get3A_591 = arith.index_cast %scan3A_311 : i32 to index
      %get3A_592 = arith.constant 288 : index
      %get3A_593 = tpu.vector_load %arg6[%get3A_590, %get3A_591, %get3A_592] {strides = array<i32>} : memref<2x48x512xf32, #tpu.memory_space<vmem>>, vector<1x1x16xf32>,
      %get3A_594 = vector.shape_cast %get3A_593 : vector<1x1x16xf32> to vector<16xf32>
      %sub3A_595 = arith.subf %get3A_588, %get3A_594 : vector<16xf32>
      %abs3A_596 = math.absf %sub3A_595 : vector<16xf32>
      %add3A_597 = arith.addf %add3A_537, %abs3A_596 : vector<16xf32>
      %get3A_598 = arith.constant 1 : i32
      %get3A_599 = arith.index_cast %get3A_598 : i32 to index
      %get3A_600 = arith.index_cast %scan3A_311 : i32 to index
      %get3A_601 = arith.constant 304 : index
      %get3A_602 = tpu.vector_load %arg5[%get3A_599, %get3A_600, %get3A_601] {strides = array<i32>} : memref<2x48x512xf32, #tpu.memory_space<vmem>>, vector<1x1x16xf32>,
      %get3A_603 = vector.shape_cast %get3A_602 : vector<1x1x16xf32> to vector<16xf32>
      %get3A_604 = arith.constant 1 : i32
      %get3A_605 = arith.index_cast %get3A_604 : i32 to index
      %get3A_606 = arith.index_cast %scan3A_311 : i32 to index
      %get3A_607 = arith.constant 304 : index
      %get3A_608 = tpu.vector_load %arg6[%get3A_605, %get3A_606, %get3A_607] {strides = array<i32>} : memref<2x48x512xf32, #tpu.memory_space<vmem>>, vector<1x1x16xf32>,
      %get3A_609 = vector.shape_cast %get3A_608 : vector<1x1x16xf32> to vector<16xf32>
      %sub3A_610 = arith.subf %get3A_603, %get3A_609 : vector<16xf32>
      %abs3A_611 = math.absf %sub3A_610 : vector<16xf32>
      %add3A_612 = arith.addf %add3A_552, %abs3A_611 : vector<16xf32>
      %get3A_613 = arith.constant 1 : i32
      %get3A_614 = arith.index_cast %get3A_613 : i32 to index
      %get3A_615 = arith.index_cast %scan3A_311 : i32 to index
      %get3A_616 = arith.constant 320 : index
      %get3A_617 = tpu.vector_load %arg5[%get3A_614, %get3A_615, %get3A_616] {strides = array<i32>} : memref<2x48x512xf32, #tpu.memory_space<vmem>>, vector<1x1x16xf32>,
      %get3A_618 = vector.shape_cast %get3A_617 : vector<1x1x16xf32> to vector<16xf32>
      %get3A_619 = arith.constant 1 : i32
      %get3A_620 = arith.index_cast %get3A_619 : i32 to index
      %get3A_621 = arith.index_cast %scan3A_311 : i32 to index
      %get3A_622 = arith.constant 320 : index
      %get3A_623 = tpu.vector_load %arg6[%get3A_620, %get3A_621, %get3A_622] {strides = array<i32>} : memref<2x48x512xf32, #tpu.memory_space<vmem>>, vector<1x1x16xf32>,
      %get3A_624 = vector.shape_cast %get3A_623 : vector<1x1x16xf32> to vector<16xf32>
      %sub3A_625 = arith.subf %get3A_618, %get3A_624 : vector<16xf32>
      %abs3A_626 = math.absf %sub3A_625 : vector<16xf32>
      %add3A_627 = arith.addf %add3A_567, %abs3A_626 : vector<16xf32>
      %get3A_628 = arith.constant 1 : i32
      %get3A_629 = arith.index_cast %get3A_628 : i32 to index
      %get3A_630 = arith.index_cast %scan3A_311 : i32 to index
      %get3A_631 = arith.constant 336 : index
      %get3A_632 = tpu.vector_load %arg5[%get3A_629, %get3A_630, %get3A_631] {strides = array<i32>} : memref<2x48x512xf32, #tpu.memory_space<vmem>>, vector<1x1x16xf32>,
      %get3A_633 = vector.shape_cast %get3A_632 : vector<1x1x16xf32> to vector<16xf32>
      %get3A_634 = arith.constant 1 : i32
      %get3A_635 = arith.index_cast %get3A_634 : i32 to index
      %get3A_636 = arith.index_cast %scan3A_311 : i32 to index
      %get3A_637 = arith.constant 336 : index
      %get3A_638 = tpu.vector_load %arg6[%get3A_635, %get3A_636, %get3A_637] {strides = array<i32>} : memref<2x48x512xf32, #tpu.memory_space<vmem>>, vector<1x1x16xf32>,
      %get3A_639 = vector.shape_cast %get3A_638 : vector<1x1x16xf32> to vector<16xf32>
      %sub3A_640 = arith.subf %get3A_633, %get3A_639 : vector<16xf32>
      %abs3A_641 = math.absf %sub3A_640 : vector<16xf32>
      %add3A_642 = arith.addf %add3A_582, %abs3A_641 : vector<16xf32>
      %get3A_643 = arith.constant 1 : i32
      %get3A_644 = arith.index_cast %get3A_643 : i32 to index
      %get3A_645 = arith.index_cast %scan3A_311 : i32 to index
      %get3A_646 = arith.constant 352 : index
      %get3A_647 = tpu.vector_load %arg5[%get3A_644, %get3A_645, %get3A_646] {strides = array<i32>} : memref<2x48x512xf32, #tpu.memory_space<vmem>>, vector<1x1x16xf32>,
      %get3A_648 = vector.shape_cast %get3A_647 : vector<1x1x16xf32> to vector<16xf32>
      %get3A_649 = arith.constant 1 : i32
      %get3A_650 = arith.index_cast %get3A_649 : i32 to index
      %get3A_651 = arith.index_cast %scan3A_311 : i32 to index
      %get3A_652 = arith.constant 352 : index
      %get3A_653 = tpu.vector_load %arg6[%get3A_650, %get3A_651, %get3A_652] {strides = array<i32>} : memref<2x48x512xf32, #tpu.memory_space<vmem>>, vector<1x1x16xf32>,
      %get3A_654 = vector.shape_cast %get3A_653 : vector<1x1x16xf32> to vector<16xf32>
      %sub3A_655 = arith.subf %get3A_648, %get3A_654 : vector<16xf32>
      %abs3A_656 = math.absf %sub3A_655 : vector<16xf32>
      %add3A_657 = arith.addf %add3A_597, %abs3A_656 : vector<16xf32>
      %get3A_658 = arith.constant 1 : i32
      %get3A_659 = arith.index_cast %get3A_658 : i32 to index
      %get3A_660 = arith.index_cast %scan3A_311 : i32 to index
      %get3A_661 = arith.constant 368 : index
      %get3A_662 = tpu.vector_load %arg5[%get3A_659, %get3A_660, %get3A_661] {strides = array<i32>} : memref<2x48x512xf32, #tpu.memory_space<vmem>>, vector<1x1x16xf32>,
      %get3A_663 = vector.shape_cast %get3A_662 : vector<1x1x16xf32> to vector<16xf32>
      %get3A_664 = arith.constant 1 : i32
      %get3A_665 = arith.index_cast %get3A_664 : i32 to index
      %get3A_666 = arith.index_cast %scan3A_311 : i32 to index
      %get3A_667 = arith.constant 368 : index
      %get3A_668 = tpu.vector_load %arg6[%get3A_665, %get3A_666, %get3A_667] {strides = array<i32>} : memref<2x48x512xf32, #tpu.memory_space<vmem>>, vector<1x1x16xf32>,
      %get3A_669 = vector.shape_cast %get3A_668 : vector<1x1x16xf32> to vector<16xf32>
      %sub3A_670 = arith.subf %get3A_663, %get3A_669 : vector<16xf32>
      %abs3A_671 = math.absf %sub3A_670 : vector<16xf32>
      %add3A_672 = arith.addf %add3A_612, %abs3A_671 : vector<16xf32>
      %get3A_673 = arith.constant 1 : i32
      %get3A_674 = arith.index_cast %get3A_673 : i32 to index
      %get3A_675 = arith.index_cast %scan3A_311 : i32 to index
      %get3A_676 = arith.constant 384 : index
      %get3A_677 = tpu.vector_load %arg5[%get3A_674, %get3A_675, %get3A_676] {strides = array<i32>} : memref<2x48x512xf32, #tpu.memory_space<vmem>>, vector<1x1x16xf32>,
      %get3A_678 = vector.shape_cast %get3A_677 : vector<1x1x16xf32> to vector<16xf32>
      %get3A_679 = arith.constant 1 : i32
      %get3A_680 = arith.index_cast %get3A_679 : i32 to index
      %get3A_681 = arith.index_cast %scan3A_311 : i32 to index
      %get3A_682 = arith.constant 384 : index
      %get3A_683 = tpu.vector_load %arg6[%get3A_680, %get3A_681, %get3A_682] {strides = array<i32>} : memref<2x48x512xf32, #tpu.memory_space<vmem>>, vector<1x1x16xf32>,
      %get3A_684 = vector.shape_cast %get3A_683 : vector<1x1x16xf32> to vector<16xf32>
      %sub3A_685 = arith.subf %get3A_678, %get3A_684 : vector<16xf32>
      %abs3A_686 = math.absf %sub3A_685 : vector<16xf32>
      %add3A_687 = arith.addf %add3A_627, %abs3A_686 : vector<16xf32>
      %get3A_688 = arith.constant 1 : i32
      %get3A_689 = arith.index_cast %get3A_688 : i32 to index
      %get3A_690 = arith.index_cast %scan3A_311 : i32 to index
      %get3A_691 = arith.constant 400 : index
      %get3A_692 = tpu.vector_load %arg5[%get3A_689, %get3A_690, %get3A_691] {strides = array<i32>} : memref<2x48x512xf32, #tpu.memory_space<vmem>>, vector<1x1x16xf32>,
      %get3A_693 = vector.shape_cast %get3A_692 : vector<1x1x16xf32> to vector<16xf32>
      %get3A_694 = arith.constant 1 : i32
      %get3A_695 = arith.index_cast %get3A_694 : i32 to index
      %get3A_696 = arith.index_cast %scan3A_311 : i32 to index
      %get3A_697 = arith.constant 400 : index
      %get3A_698 = tpu.vector_load %arg6[%get3A_695, %get3A_696, %get3A_697] {strides = array<i32>} : memref<2x48x512xf32, #tpu.memory_space<vmem>>, vector<1x1x16xf32>,
      %get3A_699 = vector.shape_cast %get3A_698 : vector<1x1x16xf32> to vector<16xf32>
      %sub3A_700 = arith.subf %get3A_693, %get3A_699 : vector<16xf32>
      %abs3A_701 = math.absf %sub3A_700 : vector<16xf32>
      %add3A_702 = arith.addf %add3A_642, %abs3A_701 : vector<16xf32>
      %get3A_703 = arith.constant 1 : i32
      %get3A_704 = arith.index_cast %get3A_703 : i32 to index
      %get3A_705 = arith.index_cast %scan3A_311 : i32 to index
      %get3A_706 = arith.constant 416 : index
      %get3A_707 = tpu.vector_load %arg5[%get3A_704, %get3A_705, %get3A_706] {strides = array<i32>} : memref<2x48x512xf32, #tpu.memory_space<vmem>>, vector<1x1x16xf32>,
      %get3A_708 = vector.shape_cast %get3A_707 : vector<1x1x16xf32> to vector<16xf32>
      %get3A_709 = arith.constant 1 : i32
      %get3A_710 = arith.index_cast %get3A_709 : i32 to index
      %get3A_711 = arith.index_cast %scan3A_311 : i32 to index
      %get3A_712 = arith.constant 416 : index
      %get3A_713 = tpu.vector_load %arg6[%get3A_710, %get3A_711, %get3A_712] {strides = array<i32>} : memref<2x48x512xf32, #tpu.memory_space<vmem>>, vector<1x1x16xf32>,
      %get3A_714 = vector.shape_cast %get3A_713 : vector<1x1x16xf32> to vector<16xf32>
      %sub3A_715 = arith.subf %get3A_708, %get3A_714 : vector<16xf32>
      %abs3A_716 = math.absf %sub3A_715 : vector<16xf32>
      %add3A_717 = arith.addf %add3A_657, %abs3A_716 : vector<16xf32>
      %get3A_718 = arith.constant 1 : i32
      %get3A_719 = arith.index_cast %get3A_718 : i32 to index
      %get3A_720 = arith.index_cast %scan3A_311 : i32 to index
      %get3A_721 = arith.constant 432 : index
      %get3A_722 = tpu.vector_load %arg5[%get3A_719, %get3A_720, %get3A_721] {strides = array<i32>} : memref<2x48x512xf32, #tpu.memory_space<vmem>>, vector<1x1x16xf32>,
      %get3A_723 = vector.shape_cast %get3A_722 : vector<1x1x16xf32> to vector<16xf32>
      %get3A_724 = arith.constant 1 : i32
      %get3A_725 = arith.index_cast %get3A_724 : i32 to index
      %get3A_726 = arith.index_cast %scan3A_311 : i32 to index
      %get3A_727 = arith.constant 432 : index
      %get3A_728 = tpu.vector_load %arg6[%get3A_725, %get3A_726, %get3A_727] {strides = array<i32>} : memref<2x48x512xf32, #tpu.memory_space<vmem>>, vector<1x1x16xf32>,
      %get3A_729 = vector.shape_cast %get3A_728 : vector<1x1x16xf32> to vector<16xf32>
      %sub3A_730 = arith.subf %get3A_723, %get3A_729 : vector<16xf32>
      %abs3A_731 = math.absf %sub3A_730 : vector<16xf32>
      %add3A_732 = arith.addf %add3A_672, %abs3A_731 : vector<16xf32>
      %get3A_733 = arith.constant 1 : i32
      %get3A_734 = arith.index_cast %get3A_733 : i32 to index
      %get3A_735 = arith.index_cast %scan3A_311 : i32 to index
      %get3A_736 = arith.constant 448 : index
      %get3A_737 = tpu.vector_load %arg5[%get3A_734, %get3A_735, %get3A_736] {strides = array<i32>} : memref<2x48x512xf32, #tpu.memory_space<vmem>>, vector<1x1x16xf32>,
      %get3A_738 = vector.shape_cast %get3A_737 : vector<1x1x16xf32> to vector<16xf32>
      %get3A_739 = arith.constant 1 : i32
      %get3A_740 = arith.index_cast %get3A_739 : i32 to index
      %get3A_741 = arith.index_cast %scan3A_311 : i32 to index
      %get3A_742 = arith.constant 448 : index
      %get3A_743 = tpu.vector_load %arg6[%get3A_740, %get3A_741, %get3A_742] {strides = array<i32>} : memref<2x48x512xf32, #tpu.memory_space<vmem>>, vector<1x1x16xf32>,
      %get3A_744 = vector.shape_cast %get3A_743 : vector<1x1x16xf32> to vector<16xf32>
      %sub3A_745 = arith.subf %get3A_738, %get3A_744 : vector<16xf32>
      %abs3A_746 = math.absf %sub3A_745 : vector<16xf32>
      %add3A_747 = arith.addf %add3A_687, %abs3A_746 : vector<16xf32>
      %get3A_748 = arith.constant 1 : i32
      %get3A_749 = arith.index_cast %get3A_748 : i32 to index
      %get3A_750 = arith.index_cast %scan3A_311 : i32 to index
      %get3A_751 = arith.constant 464 : index
      %get3A_752 = tpu.vector_load %arg5[%get3A_749, %get3A_750, %get3A_751] {strides = array<i32>} : memref<2x48x512xf32, #tpu.memory_space<vmem>>, vector<1x1x16xf32>,
      %get3A_753 = vector.shape_cast %get3A_752 : vector<1x1x16xf32> to vector<16xf32>
      %get3A_754 = arith.constant 1 : i32
      %get3A_755 = arith.index_cast %get3A_754 : i32 to index
      %get3A_756 = arith.index_cast %scan3A_311 : i32 to index
      %get3A_757 = arith.constant 464 : index
      %get3A_758 = tpu.vector_load %arg6[%get3A_755, %get3A_756, %get3A_757] {strides = array<i32>} : memref<2x48x512xf32, #tpu.memory_space<vmem>>, vector<1x1x16xf32>,
      %get3A_759 = vector.shape_cast %get3A_758 : vector<1x1x16xf32> to vector<16xf32>
      %sub3A_760 = arith.subf %get3A_753, %get3A_759 : vector<16xf32>
      %abs3A_761 = math.absf %sub3A_760 : vector<16xf32>
      %add3A_762 = arith.addf %add3A_702, %abs3A_761 : vector<16xf32>
      %get3A_763 = arith.constant 1 : i32
      %get3A_764 = arith.index_cast %get3A_763 : i32 to index
      %get3A_765 = arith.index_cast %scan3A_311 : i32 to index
      %get3A_766 = arith.constant 480 : index
      %get3A_767 = tpu.vector_load %arg5[%get3A_764, %get3A_765, %get3A_766] {strides = array<i32>} : memref<2x48x512xf32, #tpu.memory_space<vmem>>, vector<1x1x16xf32>,
      %get3A_768 = vector.shape_cast %get3A_767 : vector<1x1x16xf32> to vector<16xf32>
      %get3A_769 = arith.constant 1 : i32
      %get3A_770 = arith.index_cast %get3A_769 : i32 to index
      %get3A_771 = arith.index_cast %scan3A_311 : i32 to index
      %get3A_772 = arith.constant 480 : index
      %get3A_773 = tpu.vector_load %arg6[%get3A_770, %get3A_771, %get3A_772] {strides = array<i32>} : memref<2x48x512xf32, #tpu.memory_space<vmem>>, vector<1x1x16xf32>,
      %get3A_774 = vector.shape_cast %get3A_773 : vector<1x1x16xf32> to vector<16xf32>
      %sub3A_775 = arith.subf %get3A_768, %get3A_774 : vector<16xf32>
      %abs3A_776 = math.absf %sub3A_775 : vector<16xf32>
      %add3A_777 = arith.addf %add3A_717, %abs3A_776 : vector<16xf32>
      %get3A_778 = arith.constant 1 : i32
      %get3A_779 = arith.index_cast %get3A_778 : i32 to index
      %get3A_780 = arith.index_cast %scan3A_311 : i32 to index
      %get3A_781 = arith.constant 496 : index
      %get3A_782 = tpu.vector_load %arg5[%get3A_779, %get3A_780, %get3A_781] {strides = array<i32>} : memref<2x48x512xf32, #tpu.memory_space<vmem>>, vector<1x1x16xf32>,
      %get3A_783 = vector.shape_cast %get3A_782 : vector<1x1x16xf32> to vector<16xf32>
      %get3A_784 = arith.constant 1 : i32
      %get3A_785 = arith.index_cast %get3A_784 : i32 to index
      %get3A_786 = arith.index_cast %scan3A_311 : i32 to index
      %get3A_787 = arith.constant 496 : index
      %get3A_788 = tpu.vector_load %arg6[%get3A_785, %get3A_786, %get3A_787] {strides = array<i32>} : memref<2x48x512xf32, #tpu.memory_space<vmem>>, vector<1x1x16xf32>,
      %get3A_789 = vector.shape_cast %get3A_788 : vector<1x1x16xf32> to vector<16xf32>
      %sub3A_790 = arith.subf %get3A_783, %get3A_789 : vector<16xf32>
      %abs3A_791 = math.absf %sub3A_790 : vector<16xf32>
      %add3A_792 = arith.addf %add3A_732, %abs3A_791 : vector<16xf32>
      scf.yield %add3A_747, %add3A_762, %add3A_777, %add3A_792 : vector<16xf32>, vector<16xf32>, vector<16xf32>, vector<16xf32>
    }
    %scan3A_190 = arith.constant 48 : i32
    %add3A_191 = arith.constant 144 : i32
    %add3A_192 = arith.addi %add3A_4, %add3A_191 : i32
    %dma_start3A_193 = arith.constant 1 : i32
    %dma_start3A_194 = arith.constant 1 : i32
    %dma_start3A_195 = arith.constant 0 : i32
    %dma_start3A_196 = arith.constant 0 : i32
    %dma_start3A_197 = tpu.memref_slice %arg5[%dma_start3A_193, %dma_start3A_195, %dma_start3A_196] : memref<2x48x512xf32, #tpu.memory_space<vmem>> -> memref<1x48x512xf32, #tpu.memory_space<vmem>>
    %dma_start3A_198 = tpu.memref_squeeze %dma_start3A_197 : memref<1x48x512xf32, #tpu.memory_space<vmem>> -> memref<48x512xf32, #tpu.memory_space<vmem>>
    %dma_start3A_199 = arith.constant 0 : i32
    %dma_start3A_200 = tpu.memref_slice %arg2[%add3A_192, %dma_start3A_199] : memref<24576x512xf32, #tpu.memory_space<hbm>> -> memref<48x512xf32, #tpu.memory_space<hbm>>
    %dma_start3A_201 = tpu.memref_slice %arg8[%dma_start3A_194] : memref<2x!tpu.dma_semaphore, #tpu.memory_space<semaphore_mem>> -> memref<1x!tpu.dma_semaphore, #tpu.memory_space<semaphore_mem>>
    %dma_start3A_202 = tpu.memref_squeeze %dma_start3A_201 : memref<1x!tpu.dma_semaphore, #tpu.memory_space<semaphore_mem>> -> memref<!tpu.dma_semaphore, #tpu.memory_space<semaphore_mem>>
    %dma_start3A_203 = arith.constant 0 : i32
    %dma_start3A_204 = arith.constant 0 : i32
    %dma_start3A_205 = tpu.memref_slice %arg5[%dma_start3A_193, %dma_start3A_203, %dma_start3A_204] : memref<2x48x512xf32, #tpu.memory_space<vmem>> -> memref<1x48x512xf32, #tpu.memory_space<vmem>>
    %dma_start3A_206 = tpu.memref_squeeze %dma_start3A_205 : memref<1x48x512xf32, #tpu.memory_space<vmem>> -> memref<48x512xf32, #tpu.memory_space<vmem>>
    %dma_start3A_207 = arith.constant 0 : i32
    %dma_start3A_208 = tpu.memref_slice %arg2[%add3A_192, %dma_start3A_207] : memref<24576x512xf32, #tpu.memory_space<hbm>> -> memref<48x512xf32, #tpu.memory_space<hbm>>
    tpu.enqueue_dma source(%dma_start3A_208 : memref<48x512xf32, #tpu.memory_space<hbm>>) target(%dma_start3A_206 : memref<48x512xf32, #tpu.memory_space<vmem>>) target_semaphore(%dma_start3A_202 : memref<!tpu.dma_semaphore, #tpu.memory_space<semaphore_mem>>)
    %dma_start3A_209 = arith.constant 1 : i32
    %dma_start3A_210 = arith.constant 1 : i32
    %dma_start3A_211 = arith.constant 0 : i32
    %dma_start3A_212 = arith.constant 0 : i32
    %dma_start3A_213 = tpu.memref_slice %arg6[%dma_start3A_209, %dma_start3A_211, %dma_start3A_212] : memref<2x48x512xf32, #tpu.memory_space<vmem>> -> memref<1x48x512xf32, #tpu.memory_space<vmem>>
    %dma_start3A_214 = tpu.memref_squeeze %dma_start3A_213 : memref<1x48x512xf32, #tpu.memory_space<vmem>> -> memref<48x512xf32, #tpu.memory_space<vmem>>
    %dma_start3A_215 = arith.constant 0 : i32
    %dma_start3A_216 = tpu.memref_slice %arg3[%add3A_192, %dma_start3A_215] : memref<24576x512xf32, #tpu.memory_space<hbm>> -> memref<48x512xf32, #tpu.memory_space<hbm>>
    %dma_start3A_217 = tpu.memref_slice %arg9[%dma_start3A_210] : memref<2x!tpu.dma_semaphore, #tpu.memory_space<semaphore_mem>> -> memref<1x!tpu.dma_semaphore, #tpu.memory_space<semaphore_mem>>
    %dma_start3A_218 = tpu.memref_squeeze %dma_start3A_217 : memref<1x!tpu.dma_semaphore, #tpu.memory_space<semaphore_mem>> -> memref<!tpu.dma_semaphore, #tpu.memory_space<semaphore_mem>>
    %dma_start3A_219 = arith.constant 0 : i32
    %dma_start3A_220 = arith.constant 0 : i32
    %dma_start3A_221 = tpu.memref_slice %arg6[%dma_start3A_209, %dma_start3A_219, %dma_start3A_220] : memref<2x48x512xf32, #tpu.memory_space<vmem>> -> memref<1x48x512xf32, #tpu.memory_space<vmem>>
    %dma_start3A_222 = tpu.memref_squeeze %dma_start3A_221 : memref<1x48x512xf32, #tpu.memory_space<vmem>> -> memref<48x512xf32, #tpu.memory_space<vmem>>
    %dma_start3A_223 = arith.constant 0 : i32
    %dma_start3A_224 = tpu.memref_slice %arg3[%add3A_192, %dma_start3A_223] : memref<24576x512xf32, #tpu.memory_space<hbm>> -> memref<48x512xf32, #tpu.memory_space<hbm>>
    tpu.enqueue_dma source(%dma_start3A_224 : memref<48x512xf32, #tpu.memory_space<hbm>>) target(%dma_start3A_222 : memref<48x512xf32, #tpu.memory_space<vmem>>) target_semaphore(%dma_start3A_218 : memref<!tpu.dma_semaphore, #tpu.memory_space<semaphore_mem>>)
    %add3A_225 = arith.constant 96 : i32
    %add3A_226 = arith.addi %add3A_4, %add3A_225 : i32
    %dma_wait3A_227 = arith.constant 0 : i32
    %dma_wait3A_228 = arith.constant 0 : i32
    %dma_wait3A_229 = arith.constant 0 : i32
    %dma_wait3A_230 = arith.constant 0 : i32
    %dma_wait3A_231 = tpu.memref_slice %arg5[%dma_wait3A_227, %dma_wait3A_229, %dma_wait3A_230] : memref<2x48x512xf32, #tpu.memory_space<vmem>> -> memref<1x48x512xf32, #tpu.memory_space<vmem>>
    %dma_wait3A_232 = tpu.memref_squeeze %dma_wait3A_231 : memref<1x48x512xf32, #tpu.memory_space<vmem>> -> memref<48x512xf32, #tpu.memory_space<vmem>>
    %dma_wait3A_233 = arith.constant 0 : i32
    %dma_wait3A_234 = tpu.memref_slice %arg2[%add3A_226, %dma_wait3A_233] : memref<24576x512xf32, #tpu.memory_space<hbm>> -> memref<48x512xf32, #tpu.memory_space<hbm>>
    %dma_wait3A_235 = tpu.memref_slice %arg8[%dma_wait3A_228] : memref<2x!tpu.dma_semaphore, #tpu.memory_space<semaphore_mem>> -> memref<1x!tpu.dma_semaphore, #tpu.memory_space<semaphore_mem>>
    %dma_wait3A_236 = tpu.memref_squeeze %dma_wait3A_235 : memref<1x!tpu.dma_semaphore, #tpu.memory_space<semaphore_mem>> -> memref<!tpu.dma_semaphore, #tpu.memory_space<semaphore_mem>>
    %dma_wait3A_237 = arith.constant 0 : i32
    %dma_wait3A_238 = arith.constant 0 : i32
    %dma_wait3A_239 = tpu.memref_slice %arg5[%dma_wait3A_227, %dma_wait3A_237, %dma_wait3A_238] : memref<2x48x512xf32, #tpu.memory_space<vmem>> -> memref<1x48x512xf32, #tpu.memory_space<vmem>>
    %dma_wait3A_240 = tpu.memref_squeeze %dma_wait3A_239 : memref<1x48x512xf32, #tpu.memory_space<vmem>> -> memref<48x512xf32, #tpu.memory_space<vmem>>
    %dma_wait3A_241 = arith.constant 0 : i32
    %dma_wait3A_242 = tpu.memref_slice %arg2[%add3A_226, %dma_wait3A_241] : memref<24576x512xf32, #tpu.memory_space<hbm>> -> memref<48x512xf32, #tpu.memory_space<hbm>>
    tpu.wait_dma2 semaphore(%dma_wait3A_236 : memref<!tpu.dma_semaphore, #tpu.memory_space<semaphore_mem>>) src(%dma_wait3A_242 : memref<48x512xf32, #tpu.memory_space<hbm>>) dst(%dma_wait3A_240 : memref<48x512xf32, #tpu.memory_space<vmem>>)
    %dma_wait3A_243 = arith.constant 0 : i32
    %dma_wait3A_244 = arith.constant 0 : i32
    %dma_wait3A_245 = arith.constant 0 : i32
    %dma_wait3A_246 = arith.constant 0 : i32
    %dma_wait3A_247 = tpu.memref_slice %arg6[%dma_wait3A_243, %dma_wait3A_245, %dma_wait3A_246] : memref<2x48x512xf32, #tpu.memory_space<vmem>> -> memref<1x48x512xf32, #tpu.memory_space<vmem>>
    %dma_wait3A_248 = tpu.memref_squeeze %dma_wait3A_247 : memref<1x48x512xf32, #tpu.memory_space<vmem>> -> memref<48x512xf32, #tpu.memory_space<vmem>>
    %dma_wait3A_249 = arith.constant 0 : i32
    %dma_wait3A_250 = tpu.memref_slice %arg3[%add3A_226, %dma_wait3A_249] : memref<24576x512xf32, #tpu.memory_space<hbm>> -> memref<48x512xf32, #tpu.memory_space<hbm>>
    %dma_wait3A_251 = tpu.memref_slice %arg9[%dma_wait3A_244] : memref<2x!tpu.dma_semaphore, #tpu.memory_space<semaphore_mem>> -> memref<1x!tpu.dma_semaphore, #tpu.memory_space<semaphore_mem>>
    %dma_wait3A_252 = tpu.memref_squeeze %dma_wait3A_251 : memref<1x!tpu.dma_semaphore, #tpu.memory_space<semaphore_mem>> -> memref<!tpu.dma_semaphore, #tpu.memory_space<semaphore_mem>>
    %dma_wait3A_253 = arith.constant 0 : i32
    %dma_wait3A_254 = arith.constant 0 : i32
    %dma_wait3A_255 = tpu.memref_slice %arg6[%dma_wait3A_243, %dma_wait3A_253, %dma_wait3A_254] : memref<2x48x512xf32, #tpu.memory_space<vmem>> -> memref<1x48x512xf32, #tpu.memory_space<vmem>>
    %dma_wait3A_256 = tpu.memref_squeeze %dma_wait3A_255 : memref<1x48x512xf32, #tpu.memory_space<vmem>> -> memref<48x512xf32, #tpu.memory_space<vmem>>
    %dma_wait3A_257 = arith.constant 0 : i32
    %dma_wait3A_258 = tpu.memref_slice %arg3[%add3A_226, %dma_wait3A_257] : memref<24576x512xf32, #tpu.memory_space<hbm>> -> memref<48x512xf32, #tpu.memory_space<hbm>>
    tpu.wait_dma2 semaphore(%dma_wait3A_252 : memref<!tpu.dma_semaphore, #tpu.memory_space<semaphore_mem>>) src(%dma_wait3A_258 : memref<48x512xf32, #tpu.memory_space<hbm>>) dst(%dma_wait3A_256 : memref<48x512xf32, #tpu.memory_space<vmem>>)
    %scan3A_259 = arith.constant 0 : i32
    %scan3A_260 = arith.constant 48 : i32
    %scan3A_261 = arith.addi %scan3A_259, %scan3A_260 : i32
    %scan3A_262 = arith.constant 1 : i32
    %scan3A_263:4 = scf.for %scan3A_311 = %scan3A_259 to %scan3A_261 step %scan3A_262 iter_args(%scan3A_312 = %scan3A_189#0, %scan3A_313 = %scan3A_189#1, %scan3A_314 = %scan3A_189#2, %scan3A_315 = %scan3A_189#3) -> (vector<16xf32>, vector<16xf32>, vector<16xf32>, vector<16xf32>)  : i32 {
      %get3A = arith.constant 0 : i32
      %get3A_316 = arith.index_cast %get3A : i32 to index
      %get3A_317 = arith.index_cast %scan3A_311 : i32 to index
      %get3A_318 = arith.constant 0 : index
      %get3A_319 = tpu.vector_load %arg5[%get3A_316, %get3A_317, %get3A_318] {strides = array<i32>} : memref<2x48x512xf32, #tpu.memory_space<vmem>>, vector<1x1x16xf32>,
      %get3A_320 = vector.shape_cast %get3A_319 : vector<1x1x16xf32> to vector<16xf32>
      %get3A_321 = arith.constant 0 : i32
      %get3A_322 = arith.index_cast %get3A_321 : i32 to index
      %get3A_323 = arith.index_cast %scan3A_311 : i32 to index
      %get3A_324 = arith.constant 0 : index
      %get3A_325 = tpu.vector_load %arg6[%get3A_322, %get3A_323, %get3A_324] {strides = array<i32>} : memref<2x48x512xf32, #tpu.memory_space<vmem>>, vector<1x1x16xf32>,
      %get3A_326 = vector.shape_cast %get3A_325 : vector<1x1x16xf32> to vector<16xf32>
      %sub3A = arith.subf %get3A_320, %get3A_326 : vector<16xf32>
      %abs3A = math.absf %sub3A : vector<16xf32>
      %add3A_327 = arith.addf %scan3A_312, %abs3A : vector<16xf32>
      %get3A_328 = arith.constant 0 : i32
      %get3A_329 = arith.index_cast %get3A_328 : i32 to index
      %get3A_330 = arith.index_cast %scan3A_311 : i32 to index
      %get3A_331 = arith.constant 16 : index
      %get3A_332 = tpu.vector_load %arg5[%get3A_329, %get3A_330, %get3A_331] {strides = array<i32>} : memref<2x48x512xf32, #tpu.memory_space<vmem>>, vector<1x1x16xf32>,
      %get3A_333 = vector.shape_cast %get3A_332 : vector<1x1x16xf32> to vector<16xf32>
      %get3A_334 = arith.constant 0 : i32
      %get3A_335 = arith.index_cast %get3A_334 : i32 to index
      %get3A_336 = arith.index_cast %scan3A_311 : i32 to index
      %get3A_337 = arith.constant 16 : index
      %get3A_338 = tpu.vector_load %arg6[%get3A_335, %get3A_336, %get3A_337] {strides = array<i32>} : memref<2x48x512xf32, #tpu.memory_space<vmem>>, vector<1x1x16xf32>,
      %get3A_339 = vector.shape_cast %get3A_338 : vector<1x1x16xf32> to vector<16xf32>
      %sub3A_340 = arith.subf %get3A_333, %get3A_339 : vector<16xf32>
      %abs3A_341 = math.absf %sub3A_340 : vector<16xf32>
      %add3A_342 = arith.addf %scan3A_313, %abs3A_341 : vector<16xf32>
      %get3A_343 = arith.constant 0 : i32
      %get3A_344 = arith.index_cast %get3A_343 : i32 to index
      %get3A_345 = arith.index_cast %scan3A_311 : i32 to index
      %get3A_346 = arith.constant 32 : index
      %get3A_347 = tpu.vector_load %arg5[%get3A_344, %get3A_345, %get3A_346] {strides = array<i32>} : memref<2x48x512xf32, #tpu.memory_space<vmem>>, vector<1x1x16xf32>,
      %get3A_348 = vector.shape_cast %get3A_347 : vector<1x1x16xf32> to vector<16xf32>
      %get3A_349 = arith.constant 0 : i32
      %get3A_350 = arith.index_cast %get3A_349 : i32 to index
      %get3A_351 = arith.index_cast %scan3A_311 : i32 to index
      %get3A_352 = arith.constant 32 : index
      %get3A_353 = tpu.vector_load %arg6[%get3A_350, %get3A_351, %get3A_352] {strides = array<i32>} : memref<2x48x512xf32, #tpu.memory_space<vmem>>, vector<1x1x16xf32>,
      %get3A_354 = vector.shape_cast %get3A_353 : vector<1x1x16xf32> to vector<16xf32>
      %sub3A_355 = arith.subf %get3A_348, %get3A_354 : vector<16xf32>
      %abs3A_356 = math.absf %sub3A_355 : vector<16xf32>
      %add3A_357 = arith.addf %scan3A_314, %abs3A_356 : vector<16xf32>
      %get3A_358 = arith.constant 0 : i32
      %get3A_359 = arith.index_cast %get3A_358 : i32 to index
      %get3A_360 = arith.index_cast %scan3A_311 : i32 to index
      %get3A_361 = arith.constant 48 : index
      %get3A_362 = tpu.vector_load %arg5[%get3A_359, %get3A_360, %get3A_361] {strides = array<i32>} : memref<2x48x512xf32, #tpu.memory_space<vmem>>, vector<1x1x16xf32>,
      %get3A_363 = vector.shape_cast %get3A_362 : vector<1x1x16xf32> to vector<16xf32>
      %get3A_364 = arith.constant 0 : i32
      %get3A_365 = arith.index_cast %get3A_364 : i32 to index
      %get3A_366 = arith.index_cast %scan3A_311 : i32 to index
      %get3A_367 = arith.constant 48 : index
      %get3A_368 = tpu.vector_load %arg6[%get3A_365, %get3A_366, %get3A_367] {strides = array<i32>} : memref<2x48x512xf32, #tpu.memory_space<vmem>>, vector<1x1x16xf32>,
      %get3A_369 = vector.shape_cast %get3A_368 : vector<1x1x16xf32> to vector<16xf32>
      %sub3A_370 = arith.subf %get3A_363, %get3A_369 : vector<16xf32>
      %abs3A_371 = math.absf %sub3A_370 : vector<16xf32>
      %add3A_372 = arith.addf %scan3A_315, %abs3A_371 : vector<16xf32>
      %get3A_373 = arith.constant 0 : i32
      %get3A_374 = arith.index_cast %get3A_373 : i32 to index
      %get3A_375 = arith.index_cast %scan3A_311 : i32 to index
      %get3A_376 = arith.constant 64 : index
      %get3A_377 = tpu.vector_load %arg5[%get3A_374, %get3A_375, %get3A_376] {strides = array<i32>} : memref<2x48x512xf32, #tpu.memory_space<vmem>>, vector<1x1x16xf32>,
      %get3A_378 = vector.shape_cast %get3A_377 : vector<1x1x16xf32> to vector<16xf32>
      %get3A_379 = arith.constant 0 : i32
      %get3A_380 = arith.index_cast %get3A_379 : i32 to index
      %get3A_381 = arith.index_cast %scan3A_311 : i32 to index
      %get3A_382 = arith.constant 64 : index
      %get3A_383 = tpu.vector_load %arg6[%get3A_380, %get3A_381, %get3A_382] {strides = array<i32>} : memref<2x48x512xf32, #tpu.memory_space<vmem>>, vector<1x1x16xf32>,
      %get3A_384 = vector.shape_cast %get3A_383 : vector<1x1x16xf32> to vector<16xf32>
      %sub3A_385 = arith.subf %get3A_378, %get3A_384 : vector<16xf32>
      %abs3A_386 = math.absf %sub3A_385 : vector<16xf32>
      %add3A_387 = arith.addf %add3A_327, %abs3A_386 : vector<16xf32>
      %get3A_388 = arith.constant 0 : i32
      %get3A_389 = arith.index_cast %get3A_388 : i32 to index
      %get3A_390 = arith.index_cast %scan3A_311 : i32 to index
      %get3A_391 = arith.constant 80 : index
      %get3A_392 = tpu.vector_load %arg5[%get3A_389, %get3A_390, %get3A_391] {strides = array<i32>} : memref<2x48x512xf32, #tpu.memory_space<vmem>>, vector<1x1x16xf32>,
      %get3A_393 = vector.shape_cast %get3A_392 : vector<1x1x16xf32> to vector<16xf32>
      %get3A_394 = arith.constant 0 : i32
      %get3A_395 = arith.index_cast %get3A_394 : i32 to index
      %get3A_396 = arith.index_cast %scan3A_311 : i32 to index
      %get3A_397 = arith.constant 80 : index
      %get3A_398 = tpu.vector_load %arg6[%get3A_395, %get3A_396, %get3A_397] {strides = array<i32>} : memref<2x48x512xf32, #tpu.memory_space<vmem>>, vector<1x1x16xf32>,
      %get3A_399 = vector.shape_cast %get3A_398 : vector<1x1x16xf32> to vector<16xf32>
      %sub3A_400 = arith.subf %get3A_393, %get3A_399 : vector<16xf32>
      %abs3A_401 = math.absf %sub3A_400 : vector<16xf32>
      %add3A_402 = arith.addf %add3A_342, %abs3A_401 : vector<16xf32>
      %get3A_403 = arith.constant 0 : i32
      %get3A_404 = arith.index_cast %get3A_403 : i32 to index
      %get3A_405 = arith.index_cast %scan3A_311 : i32 to index
      %get3A_406 = arith.constant 96 : index
      %get3A_407 = tpu.vector_load %arg5[%get3A_404, %get3A_405, %get3A_406] {strides = array<i32>} : memref<2x48x512xf32, #tpu.memory_space<vmem>>, vector<1x1x16xf32>,
      %get3A_408 = vector.shape_cast %get3A_407 : vector<1x1x16xf32> to vector<16xf32>
      %get3A_409 = arith.constant 0 : i32
      %get3A_410 = arith.index_cast %get3A_409 : i32 to index
      %get3A_411 = arith.index_cast %scan3A_311 : i32 to index
      %get3A_412 = arith.constant 96 : index
      %get3A_413 = tpu.vector_load %arg6[%get3A_410, %get3A_411, %get3A_412] {strides = array<i32>} : memref<2x48x512xf32, #tpu.memory_space<vmem>>, vector<1x1x16xf32>,
      %get3A_414 = vector.shape_cast %get3A_413 : vector<1x1x16xf32> to vector<16xf32>
      %sub3A_415 = arith.subf %get3A_408, %get3A_414 : vector<16xf32>
      %abs3A_416 = math.absf %sub3A_415 : vector<16xf32>
      %add3A_417 = arith.addf %add3A_357, %abs3A_416 : vector<16xf32>
      %get3A_418 = arith.constant 0 : i32
      %get3A_419 = arith.index_cast %get3A_418 : i32 to index
      %get3A_420 = arith.index_cast %scan3A_311 : i32 to index
      %get3A_421 = arith.constant 112 : index
      %get3A_422 = tpu.vector_load %arg5[%get3A_419, %get3A_420, %get3A_421] {strides = array<i32>} : memref<2x48x512xf32, #tpu.memory_space<vmem>>, vector<1x1x16xf32>,
      %get3A_423 = vector.shape_cast %get3A_422 : vector<1x1x16xf32> to vector<16xf32>
      %get3A_424 = arith.constant 0 : i32
      %get3A_425 = arith.index_cast %get3A_424 : i32 to index
      %get3A_426 = arith.index_cast %scan3A_311 : i32 to index
      %get3A_427 = arith.constant 112 : index
      %get3A_428 = tpu.vector_load %arg6[%get3A_425, %get3A_426, %get3A_427] {strides = array<i32>} : memref<2x48x512xf32, #tpu.memory_space<vmem>>, vector<1x1x16xf32>,
      %get3A_429 = vector.shape_cast %get3A_428 : vector<1x1x16xf32> to vector<16xf32>
      %sub3A_430 = arith.subf %get3A_423, %get3A_429 : vector<16xf32>
      %abs3A_431 = math.absf %sub3A_430 : vector<16xf32>
      %add3A_432 = arith.addf %add3A_372, %abs3A_431 : vector<16xf32>
      %get3A_433 = arith.constant 0 : i32
      %get3A_434 = arith.index_cast %get3A_433 : i32 to index
      %get3A_435 = arith.index_cast %scan3A_311 : i32 to index
      %get3A_436 = arith.constant 128 : index
      %get3A_437 = tpu.vector_load %arg5[%get3A_434, %get3A_435, %get3A_436] {strides = array<i32>} : memref<2x48x512xf32, #tpu.memory_space<vmem>>, vector<1x1x16xf32>,
      %get3A_438 = vector.shape_cast %get3A_437 : vector<1x1x16xf32> to vector<16xf32>
      %get3A_439 = arith.constant 0 : i32
      %get3A_440 = arith.index_cast %get3A_439 : i32 to index
      %get3A_441 = arith.index_cast %scan3A_311 : i32 to index
      %get3A_442 = arith.constant 128 : index
      %get3A_443 = tpu.vector_load %arg6[%get3A_440, %get3A_441, %get3A_442] {strides = array<i32>} : memref<2x48x512xf32, #tpu.memory_space<vmem>>, vector<1x1x16xf32>,
      %get3A_444 = vector.shape_cast %get3A_443 : vector<1x1x16xf32> to vector<16xf32>
      %sub3A_445 = arith.subf %get3A_438, %get3A_444 : vector<16xf32>
      %abs3A_446 = math.absf %sub3A_445 : vector<16xf32>
      %add3A_447 = arith.addf %add3A_387, %abs3A_446 : vector<16xf32>
      %get3A_448 = arith.constant 0 : i32
      %get3A_449 = arith.index_cast %get3A_448 : i32 to index
      %get3A_450 = arith.index_cast %scan3A_311 : i32 to index
      %get3A_451 = arith.constant 144 : index
      %get3A_452 = tpu.vector_load %arg5[%get3A_449, %get3A_450, %get3A_451] {strides = array<i32>} : memref<2x48x512xf32, #tpu.memory_space<vmem>>, vector<1x1x16xf32>,
      %get3A_453 = vector.shape_cast %get3A_452 : vector<1x1x16xf32> to vector<16xf32>
      %get3A_454 = arith.constant 0 : i32
      %get3A_455 = arith.index_cast %get3A_454 : i32 to index
      %get3A_456 = arith.index_cast %scan3A_311 : i32 to index
      %get3A_457 = arith.constant 144 : index
      %get3A_458 = tpu.vector_load %arg6[%get3A_455, %get3A_456, %get3A_457] {strides = array<i32>} : memref<2x48x512xf32, #tpu.memory_space<vmem>>, vector<1x1x16xf32>,
      %get3A_459 = vector.shape_cast %get3A_458 : vector<1x1x16xf32> to vector<16xf32>
      %sub3A_460 = arith.subf %get3A_453, %get3A_459 : vector<16xf32>
      %abs3A_461 = math.absf %sub3A_460 : vector<16xf32>
      %add3A_462 = arith.addf %add3A_402, %abs3A_461 : vector<16xf32>
      %get3A_463 = arith.constant 0 : i32
      %get3A_464 = arith.index_cast %get3A_463 : i32 to index
      %get3A_465 = arith.index_cast %scan3A_311 : i32 to index
      %get3A_466 = arith.constant 160 : index
      %get3A_467 = tpu.vector_load %arg5[%get3A_464, %get3A_465, %get3A_466] {strides = array<i32>} : memref<2x48x512xf32, #tpu.memory_space<vmem>>, vector<1x1x16xf32>,
      %get3A_468 = vector.shape_cast %get3A_467 : vector<1x1x16xf32> to vector<16xf32>
      %get3A_469 = arith.constant 0 : i32
      %get3A_470 = arith.index_cast %get3A_469 : i32 to index
      %get3A_471 = arith.index_cast %scan3A_311 : i32 to index
      %get3A_472 = arith.constant 160 : index
      %get3A_473 = tpu.vector_load %arg6[%get3A_470, %get3A_471, %get3A_472] {strides = array<i32>} : memref<2x48x512xf32, #tpu.memory_space<vmem>>, vector<1x1x16xf32>,
      %get3A_474 = vector.shape_cast %get3A_473 : vector<1x1x16xf32> to vector<16xf32>
      %sub3A_475 = arith.subf %get3A_468, %get3A_474 : vector<16xf32>
      %abs3A_476 = math.absf %sub3A_475 : vector<16xf32>
      %add3A_477 = arith.addf %add3A_417, %abs3A_476 : vector<16xf32>
      %get3A_478 = arith.constant 0 : i32
      %get3A_479 = arith.index_cast %get3A_478 : i32 to index
      %get3A_480 = arith.index_cast %scan3A_311 : i32 to index
      %get3A_481 = arith.constant 176 : index
      %get3A_482 = tpu.vector_load %arg5[%get3A_479, %get3A_480, %get3A_481] {strides = array<i32>} : memref<2x48x512xf32, #tpu.memory_space<vmem>>, vector<1x1x16xf32>,
      %get3A_483 = vector.shape_cast %get3A_482 : vector<1x1x16xf32> to vector<16xf32>
      %get3A_484 = arith.constant 0 : i32
      %get3A_485 = arith.index_cast %get3A_484 : i32 to index
      %get3A_486 = arith.index_cast %scan3A_311 : i32 to index
      %get3A_487 = arith.constant 176 : index
      %get3A_488 = tpu.vector_load %arg6[%get3A_485, %get3A_486, %get3A_487] {strides = array<i32>} : memref<2x48x512xf32, #tpu.memory_space<vmem>>, vector<1x1x16xf32>,
      %get3A_489 = vector.shape_cast %get3A_488 : vector<1x1x16xf32> to vector<16xf32>
      %sub3A_490 = arith.subf %get3A_483, %get3A_489 : vector<16xf32>
      %abs3A_491 = math.absf %sub3A_490 : vector<16xf32>
      %add3A_492 = arith.addf %add3A_432, %abs3A_491 : vector<16xf32>
      %get3A_493 = arith.constant 0 : i32
      %get3A_494 = arith.index_cast %get3A_493 : i32 to index
      %get3A_495 = arith.index_cast %scan3A_311 : i32 to index
      %get3A_496 = arith.constant 192 : index
      %get3A_497 = tpu.vector_load %arg5[%get3A_494, %get3A_495, %get3A_496] {strides = array<i32>} : memref<2x48x512xf32, #tpu.memory_space<vmem>>, vector<1x1x16xf32>,
      %get3A_498 = vector.shape_cast %get3A_497 : vector<1x1x16xf32> to vector<16xf32>
      %get3A_499 = arith.constant 0 : i32
      %get3A_500 = arith.index_cast %get3A_499 : i32 to index
      %get3A_501 = arith.index_cast %scan3A_311 : i32 to index
      %get3A_502 = arith.constant 192 : index
      %get3A_503 = tpu.vector_load %arg6[%get3A_500, %get3A_501, %get3A_502] {strides = array<i32>} : memref<2x48x512xf32, #tpu.memory_space<vmem>>, vector<1x1x16xf32>,
      %get3A_504 = vector.shape_cast %get3A_503 : vector<1x1x16xf32> to vector<16xf32>
      %sub3A_505 = arith.subf %get3A_498, %get3A_504 : vector<16xf32>
      %abs3A_506 = math.absf %sub3A_505 : vector<16xf32>
      %add3A_507 = arith.addf %add3A_447, %abs3A_506 : vector<16xf32>
      %get3A_508 = arith.constant 0 : i32
      %get3A_509 = arith.index_cast %get3A_508 : i32 to index
      %get3A_510 = arith.index_cast %scan3A_311 : i32 to index
      %get3A_511 = arith.constant 208 : index
      %get3A_512 = tpu.vector_load %arg5[%get3A_509, %get3A_510, %get3A_511] {strides = array<i32>} : memref<2x48x512xf32, #tpu.memory_space<vmem>>, vector<1x1x16xf32>,
      %get3A_513 = vector.shape_cast %get3A_512 : vector<1x1x16xf32> to vector<16xf32>
      %get3A_514 = arith.constant 0 : i32
      %get3A_515 = arith.index_cast %get3A_514 : i32 to index
      %get3A_516 = arith.index_cast %scan3A_311 : i32 to index
      %get3A_517 = arith.constant 208 : index
      %get3A_518 = tpu.vector_load %arg6[%get3A_515, %get3A_516, %get3A_517] {strides = array<i32>} : memref<2x48x512xf32, #tpu.memory_space<vmem>>, vector<1x1x16xf32>,
      %get3A_519 = vector.shape_cast %get3A_518 : vector<1x1x16xf32> to vector<16xf32>
      %sub3A_520 = arith.subf %get3A_513, %get3A_519 : vector<16xf32>
      %abs3A_521 = math.absf %sub3A_520 : vector<16xf32>
      %add3A_522 = arith.addf %add3A_462, %abs3A_521 : vector<16xf32>
      %get3A_523 = arith.constant 0 : i32
      %get3A_524 = arith.index_cast %get3A_523 : i32 to index
      %get3A_525 = arith.index_cast %scan3A_311 : i32 to index
      %get3A_526 = arith.constant 224 : index
      %get3A_527 = tpu.vector_load %arg5[%get3A_524, %get3A_525, %get3A_526] {strides = array<i32>} : memref<2x48x512xf32, #tpu.memory_space<vmem>>, vector<1x1x16xf32>,
      %get3A_528 = vector.shape_cast %get3A_527 : vector<1x1x16xf32> to vector<16xf32>
      %get3A_529 = arith.constant 0 : i32
      %get3A_530 = arith.index_cast %get3A_529 : i32 to index
      %get3A_531 = arith.index_cast %scan3A_311 : i32 to index
      %get3A_532 = arith.constant 224 : index
      %get3A_533 = tpu.vector_load %arg6[%get3A_530, %get3A_531, %get3A_532] {strides = array<i32>} : memref<2x48x512xf32, #tpu.memory_space<vmem>>, vector<1x1x16xf32>,
      %get3A_534 = vector.shape_cast %get3A_533 : vector<1x1x16xf32> to vector<16xf32>
      %sub3A_535 = arith.subf %get3A_528, %get3A_534 : vector<16xf32>
      %abs3A_536 = math.absf %sub3A_535 : vector<16xf32>
      %add3A_537 = arith.addf %add3A_477, %abs3A_536 : vector<16xf32>
      %get3A_538 = arith.constant 0 : i32
      %get3A_539 = arith.index_cast %get3A_538 : i32 to index
      %get3A_540 = arith.index_cast %scan3A_311 : i32 to index
      %get3A_541 = arith.constant 240 : index
      %get3A_542 = tpu.vector_load %arg5[%get3A_539, %get3A_540, %get3A_541] {strides = array<i32>} : memref<2x48x512xf32, #tpu.memory_space<vmem>>, vector<1x1x16xf32>,
      %get3A_543 = vector.shape_cast %get3A_542 : vector<1x1x16xf32> to vector<16xf32>
      %get3A_544 = arith.constant 0 : i32
      %get3A_545 = arith.index_cast %get3A_544 : i32 to index
      %get3A_546 = arith.index_cast %scan3A_311 : i32 to index
      %get3A_547 = arith.constant 240 : index
      %get3A_548 = tpu.vector_load %arg6[%get3A_545, %get3A_546, %get3A_547] {strides = array<i32>} : memref<2x48x512xf32, #tpu.memory_space<vmem>>, vector<1x1x16xf32>,
      %get3A_549 = vector.shape_cast %get3A_548 : vector<1x1x16xf32> to vector<16xf32>
      %sub3A_550 = arith.subf %get3A_543, %get3A_549 : vector<16xf32>
      %abs3A_551 = math.absf %sub3A_550 : vector<16xf32>
      %add3A_552 = arith.addf %add3A_492, %abs3A_551 : vector<16xf32>
      %get3A_553 = arith.constant 0 : i32
      %get3A_554 = arith.index_cast %get3A_553 : i32 to index
      %get3A_555 = arith.index_cast %scan3A_311 : i32 to index
      %get3A_556 = arith.constant 256 : index
      %get3A_557 = tpu.vector_load %arg5[%get3A_554, %get3A_555, %get3A_556] {strides = array<i32>} : memref<2x48x512xf32, #tpu.memory_space<vmem>>, vector<1x1x16xf32>,
      %get3A_558 = vector.shape_cast %get3A_557 : vector<1x1x16xf32> to vector<16xf32>
      %get3A_559 = arith.constant 0 : i32
      %get3A_560 = arith.index_cast %get3A_559 : i32 to index
      %get3A_561 = arith.index_cast %scan3A_311 : i32 to index
      %get3A_562 = arith.constant 256 : index
      %get3A_563 = tpu.vector_load %arg6[%get3A_560, %get3A_561, %get3A_562] {strides = array<i32>} : memref<2x48x512xf32, #tpu.memory_space<vmem>>, vector<1x1x16xf32>,
      %get3A_564 = vector.shape_cast %get3A_563 : vector<1x1x16xf32> to vector<16xf32>
      %sub3A_565 = arith.subf %get3A_558, %get3A_564 : vector<16xf32>
      %abs3A_566 = math.absf %sub3A_565 : vector<16xf32>
      %add3A_567 = arith.addf %add3A_507, %abs3A_566 : vector<16xf32>
      %get3A_568 = arith.constant 0 : i32
      %get3A_569 = arith.index_cast %get3A_568 : i32 to index
      %get3A_570 = arith.index_cast %scan3A_311 : i32 to index
      %get3A_571 = arith.constant 272 : index
      %get3A_572 = tpu.vector_load %arg5[%get3A_569, %get3A_570, %get3A_571] {strides = array<i32>} : memref<2x48x512xf32, #tpu.memory_space<vmem>>, vector<1x1x16xf32>,
      %get3A_573 = vector.shape_cast %get3A_572 : vector<1x1x16xf32> to vector<16xf32>
      %get3A_574 = arith.constant 0 : i32
      %get3A_575 = arith.index_cast %get3A_574 : i32 to index
      %get3A_576 = arith.index_cast %scan3A_311 : i32 to index
      %get3A_577 = arith.constant 272 : index
      %get3A_578 = tpu.vector_load %arg6[%get3A_575, %get3A_576, %get3A_577] {strides = array<i32>} : memref<2x48x512xf32, #tpu.memory_space<vmem>>, vector<1x1x16xf32>,
      %get3A_579 = vector.shape_cast %get3A_578 : vector<1x1x16xf32> to vector<16xf32>
      %sub3A_580 = arith.subf %get3A_573, %get3A_579 : vector<16xf32>
      %abs3A_581 = math.absf %sub3A_580 : vector<16xf32>
      %add3A_582 = arith.addf %add3A_522, %abs3A_581 : vector<16xf32>
      %get3A_583 = arith.constant 0 : i32
      %get3A_584 = arith.index_cast %get3A_583 : i32 to index
      %get3A_585 = arith.index_cast %scan3A_311 : i32 to index
      %get3A_586 = arith.constant 288 : index
      %get3A_587 = tpu.vector_load %arg5[%get3A_584, %get3A_585, %get3A_586] {strides = array<i32>} : memref<2x48x512xf32, #tpu.memory_space<vmem>>, vector<1x1x16xf32>,
      %get3A_588 = vector.shape_cast %get3A_587 : vector<1x1x16xf32> to vector<16xf32>
      %get3A_589 = arith.constant 0 : i32
      %get3A_590 = arith.index_cast %get3A_589 : i32 to index
      %get3A_591 = arith.index_cast %scan3A_311 : i32 to index
      %get3A_592 = arith.constant 288 : index
      %get3A_593 = tpu.vector_load %arg6[%get3A_590, %get3A_591, %get3A_592] {strides = array<i32>} : memref<2x48x512xf32, #tpu.memory_space<vmem>>, vector<1x1x16xf32>,
      %get3A_594 = vector.shape_cast %get3A_593 : vector<1x1x16xf32> to vector<16xf32>
      %sub3A_595 = arith.subf %get3A_588, %get3A_594 : vector<16xf32>
      %abs3A_596 = math.absf %sub3A_595 : vector<16xf32>
      %add3A_597 = arith.addf %add3A_537, %abs3A_596 : vector<16xf32>
      %get3A_598 = arith.constant 0 : i32
      %get3A_599 = arith.index_cast %get3A_598 : i32 to index
      %get3A_600 = arith.index_cast %scan3A_311 : i32 to index
      %get3A_601 = arith.constant 304 : index
      %get3A_602 = tpu.vector_load %arg5[%get3A_599, %get3A_600, %get3A_601] {strides = array<i32>} : memref<2x48x512xf32, #tpu.memory_space<vmem>>, vector<1x1x16xf32>,
      %get3A_603 = vector.shape_cast %get3A_602 : vector<1x1x16xf32> to vector<16xf32>
      %get3A_604 = arith.constant 0 : i32
      %get3A_605 = arith.index_cast %get3A_604 : i32 to index
      %get3A_606 = arith.index_cast %scan3A_311 : i32 to index
      %get3A_607 = arith.constant 304 : index
      %get3A_608 = tpu.vector_load %arg6[%get3A_605, %get3A_606, %get3A_607] {strides = array<i32>} : memref<2x48x512xf32, #tpu.memory_space<vmem>>, vector<1x1x16xf32>,
      %get3A_609 = vector.shape_cast %get3A_608 : vector<1x1x16xf32> to vector<16xf32>
      %sub3A_610 = arith.subf %get3A_603, %get3A_609 : vector<16xf32>
      %abs3A_611 = math.absf %sub3A_610 : vector<16xf32>
      %add3A_612 = arith.addf %add3A_552, %abs3A_611 : vector<16xf32>
      %get3A_613 = arith.constant 0 : i32
      %get3A_614 = arith.index_cast %get3A_613 : i32 to index
      %get3A_615 = arith.index_cast %scan3A_311 : i32 to index
      %get3A_616 = arith.constant 320 : index
      %get3A_617 = tpu.vector_load %arg5[%get3A_614, %get3A_615, %get3A_616] {strides = array<i32>} : memref<2x48x512xf32, #tpu.memory_space<vmem>>, vector<1x1x16xf32>,
      %get3A_618 = vector.shape_cast %get3A_617 : vector<1x1x16xf32> to vector<16xf32>
      %get3A_619 = arith.constant 0 : i32
      %get3A_620 = arith.index_cast %get3A_619 : i32 to index
      %get3A_621 = arith.index_cast %scan3A_311 : i32 to index
      %get3A_622 = arith.constant 320 : index
      %get3A_623 = tpu.vector_load %arg6[%get3A_620, %get3A_621, %get3A_622] {strides = array<i32>} : memref<2x48x512xf32, #tpu.memory_space<vmem>>, vector<1x1x16xf32>,
      %get3A_624 = vector.shape_cast %get3A_623 : vector<1x1x16xf32> to vector<16xf32>
      %sub3A_625 = arith.subf %get3A_618, %get3A_624 : vector<16xf32>
      %abs3A_626 = math.absf %sub3A_625 : vector<16xf32>
      %add3A_627 = arith.addf %add3A_567, %abs3A_626 : vector<16xf32>
      %get3A_628 = arith.constant 0 : i32
      %get3A_629 = arith.index_cast %get3A_628 : i32 to index
      %get3A_630 = arith.index_cast %scan3A_311 : i32 to index
      %get3A_631 = arith.constant 336 : index
      %get3A_632 = tpu.vector_load %arg5[%get3A_629, %get3A_630, %get3A_631] {strides = array<i32>} : memref<2x48x512xf32, #tpu.memory_space<vmem>>, vector<1x1x16xf32>,
      %get3A_633 = vector.shape_cast %get3A_632 : vector<1x1x16xf32> to vector<16xf32>
      %get3A_634 = arith.constant 0 : i32
      %get3A_635 = arith.index_cast %get3A_634 : i32 to index
      %get3A_636 = arith.index_cast %scan3A_311 : i32 to index
      %get3A_637 = arith.constant 336 : index
      %get3A_638 = tpu.vector_load %arg6[%get3A_635, %get3A_636, %get3A_637] {strides = array<i32>} : memref<2x48x512xf32, #tpu.memory_space<vmem>>, vector<1x1x16xf32>,
      %get3A_639 = vector.shape_cast %get3A_638 : vector<1x1x16xf32> to vector<16xf32>
      %sub3A_640 = arith.subf %get3A_633, %get3A_639 : vector<16xf32>
      %abs3A_641 = math.absf %sub3A_640 : vector<16xf32>
      %add3A_642 = arith.addf %add3A_582, %abs3A_641 : vector<16xf32>
      %get3A_643 = arith.constant 0 : i32
      %get3A_644 = arith.index_cast %get3A_643 : i32 to index
      %get3A_645 = arith.index_cast %scan3A_311 : i32 to index
      %get3A_646 = arith.constant 352 : index
      %get3A_647 = tpu.vector_load %arg5[%get3A_644, %get3A_645, %get3A_646] {strides = array<i32>} : memref<2x48x512xf32, #tpu.memory_space<vmem>>, vector<1x1x16xf32>,
      %get3A_648 = vector.shape_cast %get3A_647 : vector<1x1x16xf32> to vector<16xf32>
      %get3A_649 = arith.constant 0 : i32
      %get3A_650 = arith.index_cast %get3A_649 : i32 to index
      %get3A_651 = arith.index_cast %scan3A_311 : i32 to index
      %get3A_652 = arith.constant 352 : index
      %get3A_653 = tpu.vector_load %arg6[%get3A_650, %get3A_651, %get3A_652] {strides = array<i32>} : memref<2x48x512xf32, #tpu.memory_space<vmem>>, vector<1x1x16xf32>,
      %get3A_654 = vector.shape_cast %get3A_653 : vector<1x1x16xf32> to vector<16xf32>
      %sub3A_655 = arith.subf %get3A_648, %get3A_654 : vector<16xf32>
      %abs3A_656 = math.absf %sub3A_655 : vector<16xf32>
      %add3A_657 = arith.addf %add3A_597, %abs3A_656 : vector<16xf32>
      %get3A_658 = arith.constant 0 : i32
      %get3A_659 = arith.index_cast %get3A_658 : i32 to index
      %get3A_660 = arith.index_cast %scan3A_311 : i32 to index
      %get3A_661 = arith.constant 368 : index
      %get3A_662 = tpu.vector_load %arg5[%get3A_659, %get3A_660, %get3A_661] {strides = array<i32>} : memref<2x48x512xf32, #tpu.memory_space<vmem>>, vector<1x1x16xf32>,
      %get3A_663 = vector.shape_cast %get3A_662 : vector<1x1x16xf32> to vector<16xf32>
      %get3A_664 = arith.constant 0 : i32
      %get3A_665 = arith.index_cast %get3A_664 : i32 to index
      %get3A_666 = arith.index_cast %scan3A_311 : i32 to index
      %get3A_667 = arith.constant 368 : index
      %get3A_668 = tpu.vector_load %arg6[%get3A_665, %get3A_666, %get3A_667] {strides = array<i32>} : memref<2x48x512xf32, #tpu.memory_space<vmem>>, vector<1x1x16xf32>,
      %get3A_669 = vector.shape_cast %get3A_668 : vector<1x1x16xf32> to vector<16xf32>
      %sub3A_670 = arith.subf %get3A_663, %get3A_669 : vector<16xf32>
      %abs3A_671 = math.absf %sub3A_670 : vector<16xf32>
      %add3A_672 = arith.addf %add3A_612, %abs3A_671 : vector<16xf32>
      %get3A_673 = arith.constant 0 : i32
      %get3A_674 = arith.index_cast %get3A_673 : i32 to index
      %get3A_675 = arith.index_cast %scan3A_311 : i32 to index
      %get3A_676 = arith.constant 384 : index
      %get3A_677 = tpu.vector_load %arg5[%get3A_674, %get3A_675, %get3A_676] {strides = array<i32>} : memref<2x48x512xf32, #tpu.memory_space<vmem>>, vector<1x1x16xf32>,
      %get3A_678 = vector.shape_cast %get3A_677 : vector<1x1x16xf32> to vector<16xf32>
      %get3A_679 = arith.constant 0 : i32
      %get3A_680 = arith.index_cast %get3A_679 : i32 to index
      %get3A_681 = arith.index_cast %scan3A_311 : i32 to index
      %get3A_682 = arith.constant 384 : index
      %get3A_683 = tpu.vector_load %arg6[%get3A_680, %get3A_681, %get3A_682] {strides = array<i32>} : memref<2x48x512xf32, #tpu.memory_space<vmem>>, vector<1x1x16xf32>,
      %get3A_684 = vector.shape_cast %get3A_683 : vector<1x1x16xf32> to vector<16xf32>
      %sub3A_685 = arith.subf %get3A_678, %get3A_684 : vector<16xf32>
      %abs3A_686 = math.absf %sub3A_685 : vector<16xf32>
      %add3A_687 = arith.addf %add3A_627, %abs3A_686 : vector<16xf32>
      %get3A_688 = arith.constant 0 : i32
      %get3A_689 = arith.index_cast %get3A_688 : i32 to index
      %get3A_690 = arith.index_cast %scan3A_311 : i32 to index
      %get3A_691 = arith.constant 400 : index
      %get3A_692 = tpu.vector_load %arg5[%get3A_689, %get3A_690, %get3A_691] {strides = array<i32>} : memref<2x48x512xf32, #tpu.memory_space<vmem>>, vector<1x1x16xf32>,
      %get3A_693 = vector.shape_cast %get3A_692 : vector<1x1x16xf32> to vector<16xf32>
      %get3A_694 = arith.constant 0 : i32
      %get3A_695 = arith.index_cast %get3A_694 : i32 to index
      %get3A_696 = arith.index_cast %scan3A_311 : i32 to index
      %get3A_697 = arith.constant 400 : index
      %get3A_698 = tpu.vector_load %arg6[%get3A_695, %get3A_696, %get3A_697] {strides = array<i32>} : memref<2x48x512xf32, #tpu.memory_space<vmem>>, vector<1x1x16xf32>,
      %get3A_699 = vector.shape_cast %get3A_698 : vector<1x1x16xf32> to vector<16xf32>
      %sub3A_700 = arith.subf %get3A_693, %get3A_699 : vector<16xf32>
      %abs3A_701 = math.absf %sub3A_700 : vector<16xf32>
      %add3A_702 = arith.addf %add3A_642, %abs3A_701 : vector<16xf32>
      %get3A_703 = arith.constant 0 : i32
      %get3A_704 = arith.index_cast %get3A_703 : i32 to index
      %get3A_705 = arith.index_cast %scan3A_311 : i32 to index
      %get3A_706 = arith.constant 416 : index
      %get3A_707 = tpu.vector_load %arg5[%get3A_704, %get3A_705, %get3A_706] {strides = array<i32>} : memref<2x48x512xf32, #tpu.memory_space<vmem>>, vector<1x1x16xf32>,
      %get3A_708 = vector.shape_cast %get3A_707 : vector<1x1x16xf32> to vector<16xf32>
      %get3A_709 = arith.constant 0 : i32
      %get3A_710 = arith.index_cast %get3A_709 : i32 to index
      %get3A_711 = arith.index_cast %scan3A_311 : i32 to index
      %get3A_712 = arith.constant 416 : index
      %get3A_713 = tpu.vector_load %arg6[%get3A_710, %get3A_711, %get3A_712] {strides = array<i32>} : memref<2x48x512xf32, #tpu.memory_space<vmem>>, vector<1x1x16xf32>,
      %get3A_714 = vector.shape_cast %get3A_713 : vector<1x1x16xf32> to vector<16xf32>
      %sub3A_715 = arith.subf %get3A_708, %get3A_714 : vector<16xf32>
      %abs3A_716 = math.absf %sub3A_715 : vector<16xf32>
      %add3A_717 = arith.addf %add3A_657, %abs3A_716 : vector<16xf32>
      %get3A_718 = arith.constant 0 : i32
      %get3A_719 = arith.index_cast %get3A_718 : i32 to index
      %get3A_720 = arith.index_cast %scan3A_311 : i32 to index
      %get3A_721 = arith.constant 432 : index
      %get3A_722 = tpu.vector_load %arg5[%get3A_719, %get3A_720, %get3A_721] {strides = array<i32>} : memref<2x48x512xf32, #tpu.memory_space<vmem>>, vector<1x1x16xf32>,
      %get3A_723 = vector.shape_cast %get3A_722 : vector<1x1x16xf32> to vector<16xf32>
      %get3A_724 = arith.constant 0 : i32
      %get3A_725 = arith.index_cast %get3A_724 : i32 to index
      %get3A_726 = arith.index_cast %scan3A_311 : i32 to index
      %get3A_727 = arith.constant 432 : index
      %get3A_728 = tpu.vector_load %arg6[%get3A_725, %get3A_726, %get3A_727] {strides = array<i32>} : memref<2x48x512xf32, #tpu.memory_space<vmem>>, vector<1x1x16xf32>,
      %get3A_729 = vector.shape_cast %get3A_728 : vector<1x1x16xf32> to vector<16xf32>
      %sub3A_730 = arith.subf %get3A_723, %get3A_729 : vector<16xf32>
      %abs3A_731 = math.absf %sub3A_730 : vector<16xf32>
      %add3A_732 = arith.addf %add3A_672, %abs3A_731 : vector<16xf32>
      %get3A_733 = arith.constant 0 : i32
      %get3A_734 = arith.index_cast %get3A_733 : i32 to index
      %get3A_735 = arith.index_cast %scan3A_311 : i32 to index
      %get3A_736 = arith.constant 448 : index
      %get3A_737 = tpu.vector_load %arg5[%get3A_734, %get3A_735, %get3A_736] {strides = array<i32>} : memref<2x48x512xf32, #tpu.memory_space<vmem>>, vector<1x1x16xf32>,
      %get3A_738 = vector.shape_cast %get3A_737 : vector<1x1x16xf32> to vector<16xf32>
      %get3A_739 = arith.constant 0 : i32
      %get3A_740 = arith.index_cast %get3A_739 : i32 to index
      %get3A_741 = arith.index_cast %scan3A_311 : i32 to index
      %get3A_742 = arith.constant 448 : index
      %get3A_743 = tpu.vector_load %arg6[%get3A_740, %get3A_741, %get3A_742] {strides = array<i32>} : memref<2x48x512xf32, #tpu.memory_space<vmem>>, vector<1x1x16xf32>,
      %get3A_744 = vector.shape_cast %get3A_743 : vector<1x1x16xf32> to vector<16xf32>
      %sub3A_745 = arith.subf %get3A_738, %get3A_744 : vector<16xf32>
      %abs3A_746 = math.absf %sub3A_745 : vector<16xf32>
      %add3A_747 = arith.addf %add3A_687, %abs3A_746 : vector<16xf32>
      %get3A_748 = arith.constant 0 : i32
      %get3A_749 = arith.index_cast %get3A_748 : i32 to index
      %get3A_750 = arith.index_cast %scan3A_311 : i32 to index
      %get3A_751 = arith.constant 464 : index
      %get3A_752 = tpu.vector_load %arg5[%get3A_749, %get3A_750, %get3A_751] {strides = array<i32>} : memref<2x48x512xf32, #tpu.memory_space<vmem>>, vector<1x1x16xf32>,
      %get3A_753 = vector.shape_cast %get3A_752 : vector<1x1x16xf32> to vector<16xf32>
      %get3A_754 = arith.constant 0 : i32
      %get3A_755 = arith.index_cast %get3A_754 : i32 to index
      %get3A_756 = arith.index_cast %scan3A_311 : i32 to index
      %get3A_757 = arith.constant 464 : index
      %get3A_758 = tpu.vector_load %arg6[%get3A_755, %get3A_756, %get3A_757] {strides = array<i32>} : memref<2x48x512xf32, #tpu.memory_space<vmem>>, vector<1x1x16xf32>,
      %get3A_759 = vector.shape_cast %get3A_758 : vector<1x1x16xf32> to vector<16xf32>
      %sub3A_760 = arith.subf %get3A_753, %get3A_759 : vector<16xf32>
      %abs3A_761 = math.absf %sub3A_760 : vector<16xf32>
      %add3A_762 = arith.addf %add3A_702, %abs3A_761 : vector<16xf32>
      %get3A_763 = arith.constant 0 : i32
      %get3A_764 = arith.index_cast %get3A_763 : i32 to index
      %get3A_765 = arith.index_cast %scan3A_311 : i32 to index
      %get3A_766 = arith.constant 480 : index
      %get3A_767 = tpu.vector_load %arg5[%get3A_764, %get3A_765, %get3A_766] {strides = array<i32>} : memref<2x48x512xf32, #tpu.memory_space<vmem>>, vector<1x1x16xf32>,
      %get3A_768 = vector.shape_cast %get3A_767 : vector<1x1x16xf32> to vector<16xf32>
      %get3A_769 = arith.constant 0 : i32
      %get3A_770 = arith.index_cast %get3A_769 : i32 to index
      %get3A_771 = arith.index_cast %scan3A_311 : i32 to index
      %get3A_772 = arith.constant 480 : index
      %get3A_773 = tpu.vector_load %arg6[%get3A_770, %get3A_771, %get3A_772] {strides = array<i32>} : memref<2x48x512xf32, #tpu.memory_space<vmem>>, vector<1x1x16xf32>,
      %get3A_774 = vector.shape_cast %get3A_773 : vector<1x1x16xf32> to vector<16xf32>
      %sub3A_775 = arith.subf %get3A_768, %get3A_774 : vector<16xf32>
      %abs3A_776 = math.absf %sub3A_775 : vector<16xf32>
      %add3A_777 = arith.addf %add3A_717, %abs3A_776 : vector<16xf32>
      %get3A_778 = arith.constant 0 : i32
      %get3A_779 = arith.index_cast %get3A_778 : i32 to index
      %get3A_780 = arith.index_cast %scan3A_311 : i32 to index
      %get3A_781 = arith.constant 496 : index
      %get3A_782 = tpu.vector_load %arg5[%get3A_779, %get3A_780, %get3A_781] {strides = array<i32>} : memref<2x48x512xf32, #tpu.memory_space<vmem>>, vector<1x1x16xf32>,
      %get3A_783 = vector.shape_cast %get3A_782 : vector<1x1x16xf32> to vector<16xf32>
      %get3A_784 = arith.constant 0 : i32
      %get3A_785 = arith.index_cast %get3A_784 : i32 to index
      %get3A_786 = arith.index_cast %scan3A_311 : i32 to index
      %get3A_787 = arith.constant 496 : index
      %get3A_788 = tpu.vector_load %arg6[%get3A_785, %get3A_786, %get3A_787] {strides = array<i32>} : memref<2x48x512xf32, #tpu.memory_space<vmem>>, vector<1x1x16xf32>,
      %get3A_789 = vector.shape_cast %get3A_788 : vector<1x1x16xf32> to vector<16xf32>
      %sub3A_790 = arith.subf %get3A_783, %get3A_789 : vector<16xf32>
      %abs3A_791 = math.absf %sub3A_790 : vector<16xf32>
      %add3A_792 = arith.addf %add3A_732, %abs3A_791 : vector<16xf32>
      scf.yield %add3A_747, %add3A_762, %add3A_777, %add3A_792 : vector<16xf32>, vector<16xf32>, vector<16xf32>, vector<16xf32>
    }
    %scan3A_264 = arith.constant 48 : i32
    %add3A_265 = arith.constant 144 : i32
    %add3A_266 = arith.addi %add3A_4, %add3A_265 : i32
    %dma_wait3A_267 = arith.constant 1 : i32
    %dma_wait3A_268 = arith.constant 1 : i32
    %dma_wait3A_269 = arith.constant 0 : i32
    %dma_wait3A_270 = arith.constant 0 : i32
    %dma_wait3A_271 = tpu.memref_slice %arg5[%dma_wait3A_267, %dma_wait3A_269, %dma_wait3A_270] : memref<2x48x512xf32, #tpu.memory_space<vmem>> -> memref<1x48x512xf32, #tpu.memory_space<vmem>>
    %dma_wait3A_272 = tpu.memref_squeeze %dma_wait3A_271 : memref<1x48x512xf32, #tpu.memory_space<vmem>> -> memref<48x512xf32, #tpu.memory_space<vmem>>
    %dma_wait3A_273 = arith.constant 0 : i32
    %dma_wait3A_274 = tpu.memref_slice %arg2[%add3A_266, %dma_wait3A_273] : memref<24576x512xf32, #tpu.memory_space<hbm>> -> memref<48x512xf32, #tpu.memory_space<hbm>>
    %dma_wait3A_275 = tpu.memref_slice %arg8[%dma_wait3A_268] : memref<2x!tpu.dma_semaphore, #tpu.memory_space<semaphore_mem>> -> memref<1x!tpu.dma_semaphore, #tpu.memory_space<semaphore_mem>>
    %dma_wait3A_276 = tpu.memref_squeeze %dma_wait3A_275 : memref<1x!tpu.dma_semaphore, #tpu.memory_space<semaphore_mem>> -> memref<!tpu.dma_semaphore, #tpu.memory_space<semaphore_mem>>
    %dma_wait3A_277 = arith.constant 0 : i32
    %dma_wait3A_278 = arith.constant 0 : i32
    %dma_wait3A_279 = tpu.memref_slice %arg5[%dma_wait3A_267, %dma_wait3A_277, %dma_wait3A_278] : memref<2x48x512xf32, #tpu.memory_space<vmem>> -> memref<1x48x512xf32, #tpu.memory_space<vmem>>
    %dma_wait3A_280 = tpu.memref_squeeze %dma_wait3A_279 : memref<1x48x512xf32, #tpu.memory_space<vmem>> -> memref<48x512xf32, #tpu.memory_space<vmem>>
    %dma_wait3A_281 = arith.constant 0 : i32
    %dma_wait3A_282 = tpu.memref_slice %arg2[%add3A_266, %dma_wait3A_281] : memref<24576x512xf32, #tpu.memory_space<hbm>> -> memref<48x512xf32, #tpu.memory_space<hbm>>
    tpu.wait_dma2 semaphore(%dma_wait3A_276 : memref<!tpu.dma_semaphore, #tpu.memory_space<semaphore_mem>>) src(%dma_wait3A_282 : memref<48x512xf32, #tpu.memory_space<hbm>>) dst(%dma_wait3A_280 : memref<48x512xf32, #tpu.memory_space<vmem>>)
    %dma_wait3A_283 = arith.constant 1 : i32
    %dma_wait3A_284 = arith.constant 1 : i32
    %dma_wait3A_285 = arith.constant 0 : i32
    %dma_wait3A_286 = arith.constant 0 : i32
    %dma_wait3A_287 = tpu.memref_slice %arg6[%dma_wait3A_283, %dma_wait3A_285, %dma_wait3A_286] : memref<2x48x512xf32, #tpu.memory_space<vmem>> -> memref<1x48x512xf32, #tpu.memory_space<vmem>>
    %dma_wait3A_288 = tpu.memref_squeeze %dma_wait3A_287 : memref<1x48x512xf32, #tpu.memory_space<vmem>> -> memref<48x512xf32, #tpu.memory_space<vmem>>
    %dma_wait3A_289 = arith.constant 0 : i32
    %dma_wait3A_290 = tpu.memref_slice %arg3[%add3A_266, %dma_wait3A_289] : memref<24576x512xf32, #tpu.memory_space<hbm>> -> memref<48x512xf32, #tpu.memory_space<hbm>>
    %dma_wait3A_291 = tpu.memref_slice %arg9[%dma_wait3A_284] : memref<2x!tpu.dma_semaphore, #tpu.memory_space<semaphore_mem>> -> memref<1x!tpu.dma_semaphore, #tpu.memory_space<semaphore_mem>>
    %dma_wait3A_292 = tpu.memref_squeeze %dma_wait3A_291 : memref<1x!tpu.dma_semaphore, #tpu.memory_space<semaphore_mem>> -> memref<!tpu.dma_semaphore, #tpu.memory_space<semaphore_mem>>
    %dma_wait3A_293 = arith.constant 0 : i32
    %dma_wait3A_294 = arith.constant 0 : i32
    %dma_wait3A_295 = tpu.memref_slice %arg6[%dma_wait3A_283, %dma_wait3A_293, %dma_wait3A_294] : memref<2x48x512xf32, #tpu.memory_space<vmem>> -> memref<1x48x512xf32, #tpu.memory_space<vmem>>
    %dma_wait3A_296 = tpu.memref_squeeze %dma_wait3A_295 : memref<1x48x512xf32, #tpu.memory_space<vmem>> -> memref<48x512xf32, #tpu.memory_space<vmem>>
    %dma_wait3A_297 = arith.constant 0 : i32
    %dma_wait3A_298 = tpu.memref_slice %arg3[%add3A_266, %dma_wait3A_297] : memref<24576x512xf32, #tpu.memory_space<hbm>> -> memref<48x512xf32, #tpu.memory_space<hbm>>
    tpu.wait_dma2 semaphore(%dma_wait3A_292 : memref<!tpu.dma_semaphore, #tpu.memory_space<semaphore_mem>>) src(%dma_wait3A_298 : memref<48x512xf32, #tpu.memory_space<hbm>>) dst(%dma_wait3A_296 : memref<48x512xf32, #tpu.memory_space<vmem>>)
    %scan3A_299 = arith.constant 0 : i32
    %scan3A_300 = arith.constant 48 : i32
    %scan3A_301 = arith.addi %scan3A_299, %scan3A_300 : i32
    %scan3A_302 = arith.constant 1 : i32
    %scan3A_303:4 = scf.for %scan3A_311 = %scan3A_299 to %scan3A_301 step %scan3A_302 iter_args(%scan3A_312 = %scan3A_263#0, %scan3A_313 = %scan3A_263#1, %scan3A_314 = %scan3A_263#2, %scan3A_315 = %scan3A_263#3) -> (vector<16xf32>, vector<16xf32>, vector<16xf32>, vector<16xf32>)  : i32 {
      %get3A = arith.constant 1 : i32
      %get3A_316 = arith.index_cast %get3A : i32 to index
      %get3A_317 = arith.index_cast %scan3A_311 : i32 to index
      %get3A_318 = arith.constant 0 : index
      %get3A_319 = tpu.vector_load %arg5[%get3A_316, %get3A_317, %get3A_318] {strides = array<i32>} : memref<2x48x512xf32, #tpu.memory_space<vmem>>, vector<1x1x16xf32>,
      %get3A_320 = vector.shape_cast %get3A_319 : vector<1x1x16xf32> to vector<16xf32>
      %get3A_321 = arith.constant 1 : i32
      %get3A_322 = arith.index_cast %get3A_321 : i32 to index
      %get3A_323 = arith.index_cast %scan3A_311 : i32 to index
      %get3A_324 = arith.constant 0 : index
      %get3A_325 = tpu.vector_load %arg6[%get3A_322, %get3A_323, %get3A_324] {strides = array<i32>} : memref<2x48x512xf32, #tpu.memory_space<vmem>>, vector<1x1x16xf32>,
      %get3A_326 = vector.shape_cast %get3A_325 : vector<1x1x16xf32> to vector<16xf32>
      %sub3A = arith.subf %get3A_320, %get3A_326 : vector<16xf32>
      %abs3A = math.absf %sub3A : vector<16xf32>
      %add3A_327 = arith.addf %scan3A_312, %abs3A : vector<16xf32>
      %get3A_328 = arith.constant 1 : i32
      %get3A_329 = arith.index_cast %get3A_328 : i32 to index
      %get3A_330 = arith.index_cast %scan3A_311 : i32 to index
      %get3A_331 = arith.constant 16 : index
      %get3A_332 = tpu.vector_load %arg5[%get3A_329, %get3A_330, %get3A_331] {strides = array<i32>} : memref<2x48x512xf32, #tpu.memory_space<vmem>>, vector<1x1x16xf32>,
      %get3A_333 = vector.shape_cast %get3A_332 : vector<1x1x16xf32> to vector<16xf32>
      %get3A_334 = arith.constant 1 : i32
      %get3A_335 = arith.index_cast %get3A_334 : i32 to index
      %get3A_336 = arith.index_cast %scan3A_311 : i32 to index
      %get3A_337 = arith.constant 16 : index
      %get3A_338 = tpu.vector_load %arg6[%get3A_335, %get3A_336, %get3A_337] {strides = array<i32>} : memref<2x48x512xf32, #tpu.memory_space<vmem>>, vector<1x1x16xf32>,
      %get3A_339 = vector.shape_cast %get3A_338 : vector<1x1x16xf32> to vector<16xf32>
      %sub3A_340 = arith.subf %get3A_333, %get3A_339 : vector<16xf32>
      %abs3A_341 = math.absf %sub3A_340 : vector<16xf32>
      %add3A_342 = arith.addf %scan3A_313, %abs3A_341 : vector<16xf32>
      %get3A_343 = arith.constant 1 : i32
      %get3A_344 = arith.index_cast %get3A_343 : i32 to index
      %get3A_345 = arith.index_cast %scan3A_311 : i32 to index
      %get3A_346 = arith.constant 32 : index
      %get3A_347 = tpu.vector_load %arg5[%get3A_344, %get3A_345, %get3A_346] {strides = array<i32>} : memref<2x48x512xf32, #tpu.memory_space<vmem>>, vector<1x1x16xf32>,
      %get3A_348 = vector.shape_cast %get3A_347 : vector<1x1x16xf32> to vector<16xf32>
      %get3A_349 = arith.constant 1 : i32
      %get3A_350 = arith.index_cast %get3A_349 : i32 to index
      %get3A_351 = arith.index_cast %scan3A_311 : i32 to index
      %get3A_352 = arith.constant 32 : index
      %get3A_353 = tpu.vector_load %arg6[%get3A_350, %get3A_351, %get3A_352] {strides = array<i32>} : memref<2x48x512xf32, #tpu.memory_space<vmem>>, vector<1x1x16xf32>,
      %get3A_354 = vector.shape_cast %get3A_353 : vector<1x1x16xf32> to vector<16xf32>
      %sub3A_355 = arith.subf %get3A_348, %get3A_354 : vector<16xf32>
      %abs3A_356 = math.absf %sub3A_355 : vector<16xf32>
      %add3A_357 = arith.addf %scan3A_314, %abs3A_356 : vector<16xf32>
      %get3A_358 = arith.constant 1 : i32
      %get3A_359 = arith.index_cast %get3A_358 : i32 to index
      %get3A_360 = arith.index_cast %scan3A_311 : i32 to index
      %get3A_361 = arith.constant 48 : index
      %get3A_362 = tpu.vector_load %arg5[%get3A_359, %get3A_360, %get3A_361] {strides = array<i32>} : memref<2x48x512xf32, #tpu.memory_space<vmem>>, vector<1x1x16xf32>,
      %get3A_363 = vector.shape_cast %get3A_362 : vector<1x1x16xf32> to vector<16xf32>
      %get3A_364 = arith.constant 1 : i32
      %get3A_365 = arith.index_cast %get3A_364 : i32 to index
      %get3A_366 = arith.index_cast %scan3A_311 : i32 to index
      %get3A_367 = arith.constant 48 : index
      %get3A_368 = tpu.vector_load %arg6[%get3A_365, %get3A_366, %get3A_367] {strides = array<i32>} : memref<2x48x512xf32, #tpu.memory_space<vmem>>, vector<1x1x16xf32>,
      %get3A_369 = vector.shape_cast %get3A_368 : vector<1x1x16xf32> to vector<16xf32>
      %sub3A_370 = arith.subf %get3A_363, %get3A_369 : vector<16xf32>
      %abs3A_371 = math.absf %sub3A_370 : vector<16xf32>
      %add3A_372 = arith.addf %scan3A_315, %abs3A_371 : vector<16xf32>
      %get3A_373 = arith.constant 1 : i32
      %get3A_374 = arith.index_cast %get3A_373 : i32 to index
      %get3A_375 = arith.index_cast %scan3A_311 : i32 to index
      %get3A_376 = arith.constant 64 : index
      %get3A_377 = tpu.vector_load %arg5[%get3A_374, %get3A_375, %get3A_376] {strides = array<i32>} : memref<2x48x512xf32, #tpu.memory_space<vmem>>, vector<1x1x16xf32>,
      %get3A_378 = vector.shape_cast %get3A_377 : vector<1x1x16xf32> to vector<16xf32>
      %get3A_379 = arith.constant 1 : i32
      %get3A_380 = arith.index_cast %get3A_379 : i32 to index
      %get3A_381 = arith.index_cast %scan3A_311 : i32 to index
      %get3A_382 = arith.constant 64 : index
      %get3A_383 = tpu.vector_load %arg6[%get3A_380, %get3A_381, %get3A_382] {strides = array<i32>} : memref<2x48x512xf32, #tpu.memory_space<vmem>>, vector<1x1x16xf32>,
      %get3A_384 = vector.shape_cast %get3A_383 : vector<1x1x16xf32> to vector<16xf32>
      %sub3A_385 = arith.subf %get3A_378, %get3A_384 : vector<16xf32>
      %abs3A_386 = math.absf %sub3A_385 : vector<16xf32>
      %add3A_387 = arith.addf %add3A_327, %abs3A_386 : vector<16xf32>
      %get3A_388 = arith.constant 1 : i32
      %get3A_389 = arith.index_cast %get3A_388 : i32 to index
      %get3A_390 = arith.index_cast %scan3A_311 : i32 to index
      %get3A_391 = arith.constant 80 : index
      %get3A_392 = tpu.vector_load %arg5[%get3A_389, %get3A_390, %get3A_391] {strides = array<i32>} : memref<2x48x512xf32, #tpu.memory_space<vmem>>, vector<1x1x16xf32>,
      %get3A_393 = vector.shape_cast %get3A_392 : vector<1x1x16xf32> to vector<16xf32>
      %get3A_394 = arith.constant 1 : i32
      %get3A_395 = arith.index_cast %get3A_394 : i32 to index
      %get3A_396 = arith.index_cast %scan3A_311 : i32 to index
      %get3A_397 = arith.constant 80 : index
      %get3A_398 = tpu.vector_load %arg6[%get3A_395, %get3A_396, %get3A_397] {strides = array<i32>} : memref<2x48x512xf32, #tpu.memory_space<vmem>>, vector<1x1x16xf32>,
      %get3A_399 = vector.shape_cast %get3A_398 : vector<1x1x16xf32> to vector<16xf32>
      %sub3A_400 = arith.subf %get3A_393, %get3A_399 : vector<16xf32>
      %abs3A_401 = math.absf %sub3A_400 : vector<16xf32>
      %add3A_402 = arith.addf %add3A_342, %abs3A_401 : vector<16xf32>
      %get3A_403 = arith.constant 1 : i32
      %get3A_404 = arith.index_cast %get3A_403 : i32 to index
      %get3A_405 = arith.index_cast %scan3A_311 : i32 to index
      %get3A_406 = arith.constant 96 : index
      %get3A_407 = tpu.vector_load %arg5[%get3A_404, %get3A_405, %get3A_406] {strides = array<i32>} : memref<2x48x512xf32, #tpu.memory_space<vmem>>, vector<1x1x16xf32>,
      %get3A_408 = vector.shape_cast %get3A_407 : vector<1x1x16xf32> to vector<16xf32>
      %get3A_409 = arith.constant 1 : i32
      %get3A_410 = arith.index_cast %get3A_409 : i32 to index
      %get3A_411 = arith.index_cast %scan3A_311 : i32 to index
      %get3A_412 = arith.constant 96 : index
      %get3A_413 = tpu.vector_load %arg6[%get3A_410, %get3A_411, %get3A_412] {strides = array<i32>} : memref<2x48x512xf32, #tpu.memory_space<vmem>>, vector<1x1x16xf32>,
      %get3A_414 = vector.shape_cast %get3A_413 : vector<1x1x16xf32> to vector<16xf32>
      %sub3A_415 = arith.subf %get3A_408, %get3A_414 : vector<16xf32>
      %abs3A_416 = math.absf %sub3A_415 : vector<16xf32>
      %add3A_417 = arith.addf %add3A_357, %abs3A_416 : vector<16xf32>
      %get3A_418 = arith.constant 1 : i32
      %get3A_419 = arith.index_cast %get3A_418 : i32 to index
      %get3A_420 = arith.index_cast %scan3A_311 : i32 to index
      %get3A_421 = arith.constant 112 : index
      %get3A_422 = tpu.vector_load %arg5[%get3A_419, %get3A_420, %get3A_421] {strides = array<i32>} : memref<2x48x512xf32, #tpu.memory_space<vmem>>, vector<1x1x16xf32>,
      %get3A_423 = vector.shape_cast %get3A_422 : vector<1x1x16xf32> to vector<16xf32>
      %get3A_424 = arith.constant 1 : i32
      %get3A_425 = arith.index_cast %get3A_424 : i32 to index
      %get3A_426 = arith.index_cast %scan3A_311 : i32 to index
      %get3A_427 = arith.constant 112 : index
      %get3A_428 = tpu.vector_load %arg6[%get3A_425, %get3A_426, %get3A_427] {strides = array<i32>} : memref<2x48x512xf32, #tpu.memory_space<vmem>>, vector<1x1x16xf32>,
      %get3A_429 = vector.shape_cast %get3A_428 : vector<1x1x16xf32> to vector<16xf32>
      %sub3A_430 = arith.subf %get3A_423, %get3A_429 : vector<16xf32>
      %abs3A_431 = math.absf %sub3A_430 : vector<16xf32>
      %add3A_432 = arith.addf %add3A_372, %abs3A_431 : vector<16xf32>
      %get3A_433 = arith.constant 1 : i32
      %get3A_434 = arith.index_cast %get3A_433 : i32 to index
      %get3A_435 = arith.index_cast %scan3A_311 : i32 to index
      %get3A_436 = arith.constant 128 : index
      %get3A_437 = tpu.vector_load %arg5[%get3A_434, %get3A_435, %get3A_436] {strides = array<i32>} : memref<2x48x512xf32, #tpu.memory_space<vmem>>, vector<1x1x16xf32>,
      %get3A_438 = vector.shape_cast %get3A_437 : vector<1x1x16xf32> to vector<16xf32>
      %get3A_439 = arith.constant 1 : i32
      %get3A_440 = arith.index_cast %get3A_439 : i32 to index
      %get3A_441 = arith.index_cast %scan3A_311 : i32 to index
      %get3A_442 = arith.constant 128 : index
      %get3A_443 = tpu.vector_load %arg6[%get3A_440, %get3A_441, %get3A_442] {strides = array<i32>} : memref<2x48x512xf32, #tpu.memory_space<vmem>>, vector<1x1x16xf32>,
      %get3A_444 = vector.shape_cast %get3A_443 : vector<1x1x16xf32> to vector<16xf32>
      %sub3A_445 = arith.subf %get3A_438, %get3A_444 : vector<16xf32>
      %abs3A_446 = math.absf %sub3A_445 : vector<16xf32>
      %add3A_447 = arith.addf %add3A_387, %abs3A_446 : vector<16xf32>
      %get3A_448 = arith.constant 1 : i32
      %get3A_449 = arith.index_cast %get3A_448 : i32 to index
      %get3A_450 = arith.index_cast %scan3A_311 : i32 to index
      %get3A_451 = arith.constant 144 : index
      %get3A_452 = tpu.vector_load %arg5[%get3A_449, %get3A_450, %get3A_451] {strides = array<i32>} : memref<2x48x512xf32, #tpu.memory_space<vmem>>, vector<1x1x16xf32>,
      %get3A_453 = vector.shape_cast %get3A_452 : vector<1x1x16xf32> to vector<16xf32>
      %get3A_454 = arith.constant 1 : i32
      %get3A_455 = arith.index_cast %get3A_454 : i32 to index
      %get3A_456 = arith.index_cast %scan3A_311 : i32 to index
      %get3A_457 = arith.constant 144 : index
      %get3A_458 = tpu.vector_load %arg6[%get3A_455, %get3A_456, %get3A_457] {strides = array<i32>} : memref<2x48x512xf32, #tpu.memory_space<vmem>>, vector<1x1x16xf32>,
      %get3A_459 = vector.shape_cast %get3A_458 : vector<1x1x16xf32> to vector<16xf32>
      %sub3A_460 = arith.subf %get3A_453, %get3A_459 : vector<16xf32>
      %abs3A_461 = math.absf %sub3A_460 : vector<16xf32>
      %add3A_462 = arith.addf %add3A_402, %abs3A_461 : vector<16xf32>
      %get3A_463 = arith.constant 1 : i32
      %get3A_464 = arith.index_cast %get3A_463 : i32 to index
      %get3A_465 = arith.index_cast %scan3A_311 : i32 to index
      %get3A_466 = arith.constant 160 : index
      %get3A_467 = tpu.vector_load %arg5[%get3A_464, %get3A_465, %get3A_466] {strides = array<i32>} : memref<2x48x512xf32, #tpu.memory_space<vmem>>, vector<1x1x16xf32>,
      %get3A_468 = vector.shape_cast %get3A_467 : vector<1x1x16xf32> to vector<16xf32>
      %get3A_469 = arith.constant 1 : i32
      %get3A_470 = arith.index_cast %get3A_469 : i32 to index
      %get3A_471 = arith.index_cast %scan3A_311 : i32 to index
      %get3A_472 = arith.constant 160 : index
      %get3A_473 = tpu.vector_load %arg6[%get3A_470, %get3A_471, %get3A_472] {strides = array<i32>} : memref<2x48x512xf32, #tpu.memory_space<vmem>>, vector<1x1x16xf32>,
      %get3A_474 = vector.shape_cast %get3A_473 : vector<1x1x16xf32> to vector<16xf32>
      %sub3A_475 = arith.subf %get3A_468, %get3A_474 : vector<16xf32>
      %abs3A_476 = math.absf %sub3A_475 : vector<16xf32>
      %add3A_477 = arith.addf %add3A_417, %abs3A_476 : vector<16xf32>
      %get3A_478 = arith.constant 1 : i32
      %get3A_479 = arith.index_cast %get3A_478 : i32 to index
      %get3A_480 = arith.index_cast %scan3A_311 : i32 to index
      %get3A_481 = arith.constant 176 : index
      %get3A_482 = tpu.vector_load %arg5[%get3A_479, %get3A_480, %get3A_481] {strides = array<i32>} : memref<2x48x512xf32, #tpu.memory_space<vmem>>, vector<1x1x16xf32>,
      %get3A_483 = vector.shape_cast %get3A_482 : vector<1x1x16xf32> to vector<16xf32>
      %get3A_484 = arith.constant 1 : i32
      %get3A_485 = arith.index_cast %get3A_484 : i32 to index
      %get3A_486 = arith.index_cast %scan3A_311 : i32 to index
      %get3A_487 = arith.constant 176 : index
      %get3A_488 = tpu.vector_load %arg6[%get3A_485, %get3A_486, %get3A_487] {strides = array<i32>} : memref<2x48x512xf32, #tpu.memory_space<vmem>>, vector<1x1x16xf32>,
      %get3A_489 = vector.shape_cast %get3A_488 : vector<1x1x16xf32> to vector<16xf32>
      %sub3A_490 = arith.subf %get3A_483, %get3A_489 : vector<16xf32>
      %abs3A_491 = math.absf %sub3A_490 : vector<16xf32>
      %add3A_492 = arith.addf %add3A_432, %abs3A_491 : vector<16xf32>
      %get3A_493 = arith.constant 1 : i32
      %get3A_494 = arith.index_cast %get3A_493 : i32 to index
      %get3A_495 = arith.index_cast %scan3A_311 : i32 to index
      %get3A_496 = arith.constant 192 : index
      %get3A_497 = tpu.vector_load %arg5[%get3A_494, %get3A_495, %get3A_496] {strides = array<i32>} : memref<2x48x512xf32, #tpu.memory_space<vmem>>, vector<1x1x16xf32>,
      %get3A_498 = vector.shape_cast %get3A_497 : vector<1x1x16xf32> to vector<16xf32>
      %get3A_499 = arith.constant 1 : i32
      %get3A_500 = arith.index_cast %get3A_499 : i32 to index
      %get3A_501 = arith.index_cast %scan3A_311 : i32 to index
      %get3A_502 = arith.constant 192 : index
      %get3A_503 = tpu.vector_load %arg6[%get3A_500, %get3A_501, %get3A_502] {strides = array<i32>} : memref<2x48x512xf32, #tpu.memory_space<vmem>>, vector<1x1x16xf32>,
      %get3A_504 = vector.shape_cast %get3A_503 : vector<1x1x16xf32> to vector<16xf32>
      %sub3A_505 = arith.subf %get3A_498, %get3A_504 : vector<16xf32>
      %abs3A_506 = math.absf %sub3A_505 : vector<16xf32>
      %add3A_507 = arith.addf %add3A_447, %abs3A_506 : vector<16xf32>
      %get3A_508 = arith.constant 1 : i32
      %get3A_509 = arith.index_cast %get3A_508 : i32 to index
      %get3A_510 = arith.index_cast %scan3A_311 : i32 to index
      %get3A_511 = arith.constant 208 : index
      %get3A_512 = tpu.vector_load %arg5[%get3A_509, %get3A_510, %get3A_511] {strides = array<i32>} : memref<2x48x512xf32, #tpu.memory_space<vmem>>, vector<1x1x16xf32>,
      %get3A_513 = vector.shape_cast %get3A_512 : vector<1x1x16xf32> to vector<16xf32>
      %get3A_514 = arith.constant 1 : i32
      %get3A_515 = arith.index_cast %get3A_514 : i32 to index
      %get3A_516 = arith.index_cast %scan3A_311 : i32 to index
      %get3A_517 = arith.constant 208 : index
      %get3A_518 = tpu.vector_load %arg6[%get3A_515, %get3A_516, %get3A_517] {strides = array<i32>} : memref<2x48x512xf32, #tpu.memory_space<vmem>>, vector<1x1x16xf32>,
      %get3A_519 = vector.shape_cast %get3A_518 : vector<1x1x16xf32> to vector<16xf32>
      %sub3A_520 = arith.subf %get3A_513, %get3A_519 : vector<16xf32>
      %abs3A_521 = math.absf %sub3A_520 : vector<16xf32>
      %add3A_522 = arith.addf %add3A_462, %abs3A_521 : vector<16xf32>
      %get3A_523 = arith.constant 1 : i32
      %get3A_524 = arith.index_cast %get3A_523 : i32 to index
      %get3A_525 = arith.index_cast %scan3A_311 : i32 to index
      %get3A_526 = arith.constant 224 : index
      %get3A_527 = tpu.vector_load %arg5[%get3A_524, %get3A_525, %get3A_526] {strides = array<i32>} : memref<2x48x512xf32, #tpu.memory_space<vmem>>, vector<1x1x16xf32>,
      %get3A_528 = vector.shape_cast %get3A_527 : vector<1x1x16xf32> to vector<16xf32>
      %get3A_529 = arith.constant 1 : i32
      %get3A_530 = arith.index_cast %get3A_529 : i32 to index
      %get3A_531 = arith.index_cast %scan3A_311 : i32 to index
      %get3A_532 = arith.constant 224 : index
      %get3A_533 = tpu.vector_load %arg6[%get3A_530, %get3A_531, %get3A_532] {strides = array<i32>} : memref<2x48x512xf32, #tpu.memory_space<vmem>>, vector<1x1x16xf32>,
      %get3A_534 = vector.shape_cast %get3A_533 : vector<1x1x16xf32> to vector<16xf32>
      %sub3A_535 = arith.subf %get3A_528, %get3A_534 : vector<16xf32>
      %abs3A_536 = math.absf %sub3A_535 : vector<16xf32>
      %add3A_537 = arith.addf %add3A_477, %abs3A_536 : vector<16xf32>
      %get3A_538 = arith.constant 1 : i32
      %get3A_539 = arith.index_cast %get3A_538 : i32 to index
      %get3A_540 = arith.index_cast %scan3A_311 : i32 to index
      %get3A_541 = arith.constant 240 : index
      %get3A_542 = tpu.vector_load %arg5[%get3A_539, %get3A_540, %get3A_541] {strides = array<i32>} : memref<2x48x512xf32, #tpu.memory_space<vmem>>, vector<1x1x16xf32>,
      %get3A_543 = vector.shape_cast %get3A_542 : vector<1x1x16xf32> to vector<16xf32>
      %get3A_544 = arith.constant 1 : i32
      %get3A_545 = arith.index_cast %get3A_544 : i32 to index
      %get3A_546 = arith.index_cast %scan3A_311 : i32 to index
      %get3A_547 = arith.constant 240 : index
      %get3A_548 = tpu.vector_load %arg6[%get3A_545, %get3A_546, %get3A_547] {strides = array<i32>} : memref<2x48x512xf32, #tpu.memory_space<vmem>>, vector<1x1x16xf32>,
      %get3A_549 = vector.shape_cast %get3A_548 : vector<1x1x16xf32> to vector<16xf32>
      %sub3A_550 = arith.subf %get3A_543, %get3A_549 : vector<16xf32>
      %abs3A_551 = math.absf %sub3A_550 : vector<16xf32>
      %add3A_552 = arith.addf %add3A_492, %abs3A_551 : vector<16xf32>
      %get3A_553 = arith.constant 1 : i32
      %get3A_554 = arith.index_cast %get3A_553 : i32 to index
      %get3A_555 = arith.index_cast %scan3A_311 : i32 to index
      %get3A_556 = arith.constant 256 : index
      %get3A_557 = tpu.vector_load %arg5[%get3A_554, %get3A_555, %get3A_556] {strides = array<i32>} : memref<2x48x512xf32, #tpu.memory_space<vmem>>, vector<1x1x16xf32>,
      %get3A_558 = vector.shape_cast %get3A_557 : vector<1x1x16xf32> to vector<16xf32>
      %get3A_559 = arith.constant 1 : i32
      %get3A_560 = arith.index_cast %get3A_559 : i32 to index
      %get3A_561 = arith.index_cast %scan3A_311 : i32 to index
      %get3A_562 = arith.constant 256 : index
      %get3A_563 = tpu.vector_load %arg6[%get3A_560, %get3A_561, %get3A_562] {strides = array<i32>} : memref<2x48x512xf32, #tpu.memory_space<vmem>>, vector<1x1x16xf32>,
      %get3A_564 = vector.shape_cast %get3A_563 : vector<1x1x16xf32> to vector<16xf32>
      %sub3A_565 = arith.subf %get3A_558, %get3A_564 : vector<16xf32>
      %abs3A_566 = math.absf %sub3A_565 : vector<16xf32>
      %add3A_567 = arith.addf %add3A_507, %abs3A_566 : vector<16xf32>
      %get3A_568 = arith.constant 1 : i32
      %get3A_569 = arith.index_cast %get3A_568 : i32 to index
      %get3A_570 = arith.index_cast %scan3A_311 : i32 to index
      %get3A_571 = arith.constant 272 : index
      %get3A_572 = tpu.vector_load %arg5[%get3A_569, %get3A_570, %get3A_571] {strides = array<i32>} : memref<2x48x512xf32, #tpu.memory_space<vmem>>, vector<1x1x16xf32>,
      %get3A_573 = vector.shape_cast %get3A_572 : vector<1x1x16xf32> to vector<16xf32>
      %get3A_574 = arith.constant 1 : i32
      %get3A_575 = arith.index_cast %get3A_574 : i32 to index
      %get3A_576 = arith.index_cast %scan3A_311 : i32 to index
      %get3A_577 = arith.constant 272 : index
      %get3A_578 = tpu.vector_load %arg6[%get3A_575, %get3A_576, %get3A_577] {strides = array<i32>} : memref<2x48x512xf32, #tpu.memory_space<vmem>>, vector<1x1x16xf32>,
      %get3A_579 = vector.shape_cast %get3A_578 : vector<1x1x16xf32> to vector<16xf32>
      %sub3A_580 = arith.subf %get3A_573, %get3A_579 : vector<16xf32>
      %abs3A_581 = math.absf %sub3A_580 : vector<16xf32>
      %add3A_582 = arith.addf %add3A_522, %abs3A_581 : vector<16xf32>
      %get3A_583 = arith.constant 1 : i32
      %get3A_584 = arith.index_cast %get3A_583 : i32 to index
      %get3A_585 = arith.index_cast %scan3A_311 : i32 to index
      %get3A_586 = arith.constant 288 : index
      %get3A_587 = tpu.vector_load %arg5[%get3A_584, %get3A_585, %get3A_586] {strides = array<i32>} : memref<2x48x512xf32, #tpu.memory_space<vmem>>, vector<1x1x16xf32>,
      %get3A_588 = vector.shape_cast %get3A_587 : vector<1x1x16xf32> to vector<16xf32>
      %get3A_589 = arith.constant 1 : i32
      %get3A_590 = arith.index_cast %get3A_589 : i32 to index
      %get3A_591 = arith.index_cast %scan3A_311 : i32 to index
      %get3A_592 = arith.constant 288 : index
      %get3A_593 = tpu.vector_load %arg6[%get3A_590, %get3A_591, %get3A_592] {strides = array<i32>} : memref<2x48x512xf32, #tpu.memory_space<vmem>>, vector<1x1x16xf32>,
      %get3A_594 = vector.shape_cast %get3A_593 : vector<1x1x16xf32> to vector<16xf32>
      %sub3A_595 = arith.subf %get3A_588, %get3A_594 : vector<16xf32>
      %abs3A_596 = math.absf %sub3A_595 : vector<16xf32>
      %add3A_597 = arith.addf %add3A_537, %abs3A_596 : vector<16xf32>
      %get3A_598 = arith.constant 1 : i32
      %get3A_599 = arith.index_cast %get3A_598 : i32 to index
      %get3A_600 = arith.index_cast %scan3A_311 : i32 to index
      %get3A_601 = arith.constant 304 : index
      %get3A_602 = tpu.vector_load %arg5[%get3A_599, %get3A_600, %get3A_601] {strides = array<i32>} : memref<2x48x512xf32, #tpu.memory_space<vmem>>, vector<1x1x16xf32>,
      %get3A_603 = vector.shape_cast %get3A_602 : vector<1x1x16xf32> to vector<16xf32>
      %get3A_604 = arith.constant 1 : i32
      %get3A_605 = arith.index_cast %get3A_604 : i32 to index
      %get3A_606 = arith.index_cast %scan3A_311 : i32 to index
      %get3A_607 = arith.constant 304 : index
      %get3A_608 = tpu.vector_load %arg6[%get3A_605, %get3A_606, %get3A_607] {strides = array<i32>} : memref<2x48x512xf32, #tpu.memory_space<vmem>>, vector<1x1x16xf32>,
      %get3A_609 = vector.shape_cast %get3A_608 : vector<1x1x16xf32> to vector<16xf32>
      %sub3A_610 = arith.subf %get3A_603, %get3A_609 : vector<16xf32>
      %abs3A_611 = math.absf %sub3A_610 : vector<16xf32>
      %add3A_612 = arith.addf %add3A_552, %abs3A_611 : vector<16xf32>
      %get3A_613 = arith.constant 1 : i32
      %get3A_614 = arith.index_cast %get3A_613 : i32 to index
      %get3A_615 = arith.index_cast %scan3A_311 : i32 to index
      %get3A_616 = arith.constant 320 : index
      %get3A_617 = tpu.vector_load %arg5[%get3A_614, %get3A_615, %get3A_616] {strides = array<i32>} : memref<2x48x512xf32, #tpu.memory_space<vmem>>, vector<1x1x16xf32>,
      %get3A_618 = vector.shape_cast %get3A_617 : vector<1x1x16xf32> to vector<16xf32>
      %get3A_619 = arith.constant 1 : i32
      %get3A_620 = arith.index_cast %get3A_619 : i32 to index
      %get3A_621 = arith.index_cast %scan3A_311 : i32 to index
      %get3A_622 = arith.constant 320 : index
      %get3A_623 = tpu.vector_load %arg6[%get3A_620, %get3A_621, %get3A_622] {strides = array<i32>} : memref<2x48x512xf32, #tpu.memory_space<vmem>>, vector<1x1x16xf32>,
      %get3A_624 = vector.shape_cast %get3A_623 : vector<1x1x16xf32> to vector<16xf32>
      %sub3A_625 = arith.subf %get3A_618, %get3A_624 : vector<16xf32>
      %abs3A_626 = math.absf %sub3A_625 : vector<16xf32>
      %add3A_627 = arith.addf %add3A_567, %abs3A_626 : vector<16xf32>
      %get3A_628 = arith.constant 1 : i32
      %get3A_629 = arith.index_cast %get3A_628 : i32 to index
      %get3A_630 = arith.index_cast %scan3A_311 : i32 to index
      %get3A_631 = arith.constant 336 : index
      %get3A_632 = tpu.vector_load %arg5[%get3A_629, %get3A_630, %get3A_631] {strides = array<i32>} : memref<2x48x512xf32, #tpu.memory_space<vmem>>, vector<1x1x16xf32>,
      %get3A_633 = vector.shape_cast %get3A_632 : vector<1x1x16xf32> to vector<16xf32>
      %get3A_634 = arith.constant 1 : i32
      %get3A_635 = arith.index_cast %get3A_634 : i32 to index
      %get3A_636 = arith.index_cast %scan3A_311 : i32 to index
      %get3A_637 = arith.constant 336 : index
      %get3A_638 = tpu.vector_load %arg6[%get3A_635, %get3A_636, %get3A_637] {strides = array<i32>} : memref<2x48x512xf32, #tpu.memory_space<vmem>>, vector<1x1x16xf32>,
      %get3A_639 = vector.shape_cast %get3A_638 : vector<1x1x16xf32> to vector<16xf32>
      %sub3A_640 = arith.subf %get3A_633, %get3A_639 : vector<16xf32>
      %abs3A_641 = math.absf %sub3A_640 : vector<16xf32>
      %add3A_642 = arith.addf %add3A_582, %abs3A_641 : vector<16xf32>
      %get3A_643 = arith.constant 1 : i32
      %get3A_644 = arith.index_cast %get3A_643 : i32 to index
      %get3A_645 = arith.index_cast %scan3A_311 : i32 to index
      %get3A_646 = arith.constant 352 : index
      %get3A_647 = tpu.vector_load %arg5[%get3A_644, %get3A_645, %get3A_646] {strides = array<i32>} : memref<2x48x512xf32, #tpu.memory_space<vmem>>, vector<1x1x16xf32>,
      %get3A_648 = vector.shape_cast %get3A_647 : vector<1x1x16xf32> to vector<16xf32>
      %get3A_649 = arith.constant 1 : i32
      %get3A_650 = arith.index_cast %get3A_649 : i32 to index
      %get3A_651 = arith.index_cast %scan3A_311 : i32 to index
      %get3A_652 = arith.constant 352 : index
      %get3A_653 = tpu.vector_load %arg6[%get3A_650, %get3A_651, %get3A_652] {strides = array<i32>} : memref<2x48x512xf32, #tpu.memory_space<vmem>>, vector<1x1x16xf32>,
      %get3A_654 = vector.shape_cast %get3A_653 : vector<1x1x16xf32> to vector<16xf32>
      %sub3A_655 = arith.subf %get3A_648, %get3A_654 : vector<16xf32>
      %abs3A_656 = math.absf %sub3A_655 : vector<16xf32>
      %add3A_657 = arith.addf %add3A_597, %abs3A_656 : vector<16xf32>
      %get3A_658 = arith.constant 1 : i32
      %get3A_659 = arith.index_cast %get3A_658 : i32 to index
      %get3A_660 = arith.index_cast %scan3A_311 : i32 to index
      %get3A_661 = arith.constant 368 : index
      %get3A_662 = tpu.vector_load %arg5[%get3A_659, %get3A_660, %get3A_661] {strides = array<i32>} : memref<2x48x512xf32, #tpu.memory_space<vmem>>, vector<1x1x16xf32>,
      %get3A_663 = vector.shape_cast %get3A_662 : vector<1x1x16xf32> to vector<16xf32>
      %get3A_664 = arith.constant 1 : i32
      %get3A_665 = arith.index_cast %get3A_664 : i32 to index
      %get3A_666 = arith.index_cast %scan3A_311 : i32 to index
      %get3A_667 = arith.constant 368 : index
      %get3A_668 = tpu.vector_load %arg6[%get3A_665, %get3A_666, %get3A_667] {strides = array<i32>} : memref<2x48x512xf32, #tpu.memory_space<vmem>>, vector<1x1x16xf32>,
      %get3A_669 = vector.shape_cast %get3A_668 : vector<1x1x16xf32> to vector<16xf32>
      %sub3A_670 = arith.subf %get3A_663, %get3A_669 : vector<16xf32>
      %abs3A_671 = math.absf %sub3A_670 : vector<16xf32>
      %add3A_672 = arith.addf %add3A_612, %abs3A_671 : vector<16xf32>
      %get3A_673 = arith.constant 1 : i32
      %get3A_674 = arith.index_cast %get3A_673 : i32 to index
      %get3A_675 = arith.index_cast %scan3A_311 : i32 to index
      %get3A_676 = arith.constant 384 : index
      %get3A_677 = tpu.vector_load %arg5[%get3A_674, %get3A_675, %get3A_676] {strides = array<i32>} : memref<2x48x512xf32, #tpu.memory_space<vmem>>, vector<1x1x16xf32>,
      %get3A_678 = vector.shape_cast %get3A_677 : vector<1x1x16xf32> to vector<16xf32>
      %get3A_679 = arith.constant 1 : i32
      %get3A_680 = arith.index_cast %get3A_679 : i32 to index
      %get3A_681 = arith.index_cast %scan3A_311 : i32 to index
      %get3A_682 = arith.constant 384 : index
      %get3A_683 = tpu.vector_load %arg6[%get3A_680, %get3A_681, %get3A_682] {strides = array<i32>} : memref<2x48x512xf32, #tpu.memory_space<vmem>>, vector<1x1x16xf32>,
      %get3A_684 = vector.shape_cast %get3A_683 : vector<1x1x16xf32> to vector<16xf32>
      %sub3A_685 = arith.subf %get3A_678, %get3A_684 : vector<16xf32>
      %abs3A_686 = math.absf %sub3A_685 : vector<16xf32>
      %add3A_687 = arith.addf %add3A_627, %abs3A_686 : vector<16xf32>
      %get3A_688 = arith.constant 1 : i32
      %get3A_689 = arith.index_cast %get3A_688 : i32 to index
      %get3A_690 = arith.index_cast %scan3A_311 : i32 to index
      %get3A_691 = arith.constant 400 : index
      %get3A_692 = tpu.vector_load %arg5[%get3A_689, %get3A_690, %get3A_691] {strides = array<i32>} : memref<2x48x512xf32, #tpu.memory_space<vmem>>, vector<1x1x16xf32>,
      %get3A_693 = vector.shape_cast %get3A_692 : vector<1x1x16xf32> to vector<16xf32>
      %get3A_694 = arith.constant 1 : i32
      %get3A_695 = arith.index_cast %get3A_694 : i32 to index
      %get3A_696 = arith.index_cast %scan3A_311 : i32 to index
      %get3A_697 = arith.constant 400 : index
      %get3A_698 = tpu.vector_load %arg6[%get3A_695, %get3A_696, %get3A_697] {strides = array<i32>} : memref<2x48x512xf32, #tpu.memory_space<vmem>>, vector<1x1x16xf32>,
      %get3A_699 = vector.shape_cast %get3A_698 : vector<1x1x16xf32> to vector<16xf32>
      %sub3A_700 = arith.subf %get3A_693, %get3A_699 : vector<16xf32>
      %abs3A_701 = math.absf %sub3A_700 : vector<16xf32>
      %add3A_702 = arith.addf %add3A_642, %abs3A_701 : vector<16xf32>
      %get3A_703 = arith.constant 1 : i32
      %get3A_704 = arith.index_cast %get3A_703 : i32 to index
      %get3A_705 = arith.index_cast %scan3A_311 : i32 to index
      %get3A_706 = arith.constant 416 : index
      %get3A_707 = tpu.vector_load %arg5[%get3A_704, %get3A_705, %get3A_706] {strides = array<i32>} : memref<2x48x512xf32, #tpu.memory_space<vmem>>, vector<1x1x16xf32>,
      %get3A_708 = vector.shape_cast %get3A_707 : vector<1x1x16xf32> to vector<16xf32>
      %get3A_709 = arith.constant 1 : i32
      %get3A_710 = arith.index_cast %get3A_709 : i32 to index
      %get3A_711 = arith.index_cast %scan3A_311 : i32 to index
      %get3A_712 = arith.constant 416 : index
      %get3A_713 = tpu.vector_load %arg6[%get3A_710, %get3A_711, %get3A_712] {strides = array<i32>} : memref<2x48x512xf32, #tpu.memory_space<vmem>>, vector<1x1x16xf32>,
      %get3A_714 = vector.shape_cast %get3A_713 : vector<1x1x16xf32> to vector<16xf32>
      %sub3A_715 = arith.subf %get3A_708, %get3A_714 : vector<16xf32>
      %abs3A_716 = math.absf %sub3A_715 : vector<16xf32>
      %add3A_717 = arith.addf %add3A_657, %abs3A_716 : vector<16xf32>
      %get3A_718 = arith.constant 1 : i32
      %get3A_719 = arith.index_cast %get3A_718 : i32 to index
      %get3A_720 = arith.index_cast %scan3A_311 : i32 to index
      %get3A_721 = arith.constant 432 : index
      %get3A_722 = tpu.vector_load %arg5[%get3A_719, %get3A_720, %get3A_721] {strides = array<i32>} : memref<2x48x512xf32, #tpu.memory_space<vmem>>, vector<1x1x16xf32>,
      %get3A_723 = vector.shape_cast %get3A_722 : vector<1x1x16xf32> to vector<16xf32>
      %get3A_724 = arith.constant 1 : i32
      %get3A_725 = arith.index_cast %get3A_724 : i32 to index
      %get3A_726 = arith.index_cast %scan3A_311 : i32 to index
      %get3A_727 = arith.constant 432 : index
      %get3A_728 = tpu.vector_load %arg6[%get3A_725, %get3A_726, %get3A_727] {strides = array<i32>} : memref<2x48x512xf32, #tpu.memory_space<vmem>>, vector<1x1x16xf32>,
      %get3A_729 = vector.shape_cast %get3A_728 : vector<1x1x16xf32> to vector<16xf32>
      %sub3A_730 = arith.subf %get3A_723, %get3A_729 : vector<16xf32>
      %abs3A_731 = math.absf %sub3A_730 : vector<16xf32>
      %add3A_732 = arith.addf %add3A_672, %abs3A_731 : vector<16xf32>
      %get3A_733 = arith.constant 1 : i32
      %get3A_734 = arith.index_cast %get3A_733 : i32 to index
      %get3A_735 = arith.index_cast %scan3A_311 : i32 to index
      %get3A_736 = arith.constant 448 : index
      %get3A_737 = tpu.vector_load %arg5[%get3A_734, %get3A_735, %get3A_736] {strides = array<i32>} : memref<2x48x512xf32, #tpu.memory_space<vmem>>, vector<1x1x16xf32>,
      %get3A_738 = vector.shape_cast %get3A_737 : vector<1x1x16xf32> to vector<16xf32>
      %get3A_739 = arith.constant 1 : i32
      %get3A_740 = arith.index_cast %get3A_739 : i32 to index
      %get3A_741 = arith.index_cast %scan3A_311 : i32 to index
      %get3A_742 = arith.constant 448 : index
      %get3A_743 = tpu.vector_load %arg6[%get3A_740, %get3A_741, %get3A_742] {strides = array<i32>} : memref<2x48x512xf32, #tpu.memory_space<vmem>>, vector<1x1x16xf32>,
      %get3A_744 = vector.shape_cast %get3A_743 : vector<1x1x16xf32> to vector<16xf32>
      %sub3A_745 = arith.subf %get3A_738, %get3A_744 : vector<16xf32>
      %abs3A_746 = math.absf %sub3A_745 : vector<16xf32>
      %add3A_747 = arith.addf %add3A_687, %abs3A_746 : vector<16xf32>
      %get3A_748 = arith.constant 1 : i32
      %get3A_749 = arith.index_cast %get3A_748 : i32 to index
      %get3A_750 = arith.index_cast %scan3A_311 : i32 to index
      %get3A_751 = arith.constant 464 : index
      %get3A_752 = tpu.vector_load %arg5[%get3A_749, %get3A_750, %get3A_751] {strides = array<i32>} : memref<2x48x512xf32, #tpu.memory_space<vmem>>, vector<1x1x16xf32>,
      %get3A_753 = vector.shape_cast %get3A_752 : vector<1x1x16xf32> to vector<16xf32>
      %get3A_754 = arith.constant 1 : i32
      %get3A_755 = arith.index_cast %get3A_754 : i32 to index
      %get3A_756 = arith.index_cast %scan3A_311 : i32 to index
      %get3A_757 = arith.constant 464 : index
      %get3A_758 = tpu.vector_load %arg6[%get3A_755, %get3A_756, %get3A_757] {strides = array<i32>} : memref<2x48x512xf32, #tpu.memory_space<vmem>>, vector<1x1x16xf32>,
      %get3A_759 = vector.shape_cast %get3A_758 : vector<1x1x16xf32> to vector<16xf32>
      %sub3A_760 = arith.subf %get3A_753, %get3A_759 : vector<16xf32>
      %abs3A_761 = math.absf %sub3A_760 : vector<16xf32>
      %add3A_762 = arith.addf %add3A_702, %abs3A_761 : vector<16xf32>
      %get3A_763 = arith.constant 1 : i32
      %get3A_764 = arith.index_cast %get3A_763 : i32 to index
      %get3A_765 = arith.index_cast %scan3A_311 : i32 to index
      %get3A_766 = arith.constant 480 : index
      %get3A_767 = tpu.vector_load %arg5[%get3A_764, %get3A_765, %get3A_766] {strides = array<i32>} : memref<2x48x512xf32, #tpu.memory_space<vmem>>, vector<1x1x16xf32>,
      %get3A_768 = vector.shape_cast %get3A_767 : vector<1x1x16xf32> to vector<16xf32>
      %get3A_769 = arith.constant 1 : i32
      %get3A_770 = arith.index_cast %get3A_769 : i32 to index
      %get3A_771 = arith.index_cast %scan3A_311 : i32 to index
      %get3A_772 = arith.constant 480 : index
      %get3A_773 = tpu.vector_load %arg6[%get3A_770, %get3A_771, %get3A_772] {strides = array<i32>} : memref<2x48x512xf32, #tpu.memory_space<vmem>>, vector<1x1x16xf32>,
      %get3A_774 = vector.shape_cast %get3A_773 : vector<1x1x16xf32> to vector<16xf32>
      %sub3A_775 = arith.subf %get3A_768, %get3A_774 : vector<16xf32>
      %abs3A_776 = math.absf %sub3A_775 : vector<16xf32>
      %add3A_777 = arith.addf %add3A_717, %abs3A_776 : vector<16xf32>
      %get3A_778 = arith.constant 1 : i32
      %get3A_779 = arith.index_cast %get3A_778 : i32 to index
      %get3A_780 = arith.index_cast %scan3A_311 : i32 to index
      %get3A_781 = arith.constant 496 : index
      %get3A_782 = tpu.vector_load %arg5[%get3A_779, %get3A_780, %get3A_781] {strides = array<i32>} : memref<2x48x512xf32, #tpu.memory_space<vmem>>, vector<1x1x16xf32>,
      %get3A_783 = vector.shape_cast %get3A_782 : vector<1x1x16xf32> to vector<16xf32>
      %get3A_784 = arith.constant 1 : i32
      %get3A_785 = arith.index_cast %get3A_784 : i32 to index
      %get3A_786 = arith.index_cast %scan3A_311 : i32 to index
      %get3A_787 = arith.constant 496 : index
      %get3A_788 = tpu.vector_load %arg6[%get3A_785, %get3A_786, %get3A_787] {strides = array<i32>} : memref<2x48x512xf32, #tpu.memory_space<vmem>>, vector<1x1x16xf32>,
      %get3A_789 = vector.shape_cast %get3A_788 : vector<1x1x16xf32> to vector<16xf32>
      %sub3A_790 = arith.subf %get3A_783, %get3A_789 : vector<16xf32>
      %abs3A_791 = math.absf %sub3A_790 : vector<16xf32>
      %add3A_792 = arith.addf %add3A_732, %abs3A_791 : vector<16xf32>
      scf.yield %add3A_747, %add3A_762, %add3A_777, %add3A_792 : vector<16xf32>, vector<16xf32>, vector<16xf32>, vector<16xf32>
    }
    %scan3A_304 = arith.constant 48 : i32
    %add3A_305 = arith.addf %scan3A_303#0, %scan3A_303#1 : vector<16xf32>
    %add3A_306 = arith.addf %scan3A_303#2, %scan3A_303#3 : vector<16xf32>
    %add3A_307 = arith.addf %add3A_305, %add3A_306 : vector<16xf32>
    %swap3A = arith.constant 0 : index
    %swap3A_308 = tpu.vector_load %arg7[%swap3A] {strides = array<i32>} : memref<16xf32, #tpu.memory_space<vmem>>, vector<16xf32>,
    %swap3A_309 = vector.shape_cast %swap3A_308 : vector<16xf32> to vector<16xf32>
    %swap3A_310 = vector.shape_cast %add3A_307 : vector<16xf32> to vector<16xf32>
    tpu.vector_store %arg7[%swap3A], %swap3A_310 {strides = array<i32>} : memref<16xf32, #tpu.memory_space<vmem>>, vector<16xf32>,
    "tpu.region"() ({
      %run_scoped3A = tpu.sem_alloc : memref<!tpu.dma_semaphore, #tpu.memory_space<semaphore_mem>>
      %dma_start3A_311 = arith.constant 0 : i32
      %dma_start3A_312 = tpu.memref_slice %arg4[%add3A, %dma_start3A_311] : memref<32x16xf32, #tpu.memory_space<hbm>> -> memref<1x16xf32, #tpu.memory_space<hbm>>
      %dma_start3A_313 = tpu.memref_squeeze %dma_start3A_312 : memref<1x16xf32, #tpu.memory_space<hbm>> -> memref<16xf32, #tpu.memory_space<hbm>>
      %dma_start3A_314 = arith.constant 0 : i32
      %dma_start3A_315 = tpu.memref_slice %arg4[%add3A, %dma_start3A_314] : memref<32x16xf32, #tpu.memory_space<hbm>> -> memref<1x16xf32, #tpu.memory_space<hbm>>
      %dma_start3A_316 = tpu.memref_squeeze %dma_start3A_315 : memref<1x16xf32, #tpu.memory_space<hbm>> -> memref<16xf32, #tpu.memory_space<hbm>>
      tpu.enqueue_dma source(%arg7 : memref<16xf32, #tpu.memory_space<vmem>>) target(%dma_start3A_316 : memref<16xf32, #tpu.memory_space<hbm>>) target_semaphore(%run_scoped3A : memref<!tpu.dma_semaphore, #tpu.memory_space<semaphore_mem>>)
      %dma_wait3A_317 = arith.constant 0 : i32
      %dma_wait3A_318 = tpu.memref_slice %arg4[%add3A, %dma_wait3A_317] : memref<32x16xf32, #tpu.memory_space<hbm>> -> memref<1x16xf32, #tpu.memory_space<hbm>>
      %dma_wait3A_319 = tpu.memref_squeeze %dma_wait3A_318 : memref<1x16xf32, #tpu.memory_space<hbm>> -> memref<16xf32, #tpu.memory_space<hbm>>
      %dma_wait3A_320 = arith.constant 0 : i32
      %dma_wait3A_321 = tpu.memref_slice %arg4[%add3A, %dma_wait3A_320] : memref<32x16xf32, #tpu.memory_space<hbm>> -> memref<1x16xf32, #tpu.memory_space<hbm>>
      %dma_wait3A_322 = tpu.memref_squeeze %dma_wait3A_321 : memref<1x16xf32, #tpu.memory_space<hbm>> -> memref<16xf32, #tpu.memory_space<hbm>>
      tpu.wait_dma2 semaphore(%run_scoped3A : memref<!tpu.dma_semaphore, #tpu.memory_space<semaphore_mem>>) src(%arg7 : memref<16xf32, #tpu.memory_space<vmem>>) dst(%dma_wait3A_322 : memref<16xf32, #tpu.memory_space<hbm>>)
      tpu.yield
    }) : () -> ()
    return
  }
}

module attributes {stable_mosaic.version = 14 : i64} {
  func.func @_tc_absdiff(%arg0: memref<24576x512xf32, #tpu.memory_space<any>>, %arg1: memref<24576x512xf32, #tpu.memory_space<any>>, %arg2: memref<1x1xf32, #tpu.memory_space<smem>>, %arg3: memref<4x1024x512xf32, #tpu.memory_space<vmem>>, %arg4: memref<4x1024x512xf32, #tpu.memory_space<vmem>>, %arg5: memref<4x!tpu.dma_semaphore, #tpu.memory_space<semaphore_mem>>, %arg6: memref<4x!tpu.dma_semaphore, #tpu.memory_space<semaphore_mem>>) attributes {dimension_semantics = [], scalar_prefetch = 0 : i64, scratch_operands = 4 : i64, tpu.core_type = #tpu.core_type<tc>} {
    %dma_start3A = arith.constant 0 : i32
    %dma_start3A_0 = arith.constant 0 : i32
    %dma_start3A_1 = tpu.memref_slice %arg5[%dma_start3A_0] : memref<4x!tpu.dma_semaphore, #tpu.memory_space<semaphore_mem>> -> memref<1x!tpu.dma_semaphore, #tpu.memory_space<semaphore_mem>>
    %dma_start3A_2 = tpu.memref_squeeze %dma_start3A_1 : memref<1x!tpu.dma_semaphore, #tpu.memory_space<semaphore_mem>> -> memref<!tpu.dma_semaphore, #tpu.memory_space<semaphore_mem>>
    %dma_start3A_3 = arith.constant 0 : i32
    %dma_start3A_4 = arith.constant 0 : i32
    %dma_start3A_5 = tpu.memref_slice %arg3[%dma_start3A, %dma_start3A_3, %dma_start3A_4] : memref<4x1024x512xf32, #tpu.memory_space<vmem>> -> memref<1x1024x512xf32, #tpu.memory_space<vmem>>
    %dma_start3A_6 = tpu.memref_squeeze %dma_start3A_5 : memref<1x1024x512xf32, #tpu.memory_space<vmem>> -> memref<1024x512xf32, #tpu.memory_space<vmem>>
    %dma_start3A_7 = arith.constant 0 : i32
    %dma_start3A_8 = arith.constant 0 : i32
    %dma_start3A_9 = tpu.memref_slice %arg0[%dma_start3A_7, %dma_start3A_8] : memref<24576x512xf32, #tpu.memory_space<any>> -> memref<1024x512xf32, #tpu.memory_space<any>>
    tpu.enqueue_dma source(%dma_start3A_9 : memref<1024x512xf32, #tpu.memory_space<any>>) target(%dma_start3A_6 : memref<1024x512xf32, #tpu.memory_space<vmem>>) target_semaphore(%dma_start3A_2 : memref<!tpu.dma_semaphore, #tpu.memory_space<semaphore_mem>>)
    %dma_start3A_10 = arith.constant 0 : i32
    %dma_start3A_11 = arith.constant 0 : i32
    %dma_start3A_12 = tpu.memref_slice %arg6[%dma_start3A_11] : memref<4x!tpu.dma_semaphore, #tpu.memory_space<semaphore_mem>> -> memref<1x!tpu.dma_semaphore, #tpu.memory_space<semaphore_mem>>
    %dma_start3A_13 = tpu.memref_squeeze %dma_start3A_12 : memref<1x!tpu.dma_semaphore, #tpu.memory_space<semaphore_mem>> -> memref<!tpu.dma_semaphore, #tpu.memory_space<semaphore_mem>>
    %dma_start3A_14 = arith.constant 0 : i32
    %dma_start3A_15 = arith.constant 0 : i32
    %dma_start3A_16 = tpu.memref_slice %arg4[%dma_start3A_10, %dma_start3A_14, %dma_start3A_15] : memref<4x1024x512xf32, #tpu.memory_space<vmem>> -> memref<1x1024x512xf32, #tpu.memory_space<vmem>>
    %dma_start3A_17 = tpu.memref_squeeze %dma_start3A_16 : memref<1x1024x512xf32, #tpu.memory_space<vmem>> -> memref<1024x512xf32, #tpu.memory_space<vmem>>
    %dma_start3A_18 = arith.constant 0 : i32
    %dma_start3A_19 = arith.constant 0 : i32
    %dma_start3A_20 = tpu.memref_slice %arg1[%dma_start3A_18, %dma_start3A_19] : memref<24576x512xf32, #tpu.memory_space<any>> -> memref<1024x512xf32, #tpu.memory_space<any>>
    tpu.enqueue_dma source(%dma_start3A_20 : memref<1024x512xf32, #tpu.memory_space<any>>) target(%dma_start3A_17 : memref<1024x512xf32, #tpu.memory_space<vmem>>) target_semaphore(%dma_start3A_13 : memref<!tpu.dma_semaphore, #tpu.memory_space<semaphore_mem>>)
    %dma_start3A_21 = arith.constant 1 : i32
    %dma_start3A_22 = arith.constant 1 : i32
    %dma_start3A_23 = tpu.memref_slice %arg5[%dma_start3A_22] : memref<4x!tpu.dma_semaphore, #tpu.memory_space<semaphore_mem>> -> memref<1x!tpu.dma_semaphore, #tpu.memory_space<semaphore_mem>>
    %dma_start3A_24 = tpu.memref_squeeze %dma_start3A_23 : memref<1x!tpu.dma_semaphore, #tpu.memory_space<semaphore_mem>> -> memref<!tpu.dma_semaphore, #tpu.memory_space<semaphore_mem>>
    %dma_start3A_25 = arith.constant 0 : i32
    %dma_start3A_26 = arith.constant 0 : i32
    %dma_start3A_27 = tpu.memref_slice %arg3[%dma_start3A_21, %dma_start3A_25, %dma_start3A_26] : memref<4x1024x512xf32, #tpu.memory_space<vmem>> -> memref<1x1024x512xf32, #tpu.memory_space<vmem>>
    %dma_start3A_28 = tpu.memref_squeeze %dma_start3A_27 : memref<1x1024x512xf32, #tpu.memory_space<vmem>> -> memref<1024x512xf32, #tpu.memory_space<vmem>>
    %dma_start3A_29 = arith.constant 1024 : i32
    %dma_start3A_30 = arith.constant 0 : i32
    %dma_start3A_31 = tpu.memref_slice %arg0[%dma_start3A_29, %dma_start3A_30] : memref<24576x512xf32, #tpu.memory_space<any>> -> memref<1024x512xf32, #tpu.memory_space<any>>
    tpu.enqueue_dma source(%dma_start3A_31 : memref<1024x512xf32, #tpu.memory_space<any>>) target(%dma_start3A_28 : memref<1024x512xf32, #tpu.memory_space<vmem>>) target_semaphore(%dma_start3A_24 : memref<!tpu.dma_semaphore, #tpu.memory_space<semaphore_mem>>)
    %dma_start3A_32 = arith.constant 1 : i32
    %dma_start3A_33 = arith.constant 1 : i32
    %dma_start3A_34 = tpu.memref_slice %arg6[%dma_start3A_33] : memref<4x!tpu.dma_semaphore, #tpu.memory_space<semaphore_mem>> -> memref<1x!tpu.dma_semaphore, #tpu.memory_space<semaphore_mem>>
    %dma_start3A_35 = tpu.memref_squeeze %dma_start3A_34 : memref<1x!tpu.dma_semaphore, #tpu.memory_space<semaphore_mem>> -> memref<!tpu.dma_semaphore, #tpu.memory_space<semaphore_mem>>
    %dma_start3A_36 = arith.constant 0 : i32
    %dma_start3A_37 = arith.constant 0 : i32
    %dma_start3A_38 = tpu.memref_slice %arg4[%dma_start3A_32, %dma_start3A_36, %dma_start3A_37] : memref<4x1024x512xf32, #tpu.memory_space<vmem>> -> memref<1x1024x512xf32, #tpu.memory_space<vmem>>
    %dma_start3A_39 = tpu.memref_squeeze %dma_start3A_38 : memref<1x1024x512xf32, #tpu.memory_space<vmem>> -> memref<1024x512xf32, #tpu.memory_space<vmem>>
    %dma_start3A_40 = arith.constant 1024 : i32
    %dma_start3A_41 = arith.constant 0 : i32
    %dma_start3A_42 = tpu.memref_slice %arg1[%dma_start3A_40, %dma_start3A_41] : memref<24576x512xf32, #tpu.memory_space<any>> -> memref<1024x512xf32, #tpu.memory_space<any>>
    tpu.enqueue_dma source(%dma_start3A_42 : memref<1024x512xf32, #tpu.memory_space<any>>) target(%dma_start3A_39 : memref<1024x512xf32, #tpu.memory_space<vmem>>) target_semaphore(%dma_start3A_35 : memref<!tpu.dma_semaphore, #tpu.memory_space<semaphore_mem>>)
    %dma_start3A_43 = arith.constant 2 : i32
    %dma_start3A_44 = arith.constant 2 : i32
    %dma_start3A_45 = tpu.memref_slice %arg5[%dma_start3A_44] : memref<4x!tpu.dma_semaphore, #tpu.memory_space<semaphore_mem>> -> memref<1x!tpu.dma_semaphore, #tpu.memory_space<semaphore_mem>>
    %dma_start3A_46 = tpu.memref_squeeze %dma_start3A_45 : memref<1x!tpu.dma_semaphore, #tpu.memory_space<semaphore_mem>> -> memref<!tpu.dma_semaphore, #tpu.memory_space<semaphore_mem>>
    %dma_start3A_47 = arith.constant 0 : i32
    %dma_start3A_48 = arith.constant 0 : i32
    %dma_start3A_49 = tpu.memref_slice %arg3[%dma_start3A_43, %dma_start3A_47, %dma_start3A_48] : memref<4x1024x512xf32, #tpu.memory_space<vmem>> -> memref<1x1024x512xf32, #tpu.memory_space<vmem>>
    %dma_start3A_50 = tpu.memref_squeeze %dma_start3A_49 : memref<1x1024x512xf32, #tpu.memory_space<vmem>> -> memref<1024x512xf32, #tpu.memory_space<vmem>>
    %dma_start3A_51 = arith.constant 2048 : i32
    %dma_start3A_52 = arith.constant 0 : i32
    %dma_start3A_53 = tpu.memref_slice %arg0[%dma_start3A_51, %dma_start3A_52] : memref<24576x512xf32, #tpu.memory_space<any>> -> memref<1024x512xf32, #tpu.memory_space<any>>
    tpu.enqueue_dma source(%dma_start3A_53 : memref<1024x512xf32, #tpu.memory_space<any>>) target(%dma_start3A_50 : memref<1024x512xf32, #tpu.memory_space<vmem>>) target_semaphore(%dma_start3A_46 : memref<!tpu.dma_semaphore, #tpu.memory_space<semaphore_mem>>)
    %dma_start3A_54 = arith.constant 2 : i32
    %dma_start3A_55 = arith.constant 2 : i32
    %dma_start3A_56 = tpu.memref_slice %arg6[%dma_start3A_55] : memref<4x!tpu.dma_semaphore, #tpu.memory_space<semaphore_mem>> -> memref<1x!tpu.dma_semaphore, #tpu.memory_space<semaphore_mem>>
    %dma_start3A_57 = tpu.memref_squeeze %dma_start3A_56 : memref<1x!tpu.dma_semaphore, #tpu.memory_space<semaphore_mem>> -> memref<!tpu.dma_semaphore, #tpu.memory_space<semaphore_mem>>
    %dma_start3A_58 = arith.constant 0 : i32
    %dma_start3A_59 = arith.constant 0 : i32
    %dma_start3A_60 = tpu.memref_slice %arg4[%dma_start3A_54, %dma_start3A_58, %dma_start3A_59] : memref<4x1024x512xf32, #tpu.memory_space<vmem>> -> memref<1x1024x512xf32, #tpu.memory_space<vmem>>
    %dma_start3A_61 = tpu.memref_squeeze %dma_start3A_60 : memref<1x1024x512xf32, #tpu.memory_space<vmem>> -> memref<1024x512xf32, #tpu.memory_space<vmem>>
    %dma_start3A_62 = arith.constant 2048 : i32
    %dma_start3A_63 = arith.constant 0 : i32
    %dma_start3A_64 = tpu.memref_slice %arg1[%dma_start3A_62, %dma_start3A_63] : memref<24576x512xf32, #tpu.memory_space<any>> -> memref<1024x512xf32, #tpu.memory_space<any>>
    tpu.enqueue_dma source(%dma_start3A_64 : memref<1024x512xf32, #tpu.memory_space<any>>) target(%dma_start3A_61 : memref<1024x512xf32, #tpu.memory_space<vmem>>) target_semaphore(%dma_start3A_57 : memref<!tpu.dma_semaphore, #tpu.memory_space<semaphore_mem>>)
    %dma_start3A_65 = arith.constant 3 : i32
    %dma_start3A_66 = arith.constant 3 : i32
    %dma_start3A_67 = tpu.memref_slice %arg5[%dma_start3A_66] : memref<4x!tpu.dma_semaphore, #tpu.memory_space<semaphore_mem>> -> memref<1x!tpu.dma_semaphore, #tpu.memory_space<semaphore_mem>>
    %dma_start3A_68 = tpu.memref_squeeze %dma_start3A_67 : memref<1x!tpu.dma_semaphore, #tpu.memory_space<semaphore_mem>> -> memref<!tpu.dma_semaphore, #tpu.memory_space<semaphore_mem>>
    %dma_start3A_69 = arith.constant 0 : i32
    %dma_start3A_70 = arith.constant 0 : i32
    %dma_start3A_71 = tpu.memref_slice %arg3[%dma_start3A_65, %dma_start3A_69, %dma_start3A_70] : memref<4x1024x512xf32, #tpu.memory_space<vmem>> -> memref<1x1024x512xf32, #tpu.memory_space<vmem>>
    %dma_start3A_72 = tpu.memref_squeeze %dma_start3A_71 : memref<1x1024x512xf32, #tpu.memory_space<vmem>> -> memref<1024x512xf32, #tpu.memory_space<vmem>>
    %dma_start3A_73 = arith.constant 3072 : i32
    %dma_start3A_74 = arith.constant 0 : i32
    %dma_start3A_75 = tpu.memref_slice %arg0[%dma_start3A_73, %dma_start3A_74] : memref<24576x512xf32, #tpu.memory_space<any>> -> memref<1024x512xf32, #tpu.memory_space<any>>
    tpu.enqueue_dma source(%dma_start3A_75 : memref<1024x512xf32, #tpu.memory_space<any>>) target(%dma_start3A_72 : memref<1024x512xf32, #tpu.memory_space<vmem>>) target_semaphore(%dma_start3A_68 : memref<!tpu.dma_semaphore, #tpu.memory_space<semaphore_mem>>)
    %dma_start3A_76 = arith.constant 3 : i32
    %dma_start3A_77 = arith.constant 3 : i32
    %dma_start3A_78 = tpu.memref_slice %arg6[%dma_start3A_77] : memref<4x!tpu.dma_semaphore, #tpu.memory_space<semaphore_mem>> -> memref<1x!tpu.dma_semaphore, #tpu.memory_space<semaphore_mem>>
    %dma_start3A_79 = tpu.memref_squeeze %dma_start3A_78 : memref<1x!tpu.dma_semaphore, #tpu.memory_space<semaphore_mem>> -> memref<!tpu.dma_semaphore, #tpu.memory_space<semaphore_mem>>
    %dma_start3A_80 = arith.constant 0 : i32
    %dma_start3A_81 = arith.constant 0 : i32
    %dma_start3A_82 = tpu.memref_slice %arg4[%dma_start3A_76, %dma_start3A_80, %dma_start3A_81] : memref<4x1024x512xf32, #tpu.memory_space<vmem>> -> memref<1x1024x512xf32, #tpu.memory_space<vmem>>
    %dma_start3A_83 = tpu.memref_squeeze %dma_start3A_82 : memref<1x1024x512xf32, #tpu.memory_space<vmem>> -> memref<1024x512xf32, #tpu.memory_space<vmem>>
    %dma_start3A_84 = arith.constant 3072 : i32
    %dma_start3A_85 = arith.constant 0 : i32
    %dma_start3A_86 = tpu.memref_slice %arg1[%dma_start3A_84, %dma_start3A_85] : memref<24576x512xf32, #tpu.memory_space<any>> -> memref<1024x512xf32, #tpu.memory_space<any>>
    tpu.enqueue_dma source(%dma_start3A_86 : memref<1024x512xf32, #tpu.memory_space<any>>) target(%dma_start3A_83 : memref<1024x512xf32, #tpu.memory_space<vmem>>) target_semaphore(%dma_start3A_79 : memref<!tpu.dma_semaphore, #tpu.memory_space<semaphore_mem>>)
    %broadcast_in_dim3A = arith.constant 0.000000e+00 : f32
    %broadcast_in_dim3A_87 = vector.broadcast %broadcast_in_dim3A : f32 to vector<8x128xf32>
    %dma_wait3A = arith.constant 0 : i32
    %dma_wait3A_88 = arith.constant 0 : i32
    %dma_wait3A_89 = tpu.memref_slice %arg5[%dma_wait3A_88] : memref<4x!tpu.dma_semaphore, #tpu.memory_space<semaphore_mem>> -> memref<1x!tpu.dma_semaphore, #tpu.memory_space<semaphore_mem>>
    %dma_wait3A_90 = tpu.memref_squeeze %dma_wait3A_89 : memref<1x!tpu.dma_semaphore, #tpu.memory_space<semaphore_mem>> -> memref<!tpu.dma_semaphore, #tpu.memory_space<semaphore_mem>>
    %dma_wait3A_91 = arith.constant 0 : i32
    %dma_wait3A_92 = arith.constant 0 : i32
    %dma_wait3A_93 = tpu.memref_slice %arg3[%dma_wait3A, %dma_wait3A_91, %dma_wait3A_92] : memref<4x1024x512xf32, #tpu.memory_space<vmem>> -> memref<1x1024x512xf32, #tpu.memory_space<vmem>>
    %dma_wait3A_94 = tpu.memref_squeeze %dma_wait3A_93 : memref<1x1024x512xf32, #tpu.memory_space<vmem>> -> memref<1024x512xf32, #tpu.memory_space<vmem>>
    %dma_wait3A_95 = arith.constant 0 : i32
    %dma_wait3A_96 = arith.constant 0 : i32
    %dma_wait3A_97 = tpu.memref_slice %arg0[%dma_wait3A_95, %dma_wait3A_96] : memref<24576x512xf32, #tpu.memory_space<any>> -> memref<1024x512xf32, #tpu.memory_space<any>>
    tpu.wait_dma2 semaphore(%dma_wait3A_90 : memref<!tpu.dma_semaphore, #tpu.memory_space<semaphore_mem>>) src(%dma_wait3A_97 : memref<1024x512xf32, #tpu.memory_space<any>>) dst(%dma_wait3A_94 : memref<1024x512xf32, #tpu.memory_space<vmem>>)
    %dma_wait3A_98 = arith.constant 0 : i32
    %dma_wait3A_99 = arith.constant 0 : i32
    %dma_wait3A_100 = tpu.memref_slice %arg6[%dma_wait3A_99] : memref<4x!tpu.dma_semaphore, #tpu.memory_space<semaphore_mem>> -> memref<1x!tpu.dma_semaphore, #tpu.memory_space<semaphore_mem>>
    %dma_wait3A_101 = tpu.memref_squeeze %dma_wait3A_100 : memref<1x!tpu.dma_semaphore, #tpu.memory_space<semaphore_mem>> -> memref<!tpu.dma_semaphore, #tpu.memory_space<semaphore_mem>>
    %dma_wait3A_102 = arith.constant 0 : i32
    %dma_wait3A_103 = arith.constant 0 : i32
    %dma_wait3A_104 = tpu.memref_slice %arg4[%dma_wait3A_98, %dma_wait3A_102, %dma_wait3A_103] : memref<4x1024x512xf32, #tpu.memory_space<vmem>> -> memref<1x1024x512xf32, #tpu.memory_space<vmem>>
    %dma_wait3A_105 = tpu.memref_squeeze %dma_wait3A_104 : memref<1x1024x512xf32, #tpu.memory_space<vmem>> -> memref<1024x512xf32, #tpu.memory_space<vmem>>
    %dma_wait3A_106 = arith.constant 0 : i32
    %dma_wait3A_107 = arith.constant 0 : i32
    %dma_wait3A_108 = tpu.memref_slice %arg1[%dma_wait3A_106, %dma_wait3A_107] : memref<24576x512xf32, #tpu.memory_space<any>> -> memref<1024x512xf32, #tpu.memory_space<any>>
    tpu.wait_dma2 semaphore(%dma_wait3A_101 : memref<!tpu.dma_semaphore, #tpu.memory_space<semaphore_mem>>) src(%dma_wait3A_108 : memref<1024x512xf32, #tpu.memory_space<any>>) dst(%dma_wait3A_105 : memref<1024x512xf32, #tpu.memory_space<vmem>>)
    %get3A = arith.constant 0 : index
    %get3A_109 = arith.constant 0 : index
    %get3A_110 = arith.constant 0 : index
    %get3A_111 = vector.load %arg3[%get3A, %get3A_109, %get3A_110] : memref<4x1024x512xf32, #tpu.memory_space<vmem>>, vector<1x1024x512xf32>
    %get3A_112 = vector.shape_cast %get3A_111 : vector<1x1024x512xf32> to vector<1024x512xf32>
    %get3A_113 = arith.constant 0 : index
    %get3A_114 = arith.constant 0 : index
    %get3A_115 = arith.constant 0 : index
    %get3A_116 = vector.load %arg4[%get3A_113, %get3A_114, %get3A_115] : memref<4x1024x512xf32, #tpu.memory_space<vmem>>, vector<1x1024x512xf32>
    %get3A_117 = vector.shape_cast %get3A_116 : vector<1x1024x512xf32> to vector<1024x512xf32>
    %sub3A = arith.subf %get3A_112, %get3A_117 : vector<1024x512xf32>
    %abs3A = math.absf %sub3A : vector<1024x512xf32>
    %reshape3A = vector.shape_cast %abs3A : vector<1024x512xf32> to vector<512x8x128xf32>
    %reduce_sum3A = arith.constant dense<0.000000e+00> : vector<8x128xf32>
    %reduce_sum3A_118 = vector.multi_reduction <add>, %reshape3A, %reduce_sum3A [0] : vector<512x8x128xf32> to vector<8x128xf32>
    %add3A = arith.addf %broadcast_in_dim3A_87, %reduce_sum3A_118 : vector<8x128xf32>
    %dma_start3A_119 = arith.constant 0 : i32
    %dma_start3A_120 = arith.constant 0 : i32
    %dma_start3A_121 = tpu.memref_slice %arg5[%dma_start3A_120] : memref<4x!tpu.dma_semaphore, #tpu.memory_space<semaphore_mem>> -> memref<1x!tpu.dma_semaphore, #tpu.memory_space<semaphore_mem>>
    %dma_start3A_122 = tpu.memref_squeeze %dma_start3A_121 : memref<1x!tpu.dma_semaphore, #tpu.memory_space<semaphore_mem>> -> memref<!tpu.dma_semaphore, #tpu.memory_space<semaphore_mem>>
    %dma_start3A_123 = arith.constant 0 : i32
    %dma_start3A_124 = arith.constant 0 : i32
    %dma_start3A_125 = tpu.memref_slice %arg3[%dma_start3A_119, %dma_start3A_123, %dma_start3A_124] : memref<4x1024x512xf32, #tpu.memory_space<vmem>> -> memref<1x1024x512xf32, #tpu.memory_space<vmem>>
    %dma_start3A_126 = tpu.memref_squeeze %dma_start3A_125 : memref<1x1024x512xf32, #tpu.memory_space<vmem>> -> memref<1024x512xf32, #tpu.memory_space<vmem>>
    %dma_start3A_127 = arith.constant 4096 : i32
    %dma_start3A_128 = arith.constant 0 : i32
    %dma_start3A_129 = tpu.memref_slice %arg0[%dma_start3A_127, %dma_start3A_128] : memref<24576x512xf32, #tpu.memory_space<any>> -> memref<1024x512xf32, #tpu.memory_space<any>>
    tpu.enqueue_dma source(%dma_start3A_129 : memref<1024x512xf32, #tpu.memory_space<any>>) target(%dma_start3A_126 : memref<1024x512xf32, #tpu.memory_space<vmem>>) target_semaphore(%dma_start3A_122 : memref<!tpu.dma_semaphore, #tpu.memory_space<semaphore_mem>>)
    %dma_start3A_130 = arith.constant 0 : i32
    %dma_start3A_131 = arith.constant 0 : i32
    %dma_start3A_132 = tpu.memref_slice %arg6[%dma_start3A_131] : memref<4x!tpu.dma_semaphore, #tpu.memory_space<semaphore_mem>> -> memref<1x!tpu.dma_semaphore, #tpu.memory_space<semaphore_mem>>
    %dma_start3A_133 = tpu.memref_squeeze %dma_start3A_132 : memref<1x!tpu.dma_semaphore, #tpu.memory_space<semaphore_mem>> -> memref<!tpu.dma_semaphore, #tpu.memory_space<semaphore_mem>>
    %dma_start3A_134 = arith.constant 0 : i32
    %dma_start3A_135 = arith.constant 0 : i32
    %dma_start3A_136 = tpu.memref_slice %arg4[%dma_start3A_130, %dma_start3A_134, %dma_start3A_135] : memref<4x1024x512xf32, #tpu.memory_space<vmem>> -> memref<1x1024x512xf32, #tpu.memory_space<vmem>>
    %dma_start3A_137 = tpu.memref_squeeze %dma_start3A_136 : memref<1x1024x512xf32, #tpu.memory_space<vmem>> -> memref<1024x512xf32, #tpu.memory_space<vmem>>
    %dma_start3A_138 = arith.constant 4096 : i32
    %dma_start3A_139 = arith.constant 0 : i32
    %dma_start3A_140 = tpu.memref_slice %arg1[%dma_start3A_138, %dma_start3A_139] : memref<24576x512xf32, #tpu.memory_space<any>> -> memref<1024x512xf32, #tpu.memory_space<any>>
    tpu.enqueue_dma source(%dma_start3A_140 : memref<1024x512xf32, #tpu.memory_space<any>>) target(%dma_start3A_137 : memref<1024x512xf32, #tpu.memory_space<vmem>>) target_semaphore(%dma_start3A_133 : memref<!tpu.dma_semaphore, #tpu.memory_space<semaphore_mem>>)
    %dma_wait3A_141 = arith.constant 1 : i32
    %dma_wait3A_142 = arith.constant 1 : i32
    %dma_wait3A_143 = tpu.memref_slice %arg5[%dma_wait3A_142] : memref<4x!tpu.dma_semaphore, #tpu.memory_space<semaphore_mem>> -> memref<1x!tpu.dma_semaphore, #tpu.memory_space<semaphore_mem>>
    %dma_wait3A_144 = tpu.memref_squeeze %dma_wait3A_143 : memref<1x!tpu.dma_semaphore, #tpu.memory_space<semaphore_mem>> -> memref<!tpu.dma_semaphore, #tpu.memory_space<semaphore_mem>>
    %dma_wait3A_145 = arith.constant 0 : i32
    %dma_wait3A_146 = arith.constant 0 : i32
    %dma_wait3A_147 = tpu.memref_slice %arg3[%dma_wait3A_141, %dma_wait3A_145, %dma_wait3A_146] : memref<4x1024x512xf32, #tpu.memory_space<vmem>> -> memref<1x1024x512xf32, #tpu.memory_space<vmem>>
    %dma_wait3A_148 = tpu.memref_squeeze %dma_wait3A_147 : memref<1x1024x512xf32, #tpu.memory_space<vmem>> -> memref<1024x512xf32, #tpu.memory_space<vmem>>
    %dma_wait3A_149 = arith.constant 1024 : i32
    %dma_wait3A_150 = arith.constant 0 : i32
    %dma_wait3A_151 = tpu.memref_slice %arg0[%dma_wait3A_149, %dma_wait3A_150] : memref<24576x512xf32, #tpu.memory_space<any>> -> memref<1024x512xf32, #tpu.memory_space<any>>
    tpu.wait_dma2 semaphore(%dma_wait3A_144 : memref<!tpu.dma_semaphore, #tpu.memory_space<semaphore_mem>>) src(%dma_wait3A_151 : memref<1024x512xf32, #tpu.memory_space<any>>) dst(%dma_wait3A_148 : memref<1024x512xf32, #tpu.memory_space<vmem>>)
    %dma_wait3A_152 = arith.constant 1 : i32
    %dma_wait3A_153 = arith.constant 1 : i32
    %dma_wait3A_154 = tpu.memref_slice %arg6[%dma_wait3A_153] : memref<4x!tpu.dma_semaphore, #tpu.memory_space<semaphore_mem>> -> memref<1x!tpu.dma_semaphore, #tpu.memory_space<semaphore_mem>>
    %dma_wait3A_155 = tpu.memref_squeeze %dma_wait3A_154 : memref<1x!tpu.dma_semaphore, #tpu.memory_space<semaphore_mem>> -> memref<!tpu.dma_semaphore, #tpu.memory_space<semaphore_mem>>
    %dma_wait3A_156 = arith.constant 0 : i32
    %dma_wait3A_157 = arith.constant 0 : i32
    %dma_wait3A_158 = tpu.memref_slice %arg4[%dma_wait3A_152, %dma_wait3A_156, %dma_wait3A_157] : memref<4x1024x512xf32, #tpu.memory_space<vmem>> -> memref<1x1024x512xf32, #tpu.memory_space<vmem>>
    %dma_wait3A_159 = tpu.memref_squeeze %dma_wait3A_158 : memref<1x1024x512xf32, #tpu.memory_space<vmem>> -> memref<1024x512xf32, #tpu.memory_space<vmem>>
    %dma_wait3A_160 = arith.constant 1024 : i32
    %dma_wait3A_161 = arith.constant 0 : i32
    %dma_wait3A_162 = tpu.memref_slice %arg1[%dma_wait3A_160, %dma_wait3A_161] : memref<24576x512xf32, #tpu.memory_space<any>> -> memref<1024x512xf32, #tpu.memory_space<any>>
    tpu.wait_dma2 semaphore(%dma_wait3A_155 : memref<!tpu.dma_semaphore, #tpu.memory_space<semaphore_mem>>) src(%dma_wait3A_162 : memref<1024x512xf32, #tpu.memory_space<any>>) dst(%dma_wait3A_159 : memref<1024x512xf32, #tpu.memory_space<vmem>>)
    %get3A_163 = arith.constant 1 : index
    %get3A_164 = arith.constant 0 : index
    %get3A_165 = arith.constant 0 : index
    %get3A_166 = vector.load %arg3[%get3A_163, %get3A_164, %get3A_165] : memref<4x1024x512xf32, #tpu.memory_space<vmem>>, vector<1x1024x512xf32>
    %get3A_167 = vector.shape_cast %get3A_166 : vector<1x1024x512xf32> to vector<1024x512xf32>
    %get3A_168 = arith.constant 1 : index
    %get3A_169 = arith.constant 0 : index
    %get3A_170 = arith.constant 0 : index
    %get3A_171 = vector.load %arg4[%get3A_168, %get3A_169, %get3A_170] : memref<4x1024x512xf32, #tpu.memory_space<vmem>>, vector<1x1024x512xf32>
    %get3A_172 = vector.shape_cast %get3A_171 : vector<1x1024x512xf32> to vector<1024x512xf32>
    %sub3A_173 = arith.subf %get3A_167, %get3A_172 : vector<1024x512xf32>
    %abs3A_174 = math.absf %sub3A_173 : vector<1024x512xf32>
    %reshape3A_175 = vector.shape_cast %abs3A_174 : vector<1024x512xf32> to vector<512x8x128xf32>
    %reduce_sum3A_176 = arith.constant dense<0.000000e+00> : vector<8x128xf32>
    %reduce_sum3A_177 = vector.multi_reduction <add>, %reshape3A_175, %reduce_sum3A_176 [0] : vector<512x8x128xf32> to vector<8x128xf32>
    %add3A_178 = arith.addf %add3A, %reduce_sum3A_177 : vector<8x128xf32>
    %dma_start3A_179 = arith.constant 1 : i32
    %dma_start3A_180 = arith.constant 1 : i32
    %dma_start3A_181 = tpu.memref_slice %arg5[%dma_start3A_180] : memref<4x!tpu.dma_semaphore, #tpu.memory_space<semaphore_mem>> -> memref<1x!tpu.dma_semaphore, #tpu.memory_space<semaphore_mem>>
    %dma_start3A_182 = tpu.memref_squeeze %dma_start3A_181 : memref<1x!tpu.dma_semaphore, #tpu.memory_space<semaphore_mem>> -> memref<!tpu.dma_semaphore, #tpu.memory_space<semaphore_mem>>
    %dma_start3A_183 = arith.constant 0 : i32
    %dma_start3A_184 = arith.constant 0 : i32
    %dma_start3A_185 = tpu.memref_slice %arg3[%dma_start3A_179, %dma_start3A_183, %dma_start3A_184] : memref<4x1024x512xf32, #tpu.memory_space<vmem>> -> memref<1x1024x512xf32, #tpu.memory_space<vmem>>
    %dma_start3A_186 = tpu.memref_squeeze %dma_start3A_185 : memref<1x1024x512xf32, #tpu.memory_space<vmem>> -> memref<1024x512xf32, #tpu.memory_space<vmem>>
    %dma_start3A_187 = arith.constant 5120 : i32
    %dma_start3A_188 = arith.constant 0 : i32
    %dma_start3A_189 = tpu.memref_slice %arg0[%dma_start3A_187, %dma_start3A_188] : memref<24576x512xf32, #tpu.memory_space<any>> -> memref<1024x512xf32, #tpu.memory_space<any>>
    tpu.enqueue_dma source(%dma_start3A_189 : memref<1024x512xf32, #tpu.memory_space<any>>) target(%dma_start3A_186 : memref<1024x512xf32, #tpu.memory_space<vmem>>) target_semaphore(%dma_start3A_182 : memref<!tpu.dma_semaphore, #tpu.memory_space<semaphore_mem>>)
    %dma_start3A_190 = arith.constant 1 : i32
    %dma_start3A_191 = arith.constant 1 : i32
    %dma_start3A_192 = tpu.memref_slice %arg6[%dma_start3A_191] : memref<4x!tpu.dma_semaphore, #tpu.memory_space<semaphore_mem>> -> memref<1x!tpu.dma_semaphore, #tpu.memory_space<semaphore_mem>>
    %dma_start3A_193 = tpu.memref_squeeze %dma_start3A_192 : memref<1x!tpu.dma_semaphore, #tpu.memory_space<semaphore_mem>> -> memref<!tpu.dma_semaphore, #tpu.memory_space<semaphore_mem>>
    %dma_start3A_194 = arith.constant 0 : i32
    %dma_start3A_195 = arith.constant 0 : i32
    %dma_start3A_196 = tpu.memref_slice %arg4[%dma_start3A_190, %dma_start3A_194, %dma_start3A_195] : memref<4x1024x512xf32, #tpu.memory_space<vmem>> -> memref<1x1024x512xf32, #tpu.memory_space<vmem>>
    %dma_start3A_197 = tpu.memref_squeeze %dma_start3A_196 : memref<1x1024x512xf32, #tpu.memory_space<vmem>> -> memref<1024x512xf32, #tpu.memory_space<vmem>>
    %dma_start3A_198 = arith.constant 5120 : i32
    %dma_start3A_199 = arith.constant 0 : i32
    %dma_start3A_200 = tpu.memref_slice %arg1[%dma_start3A_198, %dma_start3A_199] : memref<24576x512xf32, #tpu.memory_space<any>> -> memref<1024x512xf32, #tpu.memory_space<any>>
    tpu.enqueue_dma source(%dma_start3A_200 : memref<1024x512xf32, #tpu.memory_space<any>>) target(%dma_start3A_197 : memref<1024x512xf32, #tpu.memory_space<vmem>>) target_semaphore(%dma_start3A_193 : memref<!tpu.dma_semaphore, #tpu.memory_space<semaphore_mem>>)
    %dma_wait3A_201 = arith.constant 2 : i32
    %dma_wait3A_202 = arith.constant 2 : i32
    %dma_wait3A_203 = tpu.memref_slice %arg5[%dma_wait3A_202] : memref<4x!tpu.dma_semaphore, #tpu.memory_space<semaphore_mem>> -> memref<1x!tpu.dma_semaphore, #tpu.memory_space<semaphore_mem>>
    %dma_wait3A_204 = tpu.memref_squeeze %dma_wait3A_203 : memref<1x!tpu.dma_semaphore, #tpu.memory_space<semaphore_mem>> -> memref<!tpu.dma_semaphore, #tpu.memory_space<semaphore_mem>>
    %dma_wait3A_205 = arith.constant 0 : i32
    %dma_wait3A_206 = arith.constant 0 : i32
    %dma_wait3A_207 = tpu.memref_slice %arg3[%dma_wait3A_201, %dma_wait3A_205, %dma_wait3A_206] : memref<4x1024x512xf32, #tpu.memory_space<vmem>> -> memref<1x1024x512xf32, #tpu.memory_space<vmem>>
    %dma_wait3A_208 = tpu.memref_squeeze %dma_wait3A_207 : memref<1x1024x512xf32, #tpu.memory_space<vmem>> -> memref<1024x512xf32, #tpu.memory_space<vmem>>
    %dma_wait3A_209 = arith.constant 2048 : i32
    %dma_wait3A_210 = arith.constant 0 : i32
    %dma_wait3A_211 = tpu.memref_slice %arg0[%dma_wait3A_209, %dma_wait3A_210] : memref<24576x512xf32, #tpu.memory_space<any>> -> memref<1024x512xf32, #tpu.memory_space<any>>
    tpu.wait_dma2 semaphore(%dma_wait3A_204 : memref<!tpu.dma_semaphore, #tpu.memory_space<semaphore_mem>>) src(%dma_wait3A_211 : memref<1024x512xf32, #tpu.memory_space<any>>) dst(%dma_wait3A_208 : memref<1024x512xf32, #tpu.memory_space<vmem>>)
    %dma_wait3A_212 = arith.constant 2 : i32
    %dma_wait3A_213 = arith.constant 2 : i32
    %dma_wait3A_214 = tpu.memref_slice %arg6[%dma_wait3A_213] : memref<4x!tpu.dma_semaphore, #tpu.memory_space<semaphore_mem>> -> memref<1x!tpu.dma_semaphore, #tpu.memory_space<semaphore_mem>>
    %dma_wait3A_215 = tpu.memref_squeeze %dma_wait3A_214 : memref<1x!tpu.dma_semaphore, #tpu.memory_space<semaphore_mem>> -> memref<!tpu.dma_semaphore, #tpu.memory_space<semaphore_mem>>
    %dma_wait3A_216 = arith.constant 0 : i32
    %dma_wait3A_217 = arith.constant 0 : i32
    %dma_wait3A_218 = tpu.memref_slice %arg4[%dma_wait3A_212, %dma_wait3A_216, %dma_wait3A_217] : memref<4x1024x512xf32, #tpu.memory_space<vmem>> -> memref<1x1024x512xf32, #tpu.memory_space<vmem>>
    %dma_wait3A_219 = tpu.memref_squeeze %dma_wait3A_218 : memref<1x1024x512xf32, #tpu.memory_space<vmem>> -> memref<1024x512xf32, #tpu.memory_space<vmem>>
    %dma_wait3A_220 = arith.constant 2048 : i32
    %dma_wait3A_221 = arith.constant 0 : i32
    %dma_wait3A_222 = tpu.memref_slice %arg1[%dma_wait3A_220, %dma_wait3A_221] : memref<24576x512xf32, #tpu.memory_space<any>> -> memref<1024x512xf32, #tpu.memory_space<any>>
    tpu.wait_dma2 semaphore(%dma_wait3A_215 : memref<!tpu.dma_semaphore, #tpu.memory_space<semaphore_mem>>) src(%dma_wait3A_222 : memref<1024x512xf32, #tpu.memory_space<any>>) dst(%dma_wait3A_219 : memref<1024x512xf32, #tpu.memory_space<vmem>>)
    %get3A_223 = arith.constant 2 : index
    %get3A_224 = arith.constant 0 : index
    %get3A_225 = arith.constant 0 : index
    %get3A_226 = vector.load %arg3[%get3A_223, %get3A_224, %get3A_225] : memref<4x1024x512xf32, #tpu.memory_space<vmem>>, vector<1x1024x512xf32>
    %get3A_227 = vector.shape_cast %get3A_226 : vector<1x1024x512xf32> to vector<1024x512xf32>
    %get3A_228 = arith.constant 2 : index
    %get3A_229 = arith.constant 0 : index
    %get3A_230 = arith.constant 0 : index
    %get3A_231 = vector.load %arg4[%get3A_228, %get3A_229, %get3A_230] : memref<4x1024x512xf32, #tpu.memory_space<vmem>>, vector<1x1024x512xf32>
    %get3A_232 = vector.shape_cast %get3A_231 : vector<1x1024x512xf32> to vector<1024x512xf32>
    %sub3A_233 = arith.subf %get3A_227, %get3A_232 : vector<1024x512xf32>
    %abs3A_234 = math.absf %sub3A_233 : vector<1024x512xf32>
    %reshape3A_235 = vector.shape_cast %abs3A_234 : vector<1024x512xf32> to vector<512x8x128xf32>
    %reduce_sum3A_236 = arith.constant dense<0.000000e+00> : vector<8x128xf32>
    %reduce_sum3A_237 = vector.multi_reduction <add>, %reshape3A_235, %reduce_sum3A_236 [0] : vector<512x8x128xf32> to vector<8x128xf32>
    %add3A_238 = arith.addf %add3A_178, %reduce_sum3A_237 : vector<8x128xf32>
    %dma_start3A_239 = arith.constant 2 : i32
    %dma_start3A_240 = arith.constant 2 : i32
    %dma_start3A_241 = tpu.memref_slice %arg5[%dma_start3A_240] : memref<4x!tpu.dma_semaphore, #tpu.memory_space<semaphore_mem>> -> memref<1x!tpu.dma_semaphore, #tpu.memory_space<semaphore_mem>>
    %dma_start3A_242 = tpu.memref_squeeze %dma_start3A_241 : memref<1x!tpu.dma_semaphore, #tpu.memory_space<semaphore_mem>> -> memref<!tpu.dma_semaphore, #tpu.memory_space<semaphore_mem>>
    %dma_start3A_243 = arith.constant 0 : i32
    %dma_start3A_244 = arith.constant 0 : i32
    %dma_start3A_245 = tpu.memref_slice %arg3[%dma_start3A_239, %dma_start3A_243, %dma_start3A_244] : memref<4x1024x512xf32, #tpu.memory_space<vmem>> -> memref<1x1024x512xf32, #tpu.memory_space<vmem>>
    %dma_start3A_246 = tpu.memref_squeeze %dma_start3A_245 : memref<1x1024x512xf32, #tpu.memory_space<vmem>> -> memref<1024x512xf32, #tpu.memory_space<vmem>>
    %dma_start3A_247 = arith.constant 6144 : i32
    %dma_start3A_248 = arith.constant 0 : i32
    %dma_start3A_249 = tpu.memref_slice %arg0[%dma_start3A_247, %dma_start3A_248] : memref<24576x512xf32, #tpu.memory_space<any>> -> memref<1024x512xf32, #tpu.memory_space<any>>
    tpu.enqueue_dma source(%dma_start3A_249 : memref<1024x512xf32, #tpu.memory_space<any>>) target(%dma_start3A_246 : memref<1024x512xf32, #tpu.memory_space<vmem>>) target_semaphore(%dma_start3A_242 : memref<!tpu.dma_semaphore, #tpu.memory_space<semaphore_mem>>)
    %dma_start3A_250 = arith.constant 2 : i32
    %dma_start3A_251 = arith.constant 2 : i32
    %dma_start3A_252 = tpu.memref_slice %arg6[%dma_start3A_251] : memref<4x!tpu.dma_semaphore, #tpu.memory_space<semaphore_mem>> -> memref<1x!tpu.dma_semaphore, #tpu.memory_space<semaphore_mem>>
    %dma_start3A_253 = tpu.memref_squeeze %dma_start3A_252 : memref<1x!tpu.dma_semaphore, #tpu.memory_space<semaphore_mem>> -> memref<!tpu.dma_semaphore, #tpu.memory_space<semaphore_mem>>
    %dma_start3A_254 = arith.constant 0 : i32
    %dma_start3A_255 = arith.constant 0 : i32
    %dma_start3A_256 = tpu.memref_slice %arg4[%dma_start3A_250, %dma_start3A_254, %dma_start3A_255] : memref<4x1024x512xf32, #tpu.memory_space<vmem>> -> memref<1x1024x512xf32, #tpu.memory_space<vmem>>
    %dma_start3A_257 = tpu.memref_squeeze %dma_start3A_256 : memref<1x1024x512xf32, #tpu.memory_space<vmem>> -> memref<1024x512xf32, #tpu.memory_space<vmem>>
    %dma_start3A_258 = arith.constant 6144 : i32
    %dma_start3A_259 = arith.constant 0 : i32
    %dma_start3A_260 = tpu.memref_slice %arg1[%dma_start3A_258, %dma_start3A_259] : memref<24576x512xf32, #tpu.memory_space<any>> -> memref<1024x512xf32, #tpu.memory_space<any>>
    tpu.enqueue_dma source(%dma_start3A_260 : memref<1024x512xf32, #tpu.memory_space<any>>) target(%dma_start3A_257 : memref<1024x512xf32, #tpu.memory_space<vmem>>) target_semaphore(%dma_start3A_253 : memref<!tpu.dma_semaphore, #tpu.memory_space<semaphore_mem>>)
    %dma_wait3A_261 = arith.constant 3 : i32
    %dma_wait3A_262 = arith.constant 3 : i32
    %dma_wait3A_263 = tpu.memref_slice %arg5[%dma_wait3A_262] : memref<4x!tpu.dma_semaphore, #tpu.memory_space<semaphore_mem>> -> memref<1x!tpu.dma_semaphore, #tpu.memory_space<semaphore_mem>>
    %dma_wait3A_264 = tpu.memref_squeeze %dma_wait3A_263 : memref<1x!tpu.dma_semaphore, #tpu.memory_space<semaphore_mem>> -> memref<!tpu.dma_semaphore, #tpu.memory_space<semaphore_mem>>
    %dma_wait3A_265 = arith.constant 0 : i32
    %dma_wait3A_266 = arith.constant 0 : i32
    %dma_wait3A_267 = tpu.memref_slice %arg3[%dma_wait3A_261, %dma_wait3A_265, %dma_wait3A_266] : memref<4x1024x512xf32, #tpu.memory_space<vmem>> -> memref<1x1024x512xf32, #tpu.memory_space<vmem>>
    %dma_wait3A_268 = tpu.memref_squeeze %dma_wait3A_267 : memref<1x1024x512xf32, #tpu.memory_space<vmem>> -> memref<1024x512xf32, #tpu.memory_space<vmem>>
    %dma_wait3A_269 = arith.constant 3072 : i32
    %dma_wait3A_270 = arith.constant 0 : i32
    %dma_wait3A_271 = tpu.memref_slice %arg0[%dma_wait3A_269, %dma_wait3A_270] : memref<24576x512xf32, #tpu.memory_space<any>> -> memref<1024x512xf32, #tpu.memory_space<any>>
    tpu.wait_dma2 semaphore(%dma_wait3A_264 : memref<!tpu.dma_semaphore, #tpu.memory_space<semaphore_mem>>) src(%dma_wait3A_271 : memref<1024x512xf32, #tpu.memory_space<any>>) dst(%dma_wait3A_268 : memref<1024x512xf32, #tpu.memory_space<vmem>>)
    %dma_wait3A_272 = arith.constant 3 : i32
    %dma_wait3A_273 = arith.constant 3 : i32
    %dma_wait3A_274 = tpu.memref_slice %arg6[%dma_wait3A_273] : memref<4x!tpu.dma_semaphore, #tpu.memory_space<semaphore_mem>> -> memref<1x!tpu.dma_semaphore, #tpu.memory_space<semaphore_mem>>
    %dma_wait3A_275 = tpu.memref_squeeze %dma_wait3A_274 : memref<1x!tpu.dma_semaphore, #tpu.memory_space<semaphore_mem>> -> memref<!tpu.dma_semaphore, #tpu.memory_space<semaphore_mem>>
    %dma_wait3A_276 = arith.constant 0 : i32
    %dma_wait3A_277 = arith.constant 0 : i32
    %dma_wait3A_278 = tpu.memref_slice %arg4[%dma_wait3A_272, %dma_wait3A_276, %dma_wait3A_277] : memref<4x1024x512xf32, #tpu.memory_space<vmem>> -> memref<1x1024x512xf32, #tpu.memory_space<vmem>>
    %dma_wait3A_279 = tpu.memref_squeeze %dma_wait3A_278 : memref<1x1024x512xf32, #tpu.memory_space<vmem>> -> memref<1024x512xf32, #tpu.memory_space<vmem>>
    %dma_wait3A_280 = arith.constant 3072 : i32
    %dma_wait3A_281 = arith.constant 0 : i32
    %dma_wait3A_282 = tpu.memref_slice %arg1[%dma_wait3A_280, %dma_wait3A_281] : memref<24576x512xf32, #tpu.memory_space<any>> -> memref<1024x512xf32, #tpu.memory_space<any>>
    tpu.wait_dma2 semaphore(%dma_wait3A_275 : memref<!tpu.dma_semaphore, #tpu.memory_space<semaphore_mem>>) src(%dma_wait3A_282 : memref<1024x512xf32, #tpu.memory_space<any>>) dst(%dma_wait3A_279 : memref<1024x512xf32, #tpu.memory_space<vmem>>)
    %get3A_283 = arith.constant 3 : index
    %get3A_284 = arith.constant 0 : index
    %get3A_285 = arith.constant 0 : index
    %get3A_286 = vector.load %arg3[%get3A_283, %get3A_284, %get3A_285] : memref<4x1024x512xf32, #tpu.memory_space<vmem>>, vector<1x1024x512xf32>
    %get3A_287 = vector.shape_cast %get3A_286 : vector<1x1024x512xf32> to vector<1024x512xf32>
    %get3A_288 = arith.constant 3 : index
    %get3A_289 = arith.constant 0 : index
    %get3A_290 = arith.constant 0 : index
    %get3A_291 = vector.load %arg4[%get3A_288, %get3A_289, %get3A_290] : memref<4x1024x512xf32, #tpu.memory_space<vmem>>, vector<1x1024x512xf32>
    %get3A_292 = vector.shape_cast %get3A_291 : vector<1x1024x512xf32> to vector<1024x512xf32>
    %sub3A_293 = arith.subf %get3A_287, %get3A_292 : vector<1024x512xf32>
    %abs3A_294 = math.absf %sub3A_293 : vector<1024x512xf32>
    %reshape3A_295 = vector.shape_cast %abs3A_294 : vector<1024x512xf32> to vector<512x8x128xf32>
    %reduce_sum3A_296 = arith.constant dense<0.000000e+00> : vector<8x128xf32>
    %reduce_sum3A_297 = vector.multi_reduction <add>, %reshape3A_295, %reduce_sum3A_296 [0] : vector<512x8x128xf32> to vector<8x128xf32>
    %add3A_298 = arith.addf %add3A_238, %reduce_sum3A_297 : vector<8x128xf32>
    %dma_start3A_299 = arith.constant 3 : i32
    %dma_start3A_300 = arith.constant 3 : i32
    %dma_start3A_301 = tpu.memref_slice %arg5[%dma_start3A_300] : memref<4x!tpu.dma_semaphore, #tpu.memory_space<semaphore_mem>> -> memref<1x!tpu.dma_semaphore, #tpu.memory_space<semaphore_mem>>
    %dma_start3A_302 = tpu.memref_squeeze %dma_start3A_301 : memref<1x!tpu.dma_semaphore, #tpu.memory_space<semaphore_mem>> -> memref<!tpu.dma_semaphore, #tpu.memory_space<semaphore_mem>>
    %dma_start3A_303 = arith.constant 0 : i32
    %dma_start3A_304 = arith.constant 0 : i32
    %dma_start3A_305 = tpu.memref_slice %arg3[%dma_start3A_299, %dma_start3A_303, %dma_start3A_304] : memref<4x1024x512xf32, #tpu.memory_space<vmem>> -> memref<1x1024x512xf32, #tpu.memory_space<vmem>>
    %dma_start3A_306 = tpu.memref_squeeze %dma_start3A_305 : memref<1x1024x512xf32, #tpu.memory_space<vmem>> -> memref<1024x512xf32, #tpu.memory_space<vmem>>
    %dma_start3A_307 = arith.constant 7168 : i32
    %dma_start3A_308 = arith.constant 0 : i32
    %dma_start3A_309 = tpu.memref_slice %arg0[%dma_start3A_307, %dma_start3A_308] : memref<24576x512xf32, #tpu.memory_space<any>> -> memref<1024x512xf32, #tpu.memory_space<any>>
    tpu.enqueue_dma source(%dma_start3A_309 : memref<1024x512xf32, #tpu.memory_space<any>>) target(%dma_start3A_306 : memref<1024x512xf32, #tpu.memory_space<vmem>>) target_semaphore(%dma_start3A_302 : memref<!tpu.dma_semaphore, #tpu.memory_space<semaphore_mem>>)
    %dma_start3A_310 = arith.constant 3 : i32
    %dma_start3A_311 = arith.constant 3 : i32
    %dma_start3A_312 = tpu.memref_slice %arg6[%dma_start3A_311] : memref<4x!tpu.dma_semaphore, #tpu.memory_space<semaphore_mem>> -> memref<1x!tpu.dma_semaphore, #tpu.memory_space<semaphore_mem>>
    %dma_start3A_313 = tpu.memref_squeeze %dma_start3A_312 : memref<1x!tpu.dma_semaphore, #tpu.memory_space<semaphore_mem>> -> memref<!tpu.dma_semaphore, #tpu.memory_space<semaphore_mem>>
    %dma_start3A_314 = arith.constant 0 : i32
    %dma_start3A_315 = arith.constant 0 : i32
    %dma_start3A_316 = tpu.memref_slice %arg4[%dma_start3A_310, %dma_start3A_314, %dma_start3A_315] : memref<4x1024x512xf32, #tpu.memory_space<vmem>> -> memref<1x1024x512xf32, #tpu.memory_space<vmem>>
    %dma_start3A_317 = tpu.memref_squeeze %dma_start3A_316 : memref<1x1024x512xf32, #tpu.memory_space<vmem>> -> memref<1024x512xf32, #tpu.memory_space<vmem>>
    %dma_start3A_318 = arith.constant 7168 : i32
    %dma_start3A_319 = arith.constant 0 : i32
    %dma_start3A_320 = tpu.memref_slice %arg1[%dma_start3A_318, %dma_start3A_319] : memref<24576x512xf32, #tpu.memory_space<any>> -> memref<1024x512xf32, #tpu.memory_space<any>>
    tpu.enqueue_dma source(%dma_start3A_320 : memref<1024x512xf32, #tpu.memory_space<any>>) target(%dma_start3A_317 : memref<1024x512xf32, #tpu.memory_space<vmem>>) target_semaphore(%dma_start3A_313 : memref<!tpu.dma_semaphore, #tpu.memory_space<semaphore_mem>>)
    %dma_wait3A_321 = arith.constant 0 : i32
    %dma_wait3A_322 = arith.constant 0 : i32
    %dma_wait3A_323 = tpu.memref_slice %arg5[%dma_wait3A_322] : memref<4x!tpu.dma_semaphore, #tpu.memory_space<semaphore_mem>> -> memref<1x!tpu.dma_semaphore, #tpu.memory_space<semaphore_mem>>
    %dma_wait3A_324 = tpu.memref_squeeze %dma_wait3A_323 : memref<1x!tpu.dma_semaphore, #tpu.memory_space<semaphore_mem>> -> memref<!tpu.dma_semaphore, #tpu.memory_space<semaphore_mem>>
    %dma_wait3A_325 = arith.constant 0 : i32
    %dma_wait3A_326 = arith.constant 0 : i32
    %dma_wait3A_327 = tpu.memref_slice %arg3[%dma_wait3A_321, %dma_wait3A_325, %dma_wait3A_326] : memref<4x1024x512xf32, #tpu.memory_space<vmem>> -> memref<1x1024x512xf32, #tpu.memory_space<vmem>>
    %dma_wait3A_328 = tpu.memref_squeeze %dma_wait3A_327 : memref<1x1024x512xf32, #tpu.memory_space<vmem>> -> memref<1024x512xf32, #tpu.memory_space<vmem>>
    %dma_wait3A_329 = arith.constant 4096 : i32
    %dma_wait3A_330 = arith.constant 0 : i32
    %dma_wait3A_331 = tpu.memref_slice %arg0[%dma_wait3A_329, %dma_wait3A_330] : memref<24576x512xf32, #tpu.memory_space<any>> -> memref<1024x512xf32, #tpu.memory_space<any>>
    tpu.wait_dma2 semaphore(%dma_wait3A_324 : memref<!tpu.dma_semaphore, #tpu.memory_space<semaphore_mem>>) src(%dma_wait3A_331 : memref<1024x512xf32, #tpu.memory_space<any>>) dst(%dma_wait3A_328 : memref<1024x512xf32, #tpu.memory_space<vmem>>)
    %dma_wait3A_332 = arith.constant 0 : i32
    %dma_wait3A_333 = arith.constant 0 : i32
    %dma_wait3A_334 = tpu.memref_slice %arg6[%dma_wait3A_333] : memref<4x!tpu.dma_semaphore, #tpu.memory_space<semaphore_mem>> -> memref<1x!tpu.dma_semaphore, #tpu.memory_space<semaphore_mem>>
    %dma_wait3A_335 = tpu.memref_squeeze %dma_wait3A_334 : memref<1x!tpu.dma_semaphore, #tpu.memory_space<semaphore_mem>> -> memref<!tpu.dma_semaphore, #tpu.memory_space<semaphore_mem>>
    %dma_wait3A_336 = arith.constant 0 : i32
    %dma_wait3A_337 = arith.constant 0 : i32
    %dma_wait3A_338 = tpu.memref_slice %arg4[%dma_wait3A_332, %dma_wait3A_336, %dma_wait3A_337] : memref<4x1024x512xf32, #tpu.memory_space<vmem>> -> memref<1x1024x512xf32, #tpu.memory_space<vmem>>
    %dma_wait3A_339 = tpu.memref_squeeze %dma_wait3A_338 : memref<1x1024x512xf32, #tpu.memory_space<vmem>> -> memref<1024x512xf32, #tpu.memory_space<vmem>>
    %dma_wait3A_340 = arith.constant 4096 : i32
    %dma_wait3A_341 = arith.constant 0 : i32
    %dma_wait3A_342 = tpu.memref_slice %arg1[%dma_wait3A_340, %dma_wait3A_341] : memref<24576x512xf32, #tpu.memory_space<any>> -> memref<1024x512xf32, #tpu.memory_space<any>>
    tpu.wait_dma2 semaphore(%dma_wait3A_335 : memref<!tpu.dma_semaphore, #tpu.memory_space<semaphore_mem>>) src(%dma_wait3A_342 : memref<1024x512xf32, #tpu.memory_space<any>>) dst(%dma_wait3A_339 : memref<1024x512xf32, #tpu.memory_space<vmem>>)
    %get3A_343 = arith.constant 0 : index
    %get3A_344 = arith.constant 0 : index
    %get3A_345 = arith.constant 0 : index
    %get3A_346 = vector.load %arg3[%get3A_343, %get3A_344, %get3A_345] : memref<4x1024x512xf32, #tpu.memory_space<vmem>>, vector<1x1024x512xf32>
    %get3A_347 = vector.shape_cast %get3A_346 : vector<1x1024x512xf32> to vector<1024x512xf32>
    %get3A_348 = arith.constant 0 : index
    %get3A_349 = arith.constant 0 : index
    %get3A_350 = arith.constant 0 : index
    %get3A_351 = vector.load %arg4[%get3A_348, %get3A_349, %get3A_350] : memref<4x1024x512xf32, #tpu.memory_space<vmem>>, vector<1x1024x512xf32>
    %get3A_352 = vector.shape_cast %get3A_351 : vector<1x1024x512xf32> to vector<1024x512xf32>
    %sub3A_353 = arith.subf %get3A_347, %get3A_352 : vector<1024x512xf32>
    %abs3A_354 = math.absf %sub3A_353 : vector<1024x512xf32>
    %reshape3A_355 = vector.shape_cast %abs3A_354 : vector<1024x512xf32> to vector<512x8x128xf32>
    %reduce_sum3A_356 = arith.constant dense<0.000000e+00> : vector<8x128xf32>
    %reduce_sum3A_357 = vector.multi_reduction <add>, %reshape3A_355, %reduce_sum3A_356 [0] : vector<512x8x128xf32> to vector<8x128xf32>
    %add3A_358 = arith.addf %add3A_298, %reduce_sum3A_357 : vector<8x128xf32>
    %dma_start3A_359 = arith.constant 0 : i32
    %dma_start3A_360 = arith.constant 0 : i32
    %dma_start3A_361 = tpu.memref_slice %arg5[%dma_start3A_360] : memref<4x!tpu.dma_semaphore, #tpu.memory_space<semaphore_mem>> -> memref<1x!tpu.dma_semaphore, #tpu.memory_space<semaphore_mem>>
    %dma_start3A_362 = tpu.memref_squeeze %dma_start3A_361 : memref<1x!tpu.dma_semaphore, #tpu.memory_space<semaphore_mem>> -> memref<!tpu.dma_semaphore, #tpu.memory_space<semaphore_mem>>
    %dma_start3A_363 = arith.constant 0 : i32
    %dma_start3A_364 = arith.constant 0 : i32
    %dma_start3A_365 = tpu.memref_slice %arg3[%dma_start3A_359, %dma_start3A_363, %dma_start3A_364] : memref<4x1024x512xf32, #tpu.memory_space<vmem>> -> memref<1x1024x512xf32, #tpu.memory_space<vmem>>
    %dma_start3A_366 = tpu.memref_squeeze %dma_start3A_365 : memref<1x1024x512xf32, #tpu.memory_space<vmem>> -> memref<1024x512xf32, #tpu.memory_space<vmem>>
    %dma_start3A_367 = arith.constant 8192 : i32
    %dma_start3A_368 = arith.constant 0 : i32
    %dma_start3A_369 = tpu.memref_slice %arg0[%dma_start3A_367, %dma_start3A_368] : memref<24576x512xf32, #tpu.memory_space<any>> -> memref<1024x512xf32, #tpu.memory_space<any>>
    tpu.enqueue_dma source(%dma_start3A_369 : memref<1024x512xf32, #tpu.memory_space<any>>) target(%dma_start3A_366 : memref<1024x512xf32, #tpu.memory_space<vmem>>) target_semaphore(%dma_start3A_362 : memref<!tpu.dma_semaphore, #tpu.memory_space<semaphore_mem>>)
    %dma_start3A_370 = arith.constant 0 : i32
    %dma_start3A_371 = arith.constant 0 : i32
    %dma_start3A_372 = tpu.memref_slice %arg6[%dma_start3A_371] : memref<4x!tpu.dma_semaphore, #tpu.memory_space<semaphore_mem>> -> memref<1x!tpu.dma_semaphore, #tpu.memory_space<semaphore_mem>>
    %dma_start3A_373 = tpu.memref_squeeze %dma_start3A_372 : memref<1x!tpu.dma_semaphore, #tpu.memory_space<semaphore_mem>> -> memref<!tpu.dma_semaphore, #tpu.memory_space<semaphore_mem>>
    %dma_start3A_374 = arith.constant 0 : i32
    %dma_start3A_375 = arith.constant 0 : i32
    %dma_start3A_376 = tpu.memref_slice %arg4[%dma_start3A_370, %dma_start3A_374, %dma_start3A_375] : memref<4x1024x512xf32, #tpu.memory_space<vmem>> -> memref<1x1024x512xf32, #tpu.memory_space<vmem>>
    %dma_start3A_377 = tpu.memref_squeeze %dma_start3A_376 : memref<1x1024x512xf32, #tpu.memory_space<vmem>> -> memref<1024x512xf32, #tpu.memory_space<vmem>>
    %dma_start3A_378 = arith.constant 8192 : i32
    %dma_start3A_379 = arith.constant 0 : i32
    %dma_start3A_380 = tpu.memref_slice %arg1[%dma_start3A_378, %dma_start3A_379] : memref<24576x512xf32, #tpu.memory_space<any>> -> memref<1024x512xf32, #tpu.memory_space<any>>
    tpu.enqueue_dma source(%dma_start3A_380 : memref<1024x512xf32, #tpu.memory_space<any>>) target(%dma_start3A_377 : memref<1024x512xf32, #tpu.memory_space<vmem>>) target_semaphore(%dma_start3A_373 : memref<!tpu.dma_semaphore, #tpu.memory_space<semaphore_mem>>)
    %dma_wait3A_381 = arith.constant 1 : i32
    %dma_wait3A_382 = arith.constant 1 : i32
    %dma_wait3A_383 = tpu.memref_slice %arg5[%dma_wait3A_382] : memref<4x!tpu.dma_semaphore, #tpu.memory_space<semaphore_mem>> -> memref<1x!tpu.dma_semaphore, #tpu.memory_space<semaphore_mem>>
    %dma_wait3A_384 = tpu.memref_squeeze %dma_wait3A_383 : memref<1x!tpu.dma_semaphore, #tpu.memory_space<semaphore_mem>> -> memref<!tpu.dma_semaphore, #tpu.memory_space<semaphore_mem>>
    %dma_wait3A_385 = arith.constant 0 : i32
    %dma_wait3A_386 = arith.constant 0 : i32
    %dma_wait3A_387 = tpu.memref_slice %arg3[%dma_wait3A_381, %dma_wait3A_385, %dma_wait3A_386] : memref<4x1024x512xf32, #tpu.memory_space<vmem>> -> memref<1x1024x512xf32, #tpu.memory_space<vmem>>
    %dma_wait3A_388 = tpu.memref_squeeze %dma_wait3A_387 : memref<1x1024x512xf32, #tpu.memory_space<vmem>> -> memref<1024x512xf32, #tpu.memory_space<vmem>>
    %dma_wait3A_389 = arith.constant 5120 : i32
    %dma_wait3A_390 = arith.constant 0 : i32
    %dma_wait3A_391 = tpu.memref_slice %arg0[%dma_wait3A_389, %dma_wait3A_390] : memref<24576x512xf32, #tpu.memory_space<any>> -> memref<1024x512xf32, #tpu.memory_space<any>>
    tpu.wait_dma2 semaphore(%dma_wait3A_384 : memref<!tpu.dma_semaphore, #tpu.memory_space<semaphore_mem>>) src(%dma_wait3A_391 : memref<1024x512xf32, #tpu.memory_space<any>>) dst(%dma_wait3A_388 : memref<1024x512xf32, #tpu.memory_space<vmem>>)
    %dma_wait3A_392 = arith.constant 1 : i32
    %dma_wait3A_393 = arith.constant 1 : i32
    %dma_wait3A_394 = tpu.memref_slice %arg6[%dma_wait3A_393] : memref<4x!tpu.dma_semaphore, #tpu.memory_space<semaphore_mem>> -> memref<1x!tpu.dma_semaphore, #tpu.memory_space<semaphore_mem>>
    %dma_wait3A_395 = tpu.memref_squeeze %dma_wait3A_394 : memref<1x!tpu.dma_semaphore, #tpu.memory_space<semaphore_mem>> -> memref<!tpu.dma_semaphore, #tpu.memory_space<semaphore_mem>>
    %dma_wait3A_396 = arith.constant 0 : i32
    %dma_wait3A_397 = arith.constant 0 : i32
    %dma_wait3A_398 = tpu.memref_slice %arg4[%dma_wait3A_392, %dma_wait3A_396, %dma_wait3A_397] : memref<4x1024x512xf32, #tpu.memory_space<vmem>> -> memref<1x1024x512xf32, #tpu.memory_space<vmem>>
    %dma_wait3A_399 = tpu.memref_squeeze %dma_wait3A_398 : memref<1x1024x512xf32, #tpu.memory_space<vmem>> -> memref<1024x512xf32, #tpu.memory_space<vmem>>
    %dma_wait3A_400 = arith.constant 5120 : i32
    %dma_wait3A_401 = arith.constant 0 : i32
    %dma_wait3A_402 = tpu.memref_slice %arg1[%dma_wait3A_400, %dma_wait3A_401] : memref<24576x512xf32, #tpu.memory_space<any>> -> memref<1024x512xf32, #tpu.memory_space<any>>
    tpu.wait_dma2 semaphore(%dma_wait3A_395 : memref<!tpu.dma_semaphore, #tpu.memory_space<semaphore_mem>>) src(%dma_wait3A_402 : memref<1024x512xf32, #tpu.memory_space<any>>) dst(%dma_wait3A_399 : memref<1024x512xf32, #tpu.memory_space<vmem>>)
    %get3A_403 = arith.constant 1 : index
    %get3A_404 = arith.constant 0 : index
    %get3A_405 = arith.constant 0 : index
    %get3A_406 = vector.load %arg3[%get3A_403, %get3A_404, %get3A_405] : memref<4x1024x512xf32, #tpu.memory_space<vmem>>, vector<1x1024x512xf32>
    %get3A_407 = vector.shape_cast %get3A_406 : vector<1x1024x512xf32> to vector<1024x512xf32>
    %get3A_408 = arith.constant 1 : index
    %get3A_409 = arith.constant 0 : index
    %get3A_410 = arith.constant 0 : index
    %get3A_411 = vector.load %arg4[%get3A_408, %get3A_409, %get3A_410] : memref<4x1024x512xf32, #tpu.memory_space<vmem>>, vector<1x1024x512xf32>
    %get3A_412 = vector.shape_cast %get3A_411 : vector<1x1024x512xf32> to vector<1024x512xf32>
    %sub3A_413 = arith.subf %get3A_407, %get3A_412 : vector<1024x512xf32>
    %abs3A_414 = math.absf %sub3A_413 : vector<1024x512xf32>
    %reshape3A_415 = vector.shape_cast %abs3A_414 : vector<1024x512xf32> to vector<512x8x128xf32>
    %reduce_sum3A_416 = arith.constant dense<0.000000e+00> : vector<8x128xf32>
    %reduce_sum3A_417 = vector.multi_reduction <add>, %reshape3A_415, %reduce_sum3A_416 [0] : vector<512x8x128xf32> to vector<8x128xf32>
    %add3A_418 = arith.addf %add3A_358, %reduce_sum3A_417 : vector<8x128xf32>
    %dma_start3A_419 = arith.constant 1 : i32
    %dma_start3A_420 = arith.constant 1 : i32
    %dma_start3A_421 = tpu.memref_slice %arg5[%dma_start3A_420] : memref<4x!tpu.dma_semaphore, #tpu.memory_space<semaphore_mem>> -> memref<1x!tpu.dma_semaphore, #tpu.memory_space<semaphore_mem>>
    %dma_start3A_422 = tpu.memref_squeeze %dma_start3A_421 : memref<1x!tpu.dma_semaphore, #tpu.memory_space<semaphore_mem>> -> memref<!tpu.dma_semaphore, #tpu.memory_space<semaphore_mem>>
    %dma_start3A_423 = arith.constant 0 : i32
    %dma_start3A_424 = arith.constant 0 : i32
    %dma_start3A_425 = tpu.memref_slice %arg3[%dma_start3A_419, %dma_start3A_423, %dma_start3A_424] : memref<4x1024x512xf32, #tpu.memory_space<vmem>> -> memref<1x1024x512xf32, #tpu.memory_space<vmem>>
    %dma_start3A_426 = tpu.memref_squeeze %dma_start3A_425 : memref<1x1024x512xf32, #tpu.memory_space<vmem>> -> memref<1024x512xf32, #tpu.memory_space<vmem>>
    %dma_start3A_427 = arith.constant 9216 : i32
    %dma_start3A_428 = arith.constant 0 : i32
    %dma_start3A_429 = tpu.memref_slice %arg0[%dma_start3A_427, %dma_start3A_428] : memref<24576x512xf32, #tpu.memory_space<any>> -> memref<1024x512xf32, #tpu.memory_space<any>>
    tpu.enqueue_dma source(%dma_start3A_429 : memref<1024x512xf32, #tpu.memory_space<any>>) target(%dma_start3A_426 : memref<1024x512xf32, #tpu.memory_space<vmem>>) target_semaphore(%dma_start3A_422 : memref<!tpu.dma_semaphore, #tpu.memory_space<semaphore_mem>>)
    %dma_start3A_430 = arith.constant 1 : i32
    %dma_start3A_431 = arith.constant 1 : i32
    %dma_start3A_432 = tpu.memref_slice %arg6[%dma_start3A_431] : memref<4x!tpu.dma_semaphore, #tpu.memory_space<semaphore_mem>> -> memref<1x!tpu.dma_semaphore, #tpu.memory_space<semaphore_mem>>
    %dma_start3A_433 = tpu.memref_squeeze %dma_start3A_432 : memref<1x!tpu.dma_semaphore, #tpu.memory_space<semaphore_mem>> -> memref<!tpu.dma_semaphore, #tpu.memory_space<semaphore_mem>>
    %dma_start3A_434 = arith.constant 0 : i32
    %dma_start3A_435 = arith.constant 0 : i32
    %dma_start3A_436 = tpu.memref_slice %arg4[%dma_start3A_430, %dma_start3A_434, %dma_start3A_435] : memref<4x1024x512xf32, #tpu.memory_space<vmem>> -> memref<1x1024x512xf32, #tpu.memory_space<vmem>>
    %dma_start3A_437 = tpu.memref_squeeze %dma_start3A_436 : memref<1x1024x512xf32, #tpu.memory_space<vmem>> -> memref<1024x512xf32, #tpu.memory_space<vmem>>
    %dma_start3A_438 = arith.constant 9216 : i32
    %dma_start3A_439 = arith.constant 0 : i32
    %dma_start3A_440 = tpu.memref_slice %arg1[%dma_start3A_438, %dma_start3A_439] : memref<24576x512xf32, #tpu.memory_space<any>> -> memref<1024x512xf32, #tpu.memory_space<any>>
    tpu.enqueue_dma source(%dma_start3A_440 : memref<1024x512xf32, #tpu.memory_space<any>>) target(%dma_start3A_437 : memref<1024x512xf32, #tpu.memory_space<vmem>>) target_semaphore(%dma_start3A_433 : memref<!tpu.dma_semaphore, #tpu.memory_space<semaphore_mem>>)
    %dma_wait3A_441 = arith.constant 2 : i32
    %dma_wait3A_442 = arith.constant 2 : i32
    %dma_wait3A_443 = tpu.memref_slice %arg5[%dma_wait3A_442] : memref<4x!tpu.dma_semaphore, #tpu.memory_space<semaphore_mem>> -> memref<1x!tpu.dma_semaphore, #tpu.memory_space<semaphore_mem>>
    %dma_wait3A_444 = tpu.memref_squeeze %dma_wait3A_443 : memref<1x!tpu.dma_semaphore, #tpu.memory_space<semaphore_mem>> -> memref<!tpu.dma_semaphore, #tpu.memory_space<semaphore_mem>>
    %dma_wait3A_445 = arith.constant 0 : i32
    %dma_wait3A_446 = arith.constant 0 : i32
    %dma_wait3A_447 = tpu.memref_slice %arg3[%dma_wait3A_441, %dma_wait3A_445, %dma_wait3A_446] : memref<4x1024x512xf32, #tpu.memory_space<vmem>> -> memref<1x1024x512xf32, #tpu.memory_space<vmem>>
    %dma_wait3A_448 = tpu.memref_squeeze %dma_wait3A_447 : memref<1x1024x512xf32, #tpu.memory_space<vmem>> -> memref<1024x512xf32, #tpu.memory_space<vmem>>
    %dma_wait3A_449 = arith.constant 6144 : i32
    %dma_wait3A_450 = arith.constant 0 : i32
    %dma_wait3A_451 = tpu.memref_slice %arg0[%dma_wait3A_449, %dma_wait3A_450] : memref<24576x512xf32, #tpu.memory_space<any>> -> memref<1024x512xf32, #tpu.memory_space<any>>
    tpu.wait_dma2 semaphore(%dma_wait3A_444 : memref<!tpu.dma_semaphore, #tpu.memory_space<semaphore_mem>>) src(%dma_wait3A_451 : memref<1024x512xf32, #tpu.memory_space<any>>) dst(%dma_wait3A_448 : memref<1024x512xf32, #tpu.memory_space<vmem>>)
    %dma_wait3A_452 = arith.constant 2 : i32
    %dma_wait3A_453 = arith.constant 2 : i32
    %dma_wait3A_454 = tpu.memref_slice %arg6[%dma_wait3A_453] : memref<4x!tpu.dma_semaphore, #tpu.memory_space<semaphore_mem>> -> memref<1x!tpu.dma_semaphore, #tpu.memory_space<semaphore_mem>>
    %dma_wait3A_455 = tpu.memref_squeeze %dma_wait3A_454 : memref<1x!tpu.dma_semaphore, #tpu.memory_space<semaphore_mem>> -> memref<!tpu.dma_semaphore, #tpu.memory_space<semaphore_mem>>
    %dma_wait3A_456 = arith.constant 0 : i32
    %dma_wait3A_457 = arith.constant 0 : i32
    %dma_wait3A_458 = tpu.memref_slice %arg4[%dma_wait3A_452, %dma_wait3A_456, %dma_wait3A_457] : memref<4x1024x512xf32, #tpu.memory_space<vmem>> -> memref<1x1024x512xf32, #tpu.memory_space<vmem>>
    %dma_wait3A_459 = tpu.memref_squeeze %dma_wait3A_458 : memref<1x1024x512xf32, #tpu.memory_space<vmem>> -> memref<1024x512xf32, #tpu.memory_space<vmem>>
    %dma_wait3A_460 = arith.constant 6144 : i32
    %dma_wait3A_461 = arith.constant 0 : i32
    %dma_wait3A_462 = tpu.memref_slice %arg1[%dma_wait3A_460, %dma_wait3A_461] : memref<24576x512xf32, #tpu.memory_space<any>> -> memref<1024x512xf32, #tpu.memory_space<any>>
    tpu.wait_dma2 semaphore(%dma_wait3A_455 : memref<!tpu.dma_semaphore, #tpu.memory_space<semaphore_mem>>) src(%dma_wait3A_462 : memref<1024x512xf32, #tpu.memory_space<any>>) dst(%dma_wait3A_459 : memref<1024x512xf32, #tpu.memory_space<vmem>>)
    %get3A_463 = arith.constant 2 : index
    %get3A_464 = arith.constant 0 : index
    %get3A_465 = arith.constant 0 : index
    %get3A_466 = vector.load %arg3[%get3A_463, %get3A_464, %get3A_465] : memref<4x1024x512xf32, #tpu.memory_space<vmem>>, vector<1x1024x512xf32>
    %get3A_467 = vector.shape_cast %get3A_466 : vector<1x1024x512xf32> to vector<1024x512xf32>
    %get3A_468 = arith.constant 2 : index
    %get3A_469 = arith.constant 0 : index
    %get3A_470 = arith.constant 0 : index
    %get3A_471 = vector.load %arg4[%get3A_468, %get3A_469, %get3A_470] : memref<4x1024x512xf32, #tpu.memory_space<vmem>>, vector<1x1024x512xf32>
    %get3A_472 = vector.shape_cast %get3A_471 : vector<1x1024x512xf32> to vector<1024x512xf32>
    %sub3A_473 = arith.subf %get3A_467, %get3A_472 : vector<1024x512xf32>
    %abs3A_474 = math.absf %sub3A_473 : vector<1024x512xf32>
    %reshape3A_475 = vector.shape_cast %abs3A_474 : vector<1024x512xf32> to vector<512x8x128xf32>
    %reduce_sum3A_476 = arith.constant dense<0.000000e+00> : vector<8x128xf32>
    %reduce_sum3A_477 = vector.multi_reduction <add>, %reshape3A_475, %reduce_sum3A_476 [0] : vector<512x8x128xf32> to vector<8x128xf32>
    %add3A_478 = arith.addf %add3A_418, %reduce_sum3A_477 : vector<8x128xf32>
    %dma_start3A_479 = arith.constant 2 : i32
    %dma_start3A_480 = arith.constant 2 : i32
    %dma_start3A_481 = tpu.memref_slice %arg5[%dma_start3A_480] : memref<4x!tpu.dma_semaphore, #tpu.memory_space<semaphore_mem>> -> memref<1x!tpu.dma_semaphore, #tpu.memory_space<semaphore_mem>>
    %dma_start3A_482 = tpu.memref_squeeze %dma_start3A_481 : memref<1x!tpu.dma_semaphore, #tpu.memory_space<semaphore_mem>> -> memref<!tpu.dma_semaphore, #tpu.memory_space<semaphore_mem>>
    %dma_start3A_483 = arith.constant 0 : i32
    %dma_start3A_484 = arith.constant 0 : i32
    %dma_start3A_485 = tpu.memref_slice %arg3[%dma_start3A_479, %dma_start3A_483, %dma_start3A_484] : memref<4x1024x512xf32, #tpu.memory_space<vmem>> -> memref<1x1024x512xf32, #tpu.memory_space<vmem>>
    %dma_start3A_486 = tpu.memref_squeeze %dma_start3A_485 : memref<1x1024x512xf32, #tpu.memory_space<vmem>> -> memref<1024x512xf32, #tpu.memory_space<vmem>>
    %dma_start3A_487 = arith.constant 10240 : i32
    %dma_start3A_488 = arith.constant 0 : i32
    %dma_start3A_489 = tpu.memref_slice %arg0[%dma_start3A_487, %dma_start3A_488] : memref<24576x512xf32, #tpu.memory_space<any>> -> memref<1024x512xf32, #tpu.memory_space<any>>
    tpu.enqueue_dma source(%dma_start3A_489 : memref<1024x512xf32, #tpu.memory_space<any>>) target(%dma_start3A_486 : memref<1024x512xf32, #tpu.memory_space<vmem>>) target_semaphore(%dma_start3A_482 : memref<!tpu.dma_semaphore, #tpu.memory_space<semaphore_mem>>)
    %dma_start3A_490 = arith.constant 2 : i32
    %dma_start3A_491 = arith.constant 2 : i32
    %dma_start3A_492 = tpu.memref_slice %arg6[%dma_start3A_491] : memref<4x!tpu.dma_semaphore, #tpu.memory_space<semaphore_mem>> -> memref<1x!tpu.dma_semaphore, #tpu.memory_space<semaphore_mem>>
    %dma_start3A_493 = tpu.memref_squeeze %dma_start3A_492 : memref<1x!tpu.dma_semaphore, #tpu.memory_space<semaphore_mem>> -> memref<!tpu.dma_semaphore, #tpu.memory_space<semaphore_mem>>
    %dma_start3A_494 = arith.constant 0 : i32
    %dma_start3A_495 = arith.constant 0 : i32
    %dma_start3A_496 = tpu.memref_slice %arg4[%dma_start3A_490, %dma_start3A_494, %dma_start3A_495] : memref<4x1024x512xf32, #tpu.memory_space<vmem>> -> memref<1x1024x512xf32, #tpu.memory_space<vmem>>
    %dma_start3A_497 = tpu.memref_squeeze %dma_start3A_496 : memref<1x1024x512xf32, #tpu.memory_space<vmem>> -> memref<1024x512xf32, #tpu.memory_space<vmem>>
    %dma_start3A_498 = arith.constant 10240 : i32
    %dma_start3A_499 = arith.constant 0 : i32
    %dma_start3A_500 = tpu.memref_slice %arg1[%dma_start3A_498, %dma_start3A_499] : memref<24576x512xf32, #tpu.memory_space<any>> -> memref<1024x512xf32, #tpu.memory_space<any>>
    tpu.enqueue_dma source(%dma_start3A_500 : memref<1024x512xf32, #tpu.memory_space<any>>) target(%dma_start3A_497 : memref<1024x512xf32, #tpu.memory_space<vmem>>) target_semaphore(%dma_start3A_493 : memref<!tpu.dma_semaphore, #tpu.memory_space<semaphore_mem>>)
    %dma_wait3A_501 = arith.constant 3 : i32
    %dma_wait3A_502 = arith.constant 3 : i32
    %dma_wait3A_503 = tpu.memref_slice %arg5[%dma_wait3A_502] : memref<4x!tpu.dma_semaphore, #tpu.memory_space<semaphore_mem>> -> memref<1x!tpu.dma_semaphore, #tpu.memory_space<semaphore_mem>>
    %dma_wait3A_504 = tpu.memref_squeeze %dma_wait3A_503 : memref<1x!tpu.dma_semaphore, #tpu.memory_space<semaphore_mem>> -> memref<!tpu.dma_semaphore, #tpu.memory_space<semaphore_mem>>
    %dma_wait3A_505 = arith.constant 0 : i32
    %dma_wait3A_506 = arith.constant 0 : i32
    %dma_wait3A_507 = tpu.memref_slice %arg3[%dma_wait3A_501, %dma_wait3A_505, %dma_wait3A_506] : memref<4x1024x512xf32, #tpu.memory_space<vmem>> -> memref<1x1024x512xf32, #tpu.memory_space<vmem>>
    %dma_wait3A_508 = tpu.memref_squeeze %dma_wait3A_507 : memref<1x1024x512xf32, #tpu.memory_space<vmem>> -> memref<1024x512xf32, #tpu.memory_space<vmem>>
    %dma_wait3A_509 = arith.constant 7168 : i32
    %dma_wait3A_510 = arith.constant 0 : i32
    %dma_wait3A_511 = tpu.memref_slice %arg0[%dma_wait3A_509, %dma_wait3A_510] : memref<24576x512xf32, #tpu.memory_space<any>> -> memref<1024x512xf32, #tpu.memory_space<any>>
    tpu.wait_dma2 semaphore(%dma_wait3A_504 : memref<!tpu.dma_semaphore, #tpu.memory_space<semaphore_mem>>) src(%dma_wait3A_511 : memref<1024x512xf32, #tpu.memory_space<any>>) dst(%dma_wait3A_508 : memref<1024x512xf32, #tpu.memory_space<vmem>>)
    %dma_wait3A_512 = arith.constant 3 : i32
    %dma_wait3A_513 = arith.constant 3 : i32
    %dma_wait3A_514 = tpu.memref_slice %arg6[%dma_wait3A_513] : memref<4x!tpu.dma_semaphore, #tpu.memory_space<semaphore_mem>> -> memref<1x!tpu.dma_semaphore, #tpu.memory_space<semaphore_mem>>
    %dma_wait3A_515 = tpu.memref_squeeze %dma_wait3A_514 : memref<1x!tpu.dma_semaphore, #tpu.memory_space<semaphore_mem>> -> memref<!tpu.dma_semaphore, #tpu.memory_space<semaphore_mem>>
    %dma_wait3A_516 = arith.constant 0 : i32
    %dma_wait3A_517 = arith.constant 0 : i32
    %dma_wait3A_518 = tpu.memref_slice %arg4[%dma_wait3A_512, %dma_wait3A_516, %dma_wait3A_517] : memref<4x1024x512xf32, #tpu.memory_space<vmem>> -> memref<1x1024x512xf32, #tpu.memory_space<vmem>>
    %dma_wait3A_519 = tpu.memref_squeeze %dma_wait3A_518 : memref<1x1024x512xf32, #tpu.memory_space<vmem>> -> memref<1024x512xf32, #tpu.memory_space<vmem>>
    %dma_wait3A_520 = arith.constant 7168 : i32
    %dma_wait3A_521 = arith.constant 0 : i32
    %dma_wait3A_522 = tpu.memref_slice %arg1[%dma_wait3A_520, %dma_wait3A_521] : memref<24576x512xf32, #tpu.memory_space<any>> -> memref<1024x512xf32, #tpu.memory_space<any>>
    tpu.wait_dma2 semaphore(%dma_wait3A_515 : memref<!tpu.dma_semaphore, #tpu.memory_space<semaphore_mem>>) src(%dma_wait3A_522 : memref<1024x512xf32, #tpu.memory_space<any>>) dst(%dma_wait3A_519 : memref<1024x512xf32, #tpu.memory_space<vmem>>)
    %get3A_523 = arith.constant 3 : index
    %get3A_524 = arith.constant 0 : index
    %get3A_525 = arith.constant 0 : index
    %get3A_526 = vector.load %arg3[%get3A_523, %get3A_524, %get3A_525] : memref<4x1024x512xf32, #tpu.memory_space<vmem>>, vector<1x1024x512xf32>
    %get3A_527 = vector.shape_cast %get3A_526 : vector<1x1024x512xf32> to vector<1024x512xf32>
    %get3A_528 = arith.constant 3 : index
    %get3A_529 = arith.constant 0 : index
    %get3A_530 = arith.constant 0 : index
    %get3A_531 = vector.load %arg4[%get3A_528, %get3A_529, %get3A_530] : memref<4x1024x512xf32, #tpu.memory_space<vmem>>, vector<1x1024x512xf32>
    %get3A_532 = vector.shape_cast %get3A_531 : vector<1x1024x512xf32> to vector<1024x512xf32>
    %sub3A_533 = arith.subf %get3A_527, %get3A_532 : vector<1024x512xf32>
    %abs3A_534 = math.absf %sub3A_533 : vector<1024x512xf32>
    %reshape3A_535 = vector.shape_cast %abs3A_534 : vector<1024x512xf32> to vector<512x8x128xf32>
    %reduce_sum3A_536 = arith.constant dense<0.000000e+00> : vector<8x128xf32>
    %reduce_sum3A_537 = vector.multi_reduction <add>, %reshape3A_535, %reduce_sum3A_536 [0] : vector<512x8x128xf32> to vector<8x128xf32>
    %add3A_538 = arith.addf %add3A_478, %reduce_sum3A_537 : vector<8x128xf32>
    %dma_start3A_539 = arith.constant 3 : i32
    %dma_start3A_540 = arith.constant 3 : i32
    %dma_start3A_541 = tpu.memref_slice %arg5[%dma_start3A_540] : memref<4x!tpu.dma_semaphore, #tpu.memory_space<semaphore_mem>> -> memref<1x!tpu.dma_semaphore, #tpu.memory_space<semaphore_mem>>
    %dma_start3A_542 = tpu.memref_squeeze %dma_start3A_541 : memref<1x!tpu.dma_semaphore, #tpu.memory_space<semaphore_mem>> -> memref<!tpu.dma_semaphore, #tpu.memory_space<semaphore_mem>>
    %dma_start3A_543 = arith.constant 0 : i32
    %dma_start3A_544 = arith.constant 0 : i32
    %dma_start3A_545 = tpu.memref_slice %arg3[%dma_start3A_539, %dma_start3A_543, %dma_start3A_544] : memref<4x1024x512xf32, #tpu.memory_space<vmem>> -> memref<1x1024x512xf32, #tpu.memory_space<vmem>>
    %dma_start3A_546 = tpu.memref_squeeze %dma_start3A_545 : memref<1x1024x512xf32, #tpu.memory_space<vmem>> -> memref<1024x512xf32, #tpu.memory_space<vmem>>
    %dma_start3A_547 = arith.constant 11264 : i32
    %dma_start3A_548 = arith.constant 0 : i32
    %dma_start3A_549 = tpu.memref_slice %arg0[%dma_start3A_547, %dma_start3A_548] : memref<24576x512xf32, #tpu.memory_space<any>> -> memref<1024x512xf32, #tpu.memory_space<any>>
    tpu.enqueue_dma source(%dma_start3A_549 : memref<1024x512xf32, #tpu.memory_space<any>>) target(%dma_start3A_546 : memref<1024x512xf32, #tpu.memory_space<vmem>>) target_semaphore(%dma_start3A_542 : memref<!tpu.dma_semaphore, #tpu.memory_space<semaphore_mem>>)
    %dma_start3A_550 = arith.constant 3 : i32
    %dma_start3A_551 = arith.constant 3 : i32
    %dma_start3A_552 = tpu.memref_slice %arg6[%dma_start3A_551] : memref<4x!tpu.dma_semaphore, #tpu.memory_space<semaphore_mem>> -> memref<1x!tpu.dma_semaphore, #tpu.memory_space<semaphore_mem>>
    %dma_start3A_553 = tpu.memref_squeeze %dma_start3A_552 : memref<1x!tpu.dma_semaphore, #tpu.memory_space<semaphore_mem>> -> memref<!tpu.dma_semaphore, #tpu.memory_space<semaphore_mem>>
    %dma_start3A_554 = arith.constant 0 : i32
    %dma_start3A_555 = arith.constant 0 : i32
    %dma_start3A_556 = tpu.memref_slice %arg4[%dma_start3A_550, %dma_start3A_554, %dma_start3A_555] : memref<4x1024x512xf32, #tpu.memory_space<vmem>> -> memref<1x1024x512xf32, #tpu.memory_space<vmem>>
    %dma_start3A_557 = tpu.memref_squeeze %dma_start3A_556 : memref<1x1024x512xf32, #tpu.memory_space<vmem>> -> memref<1024x512xf32, #tpu.memory_space<vmem>>
    %dma_start3A_558 = arith.constant 11264 : i32
    %dma_start3A_559 = arith.constant 0 : i32
    %dma_start3A_560 = tpu.memref_slice %arg1[%dma_start3A_558, %dma_start3A_559] : memref<24576x512xf32, #tpu.memory_space<any>> -> memref<1024x512xf32, #tpu.memory_space<any>>
    tpu.enqueue_dma source(%dma_start3A_560 : memref<1024x512xf32, #tpu.memory_space<any>>) target(%dma_start3A_557 : memref<1024x512xf32, #tpu.memory_space<vmem>>) target_semaphore(%dma_start3A_553 : memref<!tpu.dma_semaphore, #tpu.memory_space<semaphore_mem>>)
    %dma_wait3A_561 = arith.constant 0 : i32
    %dma_wait3A_562 = arith.constant 0 : i32
    %dma_wait3A_563 = tpu.memref_slice %arg5[%dma_wait3A_562] : memref<4x!tpu.dma_semaphore, #tpu.memory_space<semaphore_mem>> -> memref<1x!tpu.dma_semaphore, #tpu.memory_space<semaphore_mem>>
    %dma_wait3A_564 = tpu.memref_squeeze %dma_wait3A_563 : memref<1x!tpu.dma_semaphore, #tpu.memory_space<semaphore_mem>> -> memref<!tpu.dma_semaphore, #tpu.memory_space<semaphore_mem>>
    %dma_wait3A_565 = arith.constant 0 : i32
    %dma_wait3A_566 = arith.constant 0 : i32
    %dma_wait3A_567 = tpu.memref_slice %arg3[%dma_wait3A_561, %dma_wait3A_565, %dma_wait3A_566] : memref<4x1024x512xf32, #tpu.memory_space<vmem>> -> memref<1x1024x512xf32, #tpu.memory_space<vmem>>
    %dma_wait3A_568 = tpu.memref_squeeze %dma_wait3A_567 : memref<1x1024x512xf32, #tpu.memory_space<vmem>> -> memref<1024x512xf32, #tpu.memory_space<vmem>>
    %dma_wait3A_569 = arith.constant 8192 : i32
    %dma_wait3A_570 = arith.constant 0 : i32
    %dma_wait3A_571 = tpu.memref_slice %arg0[%dma_wait3A_569, %dma_wait3A_570] : memref<24576x512xf32, #tpu.memory_space<any>> -> memref<1024x512xf32, #tpu.memory_space<any>>
    tpu.wait_dma2 semaphore(%dma_wait3A_564 : memref<!tpu.dma_semaphore, #tpu.memory_space<semaphore_mem>>) src(%dma_wait3A_571 : memref<1024x512xf32, #tpu.memory_space<any>>) dst(%dma_wait3A_568 : memref<1024x512xf32, #tpu.memory_space<vmem>>)
    %dma_wait3A_572 = arith.constant 0 : i32
    %dma_wait3A_573 = arith.constant 0 : i32
    %dma_wait3A_574 = tpu.memref_slice %arg6[%dma_wait3A_573] : memref<4x!tpu.dma_semaphore, #tpu.memory_space<semaphore_mem>> -> memref<1x!tpu.dma_semaphore, #tpu.memory_space<semaphore_mem>>
    %dma_wait3A_575 = tpu.memref_squeeze %dma_wait3A_574 : memref<1x!tpu.dma_semaphore, #tpu.memory_space<semaphore_mem>> -> memref<!tpu.dma_semaphore, #tpu.memory_space<semaphore_mem>>
    %dma_wait3A_576 = arith.constant 0 : i32
    %dma_wait3A_577 = arith.constant 0 : i32
    %dma_wait3A_578 = tpu.memref_slice %arg4[%dma_wait3A_572, %dma_wait3A_576, %dma_wait3A_577] : memref<4x1024x512xf32, #tpu.memory_space<vmem>> -> memref<1x1024x512xf32, #tpu.memory_space<vmem>>
    %dma_wait3A_579 = tpu.memref_squeeze %dma_wait3A_578 : memref<1x1024x512xf32, #tpu.memory_space<vmem>> -> memref<1024x512xf32, #tpu.memory_space<vmem>>
    %dma_wait3A_580 = arith.constant 8192 : i32
    %dma_wait3A_581 = arith.constant 0 : i32
    %dma_wait3A_582 = tpu.memref_slice %arg1[%dma_wait3A_580, %dma_wait3A_581] : memref<24576x512xf32, #tpu.memory_space<any>> -> memref<1024x512xf32, #tpu.memory_space<any>>
    tpu.wait_dma2 semaphore(%dma_wait3A_575 : memref<!tpu.dma_semaphore, #tpu.memory_space<semaphore_mem>>) src(%dma_wait3A_582 : memref<1024x512xf32, #tpu.memory_space<any>>) dst(%dma_wait3A_579 : memref<1024x512xf32, #tpu.memory_space<vmem>>)
    %get3A_583 = arith.constant 0 : index
    %get3A_584 = arith.constant 0 : index
    %get3A_585 = arith.constant 0 : index
    %get3A_586 = vector.load %arg3[%get3A_583, %get3A_584, %get3A_585] : memref<4x1024x512xf32, #tpu.memory_space<vmem>>, vector<1x1024x512xf32>
    %get3A_587 = vector.shape_cast %get3A_586 : vector<1x1024x512xf32> to vector<1024x512xf32>
    %get3A_588 = arith.constant 0 : index
    %get3A_589 = arith.constant 0 : index
    %get3A_590 = arith.constant 0 : index
    %get3A_591 = vector.load %arg4[%get3A_588, %get3A_589, %get3A_590] : memref<4x1024x512xf32, #tpu.memory_space<vmem>>, vector<1x1024x512xf32>
    %get3A_592 = vector.shape_cast %get3A_591 : vector<1x1024x512xf32> to vector<1024x512xf32>
    %sub3A_593 = arith.subf %get3A_587, %get3A_592 : vector<1024x512xf32>
    %abs3A_594 = math.absf %sub3A_593 : vector<1024x512xf32>
    %reshape3A_595 = vector.shape_cast %abs3A_594 : vector<1024x512xf32> to vector<512x8x128xf32>
    %reduce_sum3A_596 = arith.constant dense<0.000000e+00> : vector<8x128xf32>
    %reduce_sum3A_597 = vector.multi_reduction <add>, %reshape3A_595, %reduce_sum3A_596 [0] : vector<512x8x128xf32> to vector<8x128xf32>
    %add3A_598 = arith.addf %add3A_538, %reduce_sum3A_597 : vector<8x128xf32>
    %dma_start3A_599 = arith.constant 0 : i32
    %dma_start3A_600 = arith.constant 0 : i32
    %dma_start3A_601 = tpu.memref_slice %arg5[%dma_start3A_600] : memref<4x!tpu.dma_semaphore, #tpu.memory_space<semaphore_mem>> -> memref<1x!tpu.dma_semaphore, #tpu.memory_space<semaphore_mem>>
    %dma_start3A_602 = tpu.memref_squeeze %dma_start3A_601 : memref<1x!tpu.dma_semaphore, #tpu.memory_space<semaphore_mem>> -> memref<!tpu.dma_semaphore, #tpu.memory_space<semaphore_mem>>
    %dma_start3A_603 = arith.constant 0 : i32
    %dma_start3A_604 = arith.constant 0 : i32
    %dma_start3A_605 = tpu.memref_slice %arg3[%dma_start3A_599, %dma_start3A_603, %dma_start3A_604] : memref<4x1024x512xf32, #tpu.memory_space<vmem>> -> memref<1x1024x512xf32, #tpu.memory_space<vmem>>
    %dma_start3A_606 = tpu.memref_squeeze %dma_start3A_605 : memref<1x1024x512xf32, #tpu.memory_space<vmem>> -> memref<1024x512xf32, #tpu.memory_space<vmem>>
    %dma_start3A_607 = arith.constant 12288 : i32
    %dma_start3A_608 = arith.constant 0 : i32
    %dma_start3A_609 = tpu.memref_slice %arg0[%dma_start3A_607, %dma_start3A_608] : memref<24576x512xf32, #tpu.memory_space<any>> -> memref<1024x512xf32, #tpu.memory_space<any>>
    tpu.enqueue_dma source(%dma_start3A_609 : memref<1024x512xf32, #tpu.memory_space<any>>) target(%dma_start3A_606 : memref<1024x512xf32, #tpu.memory_space<vmem>>) target_semaphore(%dma_start3A_602 : memref<!tpu.dma_semaphore, #tpu.memory_space<semaphore_mem>>)
    %dma_start3A_610 = arith.constant 0 : i32
    %dma_start3A_611 = arith.constant 0 : i32
    %dma_start3A_612 = tpu.memref_slice %arg6[%dma_start3A_611] : memref<4x!tpu.dma_semaphore, #tpu.memory_space<semaphore_mem>> -> memref<1x!tpu.dma_semaphore, #tpu.memory_space<semaphore_mem>>
    %dma_start3A_613 = tpu.memref_squeeze %dma_start3A_612 : memref<1x!tpu.dma_semaphore, #tpu.memory_space<semaphore_mem>> -> memref<!tpu.dma_semaphore, #tpu.memory_space<semaphore_mem>>
    %dma_start3A_614 = arith.constant 0 : i32
    %dma_start3A_615 = arith.constant 0 : i32
    %dma_start3A_616 = tpu.memref_slice %arg4[%dma_start3A_610, %dma_start3A_614, %dma_start3A_615] : memref<4x1024x512xf32, #tpu.memory_space<vmem>> -> memref<1x1024x512xf32, #tpu.memory_space<vmem>>
    %dma_start3A_617 = tpu.memref_squeeze %dma_start3A_616 : memref<1x1024x512xf32, #tpu.memory_space<vmem>> -> memref<1024x512xf32, #tpu.memory_space<vmem>>
    %dma_start3A_618 = arith.constant 12288 : i32
    %dma_start3A_619 = arith.constant 0 : i32
    %dma_start3A_620 = tpu.memref_slice %arg1[%dma_start3A_618, %dma_start3A_619] : memref<24576x512xf32, #tpu.memory_space<any>> -> memref<1024x512xf32, #tpu.memory_space<any>>
    tpu.enqueue_dma source(%dma_start3A_620 : memref<1024x512xf32, #tpu.memory_space<any>>) target(%dma_start3A_617 : memref<1024x512xf32, #tpu.memory_space<vmem>>) target_semaphore(%dma_start3A_613 : memref<!tpu.dma_semaphore, #tpu.memory_space<semaphore_mem>>)
    %dma_wait3A_621 = arith.constant 1 : i32
    %dma_wait3A_622 = arith.constant 1 : i32
    %dma_wait3A_623 = tpu.memref_slice %arg5[%dma_wait3A_622] : memref<4x!tpu.dma_semaphore, #tpu.memory_space<semaphore_mem>> -> memref<1x!tpu.dma_semaphore, #tpu.memory_space<semaphore_mem>>
    %dma_wait3A_624 = tpu.memref_squeeze %dma_wait3A_623 : memref<1x!tpu.dma_semaphore, #tpu.memory_space<semaphore_mem>> -> memref<!tpu.dma_semaphore, #tpu.memory_space<semaphore_mem>>
    %dma_wait3A_625 = arith.constant 0 : i32
    %dma_wait3A_626 = arith.constant 0 : i32
    %dma_wait3A_627 = tpu.memref_slice %arg3[%dma_wait3A_621, %dma_wait3A_625, %dma_wait3A_626] : memref<4x1024x512xf32, #tpu.memory_space<vmem>> -> memref<1x1024x512xf32, #tpu.memory_space<vmem>>
    %dma_wait3A_628 = tpu.memref_squeeze %dma_wait3A_627 : memref<1x1024x512xf32, #tpu.memory_space<vmem>> -> memref<1024x512xf32, #tpu.memory_space<vmem>>
    %dma_wait3A_629 = arith.constant 9216 : i32
    %dma_wait3A_630 = arith.constant 0 : i32
    %dma_wait3A_631 = tpu.memref_slice %arg0[%dma_wait3A_629, %dma_wait3A_630] : memref<24576x512xf32, #tpu.memory_space<any>> -> memref<1024x512xf32, #tpu.memory_space<any>>
    tpu.wait_dma2 semaphore(%dma_wait3A_624 : memref<!tpu.dma_semaphore, #tpu.memory_space<semaphore_mem>>) src(%dma_wait3A_631 : memref<1024x512xf32, #tpu.memory_space<any>>) dst(%dma_wait3A_628 : memref<1024x512xf32, #tpu.memory_space<vmem>>)
    %dma_wait3A_632 = arith.constant 1 : i32
    %dma_wait3A_633 = arith.constant 1 : i32
    %dma_wait3A_634 = tpu.memref_slice %arg6[%dma_wait3A_633] : memref<4x!tpu.dma_semaphore, #tpu.memory_space<semaphore_mem>> -> memref<1x!tpu.dma_semaphore, #tpu.memory_space<semaphore_mem>>
    %dma_wait3A_635 = tpu.memref_squeeze %dma_wait3A_634 : memref<1x!tpu.dma_semaphore, #tpu.memory_space<semaphore_mem>> -> memref<!tpu.dma_semaphore, #tpu.memory_space<semaphore_mem>>
    %dma_wait3A_636 = arith.constant 0 : i32
    %dma_wait3A_637 = arith.constant 0 : i32
    %dma_wait3A_638 = tpu.memref_slice %arg4[%dma_wait3A_632, %dma_wait3A_636, %dma_wait3A_637] : memref<4x1024x512xf32, #tpu.memory_space<vmem>> -> memref<1x1024x512xf32, #tpu.memory_space<vmem>>
    %dma_wait3A_639 = tpu.memref_squeeze %dma_wait3A_638 : memref<1x1024x512xf32, #tpu.memory_space<vmem>> -> memref<1024x512xf32, #tpu.memory_space<vmem>>
    %dma_wait3A_640 = arith.constant 9216 : i32
    %dma_wait3A_641 = arith.constant 0 : i32
    %dma_wait3A_642 = tpu.memref_slice %arg1[%dma_wait3A_640, %dma_wait3A_641] : memref<24576x512xf32, #tpu.memory_space<any>> -> memref<1024x512xf32, #tpu.memory_space<any>>
    tpu.wait_dma2 semaphore(%dma_wait3A_635 : memref<!tpu.dma_semaphore, #tpu.memory_space<semaphore_mem>>) src(%dma_wait3A_642 : memref<1024x512xf32, #tpu.memory_space<any>>) dst(%dma_wait3A_639 : memref<1024x512xf32, #tpu.memory_space<vmem>>)
    %get3A_643 = arith.constant 1 : index
    %get3A_644 = arith.constant 0 : index
    %get3A_645 = arith.constant 0 : index
    %get3A_646 = vector.load %arg3[%get3A_643, %get3A_644, %get3A_645] : memref<4x1024x512xf32, #tpu.memory_space<vmem>>, vector<1x1024x512xf32>
    %get3A_647 = vector.shape_cast %get3A_646 : vector<1x1024x512xf32> to vector<1024x512xf32>
    %get3A_648 = arith.constant 1 : index
    %get3A_649 = arith.constant 0 : index
    %get3A_650 = arith.constant 0 : index
    %get3A_651 = vector.load %arg4[%get3A_648, %get3A_649, %get3A_650] : memref<4x1024x512xf32, #tpu.memory_space<vmem>>, vector<1x1024x512xf32>
    %get3A_652 = vector.shape_cast %get3A_651 : vector<1x1024x512xf32> to vector<1024x512xf32>
    %sub3A_653 = arith.subf %get3A_647, %get3A_652 : vector<1024x512xf32>
    %abs3A_654 = math.absf %sub3A_653 : vector<1024x512xf32>
    %reshape3A_655 = vector.shape_cast %abs3A_654 : vector<1024x512xf32> to vector<512x8x128xf32>
    %reduce_sum3A_656 = arith.constant dense<0.000000e+00> : vector<8x128xf32>
    %reduce_sum3A_657 = vector.multi_reduction <add>, %reshape3A_655, %reduce_sum3A_656 [0] : vector<512x8x128xf32> to vector<8x128xf32>
    %add3A_658 = arith.addf %add3A_598, %reduce_sum3A_657 : vector<8x128xf32>
    %dma_start3A_659 = arith.constant 1 : i32
    %dma_start3A_660 = arith.constant 1 : i32
    %dma_start3A_661 = tpu.memref_slice %arg5[%dma_start3A_660] : memref<4x!tpu.dma_semaphore, #tpu.memory_space<semaphore_mem>> -> memref<1x!tpu.dma_semaphore, #tpu.memory_space<semaphore_mem>>
    %dma_start3A_662 = tpu.memref_squeeze %dma_start3A_661 : memref<1x!tpu.dma_semaphore, #tpu.memory_space<semaphore_mem>> -> memref<!tpu.dma_semaphore, #tpu.memory_space<semaphore_mem>>
    %dma_start3A_663 = arith.constant 0 : i32
    %dma_start3A_664 = arith.constant 0 : i32
    %dma_start3A_665 = tpu.memref_slice %arg3[%dma_start3A_659, %dma_start3A_663, %dma_start3A_664] : memref<4x1024x512xf32, #tpu.memory_space<vmem>> -> memref<1x1024x512xf32, #tpu.memory_space<vmem>>
    %dma_start3A_666 = tpu.memref_squeeze %dma_start3A_665 : memref<1x1024x512xf32, #tpu.memory_space<vmem>> -> memref<1024x512xf32, #tpu.memory_space<vmem>>
    %dma_start3A_667 = arith.constant 13312 : i32
    %dma_start3A_668 = arith.constant 0 : i32
    %dma_start3A_669 = tpu.memref_slice %arg0[%dma_start3A_667, %dma_start3A_668] : memref<24576x512xf32, #tpu.memory_space<any>> -> memref<1024x512xf32, #tpu.memory_space<any>>
    tpu.enqueue_dma source(%dma_start3A_669 : memref<1024x512xf32, #tpu.memory_space<any>>) target(%dma_start3A_666 : memref<1024x512xf32, #tpu.memory_space<vmem>>) target_semaphore(%dma_start3A_662 : memref<!tpu.dma_semaphore, #tpu.memory_space<semaphore_mem>>)
    %dma_start3A_670 = arith.constant 1 : i32
    %dma_start3A_671 = arith.constant 1 : i32
    %dma_start3A_672 = tpu.memref_slice %arg6[%dma_start3A_671] : memref<4x!tpu.dma_semaphore, #tpu.memory_space<semaphore_mem>> -> memref<1x!tpu.dma_semaphore, #tpu.memory_space<semaphore_mem>>
    %dma_start3A_673 = tpu.memref_squeeze %dma_start3A_672 : memref<1x!tpu.dma_semaphore, #tpu.memory_space<semaphore_mem>> -> memref<!tpu.dma_semaphore, #tpu.memory_space<semaphore_mem>>
    %dma_start3A_674 = arith.constant 0 : i32
    %dma_start3A_675 = arith.constant 0 : i32
    %dma_start3A_676 = tpu.memref_slice %arg4[%dma_start3A_670, %dma_start3A_674, %dma_start3A_675] : memref<4x1024x512xf32, #tpu.memory_space<vmem>> -> memref<1x1024x512xf32, #tpu.memory_space<vmem>>
    %dma_start3A_677 = tpu.memref_squeeze %dma_start3A_676 : memref<1x1024x512xf32, #tpu.memory_space<vmem>> -> memref<1024x512xf32, #tpu.memory_space<vmem>>
    %dma_start3A_678 = arith.constant 13312 : i32
    %dma_start3A_679 = arith.constant 0 : i32
    %dma_start3A_680 = tpu.memref_slice %arg1[%dma_start3A_678, %dma_start3A_679] : memref<24576x512xf32, #tpu.memory_space<any>> -> memref<1024x512xf32, #tpu.memory_space<any>>
    tpu.enqueue_dma source(%dma_start3A_680 : memref<1024x512xf32, #tpu.memory_space<any>>) target(%dma_start3A_677 : memref<1024x512xf32, #tpu.memory_space<vmem>>) target_semaphore(%dma_start3A_673 : memref<!tpu.dma_semaphore, #tpu.memory_space<semaphore_mem>>)
    %dma_wait3A_681 = arith.constant 2 : i32
    %dma_wait3A_682 = arith.constant 2 : i32
    %dma_wait3A_683 = tpu.memref_slice %arg5[%dma_wait3A_682] : memref<4x!tpu.dma_semaphore, #tpu.memory_space<semaphore_mem>> -> memref<1x!tpu.dma_semaphore, #tpu.memory_space<semaphore_mem>>
    %dma_wait3A_684 = tpu.memref_squeeze %dma_wait3A_683 : memref<1x!tpu.dma_semaphore, #tpu.memory_space<semaphore_mem>> -> memref<!tpu.dma_semaphore, #tpu.memory_space<semaphore_mem>>
    %dma_wait3A_685 = arith.constant 0 : i32
    %dma_wait3A_686 = arith.constant 0 : i32
    %dma_wait3A_687 = tpu.memref_slice %arg3[%dma_wait3A_681, %dma_wait3A_685, %dma_wait3A_686] : memref<4x1024x512xf32, #tpu.memory_space<vmem>> -> memref<1x1024x512xf32, #tpu.memory_space<vmem>>
    %dma_wait3A_688 = tpu.memref_squeeze %dma_wait3A_687 : memref<1x1024x512xf32, #tpu.memory_space<vmem>> -> memref<1024x512xf32, #tpu.memory_space<vmem>>
    %dma_wait3A_689 = arith.constant 10240 : i32
    %dma_wait3A_690 = arith.constant 0 : i32
    %dma_wait3A_691 = tpu.memref_slice %arg0[%dma_wait3A_689, %dma_wait3A_690] : memref<24576x512xf32, #tpu.memory_space<any>> -> memref<1024x512xf32, #tpu.memory_space<any>>
    tpu.wait_dma2 semaphore(%dma_wait3A_684 : memref<!tpu.dma_semaphore, #tpu.memory_space<semaphore_mem>>) src(%dma_wait3A_691 : memref<1024x512xf32, #tpu.memory_space<any>>) dst(%dma_wait3A_688 : memref<1024x512xf32, #tpu.memory_space<vmem>>)
    %dma_wait3A_692 = arith.constant 2 : i32
    %dma_wait3A_693 = arith.constant 2 : i32
    %dma_wait3A_694 = tpu.memref_slice %arg6[%dma_wait3A_693] : memref<4x!tpu.dma_semaphore, #tpu.memory_space<semaphore_mem>> -> memref<1x!tpu.dma_semaphore, #tpu.memory_space<semaphore_mem>>
    %dma_wait3A_695 = tpu.memref_squeeze %dma_wait3A_694 : memref<1x!tpu.dma_semaphore, #tpu.memory_space<semaphore_mem>> -> memref<!tpu.dma_semaphore, #tpu.memory_space<semaphore_mem>>
    %dma_wait3A_696 = arith.constant 0 : i32
    %dma_wait3A_697 = arith.constant 0 : i32
    %dma_wait3A_698 = tpu.memref_slice %arg4[%dma_wait3A_692, %dma_wait3A_696, %dma_wait3A_697] : memref<4x1024x512xf32, #tpu.memory_space<vmem>> -> memref<1x1024x512xf32, #tpu.memory_space<vmem>>
    %dma_wait3A_699 = tpu.memref_squeeze %dma_wait3A_698 : memref<1x1024x512xf32, #tpu.memory_space<vmem>> -> memref<1024x512xf32, #tpu.memory_space<vmem>>
    %dma_wait3A_700 = arith.constant 10240 : i32
    %dma_wait3A_701 = arith.constant 0 : i32
    %dma_wait3A_702 = tpu.memref_slice %arg1[%dma_wait3A_700, %dma_wait3A_701] : memref<24576x512xf32, #tpu.memory_space<any>> -> memref<1024x512xf32, #tpu.memory_space<any>>
    tpu.wait_dma2 semaphore(%dma_wait3A_695 : memref<!tpu.dma_semaphore, #tpu.memory_space<semaphore_mem>>) src(%dma_wait3A_702 : memref<1024x512xf32, #tpu.memory_space<any>>) dst(%dma_wait3A_699 : memref<1024x512xf32, #tpu.memory_space<vmem>>)
    %get3A_703 = arith.constant 2 : index
    %get3A_704 = arith.constant 0 : index
    %get3A_705 = arith.constant 0 : index
    %get3A_706 = vector.load %arg3[%get3A_703, %get3A_704, %get3A_705] : memref<4x1024x512xf32, #tpu.memory_space<vmem>>, vector<1x1024x512xf32>
    %get3A_707 = vector.shape_cast %get3A_706 : vector<1x1024x512xf32> to vector<1024x512xf32>
    %get3A_708 = arith.constant 2 : index
    %get3A_709 = arith.constant 0 : index
    %get3A_710 = arith.constant 0 : index
    %get3A_711 = vector.load %arg4[%get3A_708, %get3A_709, %get3A_710] : memref<4x1024x512xf32, #tpu.memory_space<vmem>>, vector<1x1024x512xf32>
    %get3A_712 = vector.shape_cast %get3A_711 : vector<1x1024x512xf32> to vector<1024x512xf32>
    %sub3A_713 = arith.subf %get3A_707, %get3A_712 : vector<1024x512xf32>
    %abs3A_714 = math.absf %sub3A_713 : vector<1024x512xf32>
    %reshape3A_715 = vector.shape_cast %abs3A_714 : vector<1024x512xf32> to vector<512x8x128xf32>
    %reduce_sum3A_716 = arith.constant dense<0.000000e+00> : vector<8x128xf32>
    %reduce_sum3A_717 = vector.multi_reduction <add>, %reshape3A_715, %reduce_sum3A_716 [0] : vector<512x8x128xf32> to vector<8x128xf32>
    %add3A_718 = arith.addf %add3A_658, %reduce_sum3A_717 : vector<8x128xf32>
    %dma_start3A_719 = arith.constant 2 : i32
    %dma_start3A_720 = arith.constant 2 : i32
    %dma_start3A_721 = tpu.memref_slice %arg5[%dma_start3A_720] : memref<4x!tpu.dma_semaphore, #tpu.memory_space<semaphore_mem>> -> memref<1x!tpu.dma_semaphore, #tpu.memory_space<semaphore_mem>>
    %dma_start3A_722 = tpu.memref_squeeze %dma_start3A_721 : memref<1x!tpu.dma_semaphore, #tpu.memory_space<semaphore_mem>> -> memref<!tpu.dma_semaphore, #tpu.memory_space<semaphore_mem>>
    %dma_start3A_723 = arith.constant 0 : i32
    %dma_start3A_724 = arith.constant 0 : i32
    %dma_start3A_725 = tpu.memref_slice %arg3[%dma_start3A_719, %dma_start3A_723, %dma_start3A_724] : memref<4x1024x512xf32, #tpu.memory_space<vmem>> -> memref<1x1024x512xf32, #tpu.memory_space<vmem>>
    %dma_start3A_726 = tpu.memref_squeeze %dma_start3A_725 : memref<1x1024x512xf32, #tpu.memory_space<vmem>> -> memref<1024x512xf32, #tpu.memory_space<vmem>>
    %dma_start3A_727 = arith.constant 14336 : i32
    %dma_start3A_728 = arith.constant 0 : i32
    %dma_start3A_729 = tpu.memref_slice %arg0[%dma_start3A_727, %dma_start3A_728] : memref<24576x512xf32, #tpu.memory_space<any>> -> memref<1024x512xf32, #tpu.memory_space<any>>
    tpu.enqueue_dma source(%dma_start3A_729 : memref<1024x512xf32, #tpu.memory_space<any>>) target(%dma_start3A_726 : memref<1024x512xf32, #tpu.memory_space<vmem>>) target_semaphore(%dma_start3A_722 : memref<!tpu.dma_semaphore, #tpu.memory_space<semaphore_mem>>)
    %dma_start3A_730 = arith.constant 2 : i32
    %dma_start3A_731 = arith.constant 2 : i32
    %dma_start3A_732 = tpu.memref_slice %arg6[%dma_start3A_731] : memref<4x!tpu.dma_semaphore, #tpu.memory_space<semaphore_mem>> -> memref<1x!tpu.dma_semaphore, #tpu.memory_space<semaphore_mem>>
    %dma_start3A_733 = tpu.memref_squeeze %dma_start3A_732 : memref<1x!tpu.dma_semaphore, #tpu.memory_space<semaphore_mem>> -> memref<!tpu.dma_semaphore, #tpu.memory_space<semaphore_mem>>
    %dma_start3A_734 = arith.constant 0 : i32
    %dma_start3A_735 = arith.constant 0 : i32
    %dma_start3A_736 = tpu.memref_slice %arg4[%dma_start3A_730, %dma_start3A_734, %dma_start3A_735] : memref<4x1024x512xf32, #tpu.memory_space<vmem>> -> memref<1x1024x512xf32, #tpu.memory_space<vmem>>
    %dma_start3A_737 = tpu.memref_squeeze %dma_start3A_736 : memref<1x1024x512xf32, #tpu.memory_space<vmem>> -> memref<1024x512xf32, #tpu.memory_space<vmem>>
    %dma_start3A_738 = arith.constant 14336 : i32
    %dma_start3A_739 = arith.constant 0 : i32
    %dma_start3A_740 = tpu.memref_slice %arg1[%dma_start3A_738, %dma_start3A_739] : memref<24576x512xf32, #tpu.memory_space<any>> -> memref<1024x512xf32, #tpu.memory_space<any>>
    tpu.enqueue_dma source(%dma_start3A_740 : memref<1024x512xf32, #tpu.memory_space<any>>) target(%dma_start3A_737 : memref<1024x512xf32, #tpu.memory_space<vmem>>) target_semaphore(%dma_start3A_733 : memref<!tpu.dma_semaphore, #tpu.memory_space<semaphore_mem>>)
    %dma_wait3A_741 = arith.constant 3 : i32
    %dma_wait3A_742 = arith.constant 3 : i32
    %dma_wait3A_743 = tpu.memref_slice %arg5[%dma_wait3A_742] : memref<4x!tpu.dma_semaphore, #tpu.memory_space<semaphore_mem>> -> memref<1x!tpu.dma_semaphore, #tpu.memory_space<semaphore_mem>>
    %dma_wait3A_744 = tpu.memref_squeeze %dma_wait3A_743 : memref<1x!tpu.dma_semaphore, #tpu.memory_space<semaphore_mem>> -> memref<!tpu.dma_semaphore, #tpu.memory_space<semaphore_mem>>
    %dma_wait3A_745 = arith.constant 0 : i32
    %dma_wait3A_746 = arith.constant 0 : i32
    %dma_wait3A_747 = tpu.memref_slice %arg3[%dma_wait3A_741, %dma_wait3A_745, %dma_wait3A_746] : memref<4x1024x512xf32, #tpu.memory_space<vmem>> -> memref<1x1024x512xf32, #tpu.memory_space<vmem>>
    %dma_wait3A_748 = tpu.memref_squeeze %dma_wait3A_747 : memref<1x1024x512xf32, #tpu.memory_space<vmem>> -> memref<1024x512xf32, #tpu.memory_space<vmem>>
    %dma_wait3A_749 = arith.constant 11264 : i32
    %dma_wait3A_750 = arith.constant 0 : i32
    %dma_wait3A_751 = tpu.memref_slice %arg0[%dma_wait3A_749, %dma_wait3A_750] : memref<24576x512xf32, #tpu.memory_space<any>> -> memref<1024x512xf32, #tpu.memory_space<any>>
    tpu.wait_dma2 semaphore(%dma_wait3A_744 : memref<!tpu.dma_semaphore, #tpu.memory_space<semaphore_mem>>) src(%dma_wait3A_751 : memref<1024x512xf32, #tpu.memory_space<any>>) dst(%dma_wait3A_748 : memref<1024x512xf32, #tpu.memory_space<vmem>>)
    %dma_wait3A_752 = arith.constant 3 : i32
    %dma_wait3A_753 = arith.constant 3 : i32
    %dma_wait3A_754 = tpu.memref_slice %arg6[%dma_wait3A_753] : memref<4x!tpu.dma_semaphore, #tpu.memory_space<semaphore_mem>> -> memref<1x!tpu.dma_semaphore, #tpu.memory_space<semaphore_mem>>
    %dma_wait3A_755 = tpu.memref_squeeze %dma_wait3A_754 : memref<1x!tpu.dma_semaphore, #tpu.memory_space<semaphore_mem>> -> memref<!tpu.dma_semaphore, #tpu.memory_space<semaphore_mem>>
    %dma_wait3A_756 = arith.constant 0 : i32
    %dma_wait3A_757 = arith.constant 0 : i32
    %dma_wait3A_758 = tpu.memref_slice %arg4[%dma_wait3A_752, %dma_wait3A_756, %dma_wait3A_757] : memref<4x1024x512xf32, #tpu.memory_space<vmem>> -> memref<1x1024x512xf32, #tpu.memory_space<vmem>>
    %dma_wait3A_759 = tpu.memref_squeeze %dma_wait3A_758 : memref<1x1024x512xf32, #tpu.memory_space<vmem>> -> memref<1024x512xf32, #tpu.memory_space<vmem>>
    %dma_wait3A_760 = arith.constant 11264 : i32
    %dma_wait3A_761 = arith.constant 0 : i32
    %dma_wait3A_762 = tpu.memref_slice %arg1[%dma_wait3A_760, %dma_wait3A_761] : memref<24576x512xf32, #tpu.memory_space<any>> -> memref<1024x512xf32, #tpu.memory_space<any>>
    tpu.wait_dma2 semaphore(%dma_wait3A_755 : memref<!tpu.dma_semaphore, #tpu.memory_space<semaphore_mem>>) src(%dma_wait3A_762 : memref<1024x512xf32, #tpu.memory_space<any>>) dst(%dma_wait3A_759 : memref<1024x512xf32, #tpu.memory_space<vmem>>)
    %get3A_763 = arith.constant 3 : index
    %get3A_764 = arith.constant 0 : index
    %get3A_765 = arith.constant 0 : index
    %get3A_766 = vector.load %arg3[%get3A_763, %get3A_764, %get3A_765] : memref<4x1024x512xf32, #tpu.memory_space<vmem>>, vector<1x1024x512xf32>
    %get3A_767 = vector.shape_cast %get3A_766 : vector<1x1024x512xf32> to vector<1024x512xf32>
    %get3A_768 = arith.constant 3 : index
    %get3A_769 = arith.constant 0 : index
    %get3A_770 = arith.constant 0 : index
    %get3A_771 = vector.load %arg4[%get3A_768, %get3A_769, %get3A_770] : memref<4x1024x512xf32, #tpu.memory_space<vmem>>, vector<1x1024x512xf32>
    %get3A_772 = vector.shape_cast %get3A_771 : vector<1x1024x512xf32> to vector<1024x512xf32>
    %sub3A_773 = arith.subf %get3A_767, %get3A_772 : vector<1024x512xf32>
    %abs3A_774 = math.absf %sub3A_773 : vector<1024x512xf32>
    %reshape3A_775 = vector.shape_cast %abs3A_774 : vector<1024x512xf32> to vector<512x8x128xf32>
    %reduce_sum3A_776 = arith.constant dense<0.000000e+00> : vector<8x128xf32>
    %reduce_sum3A_777 = vector.multi_reduction <add>, %reshape3A_775, %reduce_sum3A_776 [0] : vector<512x8x128xf32> to vector<8x128xf32>
    %add3A_778 = arith.addf %add3A_718, %reduce_sum3A_777 : vector<8x128xf32>
    %dma_start3A_779 = arith.constant 3 : i32
    %dma_start3A_780 = arith.constant 3 : i32
    %dma_start3A_781 = tpu.memref_slice %arg5[%dma_start3A_780] : memref<4x!tpu.dma_semaphore, #tpu.memory_space<semaphore_mem>> -> memref<1x!tpu.dma_semaphore, #tpu.memory_space<semaphore_mem>>
    %dma_start3A_782 = tpu.memref_squeeze %dma_start3A_781 : memref<1x!tpu.dma_semaphore, #tpu.memory_space<semaphore_mem>> -> memref<!tpu.dma_semaphore, #tpu.memory_space<semaphore_mem>>
    %dma_start3A_783 = arith.constant 0 : i32
    %dma_start3A_784 = arith.constant 0 : i32
    %dma_start3A_785 = tpu.memref_slice %arg3[%dma_start3A_779, %dma_start3A_783, %dma_start3A_784] : memref<4x1024x512xf32, #tpu.memory_space<vmem>> -> memref<1x1024x512xf32, #tpu.memory_space<vmem>>
    %dma_start3A_786 = tpu.memref_squeeze %dma_start3A_785 : memref<1x1024x512xf32, #tpu.memory_space<vmem>> -> memref<1024x512xf32, #tpu.memory_space<vmem>>
    %dma_start3A_787 = arith.constant 15360 : i32
    %dma_start3A_788 = arith.constant 0 : i32
    %dma_start3A_789 = tpu.memref_slice %arg0[%dma_start3A_787, %dma_start3A_788] : memref<24576x512xf32, #tpu.memory_space<any>> -> memref<1024x512xf32, #tpu.memory_space<any>>
    tpu.enqueue_dma source(%dma_start3A_789 : memref<1024x512xf32, #tpu.memory_space<any>>) target(%dma_start3A_786 : memref<1024x512xf32, #tpu.memory_space<vmem>>) target_semaphore(%dma_start3A_782 : memref<!tpu.dma_semaphore, #tpu.memory_space<semaphore_mem>>)
    %dma_start3A_790 = arith.constant 3 : i32
    %dma_start3A_791 = arith.constant 3 : i32
    %dma_start3A_792 = tpu.memref_slice %arg6[%dma_start3A_791] : memref<4x!tpu.dma_semaphore, #tpu.memory_space<semaphore_mem>> -> memref<1x!tpu.dma_semaphore, #tpu.memory_space<semaphore_mem>>
    %dma_start3A_793 = tpu.memref_squeeze %dma_start3A_792 : memref<1x!tpu.dma_semaphore, #tpu.memory_space<semaphore_mem>> -> memref<!tpu.dma_semaphore, #tpu.memory_space<semaphore_mem>>
    %dma_start3A_794 = arith.constant 0 : i32
    %dma_start3A_795 = arith.constant 0 : i32
    %dma_start3A_796 = tpu.memref_slice %arg4[%dma_start3A_790, %dma_start3A_794, %dma_start3A_795] : memref<4x1024x512xf32, #tpu.memory_space<vmem>> -> memref<1x1024x512xf32, #tpu.memory_space<vmem>>
    %dma_start3A_797 = tpu.memref_squeeze %dma_start3A_796 : memref<1x1024x512xf32, #tpu.memory_space<vmem>> -> memref<1024x512xf32, #tpu.memory_space<vmem>>
    %dma_start3A_798 = arith.constant 15360 : i32
    %dma_start3A_799 = arith.constant 0 : i32
    %dma_start3A_800 = tpu.memref_slice %arg1[%dma_start3A_798, %dma_start3A_799] : memref<24576x512xf32, #tpu.memory_space<any>> -> memref<1024x512xf32, #tpu.memory_space<any>>
    tpu.enqueue_dma source(%dma_start3A_800 : memref<1024x512xf32, #tpu.memory_space<any>>) target(%dma_start3A_797 : memref<1024x512xf32, #tpu.memory_space<vmem>>) target_semaphore(%dma_start3A_793 : memref<!tpu.dma_semaphore, #tpu.memory_space<semaphore_mem>>)
    %dma_wait3A_801 = arith.constant 0 : i32
    %dma_wait3A_802 = arith.constant 0 : i32
    %dma_wait3A_803 = tpu.memref_slice %arg5[%dma_wait3A_802] : memref<4x!tpu.dma_semaphore, #tpu.memory_space<semaphore_mem>> -> memref<1x!tpu.dma_semaphore, #tpu.memory_space<semaphore_mem>>
    %dma_wait3A_804 = tpu.memref_squeeze %dma_wait3A_803 : memref<1x!tpu.dma_semaphore, #tpu.memory_space<semaphore_mem>> -> memref<!tpu.dma_semaphore, #tpu.memory_space<semaphore_mem>>
    %dma_wait3A_805 = arith.constant 0 : i32
    %dma_wait3A_806 = arith.constant 0 : i32
    %dma_wait3A_807 = tpu.memref_slice %arg3[%dma_wait3A_801, %dma_wait3A_805, %dma_wait3A_806] : memref<4x1024x512xf32, #tpu.memory_space<vmem>> -> memref<1x1024x512xf32, #tpu.memory_space<vmem>>
    %dma_wait3A_808 = tpu.memref_squeeze %dma_wait3A_807 : memref<1x1024x512xf32, #tpu.memory_space<vmem>> -> memref<1024x512xf32, #tpu.memory_space<vmem>>
    %dma_wait3A_809 = arith.constant 12288 : i32
    %dma_wait3A_810 = arith.constant 0 : i32
    %dma_wait3A_811 = tpu.memref_slice %arg0[%dma_wait3A_809, %dma_wait3A_810] : memref<24576x512xf32, #tpu.memory_space<any>> -> memref<1024x512xf32, #tpu.memory_space<any>>
    tpu.wait_dma2 semaphore(%dma_wait3A_804 : memref<!tpu.dma_semaphore, #tpu.memory_space<semaphore_mem>>) src(%dma_wait3A_811 : memref<1024x512xf32, #tpu.memory_space<any>>) dst(%dma_wait3A_808 : memref<1024x512xf32, #tpu.memory_space<vmem>>)
    %dma_wait3A_812 = arith.constant 0 : i32
    %dma_wait3A_813 = arith.constant 0 : i32
    %dma_wait3A_814 = tpu.memref_slice %arg6[%dma_wait3A_813] : memref<4x!tpu.dma_semaphore, #tpu.memory_space<semaphore_mem>> -> memref<1x!tpu.dma_semaphore, #tpu.memory_space<semaphore_mem>>
    %dma_wait3A_815 = tpu.memref_squeeze %dma_wait3A_814 : memref<1x!tpu.dma_semaphore, #tpu.memory_space<semaphore_mem>> -> memref<!tpu.dma_semaphore, #tpu.memory_space<semaphore_mem>>
    %dma_wait3A_816 = arith.constant 0 : i32
    %dma_wait3A_817 = arith.constant 0 : i32
    %dma_wait3A_818 = tpu.memref_slice %arg4[%dma_wait3A_812, %dma_wait3A_816, %dma_wait3A_817] : memref<4x1024x512xf32, #tpu.memory_space<vmem>> -> memref<1x1024x512xf32, #tpu.memory_space<vmem>>
    %dma_wait3A_819 = tpu.memref_squeeze %dma_wait3A_818 : memref<1x1024x512xf32, #tpu.memory_space<vmem>> -> memref<1024x512xf32, #tpu.memory_space<vmem>>
    %dma_wait3A_820 = arith.constant 12288 : i32
    %dma_wait3A_821 = arith.constant 0 : i32
    %dma_wait3A_822 = tpu.memref_slice %arg1[%dma_wait3A_820, %dma_wait3A_821] : memref<24576x512xf32, #tpu.memory_space<any>> -> memref<1024x512xf32, #tpu.memory_space<any>>
    tpu.wait_dma2 semaphore(%dma_wait3A_815 : memref<!tpu.dma_semaphore, #tpu.memory_space<semaphore_mem>>) src(%dma_wait3A_822 : memref<1024x512xf32, #tpu.memory_space<any>>) dst(%dma_wait3A_819 : memref<1024x512xf32, #tpu.memory_space<vmem>>)
    %get3A_823 = arith.constant 0 : index
    %get3A_824 = arith.constant 0 : index
    %get3A_825 = arith.constant 0 : index
    %get3A_826 = vector.load %arg3[%get3A_823, %get3A_824, %get3A_825] : memref<4x1024x512xf32, #tpu.memory_space<vmem>>, vector<1x1024x512xf32>
    %get3A_827 = vector.shape_cast %get3A_826 : vector<1x1024x512xf32> to vector<1024x512xf32>
    %get3A_828 = arith.constant 0 : index
    %get3A_829 = arith.constant 0 : index
    %get3A_830 = arith.constant 0 : index
    %get3A_831 = vector.load %arg4[%get3A_828, %get3A_829, %get3A_830] : memref<4x1024x512xf32, #tpu.memory_space<vmem>>, vector<1x1024x512xf32>
    %get3A_832 = vector.shape_cast %get3A_831 : vector<1x1024x512xf32> to vector<1024x512xf32>
    %sub3A_833 = arith.subf %get3A_827, %get3A_832 : vector<1024x512xf32>
    %abs3A_834 = math.absf %sub3A_833 : vector<1024x512xf32>
    %reshape3A_835 = vector.shape_cast %abs3A_834 : vector<1024x512xf32> to vector<512x8x128xf32>
    %reduce_sum3A_836 = arith.constant dense<0.000000e+00> : vector<8x128xf32>
    %reduce_sum3A_837 = vector.multi_reduction <add>, %reshape3A_835, %reduce_sum3A_836 [0] : vector<512x8x128xf32> to vector<8x128xf32>
    %add3A_838 = arith.addf %add3A_778, %reduce_sum3A_837 : vector<8x128xf32>
    %dma_start3A_839 = arith.constant 0 : i32
    %dma_start3A_840 = arith.constant 0 : i32
    %dma_start3A_841 = tpu.memref_slice %arg5[%dma_start3A_840] : memref<4x!tpu.dma_semaphore, #tpu.memory_space<semaphore_mem>> -> memref<1x!tpu.dma_semaphore, #tpu.memory_space<semaphore_mem>>
    %dma_start3A_842 = tpu.memref_squeeze %dma_start3A_841 : memref<1x!tpu.dma_semaphore, #tpu.memory_space<semaphore_mem>> -> memref<!tpu.dma_semaphore, #tpu.memory_space<semaphore_mem>>
    %dma_start3A_843 = arith.constant 0 : i32
    %dma_start3A_844 = arith.constant 0 : i32
    %dma_start3A_845 = tpu.memref_slice %arg3[%dma_start3A_839, %dma_start3A_843, %dma_start3A_844] : memref<4x1024x512xf32, #tpu.memory_space<vmem>> -> memref<1x1024x512xf32, #tpu.memory_space<vmem>>
    %dma_start3A_846 = tpu.memref_squeeze %dma_start3A_845 : memref<1x1024x512xf32, #tpu.memory_space<vmem>> -> memref<1024x512xf32, #tpu.memory_space<vmem>>
    %dma_start3A_847 = arith.constant 16384 : i32
    %dma_start3A_848 = arith.constant 0 : i32
    %dma_start3A_849 = tpu.memref_slice %arg0[%dma_start3A_847, %dma_start3A_848] : memref<24576x512xf32, #tpu.memory_space<any>> -> memref<1024x512xf32, #tpu.memory_space<any>>
    tpu.enqueue_dma source(%dma_start3A_849 : memref<1024x512xf32, #tpu.memory_space<any>>) target(%dma_start3A_846 : memref<1024x512xf32, #tpu.memory_space<vmem>>) target_semaphore(%dma_start3A_842 : memref<!tpu.dma_semaphore, #tpu.memory_space<semaphore_mem>>)
    %dma_start3A_850 = arith.constant 0 : i32
    %dma_start3A_851 = arith.constant 0 : i32
    %dma_start3A_852 = tpu.memref_slice %arg6[%dma_start3A_851] : memref<4x!tpu.dma_semaphore, #tpu.memory_space<semaphore_mem>> -> memref<1x!tpu.dma_semaphore, #tpu.memory_space<semaphore_mem>>
    %dma_start3A_853 = tpu.memref_squeeze %dma_start3A_852 : memref<1x!tpu.dma_semaphore, #tpu.memory_space<semaphore_mem>> -> memref<!tpu.dma_semaphore, #tpu.memory_space<semaphore_mem>>
    %dma_start3A_854 = arith.constant 0 : i32
    %dma_start3A_855 = arith.constant 0 : i32
    %dma_start3A_856 = tpu.memref_slice %arg4[%dma_start3A_850, %dma_start3A_854, %dma_start3A_855] : memref<4x1024x512xf32, #tpu.memory_space<vmem>> -> memref<1x1024x512xf32, #tpu.memory_space<vmem>>
    %dma_start3A_857 = tpu.memref_squeeze %dma_start3A_856 : memref<1x1024x512xf32, #tpu.memory_space<vmem>> -> memref<1024x512xf32, #tpu.memory_space<vmem>>
    %dma_start3A_858 = arith.constant 16384 : i32
    %dma_start3A_859 = arith.constant 0 : i32
    %dma_start3A_860 = tpu.memref_slice %arg1[%dma_start3A_858, %dma_start3A_859] : memref<24576x512xf32, #tpu.memory_space<any>> -> memref<1024x512xf32, #tpu.memory_space<any>>
    tpu.enqueue_dma source(%dma_start3A_860 : memref<1024x512xf32, #tpu.memory_space<any>>) target(%dma_start3A_857 : memref<1024x512xf32, #tpu.memory_space<vmem>>) target_semaphore(%dma_start3A_853 : memref<!tpu.dma_semaphore, #tpu.memory_space<semaphore_mem>>)
    %dma_wait3A_861 = arith.constant 1 : i32
    %dma_wait3A_862 = arith.constant 1 : i32
    %dma_wait3A_863 = tpu.memref_slice %arg5[%dma_wait3A_862] : memref<4x!tpu.dma_semaphore, #tpu.memory_space<semaphore_mem>> -> memref<1x!tpu.dma_semaphore, #tpu.memory_space<semaphore_mem>>
    %dma_wait3A_864 = tpu.memref_squeeze %dma_wait3A_863 : memref<1x!tpu.dma_semaphore, #tpu.memory_space<semaphore_mem>> -> memref<!tpu.dma_semaphore, #tpu.memory_space<semaphore_mem>>
    %dma_wait3A_865 = arith.constant 0 : i32
    %dma_wait3A_866 = arith.constant 0 : i32
    %dma_wait3A_867 = tpu.memref_slice %arg3[%dma_wait3A_861, %dma_wait3A_865, %dma_wait3A_866] : memref<4x1024x512xf32, #tpu.memory_space<vmem>> -> memref<1x1024x512xf32, #tpu.memory_space<vmem>>
    %dma_wait3A_868 = tpu.memref_squeeze %dma_wait3A_867 : memref<1x1024x512xf32, #tpu.memory_space<vmem>> -> memref<1024x512xf32, #tpu.memory_space<vmem>>
    %dma_wait3A_869 = arith.constant 13312 : i32
    %dma_wait3A_870 = arith.constant 0 : i32
    %dma_wait3A_871 = tpu.memref_slice %arg0[%dma_wait3A_869, %dma_wait3A_870] : memref<24576x512xf32, #tpu.memory_space<any>> -> memref<1024x512xf32, #tpu.memory_space<any>>
    tpu.wait_dma2 semaphore(%dma_wait3A_864 : memref<!tpu.dma_semaphore, #tpu.memory_space<semaphore_mem>>) src(%dma_wait3A_871 : memref<1024x512xf32, #tpu.memory_space<any>>) dst(%dma_wait3A_868 : memref<1024x512xf32, #tpu.memory_space<vmem>>)
    %dma_wait3A_872 = arith.constant 1 : i32
    %dma_wait3A_873 = arith.constant 1 : i32
    %dma_wait3A_874 = tpu.memref_slice %arg6[%dma_wait3A_873] : memref<4x!tpu.dma_semaphore, #tpu.memory_space<semaphore_mem>> -> memref<1x!tpu.dma_semaphore, #tpu.memory_space<semaphore_mem>>
    %dma_wait3A_875 = tpu.memref_squeeze %dma_wait3A_874 : memref<1x!tpu.dma_semaphore, #tpu.memory_space<semaphore_mem>> -> memref<!tpu.dma_semaphore, #tpu.memory_space<semaphore_mem>>
    %dma_wait3A_876 = arith.constant 0 : i32
    %dma_wait3A_877 = arith.constant 0 : i32
    %dma_wait3A_878 = tpu.memref_slice %arg4[%dma_wait3A_872, %dma_wait3A_876, %dma_wait3A_877] : memref<4x1024x512xf32, #tpu.memory_space<vmem>> -> memref<1x1024x512xf32, #tpu.memory_space<vmem>>
    %dma_wait3A_879 = tpu.memref_squeeze %dma_wait3A_878 : memref<1x1024x512xf32, #tpu.memory_space<vmem>> -> memref<1024x512xf32, #tpu.memory_space<vmem>>
    %dma_wait3A_880 = arith.constant 13312 : i32
    %dma_wait3A_881 = arith.constant 0 : i32
    %dma_wait3A_882 = tpu.memref_slice %arg1[%dma_wait3A_880, %dma_wait3A_881] : memref<24576x512xf32, #tpu.memory_space<any>> -> memref<1024x512xf32, #tpu.memory_space<any>>
    tpu.wait_dma2 semaphore(%dma_wait3A_875 : memref<!tpu.dma_semaphore, #tpu.memory_space<semaphore_mem>>) src(%dma_wait3A_882 : memref<1024x512xf32, #tpu.memory_space<any>>) dst(%dma_wait3A_879 : memref<1024x512xf32, #tpu.memory_space<vmem>>)
    %get3A_883 = arith.constant 1 : index
    %get3A_884 = arith.constant 0 : index
    %get3A_885 = arith.constant 0 : index
    %get3A_886 = vector.load %arg3[%get3A_883, %get3A_884, %get3A_885] : memref<4x1024x512xf32, #tpu.memory_space<vmem>>, vector<1x1024x512xf32>
    %get3A_887 = vector.shape_cast %get3A_886 : vector<1x1024x512xf32> to vector<1024x512xf32>
    %get3A_888 = arith.constant 1 : index
    %get3A_889 = arith.constant 0 : index
    %get3A_890 = arith.constant 0 : index
    %get3A_891 = vector.load %arg4[%get3A_888, %get3A_889, %get3A_890] : memref<4x1024x512xf32, #tpu.memory_space<vmem>>, vector<1x1024x512xf32>
    %get3A_892 = vector.shape_cast %get3A_891 : vector<1x1024x512xf32> to vector<1024x512xf32>
    %sub3A_893 = arith.subf %get3A_887, %get3A_892 : vector<1024x512xf32>
    %abs3A_894 = math.absf %sub3A_893 : vector<1024x512xf32>
    %reshape3A_895 = vector.shape_cast %abs3A_894 : vector<1024x512xf32> to vector<512x8x128xf32>
    %reduce_sum3A_896 = arith.constant dense<0.000000e+00> : vector<8x128xf32>
    %reduce_sum3A_897 = vector.multi_reduction <add>, %reshape3A_895, %reduce_sum3A_896 [0] : vector<512x8x128xf32> to vector<8x128xf32>
    %add3A_898 = arith.addf %add3A_838, %reduce_sum3A_897 : vector<8x128xf32>
    %dma_start3A_899 = arith.constant 1 : i32
    %dma_start3A_900 = arith.constant 1 : i32
    %dma_start3A_901 = tpu.memref_slice %arg5[%dma_start3A_900] : memref<4x!tpu.dma_semaphore, #tpu.memory_space<semaphore_mem>> -> memref<1x!tpu.dma_semaphore, #tpu.memory_space<semaphore_mem>>
    %dma_start3A_902 = tpu.memref_squeeze %dma_start3A_901 : memref<1x!tpu.dma_semaphore, #tpu.memory_space<semaphore_mem>> -> memref<!tpu.dma_semaphore, #tpu.memory_space<semaphore_mem>>
    %dma_start3A_903 = arith.constant 0 : i32
    %dma_start3A_904 = arith.constant 0 : i32
    %dma_start3A_905 = tpu.memref_slice %arg3[%dma_start3A_899, %dma_start3A_903, %dma_start3A_904] : memref<4x1024x512xf32, #tpu.memory_space<vmem>> -> memref<1x1024x512xf32, #tpu.memory_space<vmem>>
    %dma_start3A_906 = tpu.memref_squeeze %dma_start3A_905 : memref<1x1024x512xf32, #tpu.memory_space<vmem>> -> memref<1024x512xf32, #tpu.memory_space<vmem>>
    %dma_start3A_907 = arith.constant 17408 : i32
    %dma_start3A_908 = arith.constant 0 : i32
    %dma_start3A_909 = tpu.memref_slice %arg0[%dma_start3A_907, %dma_start3A_908] : memref<24576x512xf32, #tpu.memory_space<any>> -> memref<1024x512xf32, #tpu.memory_space<any>>
    tpu.enqueue_dma source(%dma_start3A_909 : memref<1024x512xf32, #tpu.memory_space<any>>) target(%dma_start3A_906 : memref<1024x512xf32, #tpu.memory_space<vmem>>) target_semaphore(%dma_start3A_902 : memref<!tpu.dma_semaphore, #tpu.memory_space<semaphore_mem>>)
    %dma_start3A_910 = arith.constant 1 : i32
    %dma_start3A_911 = arith.constant 1 : i32
    %dma_start3A_912 = tpu.memref_slice %arg6[%dma_start3A_911] : memref<4x!tpu.dma_semaphore, #tpu.memory_space<semaphore_mem>> -> memref<1x!tpu.dma_semaphore, #tpu.memory_space<semaphore_mem>>
    %dma_start3A_913 = tpu.memref_squeeze %dma_start3A_912 : memref<1x!tpu.dma_semaphore, #tpu.memory_space<semaphore_mem>> -> memref<!tpu.dma_semaphore, #tpu.memory_space<semaphore_mem>>
    %dma_start3A_914 = arith.constant 0 : i32
    %dma_start3A_915 = arith.constant 0 : i32
    %dma_start3A_916 = tpu.memref_slice %arg4[%dma_start3A_910, %dma_start3A_914, %dma_start3A_915] : memref<4x1024x512xf32, #tpu.memory_space<vmem>> -> memref<1x1024x512xf32, #tpu.memory_space<vmem>>
    %dma_start3A_917 = tpu.memref_squeeze %dma_start3A_916 : memref<1x1024x512xf32, #tpu.memory_space<vmem>> -> memref<1024x512xf32, #tpu.memory_space<vmem>>
    %dma_start3A_918 = arith.constant 17408 : i32
    %dma_start3A_919 = arith.constant 0 : i32
    %dma_start3A_920 = tpu.memref_slice %arg1[%dma_start3A_918, %dma_start3A_919] : memref<24576x512xf32, #tpu.memory_space<any>> -> memref<1024x512xf32, #tpu.memory_space<any>>
    tpu.enqueue_dma source(%dma_start3A_920 : memref<1024x512xf32, #tpu.memory_space<any>>) target(%dma_start3A_917 : memref<1024x512xf32, #tpu.memory_space<vmem>>) target_semaphore(%dma_start3A_913 : memref<!tpu.dma_semaphore, #tpu.memory_space<semaphore_mem>>)
    %dma_wait3A_921 = arith.constant 2 : i32
    %dma_wait3A_922 = arith.constant 2 : i32
    %dma_wait3A_923 = tpu.memref_slice %arg5[%dma_wait3A_922] : memref<4x!tpu.dma_semaphore, #tpu.memory_space<semaphore_mem>> -> memref<1x!tpu.dma_semaphore, #tpu.memory_space<semaphore_mem>>
    %dma_wait3A_924 = tpu.memref_squeeze %dma_wait3A_923 : memref<1x!tpu.dma_semaphore, #tpu.memory_space<semaphore_mem>> -> memref<!tpu.dma_semaphore, #tpu.memory_space<semaphore_mem>>
    %dma_wait3A_925 = arith.constant 0 : i32
    %dma_wait3A_926 = arith.constant 0 : i32
    %dma_wait3A_927 = tpu.memref_slice %arg3[%dma_wait3A_921, %dma_wait3A_925, %dma_wait3A_926] : memref<4x1024x512xf32, #tpu.memory_space<vmem>> -> memref<1x1024x512xf32, #tpu.memory_space<vmem>>
    %dma_wait3A_928 = tpu.memref_squeeze %dma_wait3A_927 : memref<1x1024x512xf32, #tpu.memory_space<vmem>> -> memref<1024x512xf32, #tpu.memory_space<vmem>>
    %dma_wait3A_929 = arith.constant 14336 : i32
    %dma_wait3A_930 = arith.constant 0 : i32
    %dma_wait3A_931 = tpu.memref_slice %arg0[%dma_wait3A_929, %dma_wait3A_930] : memref<24576x512xf32, #tpu.memory_space<any>> -> memref<1024x512xf32, #tpu.memory_space<any>>
    tpu.wait_dma2 semaphore(%dma_wait3A_924 : memref<!tpu.dma_semaphore, #tpu.memory_space<semaphore_mem>>) src(%dma_wait3A_931 : memref<1024x512xf32, #tpu.memory_space<any>>) dst(%dma_wait3A_928 : memref<1024x512xf32, #tpu.memory_space<vmem>>)
    %dma_wait3A_932 = arith.constant 2 : i32
    %dma_wait3A_933 = arith.constant 2 : i32
    %dma_wait3A_934 = tpu.memref_slice %arg6[%dma_wait3A_933] : memref<4x!tpu.dma_semaphore, #tpu.memory_space<semaphore_mem>> -> memref<1x!tpu.dma_semaphore, #tpu.memory_space<semaphore_mem>>
    %dma_wait3A_935 = tpu.memref_squeeze %dma_wait3A_934 : memref<1x!tpu.dma_semaphore, #tpu.memory_space<semaphore_mem>> -> memref<!tpu.dma_semaphore, #tpu.memory_space<semaphore_mem>>
    %dma_wait3A_936 = arith.constant 0 : i32
    %dma_wait3A_937 = arith.constant 0 : i32
    %dma_wait3A_938 = tpu.memref_slice %arg4[%dma_wait3A_932, %dma_wait3A_936, %dma_wait3A_937] : memref<4x1024x512xf32, #tpu.memory_space<vmem>> -> memref<1x1024x512xf32, #tpu.memory_space<vmem>>
    %dma_wait3A_939 = tpu.memref_squeeze %dma_wait3A_938 : memref<1x1024x512xf32, #tpu.memory_space<vmem>> -> memref<1024x512xf32, #tpu.memory_space<vmem>>
    %dma_wait3A_940 = arith.constant 14336 : i32
    %dma_wait3A_941 = arith.constant 0 : i32
    %dma_wait3A_942 = tpu.memref_slice %arg1[%dma_wait3A_940, %dma_wait3A_941] : memref<24576x512xf32, #tpu.memory_space<any>> -> memref<1024x512xf32, #tpu.memory_space<any>>
    tpu.wait_dma2 semaphore(%dma_wait3A_935 : memref<!tpu.dma_semaphore, #tpu.memory_space<semaphore_mem>>) src(%dma_wait3A_942 : memref<1024x512xf32, #tpu.memory_space<any>>) dst(%dma_wait3A_939 : memref<1024x512xf32, #tpu.memory_space<vmem>>)
    %get3A_943 = arith.constant 2 : index
    %get3A_944 = arith.constant 0 : index
    %get3A_945 = arith.constant 0 : index
    %get3A_946 = vector.load %arg3[%get3A_943, %get3A_944, %get3A_945] : memref<4x1024x512xf32, #tpu.memory_space<vmem>>, vector<1x1024x512xf32>
    %get3A_947 = vector.shape_cast %get3A_946 : vector<1x1024x512xf32> to vector<1024x512xf32>
    %get3A_948 = arith.constant 2 : index
    %get3A_949 = arith.constant 0 : index
    %get3A_950 = arith.constant 0 : index
    %get3A_951 = vector.load %arg4[%get3A_948, %get3A_949, %get3A_950] : memref<4x1024x512xf32, #tpu.memory_space<vmem>>, vector<1x1024x512xf32>
    %get3A_952 = vector.shape_cast %get3A_951 : vector<1x1024x512xf32> to vector<1024x512xf32>
    %sub3A_953 = arith.subf %get3A_947, %get3A_952 : vector<1024x512xf32>
    %abs3A_954 = math.absf %sub3A_953 : vector<1024x512xf32>
    %reshape3A_955 = vector.shape_cast %abs3A_954 : vector<1024x512xf32> to vector<512x8x128xf32>
    %reduce_sum3A_956 = arith.constant dense<0.000000e+00> : vector<8x128xf32>
    %reduce_sum3A_957 = vector.multi_reduction <add>, %reshape3A_955, %reduce_sum3A_956 [0] : vector<512x8x128xf32> to vector<8x128xf32>
    %add3A_958 = arith.addf %add3A_898, %reduce_sum3A_957 : vector<8x128xf32>
    %dma_wait3A_959 = arith.constant 3 : i32
    %dma_wait3A_960 = arith.constant 3 : i32
    %dma_wait3A_961 = tpu.memref_slice %arg5[%dma_wait3A_960] : memref<4x!tpu.dma_semaphore, #tpu.memory_space<semaphore_mem>> -> memref<1x!tpu.dma_semaphore, #tpu.memory_space<semaphore_mem>>
    %dma_wait3A_962 = tpu.memref_squeeze %dma_wait3A_961 : memref<1x!tpu.dma_semaphore, #tpu.memory_space<semaphore_mem>> -> memref<!tpu.dma_semaphore, #tpu.memory_space<semaphore_mem>>
    %dma_wait3A_963 = arith.constant 0 : i32
    %dma_wait3A_964 = arith.constant 0 : i32
    %dma_wait3A_965 = tpu.memref_slice %arg3[%dma_wait3A_959, %dma_wait3A_963, %dma_wait3A_964] : memref<4x1024x512xf32, #tpu.memory_space<vmem>> -> memref<1x1024x512xf32, #tpu.memory_space<vmem>>
    %dma_wait3A_966 = tpu.memref_squeeze %dma_wait3A_965 : memref<1x1024x512xf32, #tpu.memory_space<vmem>> -> memref<1024x512xf32, #tpu.memory_space<vmem>>
    %dma_wait3A_967 = arith.constant 15360 : i32
    %dma_wait3A_968 = arith.constant 0 : i32
    %dma_wait3A_969 = tpu.memref_slice %arg0[%dma_wait3A_967, %dma_wait3A_968] : memref<24576x512xf32, #tpu.memory_space<any>> -> memref<1024x512xf32, #tpu.memory_space<any>>
    tpu.wait_dma2 semaphore(%dma_wait3A_962 : memref<!tpu.dma_semaphore, #tpu.memory_space<semaphore_mem>>) src(%dma_wait3A_969 : memref<1024x512xf32, #tpu.memory_space<any>>) dst(%dma_wait3A_966 : memref<1024x512xf32, #tpu.memory_space<vmem>>)
    %dma_wait3A_970 = arith.constant 3 : i32
    %dma_wait3A_971 = arith.constant 3 : i32
    %dma_wait3A_972 = tpu.memref_slice %arg6[%dma_wait3A_971] : memref<4x!tpu.dma_semaphore, #tpu.memory_space<semaphore_mem>> -> memref<1x!tpu.dma_semaphore, #tpu.memory_space<semaphore_mem>>
    %dma_wait3A_973 = tpu.memref_squeeze %dma_wait3A_972 : memref<1x!tpu.dma_semaphore, #tpu.memory_space<semaphore_mem>> -> memref<!tpu.dma_semaphore, #tpu.memory_space<semaphore_mem>>
    %dma_wait3A_974 = arith.constant 0 : i32
    %dma_wait3A_975 = arith.constant 0 : i32
    %dma_wait3A_976 = tpu.memref_slice %arg4[%dma_wait3A_970, %dma_wait3A_974, %dma_wait3A_975] : memref<4x1024x512xf32, #tpu.memory_space<vmem>> -> memref<1x1024x512xf32, #tpu.memory_space<vmem>>
    %dma_wait3A_977 = tpu.memref_squeeze %dma_wait3A_976 : memref<1x1024x512xf32, #tpu.memory_space<vmem>> -> memref<1024x512xf32, #tpu.memory_space<vmem>>
    %dma_wait3A_978 = arith.constant 15360 : i32
    %dma_wait3A_979 = arith.constant 0 : i32
    %dma_wait3A_980 = tpu.memref_slice %arg1[%dma_wait3A_978, %dma_wait3A_979] : memref<24576x512xf32, #tpu.memory_space<any>> -> memref<1024x512xf32, #tpu.memory_space<any>>
    tpu.wait_dma2 semaphore(%dma_wait3A_973 : memref<!tpu.dma_semaphore, #tpu.memory_space<semaphore_mem>>) src(%dma_wait3A_980 : memref<1024x512xf32, #tpu.memory_space<any>>) dst(%dma_wait3A_977 : memref<1024x512xf32, #tpu.memory_space<vmem>>)
    %get3A_981 = arith.constant 3 : index
    %get3A_982 = arith.constant 0 : index
    %get3A_983 = arith.constant 0 : index
    %get3A_984 = vector.load %arg3[%get3A_981, %get3A_982, %get3A_983] : memref<4x1024x512xf32, #tpu.memory_space<vmem>>, vector<1x1024x512xf32>
    %get3A_985 = vector.shape_cast %get3A_984 : vector<1x1024x512xf32> to vector<1024x512xf32>
    %get3A_986 = arith.constant 3 : index
    %get3A_987 = arith.constant 0 : index
    %get3A_988 = arith.constant 0 : index
    %get3A_989 = vector.load %arg4[%get3A_986, %get3A_987, %get3A_988] : memref<4x1024x512xf32, #tpu.memory_space<vmem>>, vector<1x1024x512xf32>
    %get3A_990 = vector.shape_cast %get3A_989 : vector<1x1024x512xf32> to vector<1024x512xf32>
    %sub3A_991 = arith.subf %get3A_985, %get3A_990 : vector<1024x512xf32>
    %abs3A_992 = math.absf %sub3A_991 : vector<1024x512xf32>
    %reshape3A_993 = vector.shape_cast %abs3A_992 : vector<1024x512xf32> to vector<512x8x128xf32>
    %reduce_sum3A_994 = arith.constant dense<0.000000e+00> : vector<8x128xf32>
    %reduce_sum3A_995 = vector.multi_reduction <add>, %reshape3A_993, %reduce_sum3A_994 [0] : vector<512x8x128xf32> to vector<8x128xf32>
    %add3A_996 = arith.addf %add3A_958, %reduce_sum3A_995 : vector<8x128xf32>
    %dma_wait3A_997 = arith.constant 0 : i32
    %dma_wait3A_998 = arith.constant 0 : i32
    %dma_wait3A_999 = tpu.memref_slice %arg5[%dma_wait3A_998] : memref<4x!tpu.dma_semaphore, #tpu.memory_space<semaphore_mem>> -> memref<1x!tpu.dma_semaphore, #tpu.memory_space<semaphore_mem>>
    %dma_wait3A_1000 = tpu.memref_squeeze %dma_wait3A_999 : memref<1x!tpu.dma_semaphore, #tpu.memory_space<semaphore_mem>> -> memref<!tpu.dma_semaphore, #tpu.memory_space<semaphore_mem>>
    %dma_wait3A_1001 = arith.constant 0 : i32
    %dma_wait3A_1002 = arith.constant 0 : i32
    %dma_wait3A_1003 = tpu.memref_slice %arg3[%dma_wait3A_997, %dma_wait3A_1001, %dma_wait3A_1002] : memref<4x1024x512xf32, #tpu.memory_space<vmem>> -> memref<1x1024x512xf32, #tpu.memory_space<vmem>>
    %dma_wait3A_1004 = tpu.memref_squeeze %dma_wait3A_1003 : memref<1x1024x512xf32, #tpu.memory_space<vmem>> -> memref<1024x512xf32, #tpu.memory_space<vmem>>
    %dma_wait3A_1005 = arith.constant 16384 : i32
    %dma_wait3A_1006 = arith.constant 0 : i32
    %dma_wait3A_1007 = tpu.memref_slice %arg0[%dma_wait3A_1005, %dma_wait3A_1006] : memref<24576x512xf32, #tpu.memory_space<any>> -> memref<1024x512xf32, #tpu.memory_space<any>>
    tpu.wait_dma2 semaphore(%dma_wait3A_1000 : memref<!tpu.dma_semaphore, #tpu.memory_space<semaphore_mem>>) src(%dma_wait3A_1007 : memref<1024x512xf32, #tpu.memory_space<any>>) dst(%dma_wait3A_1004 : memref<1024x512xf32, #tpu.memory_space<vmem>>)
    %dma_wait3A_1008 = arith.constant 0 : i32
    %dma_wait3A_1009 = arith.constant 0 : i32
    %dma_wait3A_1010 = tpu.memref_slice %arg6[%dma_wait3A_1009] : memref<4x!tpu.dma_semaphore, #tpu.memory_space<semaphore_mem>> -> memref<1x!tpu.dma_semaphore, #tpu.memory_space<semaphore_mem>>
    %dma_wait3A_1011 = tpu.memref_squeeze %dma_wait3A_1010 : memref<1x!tpu.dma_semaphore, #tpu.memory_space<semaphore_mem>> -> memref<!tpu.dma_semaphore, #tpu.memory_space<semaphore_mem>>
    %dma_wait3A_1012 = arith.constant 0 : i32
    %dma_wait3A_1013 = arith.constant 0 : i32
    %dma_wait3A_1014 = tpu.memref_slice %arg4[%dma_wait3A_1008, %dma_wait3A_1012, %dma_wait3A_1013] : memref<4x1024x512xf32, #tpu.memory_space<vmem>> -> memref<1x1024x512xf32, #tpu.memory_space<vmem>>
    %dma_wait3A_1015 = tpu.memref_squeeze %dma_wait3A_1014 : memref<1x1024x512xf32, #tpu.memory_space<vmem>> -> memref<1024x512xf32, #tpu.memory_space<vmem>>
    %dma_wait3A_1016 = arith.constant 16384 : i32
    %dma_wait3A_1017 = arith.constant 0 : i32
    %dma_wait3A_1018 = tpu.memref_slice %arg1[%dma_wait3A_1016, %dma_wait3A_1017] : memref<24576x512xf32, #tpu.memory_space<any>> -> memref<1024x512xf32, #tpu.memory_space<any>>
    tpu.wait_dma2 semaphore(%dma_wait3A_1011 : memref<!tpu.dma_semaphore, #tpu.memory_space<semaphore_mem>>) src(%dma_wait3A_1018 : memref<1024x512xf32, #tpu.memory_space<any>>) dst(%dma_wait3A_1015 : memref<1024x512xf32, #tpu.memory_space<vmem>>)
    %get3A_1019 = arith.constant 0 : index
    %get3A_1020 = arith.constant 0 : index
    %get3A_1021 = arith.constant 0 : index
    %get3A_1022 = vector.load %arg3[%get3A_1019, %get3A_1020, %get3A_1021] : memref<4x1024x512xf32, #tpu.memory_space<vmem>>, vector<1x1024x512xf32>
    %get3A_1023 = vector.shape_cast %get3A_1022 : vector<1x1024x512xf32> to vector<1024x512xf32>
    %get3A_1024 = arith.constant 0 : index
    %get3A_1025 = arith.constant 0 : index
    %get3A_1026 = arith.constant 0 : index
    %get3A_1027 = vector.load %arg4[%get3A_1024, %get3A_1025, %get3A_1026] : memref<4x1024x512xf32, #tpu.memory_space<vmem>>, vector<1x1024x512xf32>
    %get3A_1028 = vector.shape_cast %get3A_1027 : vector<1x1024x512xf32> to vector<1024x512xf32>
    %sub3A_1029 = arith.subf %get3A_1023, %get3A_1028 : vector<1024x512xf32>
    %abs3A_1030 = math.absf %sub3A_1029 : vector<1024x512xf32>
    %reshape3A_1031 = vector.shape_cast %abs3A_1030 : vector<1024x512xf32> to vector<512x8x128xf32>
    %reduce_sum3A_1032 = arith.constant dense<0.000000e+00> : vector<8x128xf32>
    %reduce_sum3A_1033 = vector.multi_reduction <add>, %reshape3A_1031, %reduce_sum3A_1032 [0] : vector<512x8x128xf32> to vector<8x128xf32>
    %add3A_1034 = arith.addf %add3A_996, %reduce_sum3A_1033 : vector<8x128xf32>
    %dma_wait3A_1035 = arith.constant 1 : i32
    %dma_wait3A_1036 = arith.constant 1 : i32
    %dma_wait3A_1037 = tpu.memref_slice %arg5[%dma_wait3A_1036] : memref<4x!tpu.dma_semaphore, #tpu.memory_space<semaphore_mem>> -> memref<1x!tpu.dma_semaphore, #tpu.memory_space<semaphore_mem>>
    %dma_wait3A_1038 = tpu.memref_squeeze %dma_wait3A_1037 : memref<1x!tpu.dma_semaphore, #tpu.memory_space<semaphore_mem>> -> memref<!tpu.dma_semaphore, #tpu.memory_space<semaphore_mem>>
    %dma_wait3A_1039 = arith.constant 0 : i32
    %dma_wait3A_1040 = arith.constant 0 : i32
    %dma_wait3A_1041 = tpu.memref_slice %arg3[%dma_wait3A_1035, %dma_wait3A_1039, %dma_wait3A_1040] : memref<4x1024x512xf32, #tpu.memory_space<vmem>> -> memref<1x1024x512xf32, #tpu.memory_space<vmem>>
    %dma_wait3A_1042 = tpu.memref_squeeze %dma_wait3A_1041 : memref<1x1024x512xf32, #tpu.memory_space<vmem>> -> memref<1024x512xf32, #tpu.memory_space<vmem>>
    %dma_wait3A_1043 = arith.constant 17408 : i32
    %dma_wait3A_1044 = arith.constant 0 : i32
    %dma_wait3A_1045 = tpu.memref_slice %arg0[%dma_wait3A_1043, %dma_wait3A_1044] : memref<24576x512xf32, #tpu.memory_space<any>> -> memref<1024x512xf32, #tpu.memory_space<any>>
    tpu.wait_dma2 semaphore(%dma_wait3A_1038 : memref<!tpu.dma_semaphore, #tpu.memory_space<semaphore_mem>>) src(%dma_wait3A_1045 : memref<1024x512xf32, #tpu.memory_space<any>>) dst(%dma_wait3A_1042 : memref<1024x512xf32, #tpu.memory_space<vmem>>)
    %dma_wait3A_1046 = arith.constant 1 : i32
    %dma_wait3A_1047 = arith.constant 1 : i32
    %dma_wait3A_1048 = tpu.memref_slice %arg6[%dma_wait3A_1047] : memref<4x!tpu.dma_semaphore, #tpu.memory_space<semaphore_mem>> -> memref<1x!tpu.dma_semaphore, #tpu.memory_space<semaphore_mem>>
    %dma_wait3A_1049 = tpu.memref_squeeze %dma_wait3A_1048 : memref<1x!tpu.dma_semaphore, #tpu.memory_space<semaphore_mem>> -> memref<!tpu.dma_semaphore, #tpu.memory_space<semaphore_mem>>
    %dma_wait3A_1050 = arith.constant 0 : i32
    %dma_wait3A_1051 = arith.constant 0 : i32
    %dma_wait3A_1052 = tpu.memref_slice %arg4[%dma_wait3A_1046, %dma_wait3A_1050, %dma_wait3A_1051] : memref<4x1024x512xf32, #tpu.memory_space<vmem>> -> memref<1x1024x512xf32, #tpu.memory_space<vmem>>
    %dma_wait3A_1053 = tpu.memref_squeeze %dma_wait3A_1052 : memref<1x1024x512xf32, #tpu.memory_space<vmem>> -> memref<1024x512xf32, #tpu.memory_space<vmem>>
    %dma_wait3A_1054 = arith.constant 17408 : i32
    %dma_wait3A_1055 = arith.constant 0 : i32
    %dma_wait3A_1056 = tpu.memref_slice %arg1[%dma_wait3A_1054, %dma_wait3A_1055] : memref<24576x512xf32, #tpu.memory_space<any>> -> memref<1024x512xf32, #tpu.memory_space<any>>
    tpu.wait_dma2 semaphore(%dma_wait3A_1049 : memref<!tpu.dma_semaphore, #tpu.memory_space<semaphore_mem>>) src(%dma_wait3A_1056 : memref<1024x512xf32, #tpu.memory_space<any>>) dst(%dma_wait3A_1053 : memref<1024x512xf32, #tpu.memory_space<vmem>>)
    %get3A_1057 = arith.constant 1 : index
    %get3A_1058 = arith.constant 0 : index
    %get3A_1059 = arith.constant 0 : index
    %get3A_1060 = vector.load %arg3[%get3A_1057, %get3A_1058, %get3A_1059] : memref<4x1024x512xf32, #tpu.memory_space<vmem>>, vector<1x1024x512xf32>
    %get3A_1061 = vector.shape_cast %get3A_1060 : vector<1x1024x512xf32> to vector<1024x512xf32>
    %get3A_1062 = arith.constant 1 : index
    %get3A_1063 = arith.constant 0 : index
    %get3A_1064 = arith.constant 0 : index
    %get3A_1065 = vector.load %arg4[%get3A_1062, %get3A_1063, %get3A_1064] : memref<4x1024x512xf32, #tpu.memory_space<vmem>>, vector<1x1024x512xf32>
    %get3A_1066 = vector.shape_cast %get3A_1065 : vector<1x1024x512xf32> to vector<1024x512xf32>
    %sub3A_1067 = arith.subf %get3A_1061, %get3A_1066 : vector<1024x512xf32>
    %abs3A_1068 = math.absf %sub3A_1067 : vector<1024x512xf32>
    %reshape3A_1069 = vector.shape_cast %abs3A_1068 : vector<1024x512xf32> to vector<512x8x128xf32>
    %reduce_sum3A_1070 = arith.constant dense<0.000000e+00> : vector<8x128xf32>
    %reduce_sum3A_1071 = vector.multi_reduction <add>, %reshape3A_1069, %reduce_sum3A_1070 [0] : vector<512x8x128xf32> to vector<8x128xf32>
    %add3A_1072 = arith.addf %add3A_1034, %reduce_sum3A_1071 : vector<8x128xf32>
    %reduce_sum3A_1073 = vector.shape_cast %add3A_1072 : vector<8x128xf32> to vector<1x8x128xf32>
    %reduce_sum3A_1074 = arith.constant dense<0.000000e+00> : vector<1xf32>
    %reduce_sum3A_1075 = vector.multi_reduction <add>, %reduce_sum3A_1073, %reduce_sum3A_1074 [1, 2] : vector<1x8x128xf32> to vector<1xf32>
    %reduce_sum3A_1076 = vector.shape_cast %reduce_sum3A_1075 : vector<1xf32> to vector<1x1x1xf32>
    %reduce_sum3A_1077 = vector.extract %reduce_sum3A_1076[0, 0, 0] : f32 from vector<1x1x1xf32>
    %swap3A = arith.constant 0 : index
    %swap3A_1078 = arith.constant 0 : index
    %swap3A_1079 = memref.load %arg2[%swap3A, %swap3A_1078] : memref<1x1xf32, #tpu.memory_space<smem>>
    memref.store %reduce_sum3A_1077, %arg2[%swap3A, %swap3A_1078] : memref<1x1xf32, #tpu.memory_space<smem>>
    return
  }
}

</mosaic_0001>

<sc_bundles>
// kernel: kernel.4.cloned.1.call-start
scs
__scs_entry_jumppad:
0x0: {  	(pc) =	sbr.rel $0x88, $3  }
0x1: {  	(tag) =	ssettag $0x0;
	lr =	simm.s32 $0x1  }
0x2: {  	[smem:$0x3F9F] =	sst lr;
	_ =	strace $0xD0000000  }
0x3: {  	_ = 	snop  }
0x4: {  	_ = 	snop  }
0x5: {  	_ = 	snop  }
0x6: {  	_ = 	snop  }
0x7: {  	_ = 	snop  }
__scs_overlays_trampoline_lowered:
0x8: {  	[smem:$0x3FAE] =	sst s0  }
0x9: {  	[smem:$0x3FAF] =	sst s1  }
0xa: {  	[smem:$0x3FB0] =	sst s2  }
0xb: {  	[smem:$0x3FB1] =	sst s3  }
0xc: {  	[smem:$0x3FB2] =	sst s4  }
0xd: {  	[smem:$0x3FB3] =	sst s5  }
0xe: {  	[smem:$0x3FB4] =	sst s6  }
0xf: {  	[smem:$0x3FB5] =	sst s7  }
0x10: {  	[smem:$0x3FB6] =	sst s8  }
0x11: {  	[smem:$0x3FB7] =	sst s9;
	s0 =	simm.s32 @!p0 $0x0  }
0x12: {  	s1 =	sld [smem:$0x3F9D];
	s0 =	simm.s32 @p0 $0x1  }
0x13: {  	[smem:$0x3FB8] =	sst s0;
	s0 =	simm.s32 @!p1 $0x0  }
0x14: {  	s2 =	sld [smem:$0x3F9C];
	s0 =	simm.s32 @p1 $0x1  }
0x15: {  	[smem:$0x3FB9] =	sst s0;
	s0 =	simm.s32 @!p2 $0x0  }
0x16: {  	s3 =	sld [smem:$0x3FDB];
	s0 =	simm.s32 @p2 $0x1  }
0x17: {  	s4 =	simm.s32 $0x1BF5;
	[smem:$0x3FBB] =	sst s0  }
0x18: {  	s0 =	sld [smem:$0x3F9E];
	_ =	swait.ge [sflag:s4], $0x0  }
0x19: {  	s7 =	sld [smem:$0x3F9F]  }
0x1a: {  	s8 =	sadd.s32 $0xFFFFE003, lr  }
0x1b: {  	s9 =	sadd.s32 $0xFFFFFEF7, lr;
	s5 =	simm.s32 $0xFFFFFFFF;
	p2 =	slt.u32 s8, $0xFFFFF086  }
0x1c: {  	p1 =	slt.u32 s9, $0xF7A;
	s5 =	simm.s32 @!p2 $0x0  }
0x1d: {  	s5 =	simm.s32 @p1 $0x1;
	p0 =	seq.s32 s7, s2  }
0x1e: {  	s7 =	smul.u32 @!p0 $0xF7A, s2;
	p2 =	seq.s32 @!p0 s5, $0x0  }
0x1f: {  	s9 =	smul.u32 $0xF7A, s1;
	s8 =	simm.s32 @!p0 $0x1BF5;
	p2 =	por !p2, p0  }
0x20: {  	[sflag:s8] =	ssyncset.s32 @!p0 $0xFFFFF086;
	s6 =	sadd.s32 @!p0 s3, s7;
	s7 =	simm.s32 @!p0 $0x108  }
0x21: {  	s3 =	sadd.s32 s3, s9;
	s6 =	sadd.s32 @!p0 $0x88, s6;
	s7 =	simm.s32 @p2 $0x1082  }
0x22: {  	[simem:s7], [sflag:s8] =	dma.local @!p0 [hbm:s6], $0xF7A  }
0x23: {  	s9 =	sor.u32 $0xD0000000, s2;
	s6 =	simm.s32 $0x108;
	_ =	swait.ge @!p0 [sflag:s8], $0x0  }
0x24: {  	s3 =	sadd.s32 $0x88, s3;
	s6 =	simm.s32 @!p1 $0x1082;
	[sflag:s4] =	ssyncset.s32 $0xFFFFF086  }
0x25: {  	[simem:s6], [sflag:s4] =	dma.local [hbm:s3], $0xF7A  }
0x26: {  	[smem:$0x3F9F] =	sst s1;
	(tag) =	ssettag s2;
	_ =	strace s9  }
0x27: {  	s1 =	sld [smem:$0x3FAF]  }
0x28: {  	s2 =	sld [smem:$0x3FB0]  }
0x29: {  	s4 =	sld [smem:$0x3FB2]  }
0x2a: {  	p0 =	seq.s32 s5, $0x0;
	s5 =	sld [smem:$0x3FB3]  }
0x2b: {  	s6 =	sld [smem:$0x3FB4]  }
0x2c: {  	s7 =	sld [smem:$0x3FB5]  }
0x2d: {  	s3 =	simm.s32 $0x108;
	s8 =	sld [smem:$0x3FB6]  }
0x2e: {  	s3 =	simm.s32 @!p0 $0x1082;
	s9 =	sld [smem:$0x3FB7]  }
0x2f: {  	lr =	sadd.s32 s0, s3;
	s0 =	sld [smem:$0x3FAE]  }
0x30: {  	s3 =	sld [smem:$0x3FB1]  }
0x31: {  	[smem:$0x3FBA] =	sst s10  }
0x32: {  	s10 =	sld [smem:$0x3FB8];
	_ =	sdelay $0x3  }
0x33: {  	p0 =	seq.s32 s10, $0x1;
	s10 =	sld [smem:$0x3FBA];
	_ =	sdelay $0x3  }
0x34: {  	[smem:$0x3FBA] =	sst s10  }
0x35: {  	s10 =	sld [smem:$0x3FB9];
	_ =	sdelay $0x3  }
0x36: {  	p1 =	seq.s32 s10, $0x1;
	s10 =	sld [smem:$0x3FBA];
	_ =	sdelay $0x3  }
0x37: {  	[smem:$0x3FBA] =	sst s10  }
0x38: {  	s10 =	sld [smem:$0x3FBB]  }
0x39: {  	_ = 	snop;
	(pc) =	sbr.ind lr, $3  }
0x3a: {  	_ = 	snop  }
0x3b: {  	_ = 	snop  }
0x3c: {  	p2 =	seq.s32 s10, $0x1;
	s10 =	sld [smem:$0x3FBA]  }
0x3d: {  	_ =	shalt  }
0x3e: {  	_ =	shalt  }
0x3f: {  	_ =	shalt  }
0x40: {  	_ =	shalt  }
0x41: {  	_ =	shalt  }
0x42: {  	_ =	shalt  }
0x43: {  	_ =	shalt  }
0x44: {  	_ =	shalt  }
0x45: {  	_ =	shalt  }
0x46: {  	_ =	shalt  }
0x47: {  	_ =	shalt  }
0x48: {  	_ =	shalt  }
0x49: {  	_ =	shalt  }
0x4a: {  	_ =	shalt  }
0x4b: {  	_ =	shalt  }
0x4c: {  	_ =	shalt  }
0x4d: {  	_ =	shalt  }
0x4e: {  	_ =	shalt  }
0x4f: {  	_ =	shalt  }
0x50: {  	_ =	shalt  }
0x51: {  	_ =	shalt  }
0x52: {  	_ =	shalt  }
0x53: {  	_ =	shalt  }
0x54: {  	_ =	shalt  }
0x55: {  	_ =	shalt  }
0x56: {  	_ =	shalt  }
0x57: {  	_ =	shalt  }
0x58: {  	_ =	shalt  }
0x59: {  	_ =	shalt  }
0x5a: {  	_ =	shalt  }
0x5b: {  	_ =	shalt  }
0x5c: {  	_ =	shalt  }
0x5d: {  	_ =	shalt  }
0x5e: {  	_ =	shalt  }
0x5f: {  	_ =	shalt  }
0x60: {  	_ =	shalt  }
0x61: {  	_ =	shalt  }
0x62: {  	_ =	shalt  }
0x63: {  	_ =	shalt  }
0x64: {  	_ =	shalt  }
0x65: {  	_ =	shalt  }
0x66: {  	_ =	shalt  }
0x67: {  	_ =	shalt  }
0x68: {  	_ =	shalt  }
0x69: {  	_ =	shalt  }
0x6a: {  	_ =	shalt  }
0x6b: {  	_ =	shalt  }
0x6c: {  	_ =	shalt  }
0x6d: {  	_ =	shalt  }
0x6e: {  	_ =	shalt  }
0x6f: {  	_ =	shalt  }
0x70: {  	_ =	shalt  }
0x71: {  	_ =	shalt  }
0x72: {  	_ =	shalt  }
0x73: {  	_ =	shalt  }
0x74: {  	_ =	shalt  }
0x75: {  	_ =	shalt  }
0x76: {  	_ =	shalt  }
0x77: {  	_ =	shalt  }
0x78: {  	_ =	shalt  }
0x79: {  	_ =	shalt  }
0x7a: {  	_ =	shalt  }
0x7b: {  	_ =	shalt  }
0x7c: {  	_ =	shalt  }
0x7d: {  	_ =	shalt  }
0x7e: {  	_ =	shalt  }
0x7f: {  	_ =	shalt  }
0x80: {  	_ =	shalt  }
0x81: {  	_ =	shalt  }
0x82: {  	_ =	shalt  }
0x83: {  	_ =	shalt  }
0x84: {  	_ =	shalt  }
0x85: {  	_ =	shalt  }
0x86: {  	_ =	shalt  }
0x87: {  	_ =	shalt  }
.Lfunc_end0:
.L_simem_size_0:
called_computation_lowered:
.L_overlay_start_0:
0x88: {  	s2 =	sld [smem:$0x3FD9]  }
0x89: {  	s3 =	sld [smem:$0x3FFE];
	_ =	sdelay $0x1  }
0x8a: {  	s1 =	srdreg.scid  }
0x8b: {  	s0 =	sand.u32 $0x1, s1  }
0x8c: {  	s17 =	sshll.u32 s0, $0xA;
	s2 =	sadd.s32 s3, s2  }
0x8d: {  	s2 =	sadd.s32 s2, s17  }
0x8e: {  	[smem:$0x3FC6] =	sst s2  }
0x8f: {  	_ = 	snop  }
0x90: {  	s2 =	sld [smem:$0x3FC9]  }
0x91: {  	s18 =	sld [smem:$0x3FC8];
	(tm) =	ssettm $0x1  }
0x92: {  	s4 =	sld [smem:$0x3FFB];
	_ =	sdelay $0x3  }
0x93: {  	_ =	strace s4  }
0x94: {  	s4 =	sld [smem:$0x3FFC];
	_ =	sdelay $0x3  }
0x95: {  	_ =	strace s4  }
0x96: {  	s4 =	sld [smem:$0x3FFD];
	_ =	sdelay $0x3  }
0x97: {  	_ =	strace s4  }
0x98: {  	_ =	strace $0x8FFFFFFF  }
0x99: {  	s19 =	sld [smem:$0x3FDB];
	_ =	sdelay $0x1  }
0x9a: {  	s5 =	simm.s32 $_scs_section_size  }
0x9b: {  	s6 =	simm.s32 $_size__tile_overlayer_lowered;
	s7 =	simm.s32 $_tile_overlayer_lowered  }
0x9c: {  	s22 =	simm.s32 $0x1BFF;
	s21 =	sshll.u32 s7, $0x1;
	s4 =	sadd.s32 s5, s19  }
0x9d: {  	s8 =	simm.s32 $0x0;
	s20 =	sshll.u32 s6, $0x1;
	s6 =	sadd.s32 s21, s4  }
0x9e: {  	[timem:s8], [sflag:s22] =	dma.local [hbm:s6], s20  }
0x9f: {  	_ =	swait.ge [sflag:s22], s20  }
0xa0: {  	s5 =	ssub.s32 $0x0, s20;
	[sflag:s22] =	ssyncset.done $0x0  }
0xa1: {  	[sflag:s22] =	ssyncadd.s32 s5;
	_ =	sdelay $0x1  }
0xa2: {  	s23 =	simm.s32 $0x1B8B  }
0xa3: {  	_ =	swait.ge [sflag:s23], $0x1  }
0xa4: {  	[sflag:s23] =	ssyncset.done $0x0  }
0xa5: {  	s25 =	simm.s32 $0x1B8E;
	s24 =	sld [smem:$0x3FFE];
	[sflag:s23] =	ssyncadd.s32 $0xFFFFFFFF  }
0xa6: {  	s26 =	simm.s32 $execute0_lowered;
	[smem:$0x3FD2] =	sst s25  }
0xa7: {  	s6 =	sshll.u32 s26, $0x1;
	_ =	strace $0x80000046;
	[dreg:$0x1] =	wrdreg $0xFFFFFFFF  }
0xa8: {  	s28 =	simm.s32 $_size_execute0_lowered;
	s4 =	sadd.s32 s4, s6;
	[dreg:$0x0] =	wrdreg $0x0  }
0xa9: {  	s6 =	sshll.u32 s28, $0x1;
	[dreg:$0x2] =	wrdreg s4  }
0xaa: {  	[dreg:$0x3] =	wrdreg s6  }
0xab: {  	[dreg:$0x4] =	wrdreg $0xC0  }
0xac: {  	_ =	task [dreg:s8], $0x5FFFF  }
0xad: {  	[dreg:$0x1] =	wrdreg $0xFFFFFFFF  }
0xae: {  	[dreg:$0x0] =	wrdreg $0x60  }
0xaf: {  	[dreg:$0x2] =	wrdreg s2  }
0xb0: {  	[dreg:$0x3] =	wrdreg s18  }
0xb1: {  	[dreg:$0x4] =	wrdreg s24  }
0xb2: {  	[dreg:$0x5] =	wrdreg $0x9  }
0xb3: {  	_ =	task.clear_ibuf [dreg:s8], $0x6FFFF;
	_ =	strace $0x90000046  }
0xb4: {  	s29 =	simm.s32 $0x9;
	_ =	strace $0x80000048  }
0xb5: {  	_ =	swait.ge [sflag:s29], $0x1  }
0xb6: {  	[sflag:s29] =	ssyncadd.s32 $0xFFFFFFFF  }
0xb7: {  	_ =	strace $0x90000048  }
0xb8: {  	_ =	sfence  }
0xb9: {  	s30 =	sld [smem:$0x0];
	_ =	sdelay $0x2  }
0xba: {  	s31 =	sshll.u32 s1, $0xD;
	s1 =	sshrl.u32 s1, $0x2  }
0xbb: {  	s3 =	sand.u32 $0x4000, s31;
	s1 =	sadd.s32 s1, s30  }
0xbc: {  	s0 =	sor.u32 s3, s0;
	s1 =	sshll.u32 s1, $0x11  }
0xbd: {  	s0 =	sor.u32 s1, s0  }
0xbe: {  	s0 =	sadd.s32 $0x8F2B, s0  }
0xbf: {  	[sflag:s0] =	ssyncadd.remote.s32 $0x1  }
0xc0: {  	_ =	sfence.sel $0xFFFF  }
0xc1: {  	[dreg:$0x0] =	wrdreg $0xFFFFFFFF;
	(pc) =	sbr.abs _section_cstart, $3  }
0xc2: {  	[dreg:$0x1] =	wrdreg $0xFFFFFFFF  }
0xc3: {  	_ =	task.clear_ibuf [dreg:s8], $0x2FFFF;
	_ =	strace $0x9FFFFFFF  }
0xc4: {  	(tm) =	ssettm $0x7FFFFFFF  }
0xc5: {  	_ =	shalt  }
tec
execute0_lowered:
.L_overlay_start_1:
0x0: {  	(tag) =	ssettag $0x1  }
0x1: {  	s9 =	rddreg [dreg:$0x0]  }
0x2: {  	s1 =	srdreg.scid;
	s10 =	rddreg [dreg:$0x1]  }
0x3: {  	s0 =	stileid.u32;
	s12 =	rddreg [dreg:$0x2];
	s2 =	simm.s32 $0x0  }
0x4: {  	s15 =	simm.s32 $0x12000;
	s16 =	simm.s32 $0x1;
	s17 =	simm.s32 $0x3  }
0x5: {  	s18 =	simm.s32 $0x2;
	s19 =	simm.s32 $0x4;
	s20 =	simm.s32 $0x18000  }
0x6: {  	s21 =	simm.s32 $0x5;
	s3 =	sand.u32 $0x1, s1;
	s31 =	sshll.u32 s0, $0x1  }
0x7: {  	s1 =	rddreg [dreg:$0x3];
	s11 =	sor.u32 s3, s31;
	s3 =	ssub.s32 $0x2, s3  }
0x8: {  	[smem:$0x7FF] =	sst s2;
	s4 =	smul.u32 $0x18000, s11;
	s5 =	sshrl.u32 s3, $0x1  }
0x9: {  	_ =	strace $0x80000047;
	s11 =	sshll.u32 s11, $0x4;
	s14 =	ssub.s32 s3, s5  }
0xa: {  	s11 =	sadd.s32 s12, s11;
	s13 =	sshrl.u32 s4, $0x3;
	s12 =	smax.u32 s14, $0x1  }
0xb: {  	s14 =	simm.s32 $0x6000;
	s4 =	sadd.s32 $0x120000, s13;
	s6 =	sadd.s32 $0x120C00, s13  }
0xc: {  	s22 =	simm.s32 $0x0;
	s8 =	sadd.s32 $0x121800, s13;
	s13 =	sadd.s32 $0x122400, s13  }
0xd: {  	s3 =	sadd.s32 s9, s4;
	s4 =	sadd.s32 s10, s4;
	s5 =	sadd.s32 s9, s6  }
0xe: {  	s6 =	sadd.s32 s10, s6;
	s7 =	sadd.s32 s9, s8;
	s8 =	sadd.s32 s10, s8  }
0xf: {  	s9 =	sadd.s32 s9, s13;
	s10 =	sadd.s32 s10, s13;
	s13 =	simm.s32 $0xC000  }
.LBB2_1:
0x10: {  	[tilespmem:s2], [sflag:$0x1] =	stream.linear.gather [hbm4b:s3+s2], $0x6000, $0x38;
	[tilespmem:$0x18080] =	vst v63  }
0x11: {  	_ = 	snop  }
0x12: {  	[tilespmem:s13], [sflag:$0x3] =	stream.linear.gather [hbm4b:s4+s2], $0x6000, $0x38;
	[tilespmem:$0x18080] =	vst v63  }
0x13: {  	_ = 	snop  }
0x14: {  	[tilespmem:s14], [sflag:$0x2] =	stream.linear.gather [hbm4b:s5+s2], $0x6000, $0x38;
	[tilespmem:$0x18080] =	vst v63  }
0x15: {  	_ = 	snop  }
0x16: {  	[tilespmem:s15], [sflag:$0x4] =	stream.linear.gather [hbm4b:s6+s2], $0x6000, $0x38;
	[tilespmem:$0x18080] =	vst v63  }
0x17: {  	_ =	swait.ge [sflag:s16], $0x6000  }
0x18: {  	[sflag:s16] =	ssyncset.done $0x0  }
0x19: {  	[sflag:s16] =	ssyncadd.s32 $0xFFFFA000  }
0x1a: {  	_ =	swait.ge [sflag:s17], $0x6000  }
0x1b: {  	s23 =	sand.u32 $0x7000, s2;
	s24 =	sand.u32 $0x380, s2;
	[sflag:s17] =	ssyncset.done $0x0  }
0x1c: {  	s23 =	sor.u32 s24, s23;
	[sflag:s17] =	ssyncadd.s32 $0xFFFFA000  }
0x1d: {  	v0 =	vld [tilespmem:s23+$0xC40]  }
0x1e: {  	v1 =	vld [tilespmem:s23+$0xCC40]  }
0x1f: {  	v2 =	vld [tilespmem:s23+$0xC50]  }
0x20: {  	v3 =	vld [tilespmem:s23+$0xCC50]  }
0x21: {  	v4 =	vld [tilespmem:s23+$0xC60]  }
0x22: {  	v5 =	vld [tilespmem:s23+$0xCC60]  }
0x23: {  	v6 =	vld [tilespmem:s23+$0xC70]  }
0x24: {  	v7 =	vld [tilespmem:s23+$0xCC70]  }
0x25: {  	v8 =	vld [tilespmem:s23+$0xC00]  }
0x26: {  	v9 =	vld [tilespmem:s23+$0xCC00]  }
0x27: {  	v10 =	vld [tilespmem:s23+$0xC10]  }
0x28: {  	v11 =	vld [tilespmem:s23+$0xCC10]  }
0x29: {  	v12 =	vld [tilespmem:s23+$0xC20]  }
0x2a: {  	v15 =	vld [tilespmem:s23+$0xCC20]  }
0x2b: {  	v16 =	vld [tilespmem:s23+$0xC30]  }
0x2c: {  	v17 =	vld [tilespmem:s23+$0xCC30]  }
0x2d: {  	v18 =	vld [tilespmem:s23+$0x840]  }
0x2e: {  	v21 =	vld [tilespmem:s23+$0xC840]  }
0x2f: {  	v23 =	vld [tilespmem:s23+$0x850]  }
0x30: {  	v24 =	vld [tilespmem:s23+$0xC850]  }
0x31: {  	v25 =	vld [tilespmem:s23+$0x860]  }
0x32: {  	v26 =	vld [tilespmem:s23+$0xC860]  }
0x33: {  	v27 =	vld [tilespmem:s23+$0x870]  }
0x34: {  	v28 =	vld [tilespmem:s23+$0xC870]  }
0x35: {  	v29 =	vld [tilespmem:s23+$0x800]  }
0x36: {  	v30 =	vld [tilespmem:s23+$0xC800]  }
0x37: {  	v32 =	vld [tilespmem:s23+$0x810]  }
0x38: {  	v33 =	vld [tilespmem:s23+$0xC810]  }
0x39: {  	v34 =	vld [tilespmem:s23+$0x820]  }
0x3a: {  	v35 =	vld [tilespmem:s23+$0xC820]  }
0x3b: {  	v36 =	vld [tilespmem:s23+$0x830]  }
0x3c: {  	v37 =	vld [tilespmem:s23+$0xC830]  }
0x3d: {  	v38 =	vld [tilespmem:s23+$0x440]  }
0x3e: {  	v39 =	vld [tilespmem:s23+$0xC440]  }
0x3f: {  	v40 =	vld [tilespmem:s23+$0x450]  }
0x40: {  	v41 =	vld [tilespmem:s23+$0xC450]  }
0x41: {  	v42 =	vld [tilespmem:s23+$0x460]  }
0x42: {  	v43 =	vld [tilespmem:s23+$0xC460]  }
0x43: {  	v44 =	vld [tilespmem:s23+$0x470]  }
0x44: {  	v45 =	vld [tilespmem:s23+$0xC470]  }
0x45: {  	v46 =	vld [tilespmem:s23+$0x400]  }
0x46: {  	v47 =	vld [tilespmem:s23+$0xC400]  }
0x47: {  	v48 =	vld [tilespmem:s23+$0x410]  }
0x48: {  	v49 =	vld [tilespmem:s23+$0xC410]  }
0x49: {  	v50 =	vld [tilespmem:s23+$0x420]  }
0x4a: {  	v52 =	vld [tilespmem:s23+$0xC420]  }
0x4b: {  	v54 =	vld [tilespmem:s23+$0x430]  }
0x4c: {  	v58 =	vld [tilespmem:s23+$0xC430]  }
0x4d: {  	v53 =	vld [tilespmem:s23+$0x40]  }
0x4e: {  	v59 =	vld [tilespmem:s23+$0xC040]  }
0x4f: {  	v60 =	vld [tilespmem:s23+$0x50];
	v13 =	vsub.f32 v0, v1;
	v14 =	vsub.f32 v2, v3  }
0x50: {  	v31 =	vld [tilespmem:s23+$0x70];
	v0 =	vsub.f32 v4, v5;
	v19 =	vsub.f32 v8, v9  }
0x51: {  	v51 =	vld [tilespmem:s23+$0xC070];
	v20 =	vsub.f32 v10, v11;
	v22 =	vsub.f32 v18, v21  }
0x52: {  	v55 =	vld [tilespmem:s23+$0xC010];
	v21 =	vsub.f32 v23, v24;
	v11 =	vsub.f32 v27, v28  }
0x53: {  	v56 =	vld [tilespmem:s23+$0x20];
	v23 =	vsub.f32 v42, v43;
	v46 =	vsub.f32 v46, v47  }
0x54: {  	v57 =	vld [tilespmem:s23+$0xC020];
	v24 =	vsub.f32 v44, v45;
	v45 =	vsub.f32 v48, v49  }
0x55: {  	v5 =	vld [tilespmem:s23+$0xC050];
	v28 =	vsub.f32 v50, v52;
	[tilespmem:$0x1FFC0] =	vst v0;
	v0 =	vsub.f32 v6, v7  }
0x56: {  	v10 =	vld [tilespmem:s23+$0xC060];
	v53 =	vsub.f32 v53, v59;
	v27 =	vsub.f32 v54, v58  }
0x57: {  	v6 =	vld [tilespmem:s23+$0x60];
	[tilespmem:$0x1FFD0] =	vst v0;
	v0 =	vsub.f32 v12, v15;
	v12 =	vsub.f32 v25, v26  }
0x58: {  	v2 =	vld [tilespmem:s23+$0x0];
	v25 =	vsub.f32 v29, v30;
	v26 =	vsub.f32 v32, v33  }
0x59: {  	v8 =	vld [tilespmem:s23+$0x10];
	v29 =	vsub.f32 v38, v39;
	v15 =	vsub.f32 v36, v37  }
0x5a: {  	v9 =	vimm.f32 $0.0e+00;
	v58 =	vld [tilespmem:s23+$0x30];
	v30 =	vsub.f32 v40, v41;
	[tilespmem:$0x1FFE0] =	vst v0;
	v0 =	vsub.f32 v16, v17  }
0x5b: {  	v59 =	vld [tilespmem:s23+$0xC030];
	v18 =	vimm.f32 $0.0e+00;
	v54 =	vsub.f32 v60, v5;
	v16 =	vsub.f32 v34, v35  }
0x5c: {  	s24 =	simm.s32 $0x200;
	v7 =	vld [tilespmem:s23+$0xC000];
	s23 =	simm.s32 $0x80;
	v17 =	vimm.f32 $0.0e+00;
	v52 =	vsub.f32 v6, v10;
	v10 =	vimm.f32 $0.0e+00;
	[tilespmem:$0x1FFF0] =	vst v0  }
.LBB2_2:
0x5d: {  	s25 =	sand.u32 $0x7000, s24;
	s26 =	sand.u32 $0x380, s23  }
0x5e: {  	v0 =	vld [tilespmem:$0x1FFE0];
	s25 =	sor.u32 s26, s25  }
0x5f: {  	v37 =	vand.u32 $0x7FFFFFFF, v19;
	v19 =	vld [tilespmem:s25+$0xCC60]  }
0x60: {  	v38 =	vand.u32 $0x7FFFFFFF, v20;
	v20 =	vld [tilespmem:s25+$0xC70]  }
0x61: {  	v44 =	vld [tilespmem:s25+$0xC440]  }
0x62: {  	v43 =	vand.u32 $0x7FFFFFFF, v45;
	v45 =	vld [tilespmem:s25+$0x450]  }
0x63: {  	v42 =	vand.u32 $0x7FFFFFFF, v46;
	v46 =	vld [tilespmem:s25+$0xC450]  }
0x64: {  	v47 =	vld [tilespmem:s25+$0x460]  }
0x65: {  	v48 =	vld [tilespmem:s25+$0xC460]  }
0x66: {  	v49 =	vld [tilespmem:s25+$0x470]  }
0x67: {  	v50 =	vld [tilespmem:s25+$0xC470]  }
0x68: {  	v39 =	vand.u32 $0x7FFFFFFF, v25;
	v25 =	vand.u32 $0x7FFFFFFF, v53;
	v53 =	vld [tilespmem:s25+$0xC400]  }
0x69: {  	v60 =	vld [tilespmem:s25+$0xC410]  }
0x6a: {  	v61 =	vld [tilespmem:s25+$0x420]  }
0x6b: {  	v62 =	vld [tilespmem:s25+$0xC420]  }
0x6c: {  	v63 =	vld [tilespmem:s25+$0x430]  }
0x6d: {  	v5 =	vld [tilespmem:s25+$0xC430]  }
0x6e: {  	v6 =	vld [tilespmem:s25+$0x40]  }
0x6f: {  	v32 =	vsub.f32 v2, v7;
	v2 =	vld [tilespmem:s25+$0xC40]  }
0x70: {  	v31 =	vsub.f32 v31, v51;
	v51 =	vld [tilespmem:s25+$0xCC40]  }
0x71: {  	v33 =	vsub.f32 v8, v55;
	v55 =	vld [tilespmem:s25+$0xC50]  }
0x72: {  	v7 =	vld [tilespmem:s25+$0xCC50]  }
0x73: {  	v8 =	vld [tilespmem:s25+$0xC60]  }
0x74: {  	v34 =	vsub.f32 v56, v57;
	v57 =	vld [tilespmem:s25+$0xC810]  }
0x75: {  	v35 =	vsub.f32 v58, v59;
	v58 =	vld [tilespmem:s25+$0x820]  }
0x76: {  	v59 =	vld [tilespmem:s25+$0xC820]  }
0x77: {  	v56 =	vand.u32 $0x7FFFFFFF, v52;
	v52 =	vld [tilespmem:s25+$0x400]  }
0x78: {  	v3 =	vand.u32 $0x7FFFFFFF, v0;
	v0 =	vld [tilespmem:$0x1FFF0]  }
0x79: {  	v36 =	vand.u32 $0x7FFFFFFF, v22;
	v22 =	vand.u32 $0x7FFFFFFF, v33;
	v33 =	vld [tilespmem:s25+$0x870]  }
0x7a: {  	v40 =	vand.u32 $0x7FFFFFFF, v26;
	v26 =	vand.u32 $0x7FFFFFFF, v54;
	v54 =	vand.u32 $0x7FFFFFFF, v34;
	v34 =	vld [tilespmem:s25+$0xC870]  }
0x7b: {  	v41 =	vand.u32 $0x7FFFFFFF, v21;
	v21 =	vand.u32 $0x7FFFFFFF, v32;
	v32 =	vld [tilespmem:s25+$0xC060]  }
0x7c: {  	v9 =	vadd.f32 v21, v9;
	v21 =	vld [tilespmem:s25+$0xCC70]  }
0x7d: {  	v10 =	vadd.f32 v22, v10;
	v22 =	vand.u32 $0x7FFFFFFF, v35;
	v35 =	vld [tilespmem:s25+$0x800]  }
0x7e: {  	v17 =	vadd.f32 v54, v17;
	v54 =	vld [tilespmem:s25+$0x410]  }
0x7f: {  	v18 =	vadd.f32 v22, v18;
	v22 =	vld [tilespmem:s25+$0xC00]  }
0x80: {  	v9 =	vadd.f32 v25, v9;
	v25 =	vld [tilespmem:s25+$0xCC00]  }
0x81: {  	v17 =	vadd.f32 v56, v17;
	v56 =	vld [tilespmem:s25+$0xCC10]  }
0x82: {  	v10 =	vadd.f32 v26, v10;
	v26 =	vand.u32 $0x7FFFFFFF, v31;
	v31 =	vld [tilespmem:s25+$0x70]  }
0x83: {  	v18 =	vadd.f32 v26, v18;
	v26 =	vld [tilespmem:s25+$0xC10]  }
0x84: {  	v28 =	vand.u32 $0x7FFFFFFF, v28;
	v4 =	vand.u32 $0x7FFFFFFF, v0;
	v0 =	vld [tilespmem:$0x1FFC0]  }
0x85: {  	v17 =	vadd.f32 v28, v17;
	v28 =	vld [tilespmem:s25+$0xCC20]  }
0x86: {  	v9 =	vadd.f32 v42, v9;
	v42 =	vld [tilespmem:s25+$0xC830]  }
0x87: {  	v27 =	vand.u32 $0x7FFFFFFF, v27;
	v10 =	vadd.f32 v43, v10;
	v43 =	vld [tilespmem:s25+$0x440]  }
0x88: {  	v23 =	vand.u32 $0x7FFFFFFF, v23;
	v18 =	vadd.f32 v27, v18;
	v27 =	vld [tilespmem:s25+$0xC20]  }
0x89: {  	v29 =	vand.u32 $0x7FFFFFFF, v29;
	v30 =	vand.u32 $0x7FFFFFFF, v30;
	v17 =	vadd.f32 v23, v17;
	v23 =	vld [tilespmem:s25+$0xC30]  }
0x8a: {  	v24 =	vand.u32 $0x7FFFFFFF, v24;
	v16 =	vand.u32 $0x7FFFFFFF, v16;
	v9 =	vadd.f32 v29, v9;
	v29 =	vld [tilespmem:s25+$0x840]  }
0x8b: {  	v15 =	vand.u32 $0x7FFFFFFF, v15;
	v10 =	vadd.f32 v30, v10;
	v30 =	vld [tilespmem:s25+$0xC840];
	v18 =	vadd.f32 v24, v18  }
0x8c: {  	v12 =	vand.u32 $0x7FFFFFFF, v12;
	v24 =	vld [tilespmem:s25+$0xCC30];
	v9 =	vadd.f32 v39, v9;
	v16 =	vadd.f32 v16, v17  }
0x8d: {  	v10 =	vadd.f32 v40, v10;
	v1 =	vand.u32 $0x7FFFFFFF, v0;
	v0 =	vld [tilespmem:$0x1FFD0];
	v15 =	vadd.f32 v15, v18  }
0x8e: {  	v9 =	vadd.f32 v36, v9;
	v12 =	vadd.f32 v12, v16;
	v16 =	vld [tilespmem:s25+$0xC850]  }
0x8f: {  	v11 =	vand.u32 $0x7FFFFFFF, v11;
	v10 =	vadd.f32 v41, v10;
	v36 =	vld [tilespmem:s25+$0xC800]  }
0x90: {  	v41 =	vld [tilespmem:s25+$0x830];
	v11 =	vadd.f32 v11, v15;
	v9 =	vadd.f32 v37, v9  }
0x91: {  	v13 =	vand.u32 $0x7FFFFFFF, v13;
	v15 =	vld [tilespmem:s25+$0x850];
	v10 =	vadd.f32 v38, v10;
	v3 =	vadd.f32 v3, v12  }
0x92: {  	v14 =	vand.u32 $0x7FFFFFFF, v14;
	v12 =	vld [tilespmem:s25+$0xC860];
	v4 =	vadd.f32 v4, v11;
	v9 =	vadd.f32 v13, v9  }
0x93: {  	v37 =	vld [tilespmem:s25+$0x810];
	v10 =	vadd.f32 v14, v10;
	v17 =	vadd.f32 v1, v3  }
0x94: {  	v11 =	vld [tilespmem:s25+$0x860];
	v13 =	vsub.f32 v2, v51;
	v14 =	vsub.f32 v55, v7  }
0x95: {  	v1 =	vld [tilespmem:s25+$0x50];
	v2 =	vsub.f32 v8, v19;
	v19 =	vsub.f32 v22, v25  }
0x96: {  	v3 =	vld [tilespmem:s25+$0xC050];
	v22 =	vsub.f32 v29, v30;
	v7 =	vsub.f32 v23, v24  }
0x97: {  	v51 =	vld [tilespmem:s25+$0xC070];
	v29 =	vsub.f32 v43, v44;
	v30 =	vsub.f32 v45, v46  }
0x98: {  	v8 =	vld [tilespmem:s25+$0x10];
	v23 =	vsub.f32 v47, v48;
	v46 =	vsub.f32 v52, v53  }
0x99: {  	v0 =	vand.u32 $0x7FFFFFFF, v0;
	v55 =	vld [tilespmem:s25+$0xC010];
	v24 =	vsub.f32 v49, v50;
	v45 =	vsub.f32 v54, v60  }
0x9a: {  	v18 =	vadd.f32 v0, v4;
	v0 =	vld [tilespmem:s25+$0xC040];
	v25 =	vsub.f32 v35, v36  }
0x9b: {  	v4 =	vld [tilespmem:s25+$0x60];
	[tilespmem:$0x1FFC0] =	vst v2;
	v2 =	vsub.f32 v20, v21;
	v20 =	vsub.f32 v26, v56  }
0x9c: {  	p0 =	sne.s32 s24, $0x5E00;
	[tilespmem:$0x1FFF0] =	vst v7;
	v7 =	vld [tilespmem:s25+$0xC000];
	v21 =	vsub.f32 v15, v16;
	v16 =	vsub.f32 v58, v59  }
.Ltmp0:
0x9d: {  	v56 =	vld [tilespmem:s25+$0x20];
	v15 =	vsub.f32 v41, v42;
	v26 =	vsub.f32 v37, v57;
	(pc) =	sbr.rel @p0 .LBB2_2-.Ltmp0, $4  }
0x9e: {  	v58 =	vld [tilespmem:s25+$0x30];
	[tilespmem:$0x1FFD0] =	vst v2;
	v2 =	vsub.f32 v27, v28;
	v12 =	vsub.f32 v11, v12  }
0x9f: {  	v59 =	vld [tilespmem:s25+$0xC030];
	v11 =	vsub.f32 v33, v34;
	v28 =	vsub.f32 v61, v62  }
0xa0: {  	v57 =	vld [tilespmem:s25+$0xC020];
	v27 =	vsub.f32 v63, v5;
	v54 =	vsub.f32 v1, v3  }
0xa1: {  	s23 =	sadd.s32 $0x80, s23;
	s24 =	sadd.s32 $0x200, s24;
	[tilespmem:$0x1FFE0] =	vst v2;
	v2 =	vld [tilespmem:s25+$0x0];
	v53 =	vsub.f32 v6, v0;
	v52 =	vsub.f32 v4, v32  }
0xa2: {  	s23 =	simm.s32 $0x0  }
0xa3: {  	[tilespmem:s23], [sflag:$0x1] =	stream.linear.gather [hbm4b:s7+s23], $0x6000, $0x38;
	[tilespmem:$0x18080] =	vst v63  }
0xa4: {  	_ = 	snop  }
0xa5: {  	[tilespmem:s13], [sflag:$0x3] =	stream.linear.gather [hbm4b:s8+s23], $0x6000, $0x38;
	[tilespmem:$0x18080] =	vst v63  }
0xa6: {  	_ =	swait.ge [sflag:s18], $0x6000  }
0xa7: {  	[sflag:s18] =	ssyncset.done $0x0  }
0xa8: {  	[sflag:s18] =	ssyncadd.s32 $0xFFFFA000  }
0xa9: {  	_ =	swait.ge [sflag:s19], $0x6000  }
0xaa: {  	s24 =	sand.u32 $0x7000, s23;
	s23 =	sand.u32 $0x380, s23;
	[sflag:s19] =	ssyncset.done $0x0  }
0xab: {  	s23 =	sor.u32 s23, s24;
	[sflag:s19] =	ssyncadd.s32 $0xFFFFA000  }
0xac: {  	v0 =	vld [tilespmem:s23+$0x6C40]  }
0xad: {  	v1 =	vld [tilespmem:s23+$0x6C50]  }
0xae: {  	v3 =	vld [tilespmem:s23+$0x6C60]  }
0xaf: {  	v4 =	vld [tilespmem:s23+$0x6C70]  }
0xb0: {  	v60 =	vld [tilespmem:s23+$0x6C00]  }
0xb1: {  	v61 =	vld [tilespmem:s23+$0x6C10]  }
0xb2: {  	v62 =	vld [tilespmem:s23+$0x6C20]  }
0xb3: {  	v47 =	vld [tilespmem:s23+$0x6C30]  }
0xb4: {  	v63 =	vld [tilespmem:s23+$0x6840]  }
0xb5: {  	v48 =	vld [tilespmem:s23+$0x6850]  }
0xb6: {  	v49 =	vld [tilespmem:s23+$0x6860]  }
0xb7: {  	v34 =	vld [tilespmem:s23+$0x6870]  }
0xb8: {  	v50 =	vld [tilespmem:s23+$0x6800]  }
0xb9: {  	v42 =	vld [tilespmem:s23+$0x6810]  }
0xba: {  	v43 =	vld [tilespmem:s23+$0x6820]  }
0xbb: {  	v35 =	vld [tilespmem:s23+$0x6830]  }
0xbc: {  	v44 =	vld [tilespmem:s23+$0x6440]  }
0xbd: {  	v39 =	vld [tilespmem:s23+$0x6450]  }
0xbe: {  	v40 =	vld [tilespmem:s23+$0x6460]  }
0xbf: {  	v33 =	vld [tilespmem:s23+$0x6470]  }
0xc0: {  	v41 =	vld [tilespmem:s23+$0x6400]  }
0xc1: {  	v36 =	vld [tilespmem:s23+$0x6410]  }
0xc2: {  	v37 =	vld [tilespmem:s23+$0x6420]  }
0xc3: {  	v32 =	vld [tilespmem:s23+$0x6430]  }
0xc4: {  	v55 =	vsub.f32 v8, v55;
	v31 =	vsub.f32 v31, v51;
	v38 =	vld [tilespmem:s23+$0x6040]  }
0xc5: {  	v46 =	vand.u32 $0x7FFFFFFF, v46;
	v45 =	vand.u32 $0x7FFFFFFF, v45;
	v28 =	vand.u32 $0x7FFFFFFF, v28;
	v6 =	vld [tilespmem:s23+$0x6050]  }
0xc6: {  	v29 =	vand.u32 $0x7FFFFFFF, v29;
	v27 =	vand.u32 $0x7FFFFFFF, v27;
	v23 =	vand.u32 $0x7FFFFFFF, v23;
	v5 =	vld [tilespmem:s23+$0x6060]  }
0xc7: {  	v24 =	vand.u32 $0x7FFFFFFF, v24;
	v16 =	vand.u32 $0x7FFFFFFF, v16;
	v7 =	vsub.f32 v2, v7;
	v2 =	vld [tilespmem:s23+$0x6070]  }
0xc8: {  	v15 =	vand.u32 $0x7FFFFFFF, v15;
	v53 =	vand.u32 $0x7FFFFFFF, v53;
	v56 =	vsub.f32 v56, v57;
	v8 =	vld [tilespmem:s23+$0x6000]  }
0xc9: {  	v52 =	vand.u32 $0x7FFFFFFF, v52;
	v57 =	vsub.f32 v58, v59;
	v58 =	vand.u32 $0x7FFFFFFF, v7;
	v7 =	vld [tilespmem:s23+$0x6010]  }
0xca: {  	v55 =	vand.u32 $0x7FFFFFFF, v55;
	v56 =	vand.u32 $0x7FFFFFFF, v56;
	v51 =	vadd.f32 v58, v9;
	v9 =	vld [tilespmem:s23+$0x6020]  }
0xcb: {  	v55 =	vadd.f32 v55, v10;
	v57 =	vand.u32 $0x7FFFFFFF, v57;
	s24 =	sadd.s32 $0x6C00, s23;
	v17 =	vadd.f32 v56, v17;
	v10 =	vld [tilespmem:s23+$0x6030]  }
0xcc: {  	v59 =	vand.u32 $0x7FFFFFFF, v54;
	v18 =	vadd.f32 v57, v18;
	v51 =	vadd.f32 v53, v51;
	v56 =	vld [tilespmem:s24+$0xC040]  }
0xcd: {  	v31 =	vand.u32 $0x7FFFFFFF, v31;
	v17 =	vadd.f32 v52, v17;
	v53 =	vadd.f32 v59, v55;
	v54 =	vld [tilespmem:s24+$0xC050]  }
0xce: {  	v21 =	vand.u32 $0x7FFFFFFF, v21;
	v18 =	vadd.f32 v31, v18;
	v52 =	vld [tilespmem:s24+$0xC060];
	v46 =	vadd.f32 v46, v51  }
0xcf: {  	v12 =	vand.u32 $0x7FFFFFFF, v12;
	v31 =	vld [tilespmem:s24+$0xC070];
	v17 =	vadd.f32 v28, v17;
	v45 =	vadd.f32 v45, v53  }
0xd0: {  	v28 =	vld [tilespmem:s24+$0xC010];
	v18 =	vadd.f32 v27, v18;
	v27 =	vand.u32 $0x7FFFFFFF, v30;
	v29 =	vadd.f32 v29, v46  }
0xd1: {  	s31 =	sadd.s32 $0x6400, s23;
	v30 =	vld [tilespmem:s24+$0xC020];
	v17 =	vadd.f32 v23, v17;
	v23 =	vand.u32 $0x7FFFFFFF, v25;
	v27 =	vadd.f32 v27, v45  }
0xd2: {  	v55 =	vld [tilespmem:s31+$0xC040];
	v18 =	vadd.f32 v24, v18;
	v25 =	vand.u32 $0x7FFFFFFF, v26;
	v23 =	vadd.f32 v23, v29  }
0xd3: {  	v57 =	vld [tilespmem:s31+$0xC050];
	v16 =	vadd.f32 v16, v17;
	v17 =	vand.u32 $0x7FFFFFFF, v22;
	v25 =	vadd.f32 v25, v27  }
0xd4: {  	v19 =	vand.u32 $0x7FFFFFFF, v19;
	v58 =	vld [tilespmem:s31+$0xC060];
	v15 =	vadd.f32 v15, v18;
	v17 =	vadd.f32 v17, v23  }
0xd5: {  	v11 =	vand.u32 $0x7FFFFFFF, v11;
	v59 =	vld [tilespmem:s31+$0xC070];
	v12 =	vadd.f32 v12, v16;
	v18 =	vadd.f32 v21, v25  }
0xd6: {  	v11 =	vadd.f32 v11, v15;
	v15 =	vand.u32 $0x7FFFFFFF, v20;
	v16 =	vadd.f32 v19, v17;
	v17 =	vld [tilespmem:$0x1FFE0]  }
0xd7: {  	v15 =	vadd.f32 v15, v18;
	v18 =	vld [tilespmem:$0x1FFF0]  }
0xd8: {  	s25 =	sadd.s32 $0x6800, s23;
	v51 =	vld [tilespmem:s24+$0xC000]  }
0xd9: {  	v53 =	vld [tilespmem:s25+$0xC030]  }
0xda: {  	v24 =	vld [tilespmem:s25+$0xC040]  }
0xdb: {  	v26 =	vld [tilespmem:s25+$0xC050]  }
0xdc: {  	v45 =	vld [tilespmem:s24+$0xC030];
	v17 =	vand.u32 $0x7FFFFFFF, v17;
	v18 =	vand.u32 $0x7FFFFFFF, v18  }
0xdd: {  	v12 =	vadd.f32 v17, v12;
	v17 =	vadd.f32 v18, v11;
	v11 =	vand.u32 $0x7FFFFFFF, v14;
	v14 =	vld [tilespmem:$0x1FFC0]  }
0xde: {  	v46 =	vld [tilespmem:s25+$0xC010]  }
0xdf: {  	v27 =	vld [tilespmem:s25+$0xC060]  }
0xe0: {  	s23 =	sadd.s32 $0x6000, s23;
	v21 =	vsub.f32 v60, v51;
	v60 =	vld [tilespmem:s31+$0xC020]  }
0xe1: {  	v13 =	vand.u32 $0x7FFFFFFF, v13;
	v24 =	vsub.f32 v63, v24;
	v63 =	vld [tilespmem:s23+$0xC040]  }
0xe2: {  	v18 =	vand.u32 $0x7FFFFFFF, v14;
	v14 =	vadd.f32 v13, v16;
	v13 =	vadd.f32 v11, v15;
	v11 =	vld [tilespmem:$0x1FFD0]  }
0xe3: {  	v29 =	vld [tilespmem:s25+$0xC070]  }
0xe4: {  	v22 =	vsub.f32 v61, v28;
	v28 =	vld [tilespmem:s23+$0xC050]  }
0xe5: {  	v25 =	vld [tilespmem:s25+$0xC000];
	v23 =	vsub.f32 v48, v26;
	v26 =	vsub.f32 v33, v59  }
0xe6: {  	v19 =	vld [tilespmem:s25+$0xC020];
	v33 =	vsub.f32 v37, v60;
	v37 =	vsub.f32 v38, v63  }
0xe7: {  	v16 =	vsub.f32 v49, v27;
	v27 =	vld [tilespmem:s23+$0xC070];
	v15 =	vand.u32 $0x7FFFFFFF, v11;
	v11 =	vadd.f32 v18, v12  }
0xe8: {  	v18 =	vsub.f32 v1, v54;
	v1 =	vsub.f32 v3, v52;
	v52 =	vld [tilespmem:s31+$0xC010]  }
0xe9: {  	v12 =	vadd.f32 v15, v17;
	v17 =	vsub.f32 v0, v56;
	v56 =	vld [tilespmem:s31+$0xC000]  }
0xea: {  	v0 =	vsub.f32 v4, v31;
	v4 =	vsub.f32 v62, v30;
	v62 =	vld [tilespmem:s31+$0xC030]  }
0xeb: {  	v20 =	vsub.f32 v43, v19;
	v15 =	vsub.f32 v34, v29;
	v29 =	vld [tilespmem:s23+$0xC060]  }
0xec: {  	v19 =	vsub.f32 v35, v53;
	v31 =	vsub.f32 v42, v46;
	v42 =	vld [tilespmem:s23+$0xC000]  }
0xed: {  	v30 =	vsub.f32 v50, v25;
	v25 =	vsub.f32 v40, v58;
	v40 =	vld [tilespmem:s23+$0xC010]  }
0xee: {  	v35 =	vsub.f32 v39, v57;
	v39 =	vsub.f32 v41, v56;
	v41 =	vld [tilespmem:s23+$0xC020]  }
0xef: {  	v43 =	vld [tilespmem:s23+$0xC030];
	v3 =	vsub.f32 v47, v45;
	v34 =	vsub.f32 v44, v55  }
0xf0: {  	s24 =	simm.s32 $0x200;
	v36 =	vsub.f32 v36, v52;
	v32 =	vsub.f32 v32, v62;
	s23 =	simm.s32 $0x80  }
.LBB2_4:
0xf1: {  	s25 =	sand.u32 $0x7000, s24;
	s26 =	sand.u32 $0x380, s23;
	p0 =	sne.s32 s24, $0x5E00;
	v6 =	vsub.f32 v6, v28;
	v5 =	vsub.f32 v5, v29  }
0xf2: {  	v8 =	vsub.f32 v8, v42;
	v2 =	vsub.f32 v2, v27;
	s25 =	sor.u32 s26, s25  }
0xf3: {  	v7 =	vsub.f32 v7, v40;
	v27 =	vld [tilespmem:s25+$0x6C40];
	v9 =	vsub.f32 v9, v41  }
0xf4: {  	v17 =	vand.u32 $0x7FFFFFFF, v17;
	v18 =	vand.u32 $0x7FFFFFFF, v18;
	v28 =	vld [tilespmem:s25+$0x6C50];
	v10 =	vsub.f32 v10, v43  }
0xf5: {  	v38 =	vand.u32 $0x7FFFFFFF, v24;
	v40 =	vand.u32 $0x7FFFFFFF, v21;
	v41 =	vand.u32 $0x7FFFFFFF, v22;
	v29 =	vld [tilespmem:s25+$0x6C60]  }
0xf6: {  	v42 =	vand.u32 $0x7FFFFFFF, v30;
	v44 =	vand.u32 $0x7FFFFFFF, v23;
	v43 =	vand.u32 $0x7FFFFFFF, v31;
	v22 =	vld [tilespmem:s25+$0x6C70]  }
0xf7: {  	v39 =	vand.u32 $0x7FFFFFFF, v39;
	v45 =	vand.u32 $0x7FFFFFFF, v34;
	v46 =	vand.u32 $0x7FFFFFFF, v35;
	v21 =	vld [tilespmem:s25+$0x6C00]  }
0xf8: {  	v36 =	vand.u32 $0x7FFFFFFF, v36;
	v35 =	vand.u32 $0x7FFFFFFF, v37;
	v6 =	vand.u32 $0x7FFFFFFF, v6;
	v23 =	vld [tilespmem:s25+$0x6C10]  }
0xf9: {  	v8 =	vand.u32 $0x7FFFFFFF, v8;
	v7 =	vand.u32 $0x7FFFFFFF, v7;
	v9 =	vand.u32 $0x7FFFFFFF, v9;
	v24 =	vld [tilespmem:s25+$0x6C20]  }
0xfa: {  	v8 =	vadd.f32 v8, v14;
	v7 =	vadd.f32 v7, v13;
	v10 =	vand.u32 $0x7FFFFFFF, v10;
	v30 =	vld [tilespmem:s25+$0x6C30]  }
0xfb: {  	v5 =	vand.u32 $0x7FFFFFFF, v5;
	v9 =	vadd.f32 v9, v11;
	v10 =	vadd.f32 v10, v12;
	v31 =	vld [tilespmem:s25+$0x6840]  }
0xfc: {  	v2 =	vand.u32 $0x7FFFFFFF, v2;
	v8 =	vadd.f32 v35, v8;
	v6 =	vadd.f32 v6, v7;
	v34 =	vld [tilespmem:s25+$0x6850]  }
0xfd: {  	v7 =	vand.u32 $0x7FFFFFFF, v33;
	v5 =	vadd.f32 v5, v9;
	v2 =	vadd.f32 v2, v10;
	v35 =	vld [tilespmem:s25+$0x6860]  }
0xfe: {  	v8 =	vadd.f32 v39, v8;
	v9 =	vand.u32 $0x7FFFFFFF, v32;
	v6 =	vadd.f32 v36, v6;
	v33 =	vld [tilespmem:s25+$0x6870]  }
0xff: {  	v5 =	vadd.f32 v7, v5;
	v7 =	vand.u32 $0x7FFFFFFF, v25;
	v2 =	vadd.f32 v9, v2;
	v32 =	vld [tilespmem:s25+$0x6800]  }
0x100: {  	v8 =	vadd.f32 v45, v8;
	v6 =	vadd.f32 v46, v6;
	v9 =	vand.u32 $0x7FFFFFFF, v26;
	v25 =	vld [tilespmem:s25+$0x6810]  }
0x101: {  	v5 =	vadd.f32 v7, v5;
	v7 =	vand.u32 $0x7FFFFFFF, v20;
	v2 =	vadd.f32 v9, v2;
	v26 =	vld [tilespmem:s25+$0x6820]  }
0x102: {  	v8 =	vadd.f32 v42, v8;
	v6 =	vadd.f32 v43, v6;
	v9 =	vand.u32 $0x7FFFFFFF, v19;
	v36 =	vld [tilespmem:s25+$0x6830]  }
0x103: {  	v5 =	vadd.f32 v7, v5;
	v7 =	vand.u32 $0x7FFFFFFF, v16;
	v2 =	vadd.f32 v9, v2;
	v19 =	vld [tilespmem:s25+$0x6440]  }
0x104: {  	v8 =	vadd.f32 v38, v8;
	v6 =	vadd.f32 v44, v6;
	v9 =	vand.u32 $0x7FFFFFFF, v15;
	v37 =	vld [tilespmem:s25+$0x6450]  }
0x105: {  	v4 =	vand.u32 $0x7FFFFFFF, v4;
	v5 =	vadd.f32 v7, v5;
	v2 =	vadd.f32 v9, v2;
	v38 =	vld [tilespmem:s25+$0x6460]  }
0x106: {  	v3 =	vand.u32 $0x7FFFFFFF, v3;
	v7 =	vadd.f32 v40, v8;
	v6 =	vadd.f32 v41, v6;
	v43 =	vld [tilespmem:s25+$0x6470]  }
0x107: {  	v1 =	vand.u32 $0x7FFFFFFF, v1;
	v4 =	vadd.f32 v4, v5;
	v2 =	vadd.f32 v3, v2;
	v39 =	vld [tilespmem:s25+$0x6400]  }
0x108: {  	v0 =	vand.u32 $0x7FFFFFFF, v0;
	v14 =	vadd.f32 v17, v7;
	v13 =	vadd.f32 v18, v6;
	v44 =	vld [tilespmem:s25+$0x6410]  }
0x109: {  	v11 =	vadd.f32 v1, v4;
	v12 =	vadd.f32 v0, v2;
	v45 =	vld [tilespmem:s25+$0x6420]  }
0x10a: {  	v46 =	vld [tilespmem:s25+$0x6430]  }
0x10b: {  	v47 =	vld [tilespmem:s25+$0x6040]  }
0x10c: {  	v6 =	vld [tilespmem:s25+$0x6050]  }
0x10d: {  	v5 =	vld [tilespmem:s25+$0x6060]  }
0x10e: {  	v2 =	vld [tilespmem:s25+$0x6070]  }
0x10f: {  	v8 =	vld [tilespmem:s25+$0x6000]  }
0x110: {  	v7 =	vld [tilespmem:s25+$0x6010]  }
0x111: {  	v9 =	vld [tilespmem:s25+$0x6020]  }
0x112: {  	s26 =	sadd.s32 $0x6C00, s25;
	v10 =	vld [tilespmem:s25+$0x6030]  }
0x113: {  	v0 =	vld [tilespmem:s26+$0xC040]  }
0x114: {  	v1 =	vld [tilespmem:s26+$0xC050]  }
0x115: {  	v3 =	vld [tilespmem:s26+$0xC060]  }
0x116: {  	v4 =	vld [tilespmem:s26+$0xC070]  }
0x117: {  	v15 =	vld [tilespmem:s26+$0xC000]  }
0x118: {  	v16 =	vld [tilespmem:s26+$0xC010]  }
0x119: {  	v20 =	vld [tilespmem:s26+$0xC020]  }
0x11a: {  	s28 =	sadd.s32 $0x6800, s25;
	v40 =	vld [tilespmem:s26+$0xC030]  }
0x11b: {  	v41 =	vld [tilespmem:s28+$0xC040]  }
0x11c: {  	v42 =	vld [tilespmem:s28+$0xC050]  }
0x11d: {  	v48 =	vld [tilespmem:s28+$0xC060]  }
0x11e: {  	v49 =	vld [tilespmem:s28+$0xC070]  }
0x11f: {  	v50 =	vld [tilespmem:s28+$0xC000]  }
0x120: {  	v51 =	vld [tilespmem:s28+$0xC010]  }
0x121: {  	v52 =	vld [tilespmem:s28+$0xC020]  }
0x122: {  	s26 =	sadd.s32 $0x6400, s25;
	v53 =	vld [tilespmem:s28+$0xC030]  }
0x123: {  	v54 =	vld [tilespmem:s26+$0xC040]  }
0x124: {  	v55 =	vld [tilespmem:s26+$0xC050]  }
0x125: {  	v56 =	vld [tilespmem:s26+$0xC060]  }
0x126: {  	v57 =	vld [tilespmem:s26+$0xC070]  }
0x127: {  	v17 =	vsub.f32 v27, v0;
	v58 =	vld [tilespmem:s26+$0xC000]  }
0x128: {  	v18 =	vsub.f32 v28, v1;
	v1 =	vsub.f32 v29, v3;
	v59 =	vld [tilespmem:s26+$0xC010]  }
0x129: {  	v0 =	vsub.f32 v22, v4;
	v21 =	vsub.f32 v21, v15;
	v60 =	vld [tilespmem:s26+$0xC020]  }
0x12a: {  	s25 =	sadd.s32 $0x6000, s25;
	v22 =	vsub.f32 v23, v16;
	v4 =	vsub.f32 v24, v20;
	v61 =	vld [tilespmem:s26+$0xC030]  }
0x12b: {  	v3 =	vsub.f32 v30, v40;
	v24 =	vsub.f32 v31, v41;
	v62 =	vld [tilespmem:s25+$0xC040]  }
0x12c: {  	v23 =	vsub.f32 v34, v42;
	v16 =	vsub.f32 v35, v48;
	v28 =	vld [tilespmem:s25+$0xC050]  }
0x12d: {  	v15 =	vsub.f32 v33, v49;
	v30 =	vsub.f32 v32, v50;
	v29 =	vld [tilespmem:s25+$0xC060]  }
0x12e: {  	v31 =	vsub.f32 v25, v51;
	v20 =	vsub.f32 v26, v52;
	v27 =	vld [tilespmem:s25+$0xC070]  }
.Ltmp1:
0x12f: {  	v34 =	vsub.f32 v19, v54;
	v19 =	vsub.f32 v36, v53;
	v42 =	vld [tilespmem:s25+$0xC000];
	(pc) =	sbr.rel @p0 .LBB2_4-.Ltmp1, $4  }
0x130: {  	v35 =	vsub.f32 v37, v55;
	v25 =	vsub.f32 v38, v56;
	v40 =	vld [tilespmem:s25+$0xC010]  }
0x131: {  	v26 =	vsub.f32 v43, v57;
	v39 =	vsub.f32 v39, v58;
	v41 =	vld [tilespmem:s25+$0xC020]  }
0x132: {  	v36 =	vsub.f32 v44, v59;
	v33 =	vsub.f32 v45, v60;
	v43 =	vld [tilespmem:s25+$0xC030]  }
0x133: {  	s23 =	sadd.s32 $0x80, s23;
	s24 =	sadd.s32 $0x200, s24;
	v32 =	vsub.f32 v46, v61;
	v37 =	vsub.f32 v47, v62  }
0x134: {  	s23 =	simm.s32 $0x0  }
0x135: {  	[tilespmem:s14], [sflag:$0x2] =	stream.linear.gather [hbm4b:s9+s23], $0x6000, $0x38;
	[tilespmem:$0x18080] =	vst v63  }
0x136: {  	_ = 	snop  }
0x137: {  	[tilespmem:s15], [sflag:$0x4] =	stream.linear.gather [hbm4b:s10+s23], $0x6000, $0x38;
	[tilespmem:$0x18080] =	vst v63  }
0x138: {  	_ =	swait.ge [sflag:s16], $0x6000  }
0x139: {  	[sflag:s16] =	ssyncset.done $0x0  }
0x13a: {  	[sflag:s16] =	ssyncadd.s32 $0xFFFFA000  }
0x13b: {  	_ =	swait.ge [sflag:s17], $0x6000  }
0x13c: {  	s24 =	sand.u32 $0x7000, s23;
	s23 =	sand.u32 $0x380, s23;
	[sflag:s17] =	ssyncset.done $0x0  }
0x13d: {  	s23 =	sor.u32 s23, s24;
	[sflag:s17] =	ssyncadd.s32 $0xFFFFA000  }
0x13e: {  	v38 =	vld [tilespmem:s23+$0xC40]  }
0x13f: {  	v44 =	vld [tilespmem:s23+$0xCC40]  }
0x140: {  	v45 =	vld [tilespmem:s23+$0xC50]  }
0x141: {  	v46 =	vld [tilespmem:s23+$0xCC50]  }
0x142: {  	v47 =	vld [tilespmem:s23+$0xC60]  }
0x143: {  	v48 =	vld [tilespmem:s23+$0xCC60]  }
0x144: {  	v49 =	vld [tilespmem:s23+$0xC70]  }
0x145: {  	v50 =	vld [tilespmem:s23+$0xCC70]  }
0x146: {  	v51 =	vld [tilespmem:s23+$0xC00]  }
0x147: {  	v52 =	vld [tilespmem:s23+$0xC10]  }
0x148: {  	v53 =	vld [tilespmem:s23+$0xCC10]  }
0x149: {  	v54 =	vld [tilespmem:s23+$0xC20]  }
0x14a: {  	v55 =	vld [tilespmem:s23+$0xCC20]  }
0x14b: {  	v56 =	vld [tilespmem:s23+$0xC30]  }
0x14c: {  	v6 =	vsub.f32 v6, v28;
	v8 =	vsub.f32 v8, v42;
	v57 =	vld [tilespmem:s23+$0xCC30]  }
0x14d: {  	v5 =	vsub.f32 v5, v29;
	v2 =	vsub.f32 v2, v27;
	v59 =	vld [tilespmem:s23+$0x840]  }
0x14e: {  	v7 =	vsub.f32 v7, v40;
	v9 =	vsub.f32 v9, v41;
	v8 =	vand.u32 $0x7FFFFFFF, v8;
	v60 =	vld [tilespmem:s23+$0xC840]  }
0x14f: {  	v6 =	vand.u32 $0x7FFFFFFF, v6;
	v5 =	vand.u32 $0x7FFFFFFF, v5;
	v10 =	vsub.f32 v10, v43;
	v61 =	vld [tilespmem:s23+$0x850]  }
0x150: {  	v2 =	vand.u32 $0x7FFFFFFF, v2;
	v8 =	vadd.f32 v8, v14;
	v7 =	vand.u32 $0x7FFFFFFF, v7;
	v62 =	vld [tilespmem:s23+$0xC850]  }
0x151: {  	v7 =	vadd.f32 v7, v13;
	v9 =	vand.u32 $0x7FFFFFFF, v9;
	v10 =	vand.u32 $0x7FFFFFFF, v10;
	v63 =	vld [tilespmem:s23+$0x860]  }
0x152: {  	v9 =	vadd.f32 v9, v11;
	v11 =	vand.u32 $0x7FFFFFFF, v37;
	v10 =	vadd.f32 v10, v12;
	v58 =	vld [tilespmem:s23+$0x870]  }
0x153: {  	v8 =	vadd.f32 v11, v8;
	v6 =	vadd.f32 v6, v7;
	v7 =	vand.u32 $0x7FFFFFFF, v39;
	v14 =	vld [tilespmem:s23+$0xC820]  }
0x154: {  	v5 =	vadd.f32 v5, v9;
	v9 =	vand.u32 $0x7FFFFFFF, v36;
	v2 =	vadd.f32 v2, v10;
	v29 =	vld [tilespmem:s23+$0xC440]  }
0x155: {  	v7 =	vadd.f32 v7, v8;
	v8 =	vand.u32 $0x7FFFFFFF, v33;
	v6 =	vadd.f32 v9, v6;
	v41 =	vld [tilespmem:s23+$0x470]  }
0x156: {  	v9 =	vand.u32 $0x7FFFFFFF, v34;
	v10 =	vand.u32 $0x7FFFFFFF, v32;
	v5 =	vadd.f32 v8, v5;
	v39 =	vld [tilespmem:s23+$0xC470]  }
0x157: {  	v8 =	vand.u32 $0x7FFFFFFF, v35;
	v2 =	vadd.f32 v10, v2;
	v7 =	vadd.f32 v9, v7;
	v42 =	vld [tilespmem:s23+$0xC400]  }
0x158: {  	v9 =	vand.u32 $0x7FFFFFFF, v25;
	v6 =	vadd.f32 v8, v6;
	v8 =	vand.u32 $0x7FFFFFFF, v26;
	v43 =	vld [tilespmem:s23+$0x410]  }
0x159: {  	v37 =	vld [tilespmem:s23+$0xC410];
	v5 =	vadd.f32 v9, v5;
	v2 =	vadd.f32 v8, v2;
	v8 =	vand.u32 $0x7FFFFFFF, v31  }
0x15a: {  	v10 =	vand.u32 $0x7FFFFFFF, v20;
	v36 =	vld [tilespmem:s23+$0x420];
	v6 =	vadd.f32 v8, v6;
	v8 =	vand.u32 $0x7FFFFFFF, v19  }
0x15b: {  	v28 =	vld [tilespmem:s23+$0xC420];
	v5 =	vadd.f32 v10, v5;
	v10 =	vand.u32 $0x7FFFFFFF, v23;
	v2 =	vadd.f32 v8, v2  }
0x15c: {  	v35 =	vld [tilespmem:s23+$0x430];
	v6 =	vadd.f32 v10, v6;
	v10 =	vand.u32 $0x7FFFFFFF, v15  }
0x15d: {  	v34 =	vld [tilespmem:s23+$0xC430];
	v2 =	vadd.f32 v10, v2  }
0x15e: {  	v3 =	vand.u32 $0x7FFFFFFF, v3;
	v33 =	vld [tilespmem:s23+$0x40];
	v8 =	vand.u32 $0x7FFFFFFF, v16  }
0x15f: {  	v27 =	vld [tilespmem:s23+$0xC040];
	[tilespmem:$0x1FE90] =	vst v44;
	v5 =	vadd.f32 v8, v5;
	v2 =	vadd.f32 v3, v2  }
0x160: {  	v4 =	vand.u32 $0x7FFFFFFF, v4;
	v0 =	vand.u32 $0x7FFFFFFF, v0;
	[tilespmem:$0x1FE80] =	vst v38;
	v40 =	vld [tilespmem:$0x1FE90]  }
0x161: {  	v4 =	vadd.f32 v4, v5;
	v5 =	vadd.f32 v0, v2;
	v0 =	vld [tilespmem:$0x1FE80]  }
0x162: {  	v32 =	vld [tilespmem:s23+$0x50]  }
0x163: {  	v12 =	vld [tilespmem:s23+$0x60]  }
0x164: {  	v11 =	vld [tilespmem:s23+$0xC060]  }
0x165: {  	v13 =	vld [tilespmem:s23+$0xC000];
	[tilespmem:$0x1FEA0] =	vst v45  }
0x166: {  	[tilespmem:$0x1FEB0] =	vst v46;
	v15 =	vsub.f32 v0, v40;
	v0 =	vld [tilespmem:$0x1FEA0]  }
0x167: {  	v40 =	vld [tilespmem:$0x1FEB0]  }
0x168: {  	v31 =	vld [tilespmem:s23+$0xC050];
	[tilespmem:$0x1FEC0] =	vst v47  }
0x169: {  	[tilespmem:$0x1FF00] =	vst v49;
	v49 =	vld [tilespmem:s23+$0xCC00]  }
0x16a: {  	[tilespmem:$0x1FF90] =	vst v57;
	v57 =	vld [tilespmem:s23+$0xC860]  }
0x16b: {  	[tilespmem:$0x1FFB0] =	vst v58;
	v58 =	vld [tilespmem:s23+$0xC870]  }
0x16c: {  	[tilespmem:$0x1FED0] =	vst v48;
	v16 =	vsub.f32 v0, v40;
	v0 =	vld [tilespmem:$0x1FEC0]  }
0x16d: {  	[tilespmem:$0x1FEF0] =	vst v51;
	v40 =	vld [tilespmem:$0x1FED0]  }
0x16e: {  	[tilespmem:$0x1FF80] =	vst v56;
	v56 =	vld [tilespmem:s23+$0x800]  }
0x16f: {  	[tilespmem:$0x1FF50] =	vst v54;
	v54 =	vld [tilespmem:s23+$0xC800]  }
0x170: {  	[tilespmem:$0x1FF60] =	vst v55;
	v55 =	vld [tilespmem:s23+$0x810]  }
0x171: {  	[tilespmem:$0x1FF40] =	vst v53;
	v53 =	vld [tilespmem:s23+$0xC810]  }
0x172: {  	v0 =	vsub.f32 v0, v40;
	v40 =	vld [tilespmem:$0x1FEF0]  }
0x173: {  	[tilespmem:$0x1FF30] =	vst v52;
	v52 =	vld [tilespmem:s23+$0x820]  }
0x174: {  	v51 =	vld [tilespmem:s23+$0x830]  }
0x175: {  	[tilespmem:$0x1FF10] =	vst v50;
	v50 =	vld [tilespmem:s23+$0xC830]  }
0x176: {  	v48 =	vld [tilespmem:s23+$0x440]  }
0x177: {  	v19 =	vsub.f32 v40, v49;
	v40 =	vld [tilespmem:$0x1FF00]  }
0x178: {  	v49 =	vld [tilespmem:$0x1FF10]  }
0x179: {  	v47 =	vld [tilespmem:s23+$0x450]  }
0x17a: {  	v46 =	vld [tilespmem:s23+$0xC450]  }
0x17b: {  	v45 =	vld [tilespmem:s23+$0x460]  }
0x17c: {  	v9 =	vand.u32 $0x7FFFFFFF, v30;
	v44 =	vld [tilespmem:s23+$0xC460]  }
0x17d: {  	v7 =	vadd.f32 v9, v7;
	[tilespmem:$0x1FEE0] =	vst v0;
	v0 =	vsub.f32 v40, v49;
	v40 =	vld [tilespmem:$0x1FF30]  }
0x17e: {  	v9 =	vand.u32 $0x7FFFFFFF, v24;
	v49 =	vld [tilespmem:$0x1FF40]  }
0x17f: {  	v7 =	vadd.f32 v9, v7;
	v9 =	vand.u32 $0x7FFFFFFF, v21;
	v38 =	vld [tilespmem:s23+$0x400]  }
0x180: {  	v8 =	vand.u32 $0x7FFFFFFF, v22;
	v22 =	vsub.f32 v59, v60;
	v21 =	vsub.f32 v61, v62;
	v59 =	vld [tilespmem:$0x1FF80]  }
0x181: {  	v24 =	vsub.f32 v41, v39;
	v28 =	vsub.f32 v36, v28;
	v60 =	vld [tilespmem:$0x1FF90]  }
0x182: {  	v7 =	vadd.f32 v9, v7;
	v10 =	vld [tilespmem:s23+$0x0];
	v6 =	vadd.f32 v8, v6  }
0x183: {  	v9 =	vand.u32 $0x7FFFFFFF, v17;
	v8 =	vand.u32 $0x7FFFFFFF, v18;
	v20 =	vsub.f32 v40, v49;
	v40 =	vld [tilespmem:$0x1FF50]  }
0x184: {  	v1 =	vand.u32 $0x7FFFFFFF, v1;
	v7 =	vadd.f32 v9, v7;
	v6 =	vadd.f32 v8, v6;
	v49 =	vld [tilespmem:$0x1FF60]  }
0x185: {  	v4 =	vadd.f32 v1, v4;
	v9 =	vsub.f32 v63, v57;
	v63 =	vld [tilespmem:$0x1FFB0]  }
0x186: {  	v25 =	vsub.f32 v56, v54;
	v18 =	vsub.f32 v52, v14;
	v14 =	vld [tilespmem:s23+$0x10]  }
0x187: {  	v26 =	vsub.f32 v55, v53;
	v29 =	vsub.f32 v48, v29;
	v55 =	vld [tilespmem:s23+$0xC010]  }
0x188: {  	v17 =	vsub.f32 v51, v50;
	v30 =	vsub.f32 v47, v46;
	v56 =	vld [tilespmem:s23+$0x20]  }
0x189: {  	v23 =	vsub.f32 v45, v44;
	v57 =	vld [tilespmem:s23+$0xC020];
	[tilespmem:$0x1FF20] =	vst v0;
	v0 =	vsub.f32 v40, v49  }
0x18a: {  	v51 =	vsub.f32 v38, v42;
	v8 =	vsub.f32 v63, v58;
	v58 =	vld [tilespmem:s23+$0x30]  }
0x18b: {  	v50 =	vsub.f32 v43, v37;
	v40 =	vld [tilespmem:s23+$0x70];
	[tilespmem:$0x1FF70] =	vst v0;
	v0 =	vsub.f32 v59, v60  }
0x18c: {  	v53 =	vsub.f32 v33, v27;
	v27 =	vsub.f32 v35, v34;
	v49 =	vld [tilespmem:s23+$0xC070]  }
0x18d: {  	s24 =	simm.s32 $0x200;
	v54 =	vsub.f32 v32, v31;
	v52 =	vsub.f32 v12, v11;
	v59 =	vld [tilespmem:s23+$0xC030];
	s23 =	simm.s32 $0x80;
	[tilespmem:$0x1FFA0] =	vst v0  }
.LBB2_6:
0x18e: {  	v0 =	vld [tilespmem:$0x1FF70]  }
0x18f: {  	s25 =	sand.u32 $0x7000, s24;
	s26 =	sand.u32 $0x380, s23;
	v39 =	vand.u32 $0x7FFFFFFF, v25;
	v25 =	vand.u32 $0x7FFFFFFF, v53;
	v53 =	vld [tilespmem:$0x1FEE0]  }
0x190: {  	s25 =	sor.u32 s26, s25;
	v48 =	vand.u32 $0x7FFFFFFF, v26;
	v26 =	vand.u32 $0x7FFFFFFF, v54;
	v54 =	vld [tilespmem:$0x1FF20]  }
0x191: {  	v37 =	vand.u32 $0x7FFFFFFF, v19;
	v19 =	vld [tilespmem:s25+$0xCC60]  }
0x192: {  	v38 =	vand.u32 $0x7FFFFFFF, v20;
	v20 =	vld [tilespmem:s25+$0xC70]  }
0x193: {  	v44 =	vld [tilespmem:s25+$0xC440]  }
0x194: {  	v45 =	vld [tilespmem:s25+$0x450]  }
0x195: {  	v46 =	vld [tilespmem:s25+$0xC450]  }
0x196: {  	v47 =	vld [tilespmem:s25+$0x460]  }
0x197: {  	v43 =	vand.u32 $0x7FFFFFFF, v50;
	v50 =	vld [tilespmem:s25+$0x470]  }
0x198: {  	v42 =	vand.u32 $0x7FFFFFFF, v51;
	v51 =	vld [tilespmem:s25+$0x400]  }
0x199: {  	v60 =	vld [tilespmem:s25+$0xC410]  }
0x19a: {  	v61 =	vld [tilespmem:s25+$0x420]  }
0x19b: {  	v62 =	vld [tilespmem:s25+$0xC420]  }
0x19c: {  	v63 =	vld [tilespmem:s25+$0x430]  }
0x19d: {  	v11 =	vld [tilespmem:s25+$0xC430]  }
0x19e: {  	v12 =	vld [tilespmem:s25+$0x40]  }
0x19f: {  	v31 =	vsub.f32 v10, v13;
	v10 =	vld [tilespmem:s25+$0xC40]  }
0x1a0: {  	v32 =	vsub.f32 v40, v49;
	v49 =	vld [tilespmem:s25+$0xCC40]  }
0x1a1: {  	v33 =	vsub.f32 v14, v55;
	v55 =	vld [tilespmem:s25+$0xC50]  }
0x1a2: {  	v13 =	vld [tilespmem:s25+$0xCC50]  }
0x1a3: {  	v14 =	vld [tilespmem:s25+$0xC60]  }
0x1a4: {  	v34 =	vsub.f32 v56, v57;
	v56 =	vld [tilespmem:s25+$0xCC10]  }
0x1a5: {  	v57 =	vld [tilespmem:s25+$0xC810]  }
0x1a6: {  	v35 =	vsub.f32 v58, v59;
	v58 =	vld [tilespmem:s25+$0x820]  }
0x1a7: {  	v59 =	vld [tilespmem:s25+$0xC820]  }
0x1a8: {  	v40 =	vld [tilespmem:s25+$0x70]  }
0x1a9: {  	v36 =	vand.u32 $0x7FFFFFFF, v22;
	v22 =	vand.u32 $0x7FFFFFFF, v33;
	v33 =	vld [tilespmem:s25+$0xC870]  }
0x1aa: {  	v41 =	vand.u32 $0x7FFFFFFF, v21;
	v21 =	vand.u32 $0x7FFFFFFF, v31;
	v31 =	vand.u32 $0x7FFFFFFF, v34;
	v34 =	vld [tilespmem:s25+$0x800]  }
0x1ab: {  	v1 =	vand.u32 $0x7FFFFFFF, v53;
	v53 =	vld [tilespmem:s25+$0xC400]  }
0x1ac: {  	v2 =	vand.u32 $0x7FFFFFFF, v0;
	v0 =	vand.u32 $0x7FFFFFFF, v54;
	v54 =	vld [tilespmem:s25+$0x410]  }
0x1ad: {  	v7 =	vadd.f32 v21, v7;
	v21 =	vld [tilespmem:s25+$0xCC70]  }
0x1ae: {  	v4 =	vadd.f32 v31, v4;
	v31 =	vand.u32 $0x7FFFFFFF, v52;
	v52 =	vld [tilespmem:$0x1FFA0]  }
0x1af: {  	v6 =	vadd.f32 v22, v6;
	v22 =	vand.u32 $0x7FFFFFFF, v35;
	v35 =	vld [tilespmem:s25+$0xC800]  }
0x1b0: {  	v5 =	vadd.f32 v22, v5;
	v22 =	vld [tilespmem:s25+$0xC00]  }
0x1b1: {  	v7 =	vadd.f32 v25, v7;
	v25 =	vld [tilespmem:s25+$0xCC00]  }
0x1b2: {  	v6 =	vadd.f32 v26, v6;
	v26 =	vand.u32 $0x7FFFFFFF, v32;
	v32 =	vld [tilespmem:s25+$0x870]  }
0x1b3: {  	v4 =	vadd.f32 v31, v4;
	v31 =	vld [tilespmem:s25+$0xC060]  }
0x1b4: {  	v28 =	vand.u32 $0x7FFFFFFF, v28;
	v5 =	vadd.f32 v26, v5;
	v26 =	vld [tilespmem:s25+$0xC10]  }
0x1b5: {  	v4 =	vadd.f32 v28, v4;
	v28 =	vld [tilespmem:s25+$0xCC20]  }
0x1b6: {  	v7 =	vadd.f32 v42, v7;
	v42 =	vld [tilespmem:s25+$0xC830]  }
0x1b7: {  	v27 =	vand.u32 $0x7FFFFFFF, v27;
	v6 =	vadd.f32 v43, v6;
	v43 =	vld [tilespmem:s25+$0x440]  }
0x1b8: {  	v5 =	vadd.f32 v27, v5;
	v27 =	vld [tilespmem:s25+$0xC20]  }
0x1b9: {  	v23 =	vand.u32 $0x7FFFFFFF, v23;
	v3 =	vand.u32 $0x7FFFFFFF, v52;
	v52 =	vld [tilespmem:s25+$0xC470]  }
0x1ba: {  	v29 =	vand.u32 $0x7FFFFFFF, v29;
	v30 =	vand.u32 $0x7FFFFFFF, v30;
	v4 =	vadd.f32 v23, v4;
	v23 =	vld [tilespmem:s25+$0xC30]  }
0x1bb: {  	v24 =	vand.u32 $0x7FFFFFFF, v24;
	v7 =	vadd.f32 v29, v7;
	v6 =	vadd.f32 v30, v6;
	v29 =	vld [tilespmem:s25+$0x860]  }
0x1bc: {  	v18 =	vand.u32 $0x7FFFFFFF, v18;
	v51 =	vsub.f32 v51, v53;
	v30 =	vld [tilespmem:s25+$0xC860];
	v5 =	vadd.f32 v24, v5  }
0x1bd: {  	v17 =	vand.u32 $0x7FFFFFFF, v17;
	v24 =	vld [tilespmem:s25+$0xCC30];
	v7 =	vadd.f32 v39, v7;
	v6 =	vadd.f32 v48, v6  }
0x1be: {  	v9 =	vand.u32 $0x7FFFFFFF, v9;
	v4 =	vadd.f32 v18, v4;
	v18 =	vld [tilespmem:s25+$0xC840];
	v5 =	vadd.f32 v17, v5  }
0x1bf: {  	v8 =	vand.u32 $0x7FFFFFFF, v8;
	v48 =	vld [tilespmem:s25+$0xC460];
	v7 =	vadd.f32 v36, v7;
	v6 =	vadd.f32 v41, v6  }
0x1c0: {  	v17 =	vld [tilespmem:s25+$0x840];
	v4 =	vadd.f32 v9, v4;
	v5 =	vadd.f32 v8, v5  }
0x1c1: {  	v15 =	vand.u32 $0x7FFFFFFF, v15;
	v9 =	vld [tilespmem:s25+$0xC850];
	v7 =	vadd.f32 v37, v7;
	v6 =	vadd.f32 v38, v6  }
0x1c2: {  	v16 =	vand.u32 $0x7FFFFFFF, v16;
	v36 =	vld [tilespmem:s25+$0x810];
	v2 =	vadd.f32 v2, v4;
	v3 =	vadd.f32 v3, v5  }
0x1c3: {  	v41 =	vld [tilespmem:s25+$0x830];
	v7 =	vadd.f32 v15, v7;
	v6 =	vadd.f32 v16, v6  }
0x1c4: {  	v8 =	vld [tilespmem:s25+$0x850];
	v4 =	vadd.f32 v1, v2;
	v15 =	vsub.f32 v10, v49  }
0x1c5: {  	v1 =	vld [tilespmem:s25+$0x50];
	v16 =	vsub.f32 v55, v13;
	v10 =	vsub.f32 v14, v19  }
0x1c6: {  	v2 =	vld [tilespmem:s25+$0xC050];
	v19 =	vsub.f32 v22, v25;
	v22 =	vsub.f32 v17, v18  }
0x1c7: {  	v49 =	vld [tilespmem:s25+$0xC070];
	v13 =	vsub.f32 v23, v24;
	v25 =	vsub.f32 v34, v35  }
0x1c8: {  	v14 =	vld [tilespmem:s25+$0x10];
	v18 =	vsub.f32 v58, v59;
	v23 =	vsub.f32 v47, v48  }
0x1c9: {  	v55 =	vld [tilespmem:s25+$0xC010];
	v24 =	vsub.f32 v50, v52;
	v50 =	vsub.f32 v54, v60  }
0x1ca: {  	v58 =	vld [tilespmem:s25+$0x30];
	v5 =	vadd.f32 v0, v3;
	v17 =	vsub.f32 v41, v42  }
0x1cb: {  	v0 =	vld [tilespmem:s25+$0xC040];
	[tilespmem:$0x1FEE0] =	vst v10;
	v10 =	vsub.f32 v20, v21;
	v20 =	vsub.f32 v26, v56  }
0x1cc: {  	p0 =	sne.s32 s24, $0x5E00;
	v3 =	vld [tilespmem:s25+$0x60];
	v21 =	vsub.f32 v8, v9;
	v9 =	vsub.f32 v29, v30  }
.Ltmp2:
0x1cd: {  	v59 =	vld [tilespmem:s25+$0xC030];
	v8 =	vsub.f32 v32, v33;
	v26 =	vsub.f32 v36, v57;
	(pc) =	sbr.rel @p0 .LBB2_6-.Ltmp2, $4  }
0x1ce: {  	[tilespmem:$0x1FFA0] =	vst v13;
	v13 =	vld [tilespmem:s25+$0xC000];
	v29 =	vsub.f32 v43, v44;
	v30 =	vsub.f32 v45, v46  }
0x1cf: {  	v56 =	vld [tilespmem:s25+$0x20];
	[tilespmem:$0x1FF20] =	vst v10;
	v10 =	vsub.f32 v27, v28;
	v28 =	vsub.f32 v61, v62  }
0x1d0: {  	v57 =	vld [tilespmem:s25+$0xC020];
	v27 =	vsub.f32 v63, v11;
	v54 =	vsub.f32 v1, v2  }
0x1d1: {  	s23 =	sadd.s32 $0x80, s23;
	s24 =	sadd.s32 $0x200, s24;
	[tilespmem:$0x1FF70] =	vst v10;
	v10 =	vld [tilespmem:s25+$0x0];
	v53 =	vsub.f32 v12, v0;
	v52 =	vsub.f32 v3, v31  }
0x1d2: {  	_ =	swait.ge [sflag:s18], $0x6000  }
0x1d3: {  	[sflag:s18] =	ssyncset.done $0x0  }
0x1d4: {  	[sflag:s18] =	ssyncadd.s32 $0xFFFFA000  }
0x1d5: {  	s23 =	simm.s32 $0x0;
	_ =	swait.ge [sflag:s19], $0x6000  }
0x1d6: {  	s24 =	sand.u32 $0x7000, s23;
	s23 =	sand.u32 $0x380, s23;
	[sflag:s19] =	ssyncset.done $0x0  }
0x1d7: {  	s23 =	sor.u32 s23, s24;
	[sflag:s19] =	ssyncadd.s32 $0xFFFFA000  }
0x1d8: {  	v0 =	vld [tilespmem:s23+$0x6C40]  }
0x1d9: {  	v1 =	vld [tilespmem:s23+$0x6C50]  }
0x1da: {  	v60 =	vld [tilespmem:s23+$0x6C60]  }
0x1db: {  	v61 =	vld [tilespmem:s23+$0x6C70]  }
0x1dc: {  	v62 =	vld [tilespmem:s23+$0x6C00]  }
0x1dd: {  	v63 =	vld [tilespmem:s23+$0x6C10]  }
0x1de: {  	v32 =	vld [tilespmem:s23+$0x6C20]  }
0x1df: {  	v45 =	vld [tilespmem:s23+$0x6C30]  }
0x1e0: {  	v33 =	vld [tilespmem:s23+$0x6840]  }
0x1e1: {  	v46 =	vld [tilespmem:s23+$0x6850]  }
0x1e2: {  	v47 =	vld [tilespmem:s23+$0x6860]  }
0x1e3: {  	v41 =	vld [tilespmem:s23+$0x6870]  }
0x1e4: {  	v48 =	vld [tilespmem:s23+$0x6800]  }
0x1e5: {  	v42 =	vld [tilespmem:s23+$0x6810]  }
0x1e6: {  	v43 =	vld [tilespmem:s23+$0x6820]  }
0x1e7: {  	v34 =	vld [tilespmem:s23+$0x6830]  }
0x1e8: {  	v44 =	vld [tilespmem:s23+$0x6440]  }
0x1e9: {  	v37 =	vld [tilespmem:s23+$0x6450]  }
0x1ea: {  	v38 =	vld [tilespmem:s23+$0x6460]  }
0x1eb: {  	v2 =	vld [tilespmem:s23+$0x6470]  }
0x1ec: {  	v39 =	vld [tilespmem:s23+$0x6400]  }
0x1ed: {  	v35 =	vld [tilespmem:s23+$0x6420]  }
0x1ee: {  	v36 =	vld [tilespmem:s23+$0x6040]  }
0x1ef: {  	v3 =	vsub.f32 v14, v55;
	v11 =	vld [tilespmem:s23+$0x6050]  }
0x1f0: {  	v12 =	vld [tilespmem:s23+$0x6060]  }
0x1f1: {  	v3 =	vand.u32 $0x7FFFFFFF, v3;
	v55 =	vsub.f32 v56, v57;
	v14 =	vld [tilespmem:s23+$0x6010]  }
0x1f2: {  	v56 =	vsub.f32 v58, v59;
	v3 =	vadd.f32 v3, v6;
	s24 =	sadd.s32 $0x6C00, s23;
	v6 =	vld [tilespmem:s23+$0x6030]  }
0x1f3: {  	v57 =	vand.u32 $0x7FFFFFFF, v53;
	v58 =	vand.u32 $0x7FFFFFFF, v55;
	v53 =	vld [tilespmem:s24+$0xC040]  }
0x1f4: {  	v59 =	vand.u32 $0x7FFFFFFF, v56;
	v4 =	vadd.f32 v58, v4;
	v58 =	vand.u32 $0x7FFFFFFF, v54;
	v54 =	vld [tilespmem:s24+$0xC050]  }
0x1f5: {  	v5 =	vadd.f32 v59, v5;
	v59 =	vand.u32 $0x7FFFFFFF, v51;
	v51 =	vld [tilespmem:s24+$0xC070]  }
0x1f6: {  	s25 =	sadd.s32 $0x6800, s23;
	v31 =	vld [tilespmem:s24+$0xC010]  }
0x1f7: {  	v55 =	vld [tilespmem:s25+$0xC010]  }
0x1f8: {  	s31 =	sadd.s32 $0x6400, s23;
	v56 =	vld [tilespmem:s25+$0xC030]  }
0x1f9: {  	v40 =	vsub.f32 v40, v49;
	v52 =	vand.u32 $0x7FFFFFFF, v52;
	v3 =	vadd.f32 v58, v3;
	v58 =	vld [tilespmem:s31+$0xC050]  }
0x1fa: {  	v50 =	vand.u32 $0x7FFFFFFF, v50;
	v4 =	vadd.f32 v52, v4;
	v52 =	vld [tilespmem:s24+$0xC060]  }
0x1fb: {  	v28 =	vand.u32 $0x7FFFFFFF, v28;
	v40 =	vand.u32 $0x7FFFFFFF, v40;
	v3 =	vadd.f32 v50, v3;
	v50 =	vld [tilespmem:s24+$0xC000]  }
0x1fc: {  	v5 =	vadd.f32 v40, v5;
	v4 =	vadd.f32 v28, v4;
	v28 =	vld [tilespmem:s24+$0xC030]  }
0x1fd: {  	v27 =	vand.u32 $0x7FFFFFFF, v27;
	[tilespmem:$0x1FE50] =	vst v2;
	v2 =	vld [tilespmem:s23+$0x6410]  }
0x1fe: {  	v5 =	vadd.f32 v27, v5;
	v27 =	vand.u32 $0x7FFFFFFF, v30;
	v30 =	vld [tilespmem:s31+$0xC070]  }
0x1ff: {  	v3 =	vadd.f32 v27, v3;
	v27 =	vld [tilespmem:s25+$0xC040]  }
0x200: {  	v23 =	vand.u32 $0x7FFFFFFF, v23;
	v40 =	vsub.f32 v0, v53;
	v53 =	vld [tilespmem:s31+$0xC000]  }
0x201: {  	v24 =	vand.u32 $0x7FFFFFFF, v24;
	v18 =	vand.u32 $0x7FFFFFFF, v18;
	v0 =	vsub.f32 v61, v51;
	v61 =	vld [tilespmem:s31+$0xC030]  }
0x202: {  	v17 =	vand.u32 $0x7FFFFFFF, v17;
	v49 =	vsub.f32 v1, v54;
	v4 =	vadd.f32 v23, v4;
	[tilespmem:$0x1FE60] =	vst v2;
	v2 =	vld [tilespmem:s23+$0x6430]  }
0x203: {  	v23 =	vand.u32 $0x7FFFFFFF, v25;
	v5 =	vadd.f32 v24, v5;
	v25 =	vand.u32 $0x7FFFFFFF, v26;
	v24 =	vld [tilespmem:s25+$0xC050]  }
0x204: {  	v21 =	vand.u32 $0x7FFFFFFF, v21;
	v26 =	vld [tilespmem:s25+$0xC060];
	v3 =	vadd.f32 v25, v3;
	v4 =	vadd.f32 v18, v4  }
0x205: {  	v9 =	vand.u32 $0x7FFFFFFF, v9;
	v1 =	vsub.f32 v60, v52;
	v52 =	vld [tilespmem:s31+$0xC010];
	v5 =	vadd.f32 v17, v5  }
0x206: {  	v8 =	vand.u32 $0x7FFFFFFF, v8;
	v60 =	vld [tilespmem:s31+$0xC020];
	v3 =	vadd.f32 v21, v3;
	v4 =	vadd.f32 v9, v4  }
0x207: {  	v5 =	vadd.f32 v8, v5;
	v8 =	vand.u32 $0x7FFFFFFF, v20;
	v9 =	vld [tilespmem:$0x1FF70];
	[tilespmem:$0x1FE70] =	vst v2;
	v2 =	vsub.f32 v10, v13  }
0x208: {  	v3 =	vadd.f32 v8, v3;
	v8 =	vld [tilespmem:$0x1FFA0]  }
0x209: {  	v18 =	vld [tilespmem:s25+$0xC070];
	v2 =	vand.u32 $0x7FFFFFFF, v2  }
0x20a: {  	v21 =	vld [tilespmem:s25+$0xC000];
	v2 =	vadd.f32 v2, v7  }
0x20b: {  	v20 =	vld [tilespmem:s25+$0xC020]  }
0x20c: {  	v10 =	vld [tilespmem:s23+$0x6070];
	v2 =	vadd.f32 v57, v2  }
0x20d: {  	v13 =	vld [tilespmem:s23+$0x6000];
	v9 =	vand.u32 $0x7FFFFFFF, v9;
	v8 =	vand.u32 $0x7FFFFFFF, v8  }
0x20e: {  	v4 =	vadd.f32 v9, v4;
	v9 =	vand.u32 $0x7FFFFFFF, v15;
	v15 =	vld [tilespmem:$0x1FEE0];
	v2 =	vadd.f32 v59, v2  }
0x20f: {  	v29 =	vand.u32 $0x7FFFFFFF, v29;
	v5 =	vadd.f32 v8, v5;
	v8 =	vand.u32 $0x7FFFFFFF, v16;
	v7 =	vld [tilespmem:s23+$0x6020]  }
0x210: {  	v3 =	vadd.f32 v8, v3;
	v8 =	vld [tilespmem:$0x1FF20];
	s23 =	sadd.s32 $0x6000, s23;
	v2 =	vadd.f32 v29, v2  }
0x211: {  	v17 =	vand.u32 $0x7FFFFFFF, v19;
	v16 =	vsub.f32 v47, v26;
	v19 =	vld [tilespmem:s23+$0xC060]  }
0x212: {  	v26 =	vsub.f32 v48, v21;
	v21 =	vld [tilespmem:s23+$0xC070];
	v2 =	vadd.f32 v23, v2  }
0x213: {  	v22 =	vand.u32 $0x7FFFFFFF, v22;
	v57 =	vld [tilespmem:s31+$0xC040]  }
0x214: {  	v2 =	vadd.f32 v22, v2;
	v22 =	vsub.f32 v63, v31;
	v31 =	vld [tilespmem:$0x1FE50]  }
0x215: {  	v25 =	vsub.f32 v33, v27;
	v24 =	vsub.f32 v46, v24;
	v15 =	vand.u32 $0x7FFFFFFF, v15;
	v29 =	vld [tilespmem:s24+$0xC020]  }
0x216: {  	v20 =	vsub.f32 v43, v20;
	v4 =	vadd.f32 v15, v4;
	v59 =	vld [tilespmem:s31+$0xC060]  }
0x217: {  	v15 =	vsub.f32 v41, v18;
	v18 =	vsub.f32 v34, v56;
	v41 =	vld [tilespmem:s23+$0xC000];
	v8 =	vand.u32 $0x7FFFFFFF, v8  }
0x218: {  	v5 =	vadd.f32 v8, v5;
	v27 =	vsub.f32 v44, v57;
	v63 =	vld [tilespmem:$0x1FE70]  }
0x219: {  	v23 =	vsub.f32 v62, v50;
	v31 =	vsub.f32 v31, v30;
	v30 =	vld [tilespmem:$0x1FE60]  }
0x21a: {  	v62 =	vld [tilespmem:s23+$0xC040];
	v8 =	vsub.f32 v32, v29;
	v2 =	vadd.f32 v17, v2  }
0x21b: {  	v29 =	vsub.f32 v37, v58;
	v32 =	vsub.f32 v38, v59;
	v17 =	vld [tilespmem:s23+$0xC050]  }
0x21c: {  	v38 =	vld [tilespmem:s23+$0xC010];
	v37 =	vsub.f32 v39, v53;
	v2 =	vadd.f32 v9, v2  }
0x21d: {  	v39 =	vld [tilespmem:s23+$0xC020];
	v9 =	vsub.f32 v45, v28;
	v28 =	vsub.f32 v42, v55  }
0x21e: {  	v42 =	vld [tilespmem:s23+$0xC030];
	v33 =	vsub.f32 v63, v61;
	v34 =	vsub.f32 v30, v52  }
0x21f: {  	s24 =	simm.s32 $0x200;
	s23 =	simm.s32 $0x80;
	v30 =	vsub.f32 v35, v60;
	v35 =	vsub.f32 v36, v62  }
.LBB2_8:
0x220: {  	s25 =	sand.u32 $0x7000, s24;
	s26 =	sand.u32 $0x380, s23;
	p0 =	sne.s32 s24, $0x5E00;
	v11 =	vsub.f32 v11, v17;
	v12 =	vsub.f32 v12, v19  }
0x221: {  	v13 =	vsub.f32 v13, v41;
	v10 =	vsub.f32 v10, v21;
	s25 =	sor.u32 s26, s25  }
0x222: {  	v14 =	vsub.f32 v14, v38;
	v17 =	vld [tilespmem:s25+$0x6C40];
	v7 =	vsub.f32 v7, v39  }
0x223: {  	v36 =	vand.u32 $0x7FFFFFFF, v40;
	v38 =	vand.u32 $0x7FFFFFFF, v49;
	v19 =	vld [tilespmem:s25+$0x6C50];
	v6 =	vsub.f32 v6, v42  }
0x224: {  	v40 =	vand.u32 $0x7FFFFFFF, v23;
	v41 =	vand.u32 $0x7FFFFFFF, v22;
	v39 =	vand.u32 $0x7FFFFFFF, v25;
	v21 =	vld [tilespmem:s25+$0x6C60]  }
0x225: {  	v43 =	vand.u32 $0x7FFFFFFF, v28;
	v44 =	vand.u32 $0x7FFFFFFF, v24;
	v42 =	vand.u32 $0x7FFFFFFF, v26;
	v22 =	vld [tilespmem:s25+$0x6C70]  }
0x226: {  	v37 =	vand.u32 $0x7FFFFFFF, v37;
	v45 =	vand.u32 $0x7FFFFFFF, v27;
	v46 =	vand.u32 $0x7FFFFFFF, v29;
	v23 =	vld [tilespmem:s25+$0x6C00]  }
0x227: {  	v34 =	vand.u32 $0x7FFFFFFF, v34;
	v29 =	vand.u32 $0x7FFFFFFF, v35;
	v11 =	vand.u32 $0x7FFFFFFF, v11;
	v24 =	vld [tilespmem:s25+$0x6C10]  }
0x228: {  	v13 =	vand.u32 $0x7FFFFFFF, v13;
	v14 =	vand.u32 $0x7FFFFFFF, v14;
	v7 =	vand.u32 $0x7FFFFFFF, v7;
	v25 =	vld [tilespmem:s25+$0x6C20]  }
0x229: {  	v2 =	vadd.f32 v13, v2;
	v3 =	vadd.f32 v14, v3;
	v6 =	vand.u32 $0x7FFFFFFF, v6;
	v26 =	vld [tilespmem:s25+$0x6C30]  }
0x22a: {  	v4 =	vadd.f32 v7, v4;
	v5 =	vadd.f32 v6, v5;
	v6 =	vand.u32 $0x7FFFFFFF, v12;
	v27 =	vld [tilespmem:s25+$0x6840]  }
0x22b: {  	v2 =	vadd.f32 v29, v2;
	v7 =	vand.u32 $0x7FFFFFFF, v10;
	v3 =	vadd.f32 v11, v3;
	v28 =	vld [tilespmem:s25+$0x6850]  }
0x22c: {  	v4 =	vadd.f32 v6, v4;
	v6 =	vand.u32 $0x7FFFFFFF, v30;
	v5 =	vadd.f32 v7, v5;
	v29 =	vld [tilespmem:s25+$0x6860]  }
0x22d: {  	v2 =	vadd.f32 v37, v2;
	v3 =	vadd.f32 v34, v3;
	v7 =	vand.u32 $0x7FFFFFFF, v33;
	v30 =	vld [tilespmem:s25+$0x6870]  }
0x22e: {  	v4 =	vadd.f32 v6, v4;
	v6 =	vand.u32 $0x7FFFFFFF, v32;
	v5 =	vadd.f32 v7, v5;
	v33 =	vld [tilespmem:s25+$0x6800]  }
0x22f: {  	v2 =	vadd.f32 v45, v2;
	v3 =	vadd.f32 v46, v3;
	v7 =	vand.u32 $0x7FFFFFFF, v31;
	v32 =	vld [tilespmem:s25+$0x6810]  }
0x230: {  	v4 =	vadd.f32 v6, v4;
	v6 =	vand.u32 $0x7FFFFFFF, v20;
	v5 =	vadd.f32 v7, v5;
	v31 =	vld [tilespmem:s25+$0x6820]  }
0x231: {  	v2 =	vadd.f32 v42, v2;
	v3 =	vadd.f32 v43, v3;
	v7 =	vand.u32 $0x7FFFFFFF, v18;
	v34 =	vld [tilespmem:s25+$0x6830]  }
0x232: {  	v4 =	vadd.f32 v6, v4;
	v6 =	vand.u32 $0x7FFFFFFF, v16;
	v5 =	vadd.f32 v7, v5;
	v18 =	vld [tilespmem:s25+$0x6440]  }
0x233: {  	v2 =	vadd.f32 v39, v2;
	v3 =	vadd.f32 v44, v3;
	v7 =	vand.u32 $0x7FFFFFFF, v15;
	v35 =	vld [tilespmem:s25+$0x6450]  }
0x234: {  	v4 =	vadd.f32 v6, v4;
	v6 =	vand.u32 $0x7FFFFFFF, v8;
	v5 =	vadd.f32 v7, v5;
	v37 =	vld [tilespmem:s25+$0x6460]  }
0x235: {  	v2 =	vadd.f32 v40, v2;
	v3 =	vadd.f32 v41, v3;
	v7 =	vand.u32 $0x7FFFFFFF, v9;
	v42 =	vld [tilespmem:s25+$0x6470]  }
0x236: {  	v1 =	vand.u32 $0x7FFFFFFF, v1;
	v4 =	vadd.f32 v6, v4;
	v5 =	vadd.f32 v7, v5;
	v43 =	vld [tilespmem:s25+$0x6400]  }
0x237: {  	v0 =	vand.u32 $0x7FFFFFFF, v0;
	v2 =	vadd.f32 v36, v2;
	v3 =	vadd.f32 v38, v3;
	v44 =	vld [tilespmem:s25+$0x6410]  }
0x238: {  	v4 =	vadd.f32 v1, v4;
	v5 =	vadd.f32 v0, v5;
	v36 =	vld [tilespmem:s25+$0x6420]  }
0x239: {  	v45 =	vld [tilespmem:s25+$0x6430]  }
0x23a: {  	v46 =	vld [tilespmem:s25+$0x6040]  }
0x23b: {  	v11 =	vld [tilespmem:s25+$0x6050]  }
0x23c: {  	v12 =	vld [tilespmem:s25+$0x6060]  }
0x23d: {  	v10 =	vld [tilespmem:s25+$0x6070]  }
0x23e: {  	v13 =	vld [tilespmem:s25+$0x6000]  }
0x23f: {  	v14 =	vld [tilespmem:s25+$0x6010]  }
0x240: {  	v7 =	vld [tilespmem:s25+$0x6020]  }
0x241: {  	s26 =	sadd.s32 $0x6C00, s25;
	v6 =	vld [tilespmem:s25+$0x6030]  }
0x242: {  	v0 =	vld [tilespmem:s26+$0xC040]  }
0x243: {  	v1 =	vld [tilespmem:s26+$0xC050]  }
0x244: {  	v8 =	vld [tilespmem:s26+$0xC060]  }
0x245: {  	v9 =	vld [tilespmem:s26+$0xC070]  }
0x246: {  	v15 =	vld [tilespmem:s26+$0xC000]  }
0x247: {  	v16 =	vld [tilespmem:s26+$0xC010]  }
0x248: {  	v20 =	vld [tilespmem:s26+$0xC020]  }
0x249: {  	s28 =	sadd.s32 $0x6800, s25;
	v38 =	vld [tilespmem:s26+$0xC030]  }
0x24a: {  	v39 =	vld [tilespmem:s28+$0xC040]  }
0x24b: {  	v41 =	vld [tilespmem:s28+$0xC050]  }
0x24c: {  	v47 =	vld [tilespmem:s28+$0xC060]  }
0x24d: {  	v48 =	vld [tilespmem:s28+$0xC070]  }
0x24e: {  	v50 =	vld [tilespmem:s28+$0xC000]  }
0x24f: {  	v51 =	vld [tilespmem:s28+$0xC010]  }
0x250: {  	v52 =	vld [tilespmem:s28+$0xC020]  }
0x251: {  	s26 =	sadd.s32 $0x6400, s25;
	v53 =	vld [tilespmem:s28+$0xC030]  }
0x252: {  	v54 =	vld [tilespmem:s26+$0xC040]  }
0x253: {  	v55 =	vld [tilespmem:s26+$0xC050]  }
0x254: {  	v56 =	vld [tilespmem:s26+$0xC060]  }
0x255: {  	v57 =	vld [tilespmem:s26+$0xC070]  }
0x256: {  	v40 =	vsub.f32 v17, v0;
	v58 =	vld [tilespmem:s26+$0xC000]  }
0x257: {  	v49 =	vsub.f32 v19, v1;
	v1 =	vsub.f32 v21, v8;
	v59 =	vld [tilespmem:s26+$0xC010]  }
0x258: {  	v0 =	vsub.f32 v22, v9;
	v23 =	vsub.f32 v23, v15;
	v60 =	vld [tilespmem:s26+$0xC020]  }
0x259: {  	s25 =	sadd.s32 $0x6000, s25;
	v22 =	vsub.f32 v24, v16;
	v8 =	vsub.f32 v25, v20;
	v61 =	vld [tilespmem:s26+$0xC030]  }
0x25a: {  	v9 =	vsub.f32 v26, v38;
	v25 =	vsub.f32 v27, v39;
	v62 =	vld [tilespmem:s25+$0xC040]  }
0x25b: {  	v24 =	vsub.f32 v28, v41;
	v16 =	vsub.f32 v29, v47;
	v17 =	vld [tilespmem:s25+$0xC050]  }
0x25c: {  	v15 =	vsub.f32 v30, v48;
	v26 =	vsub.f32 v33, v50;
	v19 =	vld [tilespmem:s25+$0xC060]  }
0x25d: {  	v28 =	vsub.f32 v32, v51;
	v20 =	vsub.f32 v31, v52;
	v21 =	vld [tilespmem:s25+$0xC070]  }
.Ltmp3:
0x25e: {  	v27 =	vsub.f32 v18, v54;
	v18 =	vsub.f32 v34, v53;
	v41 =	vld [tilespmem:s25+$0xC000];
	(pc) =	sbr.rel @p0 .LBB2_8-.Ltmp3, $4  }
0x25f: {  	v29 =	vsub.f32 v35, v55;
	v32 =	vsub.f32 v37, v56;
	v38 =	vld [tilespmem:s25+$0xC010]  }
0x260: {  	v31 =	vsub.f32 v42, v57;
	v37 =	vsub.f32 v43, v58;
	v39 =	vld [tilespmem:s25+$0xC020]  }
0x261: {  	v34 =	vsub.f32 v44, v59;
	v30 =	vsub.f32 v36, v60;
	v42 =	vld [tilespmem:s25+$0xC030]  }
0x262: {  	s23 =	sadd.s32 $0x80, s23;
	s24 =	sadd.s32 $0x200, s24;
	v33 =	vsub.f32 v45, v61;
	v35 =	vsub.f32 v46, v62  }
0x263: {  	v11 =	vsub.f32 v11, v17  }
0x264: {  	v12 =	vsub.f32 v12, v19;
	v13 =	vsub.f32 v13, v41  }
0x265: {  	v10 =	vsub.f32 v10, v21;
	v46 =	vand.u32 $0x7FFFFFFF, v40;
	v47 =	vand.u32 $0x7FFFFFFF, v49  }
0x266: {  	v48 =	vand.u32 $0x7FFFFFFF, v25;
	v23 =	vand.u32 $0x7FFFFFFF, v23;
	v22 =	vand.u32 $0x7FFFFFFF, v22  }
0x267: {  	v49 =	vand.u32 $0x7FFFFFFF, v26;
	v50 =	vand.u32 $0x7FFFFFFF, v28;
	v24 =	vand.u32 $0x7FFFFFFF, v24  }
0x268: {  	v51 =	vand.u32 $0x7FFFFFFF, v37;
	v27 =	vand.u32 $0x7FFFFFFF, v27;
	v29 =	vand.u32 $0x7FFFFFFF, v29  }
0x269: {  	v34 =	vand.u32 $0x7FFFFFFF, v34;
	v14 =	vsub.f32 v14, v38;
	v35 =	vand.u32 $0x7FFFFFFF, v35  }
0x26a: {  	v7 =	vsub.f32 v7, v39;
	v13 =	vand.u32 $0x7FFFFFFF, v13;
	v6 =	vsub.f32 v6, v42  }
0x26b: {  	v11 =	vand.u32 $0x7FFFFFFF, v11;
	v14 =	vand.u32 $0x7FFFFFFF, v14;
	v2 =	vadd.f32 v13, v2  }
0x26c: {  	v7 =	vand.u32 $0x7FFFFFFF, v7;
	v3 =	vadd.f32 v14, v3;
	v6 =	vand.u32 $0x7FFFFFFF, v6  }
0x26d: {  	v52 =	vand.u32 $0x7FFFFFFF, v12;
	v4 =	vadd.f32 v7, v4;
	v5 =	vadd.f32 v6, v5  }
0x26e: {  	v53 =	vand.u32 $0x7FFFFFFF, v10;
	v2 =	vadd.f32 v35, v2;
	v3 =	vadd.f32 v11, v3  }
0x26f: {  	v54 =	vand.u32 $0x7FFFFFFF, v30;
	v4 =	vadd.f32 v52, v4;
	v5 =	vadd.f32 v53, v5  }
0x270: {  	v55 =	vand.u32 $0x7FFFFFFF, v33;
	v2 =	vadd.f32 v51, v2;
	v3 =	vadd.f32 v34, v3  }
0x271: {  	v56 =	vand.u32 $0x7FFFFFFF, v32;
	v4 =	vadd.f32 v54, v4;
	v5 =	vadd.f32 v55, v5  }
0x272: {  	v57 =	vand.u32 $0x7FFFFFFF, v31;
	v2 =	vadd.f32 v27, v2;
	v3 =	vadd.f32 v29, v3  }
0x273: {  	v58 =	vand.u32 $0x7FFFFFFF, v20;
	v4 =	vadd.f32 v56, v4;
	v5 =	vadd.f32 v57, v5  }
0x274: {  	v59 =	vand.u32 $0x7FFFFFFF, v18;
	v2 =	vadd.f32 v49, v2;
	v3 =	vadd.f32 v50, v3  }
0x275: {  	v60 =	vand.u32 $0x7FFFFFFF, v16;
	v4 =	vadd.f32 v58, v4;
	v5 =	vadd.f32 v59, v5  }
0x276: {  	v61 =	vand.u32 $0x7FFFFFFF, v15;
	v2 =	vadd.f32 v48, v2;
	v3 =	vadd.f32 v24, v3  }
0x277: {  	v62 =	vand.u32 $0x7FFFFFFF, v8;
	v4 =	vadd.f32 v60, v4;
	v5 =	vadd.f32 v61, v5  }
0x278: {  	v63 =	vand.u32 $0x7FFFFFFF, v9;
	v2 =	vadd.f32 v23, v2;
	v3 =	vadd.f32 v22, v3  }
0x279: {  	v1 =	vand.u32 $0x7FFFFFFF, v1;
	v4 =	vadd.f32 v62, v4;
	v5 =	vadd.f32 v63, v5  }
0x27a: {  	v0 =	vand.u32 $0x7FFFFFFF, v0;
	v2 =	vadd.f32 v46, v2;
	v3 =	vadd.f32 v47, v3  }
0x27b: {  	v1 =	vadd.f32 v1, v4;
	v0 =	vadd.f32 v0, v5;
	_ =	sdelay $0x1  }
0x27c: {  	v2 =	vadd.f32 v3, v2;
	v0 =	vadd.f32 v0, v1;
	_ =	sdelay $0x1  }
0x27d: {  	s22 =	sadd.s32 $0x1, s22;
	v0 =	vadd.f32 v0, v2  }
0x27e: {  	p0 =	sne.s32 s22, s12  }
.Ltmp4:
0x27f: {  	[tilespmem:$0x18000] =	vst v0;
	(pc) =	sbr.rel @p0 .LBB2_1-.Ltmp4, $4  }
0x280: {  	[hbm4b:s11+s2] =	stream.linear.scatter [tilespmem:s20], [sflag:$0x5], $0x80, $0x38;
	[tilespmem:$0x18080] =	vst v63  }
0x281: {  	_ =	swait.ge [sflag:s21], $0x80  }
0x282: {  	[sflag:s21] =	ssyncset.done $0x0  }
0x283: {  	[sflag:s21] =	ssyncadd.s32 $0xFFFFFF80  }
0x284: {  	_ =	sfence.sel $0x180000  }
0x285: {  	[bflag:$0x0] =	sbarrier.arrive $0xFFFF  }
0x286: {  	p0 =	sne.s32 s0, $0x0;
	_ =	strace $0x90000047  }
0x287: {  	s0 =	sadd.s32 @!p0 $0x100000, s1;
	[bflag:$0x2] =	sbarrier.arrive $0xFFFF  }
0x288: {  	[sflag:s0] =	ssyncadd.tile.s32 @!p0 $0x1;
	_ =	shalt  }
.Lfunc_end2:
_tile_overlayer_lowered:
.L_overlay_start_2:
0x289: {  	(tag) =	ssettag $0x2  }
0x28a: {  	s0 =	rddreg [dreg:$0x0];
	s2 =	stileid.u32  }
0x28b: {  	s1 =	rddreg [dreg:$0x1];
	p0 =	sne.s32 s2, $0x0  }
0x28c: {  	s3 =	rddreg [dreg:$0x2];
	[bflag:$0x3] =	sbarrier.arrive $0xFFFF;
	s2 =	simm.s32 @!p0 $0x1C05  }
0x28d: {  	[timem:s3], [sflag:s2] =	dma.local @!p0 [hbm:s0], s1  }
0x28e: {  	s0 =	simm.s32 @!p0 $0x5  }
0x28f: {  	_ =	swait.ge @!p0 [sflag:s0], s1  }
0x290: {  	s1 =	ssub.s32 @!p0 $0x0, s1;
	[sflag:s0] =	ssyncset.done @!p0 $0x0  }
0x291: {  	[sflag:s0] =	ssyncadd.s32 @!p0 s1  }
0x292: {  	[bflag:$0x3] =	sbarrier.arrive $0xFFFF  }
0x293: {  	_ =	shalt  }

</sc_bundles>
